<compile_context>
chip_gen: v7x
topology: tpu7x:2x2x1
jax: 0.10.2.dev20260603
libtpu: 0.0.44.dev20260713+nightly
codegen_flags: <defaults>
</compile_context>

<pallas_src>
import functools

import jax
import jax.numpy as jnp
from jax import lax
from jax.experimental import pallas as pl
from jax.experimental.pallas import tpu as pltpu
from jax.experimental.pallas import tpu_sc as plsc

RANK = 32
BATCH = 16384
LANES = 16
RPL = 128 // RANK
NC = 2
NS = 16
NW = NC * NS
BPW = BATCH // NW
CH = 128
NCH = BPW // CH
GPC = CH // LANES
NUM_TIMES = 1000
TLINES = NUM_TIMES // RPL

_mesh = plsc.VectorSubcoreMesh(core_axis_name="c", subcore_axis_name="s")


@functools.partial(
    pl.kernel,
    mesh=_mesh,
    compiler_params=pltpu.CompilerParams(
        needs_layout_passes=False, use_tc_tiling_on_sc=True),
    out_type=jax.ShapeDtypeStruct((BATCH,), jnp.float32),
    scratch_types=[
        pltpu.VMEM((NCH, CH), jnp.int32),
        pltpu.VMEM((NCH, CH), jnp.int32),
        pltpu.VMEM((NCH, CH), jnp.int32),
        pltpu.VMEM((CH, 128), jnp.float32),
        pltpu.VMEM((CH, 128), jnp.float32),
        pltpu.VMEM((CH, 128), jnp.float32),
        pltpu.VMEM((CH, 128), jnp.float32),
        pltpu.VMEM((TLINES, 128), jnp.float32),
        pltpu.VMEM((BPW,), jnp.float32),
        pltpu.SemaphoreType.DMA,
        pltpu.SemaphoreType.DMA,
        pltpu.SemaphoreType.DMA,
    ],
)
def _hungrey_sc(t_idx_hbm, u_idx_hbm, s_idx_hbm, u_tab, s_tab, t_tab,
                out_hbm, t_idx_v, u_idx_v, s_idx_v,
                u_buf0, u_buf1, s_buf0, s_buf1, t_lines, out_v,
                sem0, sem1, sem_t):
    wid = lax.axis_index("s") * NC + lax.axis_index("c")
    ibase = wid * NCH

    t_copy = pltpu.make_async_copy(t_tab, t_lines, sem_t)
    t_copy.start()

    pltpu.sync_copy(t_idx_hbm.at[pl.ds(ibase, NCH)], t_idx_v)
    pltpu.sync_copy(u_idx_hbm.at[pl.ds(ibase, NCH)], u_idx_v)
    pltpu.sync_copy(s_idx_hbm.at[pl.ds(ibase, NCH)], s_idx_v)

    u_bufs = (u_buf0, u_buf1)
    s_bufs = (s_buf0, s_buf1)
    sems = (sem0, sem1)

    def chunk_copies(j):
        sem = sems[j % 2]
        return (pltpu.make_async_copy(u_tab.at[u_idx_v.at[j]], u_bufs[j % 2], sem),
                pltpu.make_async_copy(s_tab.at[s_idx_v.at[j]], s_bufs[j % 2], sem))

    cps = chunk_copies(0)
    for c in cps:
        c.start()
    t_copy.wait()

    lane = lax.iota(jnp.int32, LANES)
    eq = [lane == k for k in range(LANES)]
    lo = pl.ds(0, LANES)
    hi = pl.ds(LANES, LANES)

    for j in range(NCH):
        if j + 1 < NCH:
            nxt = chunk_copies(j + 1)
            for c in nxt:
                c.start()
        for c in cps:
            c.wait()
        if j + 1 < NCH:
            cps = nxt
        u_buf = u_bufs[j % 2]
        s_buf = s_bufs[j % 2]

        def group(g, carry):
            gsl = pl.ds(g * LANES, LANES)
            tvec = t_idx_v[j, gsl]
            acc = jnp.zeros((LANES,), jnp.float32)
            for k in range(LANES):
                r = g * LANES + k
                t = tvec[k]
                tl = t >> 2
                ot = (t & 3) * RANK
                p = (u_buf[r, lo] * s_buf[r, lo] * t_lines[tl, pl.ds(ot, LANES)]
                     + u_buf[r, hi] * s_buf[r, hi]
                     * t_lines[tl, pl.ds(ot + LANES, LANES)])
                sv = jnp.broadcast_to(jnp.sum(p), (LANES,))
                acc = jnp.where(eq[k], sv, acc)
            y = 1.0 / (1.0 + jnp.exp(-acc))
            out_v[pl.ds(j * CH + g * LANES, LANES)] = y
            return carry

        lax.fori_loop(0, GPC, group, 0)

    pltpu.sync_copy(out_v, out_hbm.at[pl.ds(wid * BPW, BPW)])


def _pad_t_body(x_ref, eye_ref, o_ref):
    o_ref[...] = lax.dot_general(
        x_ref[...], eye_ref[...], (((0,), (0,)), ((), ())),
        preferred_element_type=jnp.float32)


def _pad_transpose(emb_t, blk):
    rows = emb_t.shape[1]
    grid = (rows + blk - 1) // blk
    eye = jnp.eye(RANK, 128, dtype=jnp.float32)
    return pl.pallas_call(
        _pad_t_body,
        grid=(grid,),
        in_specs=[pl.BlockSpec((RANK, blk), lambda i: (0, i)),
                  pl.BlockSpec((RANK, 128), lambda i: (0, 0))],
        out_specs=pl.BlockSpec((blk, 128), lambda i: (i, 0)),
        out_shape=jax.ShapeDtypeStruct((rows, 128), jnp.float32),
    )(emb_t, eye)


def kernel(timeIdx, userIdx, servIdx, userEmb, servEmb, timeEmb):
    t_idx = timeIdx.astype(jnp.int32).reshape(BATCH // CH, CH)
    u_idx = userIdx.astype(jnp.int32).reshape(BATCH // CH, CH)
    s_idx = servIdx.astype(jnp.int32).reshape(BATCH // CH, CH)
    u_tab = _pad_transpose(userEmb.T, 16384)
    s_tab = _pad_transpose(servEmb.T, 16384)
    t_tab = timeEmb.reshape(-1, 128)
    return _hungrey_sc(t_idx, u_idx, s_idx, u_tab, s_tab, t_tab)

# --- scband reference (transcript-rebuilt; emitter-appended) ---
"""Pipeline reference for scband-hungrey-33930241638761 (READ-ONLY COPY).

The authoritative reference and input builder live on the scoring server;
editing this copy changes nothing except your own understanding.
"""

import jax, jax.numpy as jnp
import numpy as np

NUM_USERS = 100000
NUM_SERVS = 100000
NUM_TIMES = 1000
RANK = 32
BATCH = 16384


def setup_inputs(seed: int = 0) -> dict:
    key = jax.random.key(seed)
    ks = jax.random.split(key, 6)
    timeIdx = jax.random.randint(ks[0], (BATCH,), 0, NUM_TIMES, dtype=jnp.int64 if jax.config.jax_enable_x64 else jnp.int32)
    userIdx = jax.random.randint(ks[1], (BATCH,), 0, NUM_USERS, dtype=jnp.int64 if jax.config.jax_enable_x64 else jnp.int32)
    servIdx = jax.random.randint(ks[2], (BATCH,), 0, NUM_SERVS, dtype=jnp.int64 if jax.config.jax_enable_x64 else jnp.int32)
    userEmb = jax.random.normal(ks[3], (NUM_USERS, RANK), dtype=jnp.float32) * 0.05
    servEmb = jax.random.normal(ks[4], (NUM_SERVS, RANK), dtype=jnp.float32) * 0.05
    timeEmb = jax.random.normal(ks[5], (NUM_TIMES, RANK), dtype=jnp.float32) * 0.05
    return {
        "timeIdx": timeIdx,
        "userIdx": userIdx,
        "servIdx": servIdx,
        "userEmb": userEmb,
        "servEmb": servEmb,
        "timeEmb": timeEmb,
    }


def reference(timeIdx, userIdx, servIdx, userEmb, servEmb, timeEmb):
    userEmbeds = jnp.take(userEmb, userIdx, axis=0)
    servEmbeds = jnp.take(servEmb, servIdx, axis=0)
    timeEmbeds = jnp.take(timeEmb, timeIdx, axis=0)
    y = jnp.sum(userEmbeds * servEmbeds * timeEmbeds, axis=-1)
    y = jax.nn.sigmoid(y)
    return y

if __name__ == "__main__":
    import jax
    _d = setup_inputs()
    print(jax.jit(kernel)(*tuple(_d.values())))

</pallas_src>

<mosaic_0001>
#map = affine_map<(d0, d1) -> (0, 0)>
#map1 = affine_map<(d0, d1) -> (0)>
module attributes {stable_mosaic.version = 14 : i64} {
  func.func @_hungrey_sc(%arg0: i32, %arg1: i32, %arg2: memref<128x128xi32, #tpu.memory_space<hbm>>, %arg3: memref<128x128xi32, #tpu.memory_space<hbm>>, %arg4: memref<128x128xi32, #tpu.memory_space<hbm>>, %arg5: memref<100000x128xf32, #tpu.memory_space<hbm>>, %arg6: memref<100000x128xf32, #tpu.memory_space<hbm>>, %arg7: memref<250x128xf32, #tpu.memory_space<hbm>>, %arg8: memref<16384xf32, #tpu.memory_space<hbm>>, %arg9: memref<4x128xi32, #tpu.memory_space<vmem>>, %arg10: memref<4x128xi32, #tpu.memory_space<vmem>>, %arg11: memref<4x128xi32, #tpu.memory_space<vmem>>, %arg12: memref<128x128xf32, #tpu.memory_space<vmem>>, %arg13: memref<128x128xf32, #tpu.memory_space<vmem>>, %arg14: memref<128x128xf32, #tpu.memory_space<vmem>>, %arg15: memref<128x128xf32, #tpu.memory_space<vmem>>, %arg16: memref<250x128xf32, #tpu.memory_space<vmem>>, %arg17: memref<512xf32, #tpu.memory_space<vmem>>, %arg18: memref<!tpu.dma_semaphore, #tpu.memory_space<semaphore_mem>>, %arg19: memref<!tpu.dma_semaphore, #tpu.memory_space<semaphore_mem>>, %arg20: memref<!tpu.dma_semaphore, #tpu.memory_space<semaphore_mem>>) attributes {dimension_semantics = [#tpu.dimension_semantics<core_parallel>, #tpu.dimension_semantics<subcore_parallel>], iteration_bounds = array<i64: 2, 16>, scalar_prefetch = 0 : i64, scratch_operands = 12 : i64, tpu.core_type = #tpu.core_type<sc_vector_subcore>, window_params = [{transform_indices = #map}, {transform_indices = #map}, {transform_indices = #map}, {transform_indices = #map}, {transform_indices = #map}, {transform_indices = #map}, {transform_indices = #map1}]} {
    %mul3A = arith.constant 2 : i32
    %mul3A_0 = arith.muli %arg1, %mul3A : i32
    %add3A = arith.addi %mul3A_0, %arg0 : i32
    %mul3A_1 = arith.constant 4 : i32
    %mul3A_2 = arith.muli %add3A, %mul3A_1 : i32
    tpu.enqueue_dma source(%arg7 : memref<250x128xf32, #tpu.memory_space<hbm>>) target(%arg16 : memref<250x128xf32, #tpu.memory_space<vmem>>) target_semaphore(%arg20 : memref<!tpu.dma_semaphore, #tpu.memory_space<semaphore_mem>>)
    "tpu.region"() ({
      %run_scoped3A = tpu.sem_alloc : memref<!tpu.dma_semaphore, #tpu.memory_space<semaphore_mem>>
      %dma_start3A_185 = arith.constant 0 : i32
      %dma_start3A_186 = tpu.memref_slice %arg2[%mul3A_2, %dma_start3A_185] : memref<128x128xi32, #tpu.memory_space<hbm>> -> memref<4x128xi32, #tpu.memory_space<hbm>>
      %dma_start3A_187 = arith.constant 0 : i32
      %dma_start3A_188 = tpu.memref_slice %arg2[%mul3A_2, %dma_start3A_187] : memref<128x128xi32, #tpu.memory_space<hbm>> -> memref<4x128xi32, #tpu.memory_space<hbm>>
      tpu.enqueue_dma source(%dma_start3A_188 : memref<4x128xi32, #tpu.memory_space<hbm>>) target(%arg9 : memref<4x128xi32, #tpu.memory_space<vmem>>) target_semaphore(%run_scoped3A : memref<!tpu.dma_semaphore, #tpu.memory_space<semaphore_mem>>)
      %dma_wait3A_189 = arith.constant 0 : i32
      %dma_wait3A_190 = tpu.memref_slice %arg2[%mul3A_2, %dma_wait3A_189] : memref<128x128xi32, #tpu.memory_space<hbm>> -> memref<4x128xi32, #tpu.memory_space<hbm>>
      %dma_wait3A_191 = arith.constant 0 : i32
      %dma_wait3A_192 = tpu.memref_slice %arg2[%mul3A_2, %dma_wait3A_191] : memref<128x128xi32, #tpu.memory_space<hbm>> -> memref<4x128xi32, #tpu.memory_space<hbm>>
      tpu.wait_dma2 semaphore(%run_scoped3A : memref<!tpu.dma_semaphore, #tpu.memory_space<semaphore_mem>>) src(%dma_wait3A_192 : memref<4x128xi32, #tpu.memory_space<hbm>>) dst(%arg9 : memref<4x128xi32, #tpu.memory_space<vmem>>)
      tpu.yield
    }) : () -> ()
    "tpu.region"() ({
      %run_scoped3A = tpu.sem_alloc : memref<!tpu.dma_semaphore, #tpu.memory_space<semaphore_mem>>
      %dma_start3A_185 = arith.constant 0 : i32
      %dma_start3A_186 = tpu.memref_slice %arg3[%mul3A_2, %dma_start3A_185] : memref<128x128xi32, #tpu.memory_space<hbm>> -> memref<4x128xi32, #tpu.memory_space<hbm>>
      %dma_start3A_187 = arith.constant 0 : i32
      %dma_start3A_188 = tpu.memref_slice %arg3[%mul3A_2, %dma_start3A_187] : memref<128x128xi32, #tpu.memory_space<hbm>> -> memref<4x128xi32, #tpu.memory_space<hbm>>
      tpu.enqueue_dma source(%dma_start3A_188 : memref<4x128xi32, #tpu.memory_space<hbm>>) target(%arg10 : memref<4x128xi32, #tpu.memory_space<vmem>>) target_semaphore(%run_scoped3A : memref<!tpu.dma_semaphore, #tpu.memory_space<semaphore_mem>>)
      %dma_wait3A_189 = arith.constant 0 : i32
      %dma_wait3A_190 = tpu.memref_slice %arg3[%mul3A_2, %dma_wait3A_189] : memref<128x128xi32, #tpu.memory_space<hbm>> -> memref<4x128xi32, #tpu.memory_space<hbm>>
      %dma_wait3A_191 = arith.constant 0 : i32
      %dma_wait3A_192 = tpu.memref_slice %arg3[%mul3A_2, %dma_wait3A_191] : memref<128x128xi32, #tpu.memory_space<hbm>> -> memref<4x128xi32, #tpu.memory_space<hbm>>
      tpu.wait_dma2 semaphore(%run_scoped3A : memref<!tpu.dma_semaphore, #tpu.memory_space<semaphore_mem>>) src(%dma_wait3A_192 : memref<4x128xi32, #tpu.memory_space<hbm>>) dst(%arg10 : memref<4x128xi32, #tpu.memory_space<vmem>>)
      tpu.yield
    }) : () -> ()
    "tpu.region"() ({
      %run_scoped3A = tpu.sem_alloc : memref<!tpu.dma_semaphore, #tpu.memory_space<semaphore_mem>>
      %dma_start3A_185 = arith.constant 0 : i32
      %dma_start3A_186 = tpu.memref_slice %arg4[%mul3A_2, %dma_start3A_185] : memref<128x128xi32, #tpu.memory_space<hbm>> -> memref<4x128xi32, #tpu.memory_space<hbm>>
      %dma_start3A_187 = arith.constant 0 : i32
      %dma_start3A_188 = tpu.memref_slice %arg4[%mul3A_2, %dma_start3A_187] : memref<128x128xi32, #tpu.memory_space<hbm>> -> memref<4x128xi32, #tpu.memory_space<hbm>>
      tpu.enqueue_dma source(%dma_start3A_188 : memref<4x128xi32, #tpu.memory_space<hbm>>) target(%arg11 : memref<4x128xi32, #tpu.memory_space<vmem>>) target_semaphore(%run_scoped3A : memref<!tpu.dma_semaphore, #tpu.memory_space<semaphore_mem>>)
      %dma_wait3A_189 = arith.constant 0 : i32
      %dma_wait3A_190 = tpu.memref_slice %arg4[%mul3A_2, %dma_wait3A_189] : memref<128x128xi32, #tpu.memory_space<hbm>> -> memref<4x128xi32, #tpu.memory_space<hbm>>
      %dma_wait3A_191 = arith.constant 0 : i32
      %dma_wait3A_192 = tpu.memref_slice %arg4[%mul3A_2, %dma_wait3A_191] : memref<128x128xi32, #tpu.memory_space<hbm>> -> memref<4x128xi32, #tpu.memory_space<hbm>>
      tpu.wait_dma2 semaphore(%run_scoped3A : memref<!tpu.dma_semaphore, #tpu.memory_space<semaphore_mem>>) src(%dma_wait3A_192 : memref<4x128xi32, #tpu.memory_space<hbm>>) dst(%arg11 : memref<4x128xi32, #tpu.memory_space<vmem>>)
      tpu.yield
    }) : () -> ()
    %dma_start3A = arith.constant 0 : i32
    %dma_start3A_3 = arith.constant 0 : i32
    %dma_start3A_4 = tpu.memref_slice %arg10[%dma_start3A, %dma_start3A_3] : memref<4x128xi32, #tpu.memory_space<vmem>> -> memref<1x128xi32, #tpu.memory_space<vmem>>
    %dma_start3A_5 = tpu.memref_squeeze %dma_start3A_4 : memref<1x128xi32, #tpu.memory_space<vmem>> -> memref<128xi32, #tpu.memory_space<vmem>>
    %dma_start3A_6 = arith.constant 0 : i32
    %dma_start3A_7 = arith.constant 0 : i32
    %dma_start3A_8 = tpu.memref_slice %arg5[%dma_start3A_6, %dma_start3A_7] : memref<100000x128xf32, #tpu.memory_space<hbm>> -> memref<100000x128xf32, #tpu.memory_space<hbm>>
    tpu.enqueue_indirect_dma source(%dma_start3A_8 : memref<100000x128xf32, #tpu.memory_space<hbm>>) target(%arg12 : memref<128x128xf32, #tpu.memory_space<vmem>>) offsets(%dma_start3A_5 : memref<128xi32, #tpu.memory_space<vmem>>) semaphore(%arg18 : memref<!tpu.dma_semaphore, #tpu.memory_space<semaphore_mem>>)
    %dma_start3A_9 = arith.constant 0 : i32
    %dma_start3A_10 = arith.constant 0 : i32
    %dma_start3A_11 = tpu.memref_slice %arg11[%dma_start3A_9, %dma_start3A_10] : memref<4x128xi32, #tpu.memory_space<vmem>> -> memref<1x128xi32, #tpu.memory_space<vmem>>
    %dma_start3A_12 = tpu.memref_squeeze %dma_start3A_11 : memref<1x128xi32, #tpu.memory_space<vmem>> -> memref<128xi32, #tpu.memory_space<vmem>>
    %dma_start3A_13 = arith.constant 0 : i32
    %dma_start3A_14 = arith.constant 0 : i32
    %dma_start3A_15 = tpu.memref_slice %arg6[%dma_start3A_13, %dma_start3A_14] : memref<100000x128xf32, #tpu.memory_space<hbm>> -> memref<100000x128xf32, #tpu.memory_space<hbm>>
    tpu.enqueue_indirect_dma source(%dma_start3A_15 : memref<100000x128xf32, #tpu.memory_space<hbm>>) target(%arg14 : memref<128x128xf32, #tpu.memory_space<vmem>>) offsets(%dma_start3A_12 : memref<128xi32, #tpu.memory_space<vmem>>) semaphore(%arg18 : memref<!tpu.dma_semaphore, #tpu.memory_space<semaphore_mem>>)
    tpu.wait_dma2 semaphore(%arg20 : memref<!tpu.dma_semaphore, #tpu.memory_space<semaphore_mem>>) src(%arg7 : memref<250x128xf32, #tpu.memory_space<hbm>>) dst(%arg16 : memref<250x128xf32, #tpu.memory_space<vmem>>)
    %iota3A = tpu.iota {dimensions = array<i32: 0>} : vector<16xi32>
    %eq3A = arith.constant 0 : i32
    %eq3A_16 = vector.broadcast %eq3A : i32 to vector<16xi32>
    %eq3A_17 = arith.cmpi eq, %iota3A, %eq3A_16 : vector<16xi32>
    %eq3A_18 = arith.constant 1 : i32
    %eq3A_19 = vector.broadcast %eq3A_18 : i32 to vector<16xi32>
    %eq3A_20 = arith.cmpi eq, %iota3A, %eq3A_19 : vector<16xi32>
    %eq3A_21 = arith.constant 2 : i32
    %eq3A_22 = vector.broadcast %eq3A_21 : i32 to vector<16xi32>
    %eq3A_23 = arith.cmpi eq, %iota3A, %eq3A_22 : vector<16xi32>
    %eq3A_24 = arith.constant 3 : i32
    %eq3A_25 = vector.broadcast %eq3A_24 : i32 to vector<16xi32>
    %eq3A_26 = arith.cmpi eq, %iota3A, %eq3A_25 : vector<16xi32>
    %eq3A_27 = arith.constant 4 : i32
    %eq3A_28 = vector.broadcast %eq3A_27 : i32 to vector<16xi32>
    %eq3A_29 = arith.cmpi eq, %iota3A, %eq3A_28 : vector<16xi32>
    %eq3A_30 = arith.constant 5 : i32
    %eq3A_31 = vector.broadcast %eq3A_30 : i32 to vector<16xi32>
    %eq3A_32 = arith.cmpi eq, %iota3A, %eq3A_31 : vector<16xi32>
    %eq3A_33 = arith.constant 6 : i32
    %eq3A_34 = vector.broadcast %eq3A_33 : i32 to vector<16xi32>
    %eq3A_35 = arith.cmpi eq, %iota3A, %eq3A_34 : vector<16xi32>
    %eq3A_36 = arith.constant 7 : i32
    %eq3A_37 = vector.broadcast %eq3A_36 : i32 to vector<16xi32>
    %eq3A_38 = arith.cmpi eq, %iota3A, %eq3A_37 : vector<16xi32>
    %eq3A_39 = arith.constant 8 : i32
    %eq3A_40 = vector.broadcast %eq3A_39 : i32 to vector<16xi32>
    %eq3A_41 = arith.cmpi eq, %iota3A, %eq3A_40 : vector<16xi32>
    %eq3A_42 = arith.constant 9 : i32
    %eq3A_43 = vector.broadcast %eq3A_42 : i32 to vector<16xi32>
    %eq3A_44 = arith.cmpi eq, %iota3A, %eq3A_43 : vector<16xi32>
    %eq3A_45 = arith.constant 10 : i32
    %eq3A_46 = vector.broadcast %eq3A_45 : i32 to vector<16xi32>
    %eq3A_47 = arith.cmpi eq, %iota3A, %eq3A_46 : vector<16xi32>
    %eq3A_48 = arith.constant 11 : i32
    %eq3A_49 = vector.broadcast %eq3A_48 : i32 to vector<16xi32>
    %eq3A_50 = arith.cmpi eq, %iota3A, %eq3A_49 : vector<16xi32>
    %eq3A_51 = arith.constant 12 : i32
    %eq3A_52 = vector.broadcast %eq3A_51 : i32 to vector<16xi32>
    %eq3A_53 = arith.cmpi eq, %iota3A, %eq3A_52 : vector<16xi32>
    %eq3A_54 = arith.constant 13 : i32
    %eq3A_55 = vector.broadcast %eq3A_54 : i32 to vector<16xi32>
    %eq3A_56 = arith.cmpi eq, %iota3A, %eq3A_55 : vector<16xi32>
    %eq3A_57 = arith.constant 14 : i32
    %eq3A_58 = vector.broadcast %eq3A_57 : i32 to vector<16xi32>
    %eq3A_59 = arith.cmpi eq, %iota3A, %eq3A_58 : vector<16xi32>
    %eq3A_60 = arith.constant 15 : i32
    %eq3A_61 = vector.broadcast %eq3A_60 : i32 to vector<16xi32>
    %eq3A_62 = arith.cmpi eq, %iota3A, %eq3A_61 : vector<16xi32>
    %dma_start3A_63 = arith.constant 1 : i32
    %dma_start3A_64 = arith.constant 0 : i32
    %dma_start3A_65 = tpu.memref_slice %arg10[%dma_start3A_63, %dma_start3A_64] : memref<4x128xi32, #tpu.memory_space<vmem>> -> memref<1x128xi32, #tpu.memory_space<vmem>>
    %dma_start3A_66 = tpu.memref_squeeze %dma_start3A_65 : memref<1x128xi32, #tpu.memory_space<vmem>> -> memref<128xi32, #tpu.memory_space<vmem>>
    %dma_start3A_67 = arith.constant 0 : i32
    %dma_start3A_68 = arith.constant 0 : i32
    %dma_start3A_69 = tpu.memref_slice %arg5[%dma_start3A_67, %dma_start3A_68] : memref<100000x128xf32, #tpu.memory_space<hbm>> -> memref<100000x128xf32, #tpu.memory_space<hbm>>
    tpu.enqueue_indirect_dma source(%dma_start3A_69 : memref<100000x128xf32, #tpu.memory_space<hbm>>) target(%arg13 : memref<128x128xf32, #tpu.memory_space<vmem>>) offsets(%dma_start3A_66 : memref<128xi32, #tpu.memory_space<vmem>>) semaphore(%arg19 : memref<!tpu.dma_semaphore, #tpu.memory_space<semaphore_mem>>)
    %dma_start3A_70 = arith.constant 1 : i32
    %dma_start3A_71 = arith.constant 0 : i32
    %dma_start3A_72 = tpu.memref_slice %arg11[%dma_start3A_70, %dma_start3A_71] : memref<4x128xi32, #tpu.memory_space<vmem>> -> memref<1x128xi32, #tpu.memory_space<vmem>>
    %dma_start3A_73 = tpu.memref_squeeze %dma_start3A_72 : memref<1x128xi32, #tpu.memory_space<vmem>> -> memref<128xi32, #tpu.memory_space<vmem>>
    %dma_start3A_74 = arith.constant 0 : i32
    %dma_start3A_75 = arith.constant 0 : i32
    %dma_start3A_76 = tpu.memref_slice %arg6[%dma_start3A_74, %dma_start3A_75] : memref<100000x128xf32, #tpu.memory_space<hbm>> -> memref<100000x128xf32, #tpu.memory_space<hbm>>
    tpu.enqueue_indirect_dma source(%dma_start3A_76 : memref<100000x128xf32, #tpu.memory_space<hbm>>) target(%arg15 : memref<128x128xf32, #tpu.memory_space<vmem>>) offsets(%dma_start3A_73 : memref<128xi32, #tpu.memory_space<vmem>>) semaphore(%arg19 : memref<!tpu.dma_semaphore, #tpu.memory_space<semaphore_mem>>)
    %dma_wait3A = arith.constant 0 : i32
    %dma_wait3A_77 = arith.constant 0 : i32
    %dma_wait3A_78 = tpu.memref_slice %arg10[%dma_wait3A, %dma_wait3A_77] : memref<4x128xi32, #tpu.memory_space<vmem>> -> memref<1x128xi32, #tpu.memory_space<vmem>>
    %dma_wait3A_79 = tpu.memref_squeeze %dma_wait3A_78 : memref<1x128xi32, #tpu.memory_space<vmem>> -> memref<128xi32, #tpu.memory_space<vmem>>
    %dma_wait3A_80 = arith.constant 0 : i32
    %dma_wait3A_81 = arith.constant 0 : i32
    %dma_wait3A_82 = tpu.memref_slice %arg5[%dma_wait3A_80, %dma_wait3A_81] : memref<100000x128xf32, #tpu.memory_space<hbm>> -> memref<100000x128xf32, #tpu.memory_space<hbm>>
    tpu.wait_indirect_dma semaphore(%arg18 : memref<!tpu.dma_semaphore, #tpu.memory_space<semaphore_mem>>) src(%dma_wait3A_82 : memref<100000x128xf32, #tpu.memory_space<hbm>>) dst(%arg12 : memref<128x128xf32, #tpu.memory_space<vmem>>)
    %dma_wait3A_83 = arith.constant 0 : i32
    %dma_wait3A_84 = arith.constant 0 : i32
    %dma_wait3A_85 = tpu.memref_slice %arg11[%dma_wait3A_83, %dma_wait3A_84] : memref<4x128xi32, #tpu.memory_space<vmem>> -> memref<1x128xi32, #tpu.memory_space<vmem>>
    %dma_wait3A_86 = tpu.memref_squeeze %dma_wait3A_85 : memref<1x128xi32, #tpu.memory_space<vmem>> -> memref<128xi32, #tpu.memory_space<vmem>>
    %dma_wait3A_87 = arith.constant 0 : i32
    %dma_wait3A_88 = arith.constant 0 : i32
    %dma_wait3A_89 = tpu.memref_slice %arg6[%dma_wait3A_87, %dma_wait3A_88] : memref<100000x128xf32, #tpu.memory_space<hbm>> -> memref<100000x128xf32, #tpu.memory_space<hbm>>
    tpu.wait_indirect_dma semaphore(%arg18 : memref<!tpu.dma_semaphore, #tpu.memory_space<semaphore_mem>>) src(%dma_wait3A_89 : memref<100000x128xf32, #tpu.memory_space<hbm>>) dst(%arg14 : memref<128x128xf32, #tpu.memory_space<vmem>>)
    %scan3A = arith.constant 0 : i32
    %scan3A_90 = arith.constant 0 : i32
    %scan3A_91 = arith.constant 8 : i32
    %scan3A_92 = arith.addi %scan3A_90, %scan3A_91 : i32
    %scan3A_93 = arith.constant 1 : i32
    scf.for %scan3A_185 = %scan3A_90 to %scan3A_92 step %scan3A_93  : i32 {
      %mul3A_186 = arith.constant 16 : i32
      %mul3A_187 = arith.muli %scan3A_185, %mul3A_186 : i32
      %get3A = arith.constant 0 : i32
      %get3A_188 = arith.index_cast %get3A : i32 to index
      %get3A_189 = arith.index_cast %mul3A_187 : i32 to index
      %get3A_190 = tpu.vector_load %arg9[%get3A_188, %get3A_189] {strides = array<i32>} : memref<4x128xi32, #tpu.memory_space<vmem>>, vector<16xi32>,
      %broadcast_in_dim3A = arith.constant 0.000000e+00 : f32
      %broadcast_in_dim3A_191 = vector.broadcast %broadcast_in_dim3A : f32 to vector<16xf32>
      %mul3A_192 = arith.constant 16 : i32
      %mul3A_193 = arith.muli %scan3A_185, %mul3A_192 : i32
      %add3A_194 = arith.constant 0 : i32
      %add3A_195 = arith.addi %mul3A_193, %add3A_194 : i32
      %slice3A = vector.extract_strided_slice %get3A_190 {offsets = [0], sizes = [1], strides = [1]} : vector<16xi32> to vector<1xi32>
      %squeeze3A = vector.extract %slice3A[0] : i32 from vector<1xi32>
      %shift_right_arithmetic3A = arith.constant 2 : i32
      %shift_right_arithmetic3A_196 = arith.shrsi %squeeze3A, %shift_right_arithmetic3A : i32
      %and3A = arith.constant 3 : i32
      %and3A_197 = arith.andi %squeeze3A, %and3A : i32
      %mul3A_198 = arith.constant 32 : i32
      %mul3A_199 = arith.muli %and3A_197, %mul3A_198 : i32
      %get3A_200 = arith.index_cast %add3A_195 : i32 to index
      %get3A_201 = arith.constant 0 : index
      %get3A_202 = tpu.vector_load %arg12[%get3A_200, %get3A_201] {strides = array<i32>} : memref<128x128xf32, #tpu.memory_space<vmem>>, vector<16xf32>,
      %get3A_203 = arith.index_cast %add3A_195 : i32 to index
      %get3A_204 = arith.constant 0 : index
      %get3A_205 = tpu.vector_load %arg14[%get3A_203, %get3A_204] {strides = array<i32>} : memref<128x128xf32, #tpu.memory_space<vmem>>, vector<16xf32>,
      %mul3A_206 = arith.mulf %get3A_202, %get3A_205 : vector<16xf32>
      %get3A_207 = arith.index_cast %shift_right_arithmetic3A_196 : i32 to index
      %get3A_208 = arith.index_cast %mul3A_199 : i32 to index
      %get3A_209 = tpu.vector_load %arg16[%get3A_207, %get3A_208] {strides = array<i32>} : memref<250x128xf32, #tpu.memory_space<vmem>>, vector<16xf32>,
      %mul3A_210 = arith.mulf %mul3A_206, %get3A_209 : vector<16xf32>
      %get3A_211 = arith.index_cast %add3A_195 : i32 to index
      %get3A_212 = arith.constant 16 : index
      %get3A_213 = tpu.vector_load %arg12[%get3A_211, %get3A_212] {strides = array<i32>} : memref<128x128xf32, #tpu.memory_space<vmem>>, vector<16xf32>,
      %get3A_214 = arith.index_cast %add3A_195 : i32 to index
      %get3A_215 = arith.constant 16 : index
      %get3A_216 = tpu.vector_load %arg14[%get3A_214, %get3A_215] {strides = array<i32>} : memref<128x128xf32, #tpu.memory_space<vmem>>, vector<16xf32>,
      %mul3A_217 = arith.mulf %get3A_213, %get3A_216 : vector<16xf32>
      %add3A_218 = arith.constant 16 : i32
      %add3A_219 = arith.addi %mul3A_199, %add3A_218 : i32
      %get3A_220 = arith.index_cast %shift_right_arithmetic3A_196 : i32 to index
      %get3A_221 = arith.index_cast %add3A_219 : i32 to index
      %get3A_222 = tpu.vector_load %arg16[%get3A_220, %get3A_221] {strides = array<i32>} : memref<250x128xf32, #tpu.memory_space<vmem>>, vector<16xf32>,
      %mul3A_223 = arith.mulf %mul3A_217, %get3A_222 : vector<16xf32>
      %add3A_224 = arith.addf %mul3A_210, %mul3A_223 : vector<16xf32>
      %reduce_sum3A = arith.constant true
      %reduce_sum3A_225 = vector.broadcast %reduce_sum3A : i1 to vector<16xi1>
      %reduce_sum3A_226 = tpu.scan <sum>, %add3A_224 masked %reduce_sum3A_225 : vector<16xf32>, vector<16xi1> -> vector<16xf32>
      %reduce_sum3A_227 = vector.extract %reduce_sum3A_226[15] : f32 from vector<16xf32>
      %broadcast_in_dim3A_228 = vector.broadcast %reduce_sum3A_227 : f32 to vector<16xf32>
      %select_n3A = arith.select %eq3A_17, %broadcast_in_dim3A_228, %broadcast_in_dim3A_191 : vector<16xi1>, vector<16xf32>
      %mul3A_229 = arith.constant 16 : i32
      %mul3A_230 = arith.muli %scan3A_185, %mul3A_229 : i32
      %add3A_231 = arith.constant 1 : i32
      %add3A_232 = arith.addi %mul3A_230, %add3A_231 : i32
      %slice3A_233 = vector.extract_strided_slice %get3A_190 {offsets = [1], sizes = [1], strides = [1]} : vector<16xi32> to vector<1xi32>
      %squeeze3A_234 = vector.extract %slice3A_233[0] : i32 from vector<1xi32>
      %shift_right_arithmetic3A_235 = arith.constant 2 : i32
      %shift_right_arithmetic3A_236 = arith.shrsi %squeeze3A_234, %shift_right_arithmetic3A_235 : i32
      %and3A_237 = arith.constant 3 : i32
      %and3A_238 = arith.andi %squeeze3A_234, %and3A_237 : i32
      %mul3A_239 = arith.constant 32 : i32
      %mul3A_240 = arith.muli %and3A_238, %mul3A_239 : i32
      %get3A_241 = arith.index_cast %add3A_232 : i32 to index
      %get3A_242 = arith.constant 0 : index
      %get3A_243 = tpu.vector_load %arg12[%get3A_241, %get3A_242] {strides = array<i32>} : memref<128x128xf32, #tpu.memory_space<vmem>>, vector<16xf32>,
      %get3A_244 = arith.index_cast %add3A_232 : i32 to index
      %get3A_245 = arith.constant 0 : index
      %get3A_246 = tpu.vector_load %arg14[%get3A_244, %get3A_245] {strides = array<i32>} : memref<128x128xf32, #tpu.memory_space<vmem>>, vector<16xf32>,
      %mul3A_247 = arith.mulf %get3A_243, %get3A_246 : vector<16xf32>
      %get3A_248 = arith.index_cast %shift_right_arithmetic3A_236 : i32 to index
      %get3A_249 = arith.index_cast %mul3A_240 : i32 to index
      %get3A_250 = tpu.vector_load %arg16[%get3A_248, %get3A_249] {strides = array<i32>} : memref<250x128xf32, #tpu.memory_space<vmem>>, vector<16xf32>,
      %mul3A_251 = arith.mulf %mul3A_247, %get3A_250 : vector<16xf32>
      %get3A_252 = arith.index_cast %add3A_232 : i32 to index
      %get3A_253 = arith.constant 16 : index
      %get3A_254 = tpu.vector_load %arg12[%get3A_252, %get3A_253] {strides = array<i32>} : memref<128x128xf32, #tpu.memory_space<vmem>>, vector<16xf32>,
      %get3A_255 = arith.index_cast %add3A_232 : i32 to index
      %get3A_256 = arith.constant 16 : index
      %get3A_257 = tpu.vector_load %arg14[%get3A_255, %get3A_256] {strides = array<i32>} : memref<128x128xf32, #tpu.memory_space<vmem>>, vector<16xf32>,
      %mul3A_258 = arith.mulf %get3A_254, %get3A_257 : vector<16xf32>
      %add3A_259 = arith.constant 16 : i32
      %add3A_260 = arith.addi %mul3A_240, %add3A_259 : i32
      %get3A_261 = arith.index_cast %shift_right_arithmetic3A_236 : i32 to index
      %get3A_262 = arith.index_cast %add3A_260 : i32 to index
      %get3A_263 = tpu.vector_load %arg16[%get3A_261, %get3A_262] {strides = array<i32>} : memref<250x128xf32, #tpu.memory_space<vmem>>, vector<16xf32>,
      %mul3A_264 = arith.mulf %mul3A_258, %get3A_263 : vector<16xf32>
      %add3A_265 = arith.addf %mul3A_251, %mul3A_264 : vector<16xf32>
      %reduce_sum3A_266 = arith.constant true
      %reduce_sum3A_267 = vector.broadcast %reduce_sum3A_266 : i1 to vector<16xi1>
      %reduce_sum3A_268 = tpu.scan <sum>, %add3A_265 masked %reduce_sum3A_267 : vector<16xf32>, vector<16xi1> -> vector<16xf32>
      %reduce_sum3A_269 = vector.extract %reduce_sum3A_268[15] : f32 from vector<16xf32>
      %broadcast_in_dim3A_270 = vector.broadcast %reduce_sum3A_269 : f32 to vector<16xf32>
      %select_n3A_271 = arith.select %eq3A_20, %broadcast_in_dim3A_270, %select_n3A : vector<16xi1>, vector<16xf32>
      %mul3A_272 = arith.constant 16 : i32
      %mul3A_273 = arith.muli %scan3A_185, %mul3A_272 : i32
      %add3A_274 = arith.constant 2 : i32
      %add3A_275 = arith.addi %mul3A_273, %add3A_274 : i32
      %slice3A_276 = vector.extract_strided_slice %get3A_190 {offsets = [2], sizes = [1], strides = [1]} : vector<16xi32> to vector<1xi32>
      %squeeze3A_277 = vector.extract %slice3A_276[0] : i32 from vector<1xi32>
      %shift_right_arithmetic3A_278 = arith.constant 2 : i32
      %shift_right_arithmetic3A_279 = arith.shrsi %squeeze3A_277, %shift_right_arithmetic3A_278 : i32
      %and3A_280 = arith.constant 3 : i32
      %and3A_281 = arith.andi %squeeze3A_277, %and3A_280 : i32
      %mul3A_282 = arith.constant 32 : i32
      %mul3A_283 = arith.muli %and3A_281, %mul3A_282 : i32
      %get3A_284 = arith.index_cast %add3A_275 : i32 to index
      %get3A_285 = arith.constant 0 : index
      %get3A_286 = tpu.vector_load %arg12[%get3A_284, %get3A_285] {strides = array<i32>} : memref<128x128xf32, #tpu.memory_space<vmem>>, vector<16xf32>,
      %get3A_287 = arith.index_cast %add3A_275 : i32 to index
      %get3A_288 = arith.constant 0 : index
      %get3A_289 = tpu.vector_load %arg14[%get3A_287, %get3A_288] {strides = array<i32>} : memref<128x128xf32, #tpu.memory_space<vmem>>, vector<16xf32>,
      %mul3A_290 = arith.mulf %get3A_286, %get3A_289 : vector<16xf32>
      %get3A_291 = arith.index_cast %shift_right_arithmetic3A_279 : i32 to index
      %get3A_292 = arith.index_cast %mul3A_283 : i32 to index
      %get3A_293 = tpu.vector_load %arg16[%get3A_291, %get3A_292] {strides = array<i32>} : memref<250x128xf32, #tpu.memory_space<vmem>>, vector<16xf32>,
      %mul3A_294 = arith.mulf %mul3A_290, %get3A_293 : vector<16xf32>
      %get3A_295 = arith.index_cast %add3A_275 : i32 to index
      %get3A_296 = arith.constant 16 : index
      %get3A_297 = tpu.vector_load %arg12[%get3A_295, %get3A_296] {strides = array<i32>} : memref<128x128xf32, #tpu.memory_space<vmem>>, vector<16xf32>,
      %get3A_298 = arith.index_cast %add3A_275 : i32 to index
      %get3A_299 = arith.constant 16 : index
      %get3A_300 = tpu.vector_load %arg14[%get3A_298, %get3A_299] {strides = array<i32>} : memref<128x128xf32, #tpu.memory_space<vmem>>, vector<16xf32>,
      %mul3A_301 = arith.mulf %get3A_297, %get3A_300 : vector<16xf32>
      %add3A_302 = arith.constant 16 : i32
      %add3A_303 = arith.addi %mul3A_283, %add3A_302 : i32
      %get3A_304 = arith.index_cast %shift_right_arithmetic3A_279 : i32 to index
      %get3A_305 = arith.index_cast %add3A_303 : i32 to index
      %get3A_306 = tpu.vector_load %arg16[%get3A_304, %get3A_305] {strides = array<i32>} : memref<250x128xf32, #tpu.memory_space<vmem>>, vector<16xf32>,
      %mul3A_307 = arith.mulf %mul3A_301, %get3A_306 : vector<16xf32>
      %add3A_308 = arith.addf %mul3A_294, %mul3A_307 : vector<16xf32>
      %reduce_sum3A_309 = arith.constant true
      %reduce_sum3A_310 = vector.broadcast %reduce_sum3A_309 : i1 to vector<16xi1>
      %reduce_sum3A_311 = tpu.scan <sum>, %add3A_308 masked %reduce_sum3A_310 : vector<16xf32>, vector<16xi1> -> vector<16xf32>
      %reduce_sum3A_312 = vector.extract %reduce_sum3A_311[15] : f32 from vector<16xf32>
      %broadcast_in_dim3A_313 = vector.broadcast %reduce_sum3A_312 : f32 to vector<16xf32>
      %select_n3A_314 = arith.select %eq3A_23, %broadcast_in_dim3A_313, %select_n3A_271 : vector<16xi1>, vector<16xf32>
      %mul3A_315 = arith.constant 16 : i32
      %mul3A_316 = arith.muli %scan3A_185, %mul3A_315 : i32
      %add3A_317 = arith.constant 3 : i32
      %add3A_318 = arith.addi %mul3A_316, %add3A_317 : i32
      %slice3A_319 = vector.extract_strided_slice %get3A_190 {offsets = [3], sizes = [1], strides = [1]} : vector<16xi32> to vector<1xi32>
      %squeeze3A_320 = vector.extract %slice3A_319[0] : i32 from vector<1xi32>
      %shift_right_arithmetic3A_321 = arith.constant 2 : i32
      %shift_right_arithmetic3A_322 = arith.shrsi %squeeze3A_320, %shift_right_arithmetic3A_321 : i32
      %and3A_323 = arith.constant 3 : i32
      %and3A_324 = arith.andi %squeeze3A_320, %and3A_323 : i32
      %mul3A_325 = arith.constant 32 : i32
      %mul3A_326 = arith.muli %and3A_324, %mul3A_325 : i32
      %get3A_327 = arith.index_cast %add3A_318 : i32 to index
      %get3A_328 = arith.constant 0 : index
      %get3A_329 = tpu.vector_load %arg12[%get3A_327, %get3A_328] {strides = array<i32>} : memref<128x128xf32, #tpu.memory_space<vmem>>, vector<16xf32>,
      %get3A_330 = arith.index_cast %add3A_318 : i32 to index
      %get3A_331 = arith.constant 0 : index
      %get3A_332 = tpu.vector_load %arg14[%get3A_330, %get3A_331] {strides = array<i32>} : memref<128x128xf32, #tpu.memory_space<vmem>>, vector<16xf32>,
      %mul3A_333 = arith.mulf %get3A_329, %get3A_332 : vector<16xf32>
      %get3A_334 = arith.index_cast %shift_right_arithmetic3A_322 : i32 to index
      %get3A_335 = arith.index_cast %mul3A_326 : i32 to index
      %get3A_336 = tpu.vector_load %arg16[%get3A_334, %get3A_335] {strides = array<i32>} : memref<250x128xf32, #tpu.memory_space<vmem>>, vector<16xf32>,
      %mul3A_337 = arith.mulf %mul3A_333, %get3A_336 : vector<16xf32>
      %get3A_338 = arith.index_cast %add3A_318 : i32 to index
      %get3A_339 = arith.constant 16 : index
      %get3A_340 = tpu.vector_load %arg12[%get3A_338, %get3A_339] {strides = array<i32>} : memref<128x128xf32, #tpu.memory_space<vmem>>, vector<16xf32>,
      %get3A_341 = arith.index_cast %add3A_318 : i32 to index
      %get3A_342 = arith.constant 16 : index
      %get3A_343 = tpu.vector_load %arg14[%get3A_341, %get3A_342] {strides = array<i32>} : memref<128x128xf32, #tpu.memory_space<vmem>>, vector<16xf32>,
      %mul3A_344 = arith.mulf %get3A_340, %get3A_343 : vector<16xf32>
      %add3A_345 = arith.constant 16 : i32
      %add3A_346 = arith.addi %mul3A_326, %add3A_345 : i32
      %get3A_347 = arith.index_cast %shift_right_arithmetic3A_322 : i32 to index
      %get3A_348 = arith.index_cast %add3A_346 : i32 to index
      %get3A_349 = tpu.vector_load %arg16[%get3A_347, %get3A_348] {strides = array<i32>} : memref<250x128xf32, #tpu.memory_space<vmem>>, vector<16xf32>,
      %mul3A_350 = arith.mulf %mul3A_344, %get3A_349 : vector<16xf32>
      %add3A_351 = arith.addf %mul3A_337, %mul3A_350 : vector<16xf32>
      %reduce_sum3A_352 = arith.constant true
      %reduce_sum3A_353 = vector.broadcast %reduce_sum3A_352 : i1 to vector<16xi1>
      %reduce_sum3A_354 = tpu.scan <sum>, %add3A_351 masked %reduce_sum3A_353 : vector<16xf32>, vector<16xi1> -> vector<16xf32>
      %reduce_sum3A_355 = vector.extract %reduce_sum3A_354[15] : f32 from vector<16xf32>
      %broadcast_in_dim3A_356 = vector.broadcast %reduce_sum3A_355 : f32 to vector<16xf32>
      %select_n3A_357 = arith.select %eq3A_26, %broadcast_in_dim3A_356, %select_n3A_314 : vector<16xi1>, vector<16xf32>
      %mul3A_358 = arith.constant 16 : i32
      %mul3A_359 = arith.muli %scan3A_185, %mul3A_358 : i32
      %add3A_360 = arith.constant 4 : i32
      %add3A_361 = arith.addi %mul3A_359, %add3A_360 : i32
      %slice3A_362 = vector.extract_strided_slice %get3A_190 {offsets = [4], sizes = [1], strides = [1]} : vector<16xi32> to vector<1xi32>
      %squeeze3A_363 = vector.extract %slice3A_362[0] : i32 from vector<1xi32>
      %shift_right_arithmetic3A_364 = arith.constant 2 : i32
      %shift_right_arithmetic3A_365 = arith.shrsi %squeeze3A_363, %shift_right_arithmetic3A_364 : i32
      %and3A_366 = arith.constant 3 : i32
      %and3A_367 = arith.andi %squeeze3A_363, %and3A_366 : i32
      %mul3A_368 = arith.constant 32 : i32
      %mul3A_369 = arith.muli %and3A_367, %mul3A_368 : i32
      %get3A_370 = arith.index_cast %add3A_361 : i32 to index
      %get3A_371 = arith.constant 0 : index
      %get3A_372 = tpu.vector_load %arg12[%get3A_370, %get3A_371] {strides = array<i32>} : memref<128x128xf32, #tpu.memory_space<vmem>>, vector<16xf32>,
      %get3A_373 = arith.index_cast %add3A_361 : i32 to index
      %get3A_374 = arith.constant 0 : index
      %get3A_375 = tpu.vector_load %arg14[%get3A_373, %get3A_374] {strides = array<i32>} : memref<128x128xf32, #tpu.memory_space<vmem>>, vector<16xf32>,
      %mul3A_376 = arith.mulf %get3A_372, %get3A_375 : vector<16xf32>
      %get3A_377 = arith.index_cast %shift_right_arithmetic3A_365 : i32 to index
      %get3A_378 = arith.index_cast %mul3A_369 : i32 to index
      %get3A_379 = tpu.vector_load %arg16[%get3A_377, %get3A_378] {strides = array<i32>} : memref<250x128xf32, #tpu.memory_space<vmem>>, vector<16xf32>,
      %mul3A_380 = arith.mulf %mul3A_376, %get3A_379 : vector<16xf32>
      %get3A_381 = arith.index_cast %add3A_361 : i32 to index
      %get3A_382 = arith.constant 16 : index
      %get3A_383 = tpu.vector_load %arg12[%get3A_381, %get3A_382] {strides = array<i32>} : memref<128x128xf32, #tpu.memory_space<vmem>>, vector<16xf32>,
      %get3A_384 = arith.index_cast %add3A_361 : i32 to index
      %get3A_385 = arith.constant 16 : index
      %get3A_386 = tpu.vector_load %arg14[%get3A_384, %get3A_385] {strides = array<i32>} : memref<128x128xf32, #tpu.memory_space<vmem>>, vector<16xf32>,
      %mul3A_387 = arith.mulf %get3A_383, %get3A_386 : vector<16xf32>
      %add3A_388 = arith.constant 16 : i32
      %add3A_389 = arith.addi %mul3A_369, %add3A_388 : i32
      %get3A_390 = arith.index_cast %shift_right_arithmetic3A_365 : i32 to index
      %get3A_391 = arith.index_cast %add3A_389 : i32 to index
      %get3A_392 = tpu.vector_load %arg16[%get3A_390, %get3A_391] {strides = array<i32>} : memref<250x128xf32, #tpu.memory_space<vmem>>, vector<16xf32>,
      %mul3A_393 = arith.mulf %mul3A_387, %get3A_392 : vector<16xf32>
      %add3A_394 = arith.addf %mul3A_380, %mul3A_393 : vector<16xf32>
      %reduce_sum3A_395 = arith.constant true
      %reduce_sum3A_396 = vector.broadcast %reduce_sum3A_395 : i1 to vector<16xi1>
      %reduce_sum3A_397 = tpu.scan <sum>, %add3A_394 masked %reduce_sum3A_396 : vector<16xf32>, vector<16xi1> -> vector<16xf32>
      %reduce_sum3A_398 = vector.extract %reduce_sum3A_397[15] : f32 from vector<16xf32>
      %broadcast_in_dim3A_399 = vector.broadcast %reduce_sum3A_398 : f32 to vector<16xf32>
      %select_n3A_400 = arith.select %eq3A_29, %broadcast_in_dim3A_399, %select_n3A_357 : vector<16xi1>, vector<16xf32>
      %mul3A_401 = arith.constant 16 : i32
      %mul3A_402 = arith.muli %scan3A_185, %mul3A_401 : i32
      %add3A_403 = arith.constant 5 : i32
      %add3A_404 = arith.addi %mul3A_402, %add3A_403 : i32
      %slice3A_405 = vector.extract_strided_slice %get3A_190 {offsets = [5], sizes = [1], strides = [1]} : vector<16xi32> to vector<1xi32>
      %squeeze3A_406 = vector.extract %slice3A_405[0] : i32 from vector<1xi32>
      %shift_right_arithmetic3A_407 = arith.constant 2 : i32
      %shift_right_arithmetic3A_408 = arith.shrsi %squeeze3A_406, %shift_right_arithmetic3A_407 : i32
      %and3A_409 = arith.constant 3 : i32
      %and3A_410 = arith.andi %squeeze3A_406, %and3A_409 : i32
      %mul3A_411 = arith.constant 32 : i32
      %mul3A_412 = arith.muli %and3A_410, %mul3A_411 : i32
      %get3A_413 = arith.index_cast %add3A_404 : i32 to index
      %get3A_414 = arith.constant 0 : index
      %get3A_415 = tpu.vector_load %arg12[%get3A_413, %get3A_414] {strides = array<i32>} : memref<128x128xf32, #tpu.memory_space<vmem>>, vector<16xf32>,
      %get3A_416 = arith.index_cast %add3A_404 : i32 to index
      %get3A_417 = arith.constant 0 : index
      %get3A_418 = tpu.vector_load %arg14[%get3A_416, %get3A_417] {strides = array<i32>} : memref<128x128xf32, #tpu.memory_space<vmem>>, vector<16xf32>,
      %mul3A_419 = arith.mulf %get3A_415, %get3A_418 : vector<16xf32>
      %get3A_420 = arith.index_cast %shift_right_arithmetic3A_408 : i32 to index
      %get3A_421 = arith.index_cast %mul3A_412 : i32 to index
      %get3A_422 = tpu.vector_load %arg16[%get3A_420, %get3A_421] {strides = array<i32>} : memref<250x128xf32, #tpu.memory_space<vmem>>, vector<16xf32>,
      %mul3A_423 = arith.mulf %mul3A_419, %get3A_422 : vector<16xf32>
      %get3A_424 = arith.index_cast %add3A_404 : i32 to index
      %get3A_425 = arith.constant 16 : index
      %get3A_426 = tpu.vector_load %arg12[%get3A_424, %get3A_425] {strides = array<i32>} : memref<128x128xf32, #tpu.memory_space<vmem>>, vector<16xf32>,
      %get3A_427 = arith.index_cast %add3A_404 : i32 to index
      %get3A_428 = arith.constant 16 : index
      %get3A_429 = tpu.vector_load %arg14[%get3A_427, %get3A_428] {strides = array<i32>} : memref<128x128xf32, #tpu.memory_space<vmem>>, vector<16xf32>,
      %mul3A_430 = arith.mulf %get3A_426, %get3A_429 : vector<16xf32>
      %add3A_431 = arith.constant 16 : i32
      %add3A_432 = arith.addi %mul3A_412, %add3A_431 : i32
      %get3A_433 = arith.index_cast %shift_right_arithmetic3A_408 : i32 to index
      %get3A_434 = arith.index_cast %add3A_432 : i32 to index
      %get3A_435 = tpu.vector_load %arg16[%get3A_433, %get3A_434] {strides = array<i32>} : memref<250x128xf32, #tpu.memory_space<vmem>>, vector<16xf32>,
      %mul3A_436 = arith.mulf %mul3A_430, %get3A_435 : vector<16xf32>
      %add3A_437 = arith.addf %mul3A_423, %mul3A_436 : vector<16xf32>
      %reduce_sum3A_438 = arith.constant true
      %reduce_sum3A_439 = vector.broadcast %reduce_sum3A_438 : i1 to vector<16xi1>
      %reduce_sum3A_440 = tpu.scan <sum>, %add3A_437 masked %reduce_sum3A_439 : vector<16xf32>, vector<16xi1> -> vector<16xf32>
      %reduce_sum3A_441 = vector.extract %reduce_sum3A_440[15] : f32 from vector<16xf32>
      %broadcast_in_dim3A_442 = vector.broadcast %reduce_sum3A_441 : f32 to vector<16xf32>
      %select_n3A_443 = arith.select %eq3A_32, %broadcast_in_dim3A_442, %select_n3A_400 : vector<16xi1>, vector<16xf32>
      %mul3A_444 = arith.constant 16 : i32
      %mul3A_445 = arith.muli %scan3A_185, %mul3A_444 : i32
      %add3A_446 = arith.constant 6 : i32
      %add3A_447 = arith.addi %mul3A_445, %add3A_446 : i32
      %slice3A_448 = vector.extract_strided_slice %get3A_190 {offsets = [6], sizes = [1], strides = [1]} : vector<16xi32> to vector<1xi32>
      %squeeze3A_449 = vector.extract %slice3A_448[0] : i32 from vector<1xi32>
      %shift_right_arithmetic3A_450 = arith.constant 2 : i32
      %shift_right_arithmetic3A_451 = arith.shrsi %squeeze3A_449, %shift_right_arithmetic3A_450 : i32
      %and3A_452 = arith.constant 3 : i32
      %and3A_453 = arith.andi %squeeze3A_449, %and3A_452 : i32
      %mul3A_454 = arith.constant 32 : i32
      %mul3A_455 = arith.muli %and3A_453, %mul3A_454 : i32
      %get3A_456 = arith.index_cast %add3A_447 : i32 to index
      %get3A_457 = arith.constant 0 : index
      %get3A_458 = tpu.vector_load %arg12[%get3A_456, %get3A_457] {strides = array<i32>} : memref<128x128xf32, #tpu.memory_space<vmem>>, vector<16xf32>,
      %get3A_459 = arith.index_cast %add3A_447 : i32 to index
      %get3A_460 = arith.constant 0 : index
      %get3A_461 = tpu.vector_load %arg14[%get3A_459, %get3A_460] {strides = array<i32>} : memref<128x128xf32, #tpu.memory_space<vmem>>, vector<16xf32>,
      %mul3A_462 = arith.mulf %get3A_458, %get3A_461 : vector<16xf32>
      %get3A_463 = arith.index_cast %shift_right_arithmetic3A_451 : i32 to index
      %get3A_464 = arith.index_cast %mul3A_455 : i32 to index
      %get3A_465 = tpu.vector_load %arg16[%get3A_463, %get3A_464] {strides = array<i32>} : memref<250x128xf32, #tpu.memory_space<vmem>>, vector<16xf32>,
      %mul3A_466 = arith.mulf %mul3A_462, %get3A_465 : vector<16xf32>
      %get3A_467 = arith.index_cast %add3A_447 : i32 to index
      %get3A_468 = arith.constant 16 : index
      %get3A_469 = tpu.vector_load %arg12[%get3A_467, %get3A_468] {strides = array<i32>} : memref<128x128xf32, #tpu.memory_space<vmem>>, vector<16xf32>,
      %get3A_470 = arith.index_cast %add3A_447 : i32 to index
      %get3A_471 = arith.constant 16 : index
      %get3A_472 = tpu.vector_load %arg14[%get3A_470, %get3A_471] {strides = array<i32>} : memref<128x128xf32, #tpu.memory_space<vmem>>, vector<16xf32>,
      %mul3A_473 = arith.mulf %get3A_469, %get3A_472 : vector<16xf32>
      %add3A_474 = arith.constant 16 : i32
      %add3A_475 = arith.addi %mul3A_455, %add3A_474 : i32
      %get3A_476 = arith.index_cast %shift_right_arithmetic3A_451 : i32 to index
      %get3A_477 = arith.index_cast %add3A_475 : i32 to index
      %get3A_478 = tpu.vector_load %arg16[%get3A_476, %get3A_477] {strides = array<i32>} : memref<250x128xf32, #tpu.memory_space<vmem>>, vector<16xf32>,
      %mul3A_479 = arith.mulf %mul3A_473, %get3A_478 : vector<16xf32>
      %add3A_480 = arith.addf %mul3A_466, %mul3A_479 : vector<16xf32>
      %reduce_sum3A_481 = arith.constant true
      %reduce_sum3A_482 = vector.broadcast %reduce_sum3A_481 : i1 to vector<16xi1>
      %reduce_sum3A_483 = tpu.scan <sum>, %add3A_480 masked %reduce_sum3A_482 : vector<16xf32>, vector<16xi1> -> vector<16xf32>
      %reduce_sum3A_484 = vector.extract %reduce_sum3A_483[15] : f32 from vector<16xf32>
      %broadcast_in_dim3A_485 = vector.broadcast %reduce_sum3A_484 : f32 to vector<16xf32>
      %select_n3A_486 = arith.select %eq3A_35, %broadcast_in_dim3A_485, %select_n3A_443 : vector<16xi1>, vector<16xf32>
      %mul3A_487 = arith.constant 16 : i32
      %mul3A_488 = arith.muli %scan3A_185, %mul3A_487 : i32
      %add3A_489 = arith.constant 7 : i32
      %add3A_490 = arith.addi %mul3A_488, %add3A_489 : i32
      %slice3A_491 = vector.extract_strided_slice %get3A_190 {offsets = [7], sizes = [1], strides = [1]} : vector<16xi32> to vector<1xi32>
      %squeeze3A_492 = vector.extract %slice3A_491[0] : i32 from vector<1xi32>
      %shift_right_arithmetic3A_493 = arith.constant 2 : i32
      %shift_right_arithmetic3A_494 = arith.shrsi %squeeze3A_492, %shift_right_arithmetic3A_493 : i32
      %and3A_495 = arith.constant 3 : i32
      %and3A_496 = arith.andi %squeeze3A_492, %and3A_495 : i32
      %mul3A_497 = arith.constant 32 : i32
      %mul3A_498 = arith.muli %and3A_496, %mul3A_497 : i32
      %get3A_499 = arith.index_cast %add3A_490 : i32 to index
      %get3A_500 = arith.constant 0 : index
      %get3A_501 = tpu.vector_load %arg12[%get3A_499, %get3A_500] {strides = array<i32>} : memref<128x128xf32, #tpu.memory_space<vmem>>, vector<16xf32>,
      %get3A_502 = arith.index_cast %add3A_490 : i32 to index
      %get3A_503 = arith.constant 0 : index
      %get3A_504 = tpu.vector_load %arg14[%get3A_502, %get3A_503] {strides = array<i32>} : memref<128x128xf32, #tpu.memory_space<vmem>>, vector<16xf32>,
      %mul3A_505 = arith.mulf %get3A_501, %get3A_504 : vector<16xf32>
      %get3A_506 = arith.index_cast %shift_right_arithmetic3A_494 : i32 to index
      %get3A_507 = arith.index_cast %mul3A_498 : i32 to index
      %get3A_508 = tpu.vector_load %arg16[%get3A_506, %get3A_507] {strides = array<i32>} : memref<250x128xf32, #tpu.memory_space<vmem>>, vector<16xf32>,
      %mul3A_509 = arith.mulf %mul3A_505, %get3A_508 : vector<16xf32>
      %get3A_510 = arith.index_cast %add3A_490 : i32 to index
      %get3A_511 = arith.constant 16 : index
      %get3A_512 = tpu.vector_load %arg12[%get3A_510, %get3A_511] {strides = array<i32>} : memref<128x128xf32, #tpu.memory_space<vmem>>, vector<16xf32>,
      %get3A_513 = arith.index_cast %add3A_490 : i32 to index
      %get3A_514 = arith.constant 16 : index
      %get3A_515 = tpu.vector_load %arg14[%get3A_513, %get3A_514] {strides = array<i32>} : memref<128x128xf32, #tpu.memory_space<vmem>>, vector<16xf32>,
      %mul3A_516 = arith.mulf %get3A_512, %get3A_515 : vector<16xf32>
      %add3A_517 = arith.constant 16 : i32
      %add3A_518 = arith.addi %mul3A_498, %add3A_517 : i32
      %get3A_519 = arith.index_cast %shift_right_arithmetic3A_494 : i32 to index
      %get3A_520 = arith.index_cast %add3A_518 : i32 to index
      %get3A_521 = tpu.vector_load %arg16[%get3A_519, %get3A_520] {strides = array<i32>} : memref<250x128xf32, #tpu.memory_space<vmem>>, vector<16xf32>,
      %mul3A_522 = arith.mulf %mul3A_516, %get3A_521 : vector<16xf32>
      %add3A_523 = arith.addf %mul3A_509, %mul3A_522 : vector<16xf32>
      %reduce_sum3A_524 = arith.constant true
      %reduce_sum3A_525 = vector.broadcast %reduce_sum3A_524 : i1 to vector<16xi1>
      %reduce_sum3A_526 = tpu.scan <sum>, %add3A_523 masked %reduce_sum3A_525 : vector<16xf32>, vector<16xi1> -> vector<16xf32>
      %reduce_sum3A_527 = vector.extract %reduce_sum3A_526[15] : f32 from vector<16xf32>
      %broadcast_in_dim3A_528 = vector.broadcast %reduce_sum3A_527 : f32 to vector<16xf32>
      %select_n3A_529 = arith.select %eq3A_38, %broadcast_in_dim3A_528, %select_n3A_486 : vector<16xi1>, vector<16xf32>
      %mul3A_530 = arith.constant 16 : i32
      %mul3A_531 = arith.muli %scan3A_185, %mul3A_530 : i32
      %add3A_532 = arith.constant 8 : i32
      %add3A_533 = arith.addi %mul3A_531, %add3A_532 : i32
      %slice3A_534 = vector.extract_strided_slice %get3A_190 {offsets = [8], sizes = [1], strides = [1]} : vector<16xi32> to vector<1xi32>
      %squeeze3A_535 = vector.extract %slice3A_534[0] : i32 from vector<1xi32>
      %shift_right_arithmetic3A_536 = arith.constant 2 : i32
      %shift_right_arithmetic3A_537 = arith.shrsi %squeeze3A_535, %shift_right_arithmetic3A_536 : i32
      %and3A_538 = arith.constant 3 : i32
      %and3A_539 = arith.andi %squeeze3A_535, %and3A_538 : i32
      %mul3A_540 = arith.constant 32 : i32
      %mul3A_541 = arith.muli %and3A_539, %mul3A_540 : i32
      %get3A_542 = arith.index_cast %add3A_533 : i32 to index
      %get3A_543 = arith.constant 0 : index
      %get3A_544 = tpu.vector_load %arg12[%get3A_542, %get3A_543] {strides = array<i32>} : memref<128x128xf32, #tpu.memory_space<vmem>>, vector<16xf32>,
      %get3A_545 = arith.index_cast %add3A_533 : i32 to index
      %get3A_546 = arith.constant 0 : index
      %get3A_547 = tpu.vector_load %arg14[%get3A_545, %get3A_546] {strides = array<i32>} : memref<128x128xf32, #tpu.memory_space<vmem>>, vector<16xf32>,
      %mul3A_548 = arith.mulf %get3A_544, %get3A_547 : vector<16xf32>
      %get3A_549 = arith.index_cast %shift_right_arithmetic3A_537 : i32 to index
      %get3A_550 = arith.index_cast %mul3A_541 : i32 to index
      %get3A_551 = tpu.vector_load %arg16[%get3A_549, %get3A_550] {strides = array<i32>} : memref<250x128xf32, #tpu.memory_space<vmem>>, vector<16xf32>,
      %mul3A_552 = arith.mulf %mul3A_548, %get3A_551 : vector<16xf32>
      %get3A_553 = arith.index_cast %add3A_533 : i32 to index
      %get3A_554 = arith.constant 16 : index
      %get3A_555 = tpu.vector_load %arg12[%get3A_553, %get3A_554] {strides = array<i32>} : memref<128x128xf32, #tpu.memory_space<vmem>>, vector<16xf32>,
      %get3A_556 = arith.index_cast %add3A_533 : i32 to index
      %get3A_557 = arith.constant 16 : index
      %get3A_558 = tpu.vector_load %arg14[%get3A_556, %get3A_557] {strides = array<i32>} : memref<128x128xf32, #tpu.memory_space<vmem>>, vector<16xf32>,
      %mul3A_559 = arith.mulf %get3A_555, %get3A_558 : vector<16xf32>
      %add3A_560 = arith.constant 16 : i32
      %add3A_561 = arith.addi %mul3A_541, %add3A_560 : i32
      %get3A_562 = arith.index_cast %shift_right_arithmetic3A_537 : i32 to index
      %get3A_563 = arith.index_cast %add3A_561 : i32 to index
      %get3A_564 = tpu.vector_load %arg16[%get3A_562, %get3A_563] {strides = array<i32>} : memref<250x128xf32, #tpu.memory_space<vmem>>, vector<16xf32>,
      %mul3A_565 = arith.mulf %mul3A_559, %get3A_564 : vector<16xf32>
      %add3A_566 = arith.addf %mul3A_552, %mul3A_565 : vector<16xf32>
      %reduce_sum3A_567 = arith.constant true
      %reduce_sum3A_568 = vector.broadcast %reduce_sum3A_567 : i1 to vector<16xi1>
      %reduce_sum3A_569 = tpu.scan <sum>, %add3A_566 masked %reduce_sum3A_568 : vector<16xf32>, vector<16xi1> -> vector<16xf32>
      %reduce_sum3A_570 = vector.extract %reduce_sum3A_569[15] : f32 from vector<16xf32>
      %broadcast_in_dim3A_571 = vector.broadcast %reduce_sum3A_570 : f32 to vector<16xf32>
      %select_n3A_572 = arith.select %eq3A_41, %broadcast_in_dim3A_571, %select_n3A_529 : vector<16xi1>, vector<16xf32>
      %mul3A_573 = arith.constant 16 : i32
      %mul3A_574 = arith.muli %scan3A_185, %mul3A_573 : i32
      %add3A_575 = arith.constant 9 : i32
      %add3A_576 = arith.addi %mul3A_574, %add3A_575 : i32
      %slice3A_577 = vector.extract_strided_slice %get3A_190 {offsets = [9], sizes = [1], strides = [1]} : vector<16xi32> to vector<1xi32>
      %squeeze3A_578 = vector.extract %slice3A_577[0] : i32 from vector<1xi32>
      %shift_right_arithmetic3A_579 = arith.constant 2 : i32
      %shift_right_arithmetic3A_580 = arith.shrsi %squeeze3A_578, %shift_right_arithmetic3A_579 : i32
      %and3A_581 = arith.constant 3 : i32
      %and3A_582 = arith.andi %squeeze3A_578, %and3A_581 : i32
      %mul3A_583 = arith.constant 32 : i32
      %mul3A_584 = arith.muli %and3A_582, %mul3A_583 : i32
      %get3A_585 = arith.index_cast %add3A_576 : i32 to index
      %get3A_586 = arith.constant 0 : index
      %get3A_587 = tpu.vector_load %arg12[%get3A_585, %get3A_586] {strides = array<i32>} : memref<128x128xf32, #tpu.memory_space<vmem>>, vector<16xf32>,
      %get3A_588 = arith.index_cast %add3A_576 : i32 to index
      %get3A_589 = arith.constant 0 : index
      %get3A_590 = tpu.vector_load %arg14[%get3A_588, %get3A_589] {strides = array<i32>} : memref<128x128xf32, #tpu.memory_space<vmem>>, vector<16xf32>,
      %mul3A_591 = arith.mulf %get3A_587, %get3A_590 : vector<16xf32>
      %get3A_592 = arith.index_cast %shift_right_arithmetic3A_580 : i32 to index
      %get3A_593 = arith.index_cast %mul3A_584 : i32 to index
      %get3A_594 = tpu.vector_load %arg16[%get3A_592, %get3A_593] {strides = array<i32>} : memref<250x128xf32, #tpu.memory_space<vmem>>, vector<16xf32>,
      %mul3A_595 = arith.mulf %mul3A_591, %get3A_594 : vector<16xf32>
      %get3A_596 = arith.index_cast %add3A_576 : i32 to index
      %get3A_597 = arith.constant 16 : index
      %get3A_598 = tpu.vector_load %arg12[%get3A_596, %get3A_597] {strides = array<i32>} : memref<128x128xf32, #tpu.memory_space<vmem>>, vector<16xf32>,
      %get3A_599 = arith.index_cast %add3A_576 : i32 to index
      %get3A_600 = arith.constant 16 : index
      %get3A_601 = tpu.vector_load %arg14[%get3A_599, %get3A_600] {strides = array<i32>} : memref<128x128xf32, #tpu.memory_space<vmem>>, vector<16xf32>,
      %mul3A_602 = arith.mulf %get3A_598, %get3A_601 : vector<16xf32>
      %add3A_603 = arith.constant 16 : i32
      %add3A_604 = arith.addi %mul3A_584, %add3A_603 : i32
      %get3A_605 = arith.index_cast %shift_right_arithmetic3A_580 : i32 to index
      %get3A_606 = arith.index_cast %add3A_604 : i32 to index
      %get3A_607 = tpu.vector_load %arg16[%get3A_605, %get3A_606] {strides = array<i32>} : memref<250x128xf32, #tpu.memory_space<vmem>>, vector<16xf32>,
      %mul3A_608 = arith.mulf %mul3A_602, %get3A_607 : vector<16xf32>
      %add3A_609 = arith.addf %mul3A_595, %mul3A_608 : vector<16xf32>
      %reduce_sum3A_610 = arith.constant true
      %reduce_sum3A_611 = vector.broadcast %reduce_sum3A_610 : i1 to vector<16xi1>
      %reduce_sum3A_612 = tpu.scan <sum>, %add3A_609 masked %reduce_sum3A_611 : vector<16xf32>, vector<16xi1> -> vector<16xf32>
      %reduce_sum3A_613 = vector.extract %reduce_sum3A_612[15] : f32 from vector<16xf32>
      %broadcast_in_dim3A_614 = vector.broadcast %reduce_sum3A_613 : f32 to vector<16xf32>
      %select_n3A_615 = arith.select %eq3A_44, %broadcast_in_dim3A_614, %select_n3A_572 : vector<16xi1>, vector<16xf32>
      %mul3A_616 = arith.constant 16 : i32
      %mul3A_617 = arith.muli %scan3A_185, %mul3A_616 : i32
      %add3A_618 = arith.constant 10 : i32
      %add3A_619 = arith.addi %mul3A_617, %add3A_618 : i32
      %slice3A_620 = vector.extract_strided_slice %get3A_190 {offsets = [10], sizes = [1], strides = [1]} : vector<16xi32> to vector<1xi32>
      %squeeze3A_621 = vector.extract %slice3A_620[0] : i32 from vector<1xi32>
      %shift_right_arithmetic3A_622 = arith.constant 2 : i32
      %shift_right_arithmetic3A_623 = arith.shrsi %squeeze3A_621, %shift_right_arithmetic3A_622 : i32
      %and3A_624 = arith.constant 3 : i32
      %and3A_625 = arith.andi %squeeze3A_621, %and3A_624 : i32
      %mul3A_626 = arith.constant 32 : i32
      %mul3A_627 = arith.muli %and3A_625, %mul3A_626 : i32
      %get3A_628 = arith.index_cast %add3A_619 : i32 to index
      %get3A_629 = arith.constant 0 : index
      %get3A_630 = tpu.vector_load %arg12[%get3A_628, %get3A_629] {strides = array<i32>} : memref<128x128xf32, #tpu.memory_space<vmem>>, vector<16xf32>,
      %get3A_631 = arith.index_cast %add3A_619 : i32 to index
      %get3A_632 = arith.constant 0 : index
      %get3A_633 = tpu.vector_load %arg14[%get3A_631, %get3A_632] {strides = array<i32>} : memref<128x128xf32, #tpu.memory_space<vmem>>, vector<16xf32>,
      %mul3A_634 = arith.mulf %get3A_630, %get3A_633 : vector<16xf32>
      %get3A_635 = arith.index_cast %shift_right_arithmetic3A_623 : i32 to index
      %get3A_636 = arith.index_cast %mul3A_627 : i32 to index
      %get3A_637 = tpu.vector_load %arg16[%get3A_635, %get3A_636] {strides = array<i32>} : memref<250x128xf32, #tpu.memory_space<vmem>>, vector<16xf32>,
      %mul3A_638 = arith.mulf %mul3A_634, %get3A_637 : vector<16xf32>
      %get3A_639 = arith.index_cast %add3A_619 : i32 to index
      %get3A_640 = arith.constant 16 : index
      %get3A_641 = tpu.vector_load %arg12[%get3A_639, %get3A_640] {strides = array<i32>} : memref<128x128xf32, #tpu.memory_space<vmem>>, vector<16xf32>,
      %get3A_642 = arith.index_cast %add3A_619 : i32 to index
      %get3A_643 = arith.constant 16 : index
      %get3A_644 = tpu.vector_load %arg14[%get3A_642, %get3A_643] {strides = array<i32>} : memref<128x128xf32, #tpu.memory_space<vmem>>, vector<16xf32>,
      %mul3A_645 = arith.mulf %get3A_641, %get3A_644 : vector<16xf32>
      %add3A_646 = arith.constant 16 : i32
      %add3A_647 = arith.addi %mul3A_627, %add3A_646 : i32
      %get3A_648 = arith.index_cast %shift_right_arithmetic3A_623 : i32 to index
      %get3A_649 = arith.index_cast %add3A_647 : i32 to index
      %get3A_650 = tpu.vector_load %arg16[%get3A_648, %get3A_649] {strides = array<i32>} : memref<250x128xf32, #tpu.memory_space<vmem>>, vector<16xf32>,
      %mul3A_651 = arith.mulf %mul3A_645, %get3A_650 : vector<16xf32>
      %add3A_652 = arith.addf %mul3A_638, %mul3A_651 : vector<16xf32>
      %reduce_sum3A_653 = arith.constant true
      %reduce_sum3A_654 = vector.broadcast %reduce_sum3A_653 : i1 to vector<16xi1>
      %reduce_sum3A_655 = tpu.scan <sum>, %add3A_652 masked %reduce_sum3A_654 : vector<16xf32>, vector<16xi1> -> vector<16xf32>
      %reduce_sum3A_656 = vector.extract %reduce_sum3A_655[15] : f32 from vector<16xf32>
      %broadcast_in_dim3A_657 = vector.broadcast %reduce_sum3A_656 : f32 to vector<16xf32>
      %select_n3A_658 = arith.select %eq3A_47, %broadcast_in_dim3A_657, %select_n3A_615 : vector<16xi1>, vector<16xf32>
      %mul3A_659 = arith.constant 16 : i32
      %mul3A_660 = arith.muli %scan3A_185, %mul3A_659 : i32
      %add3A_661 = arith.constant 11 : i32
      %add3A_662 = arith.addi %mul3A_660, %add3A_661 : i32
      %slice3A_663 = vector.extract_strided_slice %get3A_190 {offsets = [11], sizes = [1], strides = [1]} : vector<16xi32> to vector<1xi32>
      %squeeze3A_664 = vector.extract %slice3A_663[0] : i32 from vector<1xi32>
      %shift_right_arithmetic3A_665 = arith.constant 2 : i32
      %shift_right_arithmetic3A_666 = arith.shrsi %squeeze3A_664, %shift_right_arithmetic3A_665 : i32
      %and3A_667 = arith.constant 3 : i32
      %and3A_668 = arith.andi %squeeze3A_664, %and3A_667 : i32
      %mul3A_669 = arith.constant 32 : i32
      %mul3A_670 = arith.muli %and3A_668, %mul3A_669 : i32
      %get3A_671 = arith.index_cast %add3A_662 : i32 to index
      %get3A_672 = arith.constant 0 : index
      %get3A_673 = tpu.vector_load %arg12[%get3A_671, %get3A_672] {strides = array<i32>} : memref<128x128xf32, #tpu.memory_space<vmem>>, vector<16xf32>,
      %get3A_674 = arith.index_cast %add3A_662 : i32 to index
      %get3A_675 = arith.constant 0 : index
      %get3A_676 = tpu.vector_load %arg14[%get3A_674, %get3A_675] {strides = array<i32>} : memref<128x128xf32, #tpu.memory_space<vmem>>, vector<16xf32>,
      %mul3A_677 = arith.mulf %get3A_673, %get3A_676 : vector<16xf32>
      %get3A_678 = arith.index_cast %shift_right_arithmetic3A_666 : i32 to index
      %get3A_679 = arith.index_cast %mul3A_670 : i32 to index
      %get3A_680 = tpu.vector_load %arg16[%get3A_678, %get3A_679] {strides = array<i32>} : memref<250x128xf32, #tpu.memory_space<vmem>>, vector<16xf32>,
      %mul3A_681 = arith.mulf %mul3A_677, %get3A_680 : vector<16xf32>
      %get3A_682 = arith.index_cast %add3A_662 : i32 to index
      %get3A_683 = arith.constant 16 : index
      %get3A_684 = tpu.vector_load %arg12[%get3A_682, %get3A_683] {strides = array<i32>} : memref<128x128xf32, #tpu.memory_space<vmem>>, vector<16xf32>,
      %get3A_685 = arith.index_cast %add3A_662 : i32 to index
      %get3A_686 = arith.constant 16 : index
      %get3A_687 = tpu.vector_load %arg14[%get3A_685, %get3A_686] {strides = array<i32>} : memref<128x128xf32, #tpu.memory_space<vmem>>, vector<16xf32>,
      %mul3A_688 = arith.mulf %get3A_684, %get3A_687 : vector<16xf32>
      %add3A_689 = arith.constant 16 : i32
      %add3A_690 = arith.addi %mul3A_670, %add3A_689 : i32
      %get3A_691 = arith.index_cast %shift_right_arithmetic3A_666 : i32 to index
      %get3A_692 = arith.index_cast %add3A_690 : i32 to index
      %get3A_693 = tpu.vector_load %arg16[%get3A_691, %get3A_692] {strides = array<i32>} : memref<250x128xf32, #tpu.memory_space<vmem>>, vector<16xf32>,
      %mul3A_694 = arith.mulf %mul3A_688, %get3A_693 : vector<16xf32>
      %add3A_695 = arith.addf %mul3A_681, %mul3A_694 : vector<16xf32>
      %reduce_sum3A_696 = arith.constant true
      %reduce_sum3A_697 = vector.broadcast %reduce_sum3A_696 : i1 to vector<16xi1>
      %reduce_sum3A_698 = tpu.scan <sum>, %add3A_695 masked %reduce_sum3A_697 : vector<16xf32>, vector<16xi1> -> vector<16xf32>
      %reduce_sum3A_699 = vector.extract %reduce_sum3A_698[15] : f32 from vector<16xf32>
      %broadcast_in_dim3A_700 = vector.broadcast %reduce_sum3A_699 : f32 to vector<16xf32>
      %select_n3A_701 = arith.select %eq3A_50, %broadcast_in_dim3A_700, %select_n3A_658 : vector<16xi1>, vector<16xf32>
      %mul3A_702 = arith.constant 16 : i32
      %mul3A_703 = arith.muli %scan3A_185, %mul3A_702 : i32
      %add3A_704 = arith.constant 12 : i32
      %add3A_705 = arith.addi %mul3A_703, %add3A_704 : i32
      %slice3A_706 = vector.extract_strided_slice %get3A_190 {offsets = [12], sizes = [1], strides = [1]} : vector<16xi32> to vector<1xi32>
      %squeeze3A_707 = vector.extract %slice3A_706[0] : i32 from vector<1xi32>
      %shift_right_arithmetic3A_708 = arith.constant 2 : i32
      %shift_right_arithmetic3A_709 = arith.shrsi %squeeze3A_707, %shift_right_arithmetic3A_708 : i32
      %and3A_710 = arith.constant 3 : i32
      %and3A_711 = arith.andi %squeeze3A_707, %and3A_710 : i32
      %mul3A_712 = arith.constant 32 : i32
      %mul3A_713 = arith.muli %and3A_711, %mul3A_712 : i32
      %get3A_714 = arith.index_cast %add3A_705 : i32 to index
      %get3A_715 = arith.constant 0 : index
      %get3A_716 = tpu.vector_load %arg12[%get3A_714, %get3A_715] {strides = array<i32>} : memref<128x128xf32, #tpu.memory_space<vmem>>, vector<16xf32>,
      %get3A_717 = arith.index_cast %add3A_705 : i32 to index
      %get3A_718 = arith.constant 0 : index
      %get3A_719 = tpu.vector_load %arg14[%get3A_717, %get3A_718] {strides = array<i32>} : memref<128x128xf32, #tpu.memory_space<vmem>>, vector<16xf32>,
      %mul3A_720 = arith.mulf %get3A_716, %get3A_719 : vector<16xf32>
      %get3A_721 = arith.index_cast %shift_right_arithmetic3A_709 : i32 to index
      %get3A_722 = arith.index_cast %mul3A_713 : i32 to index
      %get3A_723 = tpu.vector_load %arg16[%get3A_721, %get3A_722] {strides = array<i32>} : memref<250x128xf32, #tpu.memory_space<vmem>>, vector<16xf32>,
      %mul3A_724 = arith.mulf %mul3A_720, %get3A_723 : vector<16xf32>
      %get3A_725 = arith.index_cast %add3A_705 : i32 to index
      %get3A_726 = arith.constant 16 : index
      %get3A_727 = tpu.vector_load %arg12[%get3A_725, %get3A_726] {strides = array<i32>} : memref<128x128xf32, #tpu.memory_space<vmem>>, vector<16xf32>,
      %get3A_728 = arith.index_cast %add3A_705 : i32 to index
      %get3A_729 = arith.constant 16 : index
      %get3A_730 = tpu.vector_load %arg14[%get3A_728, %get3A_729] {strides = array<i32>} : memref<128x128xf32, #tpu.memory_space<vmem>>, vector<16xf32>,
      %mul3A_731 = arith.mulf %get3A_727, %get3A_730 : vector<16xf32>
      %add3A_732 = arith.constant 16 : i32
      %add3A_733 = arith.addi %mul3A_713, %add3A_732 : i32
      %get3A_734 = arith.index_cast %shift_right_arithmetic3A_709 : i32 to index
      %get3A_735 = arith.index_cast %add3A_733 : i32 to index
      %get3A_736 = tpu.vector_load %arg16[%get3A_734, %get3A_735] {strides = array<i32>} : memref<250x128xf32, #tpu.memory_space<vmem>>, vector<16xf32>,
      %mul3A_737 = arith.mulf %mul3A_731, %get3A_736 : vector<16xf32>
      %add3A_738 = arith.addf %mul3A_724, %mul3A_737 : vector<16xf32>
      %reduce_sum3A_739 = arith.constant true
      %reduce_sum3A_740 = vector.broadcast %reduce_sum3A_739 : i1 to vector<16xi1>
      %reduce_sum3A_741 = tpu.scan <sum>, %add3A_738 masked %reduce_sum3A_740 : vector<16xf32>, vector<16xi1> -> vector<16xf32>
      %reduce_sum3A_742 = vector.extract %reduce_sum3A_741[15] : f32 from vector<16xf32>
      %broadcast_in_dim3A_743 = vector.broadcast %reduce_sum3A_742 : f32 to vector<16xf32>
      %select_n3A_744 = arith.select %eq3A_53, %broadcast_in_dim3A_743, %select_n3A_701 : vector<16xi1>, vector<16xf32>
      %mul3A_745 = arith.constant 16 : i32
      %mul3A_746 = arith.muli %scan3A_185, %mul3A_745 : i32
      %add3A_747 = arith.constant 13 : i32
      %add3A_748 = arith.addi %mul3A_746, %add3A_747 : i32
      %slice3A_749 = vector.extract_strided_slice %get3A_190 {offsets = [13], sizes = [1], strides = [1]} : vector<16xi32> to vector<1xi32>
      %squeeze3A_750 = vector.extract %slice3A_749[0] : i32 from vector<1xi32>
      %shift_right_arithmetic3A_751 = arith.constant 2 : i32
      %shift_right_arithmetic3A_752 = arith.shrsi %squeeze3A_750, %shift_right_arithmetic3A_751 : i32
      %and3A_753 = arith.constant 3 : i32
      %and3A_754 = arith.andi %squeeze3A_750, %and3A_753 : i32
      %mul3A_755 = arith.constant 32 : i32
      %mul3A_756 = arith.muli %and3A_754, %mul3A_755 : i32
      %get3A_757 = arith.index_cast %add3A_748 : i32 to index
      %get3A_758 = arith.constant 0 : index
      %get3A_759 = tpu.vector_load %arg12[%get3A_757, %get3A_758] {strides = array<i32>} : memref<128x128xf32, #tpu.memory_space<vmem>>, vector<16xf32>,
      %get3A_760 = arith.index_cast %add3A_748 : i32 to index
      %get3A_761 = arith.constant 0 : index
      %get3A_762 = tpu.vector_load %arg14[%get3A_760, %get3A_761] {strides = array<i32>} : memref<128x128xf32, #tpu.memory_space<vmem>>, vector<16xf32>,
      %mul3A_763 = arith.mulf %get3A_759, %get3A_762 : vector<16xf32>
      %get3A_764 = arith.index_cast %shift_right_arithmetic3A_752 : i32 to index
      %get3A_765 = arith.index_cast %mul3A_756 : i32 to index
      %get3A_766 = tpu.vector_load %arg16[%get3A_764, %get3A_765] {strides = array<i32>} : memref<250x128xf32, #tpu.memory_space<vmem>>, vector<16xf32>,
      %mul3A_767 = arith.mulf %mul3A_763, %get3A_766 : vector<16xf32>
      %get3A_768 = arith.index_cast %add3A_748 : i32 to index
      %get3A_769 = arith.constant 16 : index
      %get3A_770 = tpu.vector_load %arg12[%get3A_768, %get3A_769] {strides = array<i32>} : memref<128x128xf32, #tpu.memory_space<vmem>>, vector<16xf32>,
      %get3A_771 = arith.index_cast %add3A_748 : i32 to index
      %get3A_772 = arith.constant 16 : index
      %get3A_773 = tpu.vector_load %arg14[%get3A_771, %get3A_772] {strides = array<i32>} : memref<128x128xf32, #tpu.memory_space<vmem>>, vector<16xf32>,
      %mul3A_774 = arith.mulf %get3A_770, %get3A_773 : vector<16xf32>
      %add3A_775 = arith.constant 16 : i32
      %add3A_776 = arith.addi %mul3A_756, %add3A_775 : i32
      %get3A_777 = arith.index_cast %shift_right_arithmetic3A_752 : i32 to index
      %get3A_778 = arith.index_cast %add3A_776 : i32 to index
      %get3A_779 = tpu.vector_load %arg16[%get3A_777, %get3A_778] {strides = array<i32>} : memref<250x128xf32, #tpu.memory_space<vmem>>, vector<16xf32>,
      %mul3A_780 = arith.mulf %mul3A_774, %get3A_779 : vector<16xf32>
      %add3A_781 = arith.addf %mul3A_767, %mul3A_780 : vector<16xf32>
      %reduce_sum3A_782 = arith.constant true
      %reduce_sum3A_783 = vector.broadcast %reduce_sum3A_782 : i1 to vector<16xi1>
      %reduce_sum3A_784 = tpu.scan <sum>, %add3A_781 masked %reduce_sum3A_783 : vector<16xf32>, vector<16xi1> -> vector<16xf32>
      %reduce_sum3A_785 = vector.extract %reduce_sum3A_784[15] : f32 from vector<16xf32>
      %broadcast_in_dim3A_786 = vector.broadcast %reduce_sum3A_785 : f32 to vector<16xf32>
      %select_n3A_787 = arith.select %eq3A_56, %broadcast_in_dim3A_786, %select_n3A_744 : vector<16xi1>, vector<16xf32>
      %mul3A_788 = arith.constant 16 : i32
      %mul3A_789 = arith.muli %scan3A_185, %mul3A_788 : i32
      %add3A_790 = arith.constant 14 : i32
      %add3A_791 = arith.addi %mul3A_789, %add3A_790 : i32
      %slice3A_792 = vector.extract_strided_slice %get3A_190 {offsets = [14], sizes = [1], strides = [1]} : vector<16xi32> to vector<1xi32>
      %squeeze3A_793 = vector.extract %slice3A_792[0] : i32 from vector<1xi32>
      %shift_right_arithmetic3A_794 = arith.constant 2 : i32
      %shift_right_arithmetic3A_795 = arith.shrsi %squeeze3A_793, %shift_right_arithmetic3A_794 : i32
      %and3A_796 = arith.constant 3 : i32
      %and3A_797 = arith.andi %squeeze3A_793, %and3A_796 : i32
      %mul3A_798 = arith.constant 32 : i32
      %mul3A_799 = arith.muli %and3A_797, %mul3A_798 : i32
      %get3A_800 = arith.index_cast %add3A_791 : i32 to index
      %get3A_801 = arith.constant 0 : index
      %get3A_802 = tpu.vector_load %arg12[%get3A_800, %get3A_801] {strides = array<i32>} : memref<128x128xf32, #tpu.memory_space<vmem>>, vector<16xf32>,
      %get3A_803 = arith.index_cast %add3A_791 : i32 to index
      %get3A_804 = arith.constant 0 : index
      %get3A_805 = tpu.vector_load %arg14[%get3A_803, %get3A_804] {strides = array<i32>} : memref<128x128xf32, #tpu.memory_space<vmem>>, vector<16xf32>,
      %mul3A_806 = arith.mulf %get3A_802, %get3A_805 : vector<16xf32>
      %get3A_807 = arith.index_cast %shift_right_arithmetic3A_795 : i32 to index
      %get3A_808 = arith.index_cast %mul3A_799 : i32 to index
      %get3A_809 = tpu.vector_load %arg16[%get3A_807, %get3A_808] {strides = array<i32>} : memref<250x128xf32, #tpu.memory_space<vmem>>, vector<16xf32>,
      %mul3A_810 = arith.mulf %mul3A_806, %get3A_809 : vector<16xf32>
      %get3A_811 = arith.index_cast %add3A_791 : i32 to index
      %get3A_812 = arith.constant 16 : index
      %get3A_813 = tpu.vector_load %arg12[%get3A_811, %get3A_812] {strides = array<i32>} : memref<128x128xf32, #tpu.memory_space<vmem>>, vector<16xf32>,
      %get3A_814 = arith.index_cast %add3A_791 : i32 to index
      %get3A_815 = arith.constant 16 : index
      %get3A_816 = tpu.vector_load %arg14[%get3A_814, %get3A_815] {strides = array<i32>} : memref<128x128xf32, #tpu.memory_space<vmem>>, vector<16xf32>,
      %mul3A_817 = arith.mulf %get3A_813, %get3A_816 : vector<16xf32>
      %add3A_818 = arith.constant 16 : i32
      %add3A_819 = arith.addi %mul3A_799, %add3A_818 : i32
      %get3A_820 = arith.index_cast %shift_right_arithmetic3A_795 : i32 to index
      %get3A_821 = arith.index_cast %add3A_819 : i32 to index
      %get3A_822 = tpu.vector_load %arg16[%get3A_820, %get3A_821] {strides = array<i32>} : memref<250x128xf32, #tpu.memory_space<vmem>>, vector<16xf32>,
      %mul3A_823 = arith.mulf %mul3A_817, %get3A_822 : vector<16xf32>
      %add3A_824 = arith.addf %mul3A_810, %mul3A_823 : vector<16xf32>
      %reduce_sum3A_825 = arith.constant true
      %reduce_sum3A_826 = vector.broadcast %reduce_sum3A_825 : i1 to vector<16xi1>
      %reduce_sum3A_827 = tpu.scan <sum>, %add3A_824 masked %reduce_sum3A_826 : vector<16xf32>, vector<16xi1> -> vector<16xf32>
      %reduce_sum3A_828 = vector.extract %reduce_sum3A_827[15] : f32 from vector<16xf32>
      %broadcast_in_dim3A_829 = vector.broadcast %reduce_sum3A_828 : f32 to vector<16xf32>
      %select_n3A_830 = arith.select %eq3A_59, %broadcast_in_dim3A_829, %select_n3A_787 : vector<16xi1>, vector<16xf32>
      %mul3A_831 = arith.constant 16 : i32
      %mul3A_832 = arith.muli %scan3A_185, %mul3A_831 : i32
      %add3A_833 = arith.constant 15 : i32
      %add3A_834 = arith.addi %mul3A_832, %add3A_833 : i32
      %slice3A_835 = vector.extract_strided_slice %get3A_190 {offsets = [15], sizes = [1], strides = [1]} : vector<16xi32> to vector<1xi32>
      %squeeze3A_836 = vector.extract %slice3A_835[0] : i32 from vector<1xi32>
      %shift_right_arithmetic3A_837 = arith.constant 2 : i32
      %shift_right_arithmetic3A_838 = arith.shrsi %squeeze3A_836, %shift_right_arithmetic3A_837 : i32
      %and3A_839 = arith.constant 3 : i32
      %and3A_840 = arith.andi %squeeze3A_836, %and3A_839 : i32
      %mul3A_841 = arith.constant 32 : i32
      %mul3A_842 = arith.muli %and3A_840, %mul3A_841 : i32
      %get3A_843 = arith.index_cast %add3A_834 : i32 to index
      %get3A_844 = arith.constant 0 : index
      %get3A_845 = tpu.vector_load %arg12[%get3A_843, %get3A_844] {strides = array<i32>} : memref<128x128xf32, #tpu.memory_space<vmem>>, vector<16xf32>,
      %get3A_846 = arith.index_cast %add3A_834 : i32 to index
      %get3A_847 = arith.constant 0 : index
      %get3A_848 = tpu.vector_load %arg14[%get3A_846, %get3A_847] {strides = array<i32>} : memref<128x128xf32, #tpu.memory_space<vmem>>, vector<16xf32>,
      %mul3A_849 = arith.mulf %get3A_845, %get3A_848 : vector<16xf32>
      %get3A_850 = arith.index_cast %shift_right_arithmetic3A_838 : i32 to index
      %get3A_851 = arith.index_cast %mul3A_842 : i32 to index
      %get3A_852 = tpu.vector_load %arg16[%get3A_850, %get3A_851] {strides = array<i32>} : memref<250x128xf32, #tpu.memory_space<vmem>>, vector<16xf32>,
      %mul3A_853 = arith.mulf %mul3A_849, %get3A_852 : vector<16xf32>
      %get3A_854 = arith.index_cast %add3A_834 : i32 to index
      %get3A_855 = arith.constant 16 : index
      %get3A_856 = tpu.vector_load %arg12[%get3A_854, %get3A_855] {strides = array<i32>} : memref<128x128xf32, #tpu.memory_space<vmem>>, vector<16xf32>,
      %get3A_857 = arith.index_cast %add3A_834 : i32 to index
      %get3A_858 = arith.constant 16 : index
      %get3A_859 = tpu.vector_load %arg14[%get3A_857, %get3A_858] {strides = array<i32>} : memref<128x128xf32, #tpu.memory_space<vmem>>, vector<16xf32>,
      %mul3A_860 = arith.mulf %get3A_856, %get3A_859 : vector<16xf32>
      %add3A_861 = arith.constant 16 : i32
      %add3A_862 = arith.addi %mul3A_842, %add3A_861 : i32
      %get3A_863 = arith.index_cast %shift_right_arithmetic3A_838 : i32 to index
      %get3A_864 = arith.index_cast %add3A_862 : i32 to index
      %get3A_865 = tpu.vector_load %arg16[%get3A_863, %get3A_864] {strides = array<i32>} : memref<250x128xf32, #tpu.memory_space<vmem>>, vector<16xf32>,
      %mul3A_866 = arith.mulf %mul3A_860, %get3A_865 : vector<16xf32>
      %add3A_867 = arith.addf %mul3A_853, %mul3A_866 : vector<16xf32>
      %reduce_sum3A_868 = arith.constant true
      %reduce_sum3A_869 = vector.broadcast %reduce_sum3A_868 : i1 to vector<16xi1>
      %reduce_sum3A_870 = tpu.scan <sum>, %add3A_867 masked %reduce_sum3A_869 : vector<16xf32>, vector<16xi1> -> vector<16xf32>
      %reduce_sum3A_871 = vector.extract %reduce_sum3A_870[15] : f32 from vector<16xf32>
      %broadcast_in_dim3A_872 = vector.broadcast %reduce_sum3A_871 : f32 to vector<16xf32>
      %select_n3A_873 = arith.select %eq3A_62, %broadcast_in_dim3A_872, %select_n3A_830 : vector<16xi1>, vector<16xf32>
      %neg3A = arith.constant 0.000000e+00 : f32
      %neg3A_874 = vector.broadcast %neg3A : f32 to vector<16xf32>
      %neg3A_875 = arith.subf %neg3A_874, %select_n3A_873 : vector<16xf32>
      %exp3A = math.exp %neg3A_875 : vector<16xf32>
      %add3A_876 = arith.constant 1.000000e+00 : f32
      %add3A_877 = vector.broadcast %add3A_876 : f32 to vector<16xf32>
      %add3A_878 = arith.addf %add3A_877, %exp3A : vector<16xf32>
      %div3A = arith.constant 1.000000e+00 : f32
      %div3A_879 = vector.broadcast %div3A : f32 to vector<16xf32>
      %div3A_880 = arith.divf %div3A_879, %add3A_878 : vector<16xf32>
      %mul3A_881 = arith.constant 16 : i32
      %mul3A_882 = arith.muli %scan3A_185, %mul3A_881 : i32
      %add3A_883 = arith.constant 0 : i32
      %add3A_884 = arith.addi %add3A_883, %mul3A_882 : i32
      %swap3A = arith.index_cast %add3A_884 : i32 to index
      %swap3A_885 = tpu.vector_load %arg17[%swap3A] {strides = array<i32>} : memref<512xf32, #tpu.memory_space<vmem>>, vector<16xf32>,
      tpu.vector_store %arg17[%swap3A], %div3A_880 {strides = array<i32>} : memref<512xf32, #tpu.memory_space<vmem>>, vector<16xf32>,
    }
    %scan3A_94 = arith.constant 8 : i32
    %dma_start3A_95 = arith.constant 2 : i32
    %dma_start3A_96 = arith.constant 0 : i32
    %dma_start3A_97 = tpu.memref_slice %arg10[%dma_start3A_95, %dma_start3A_96] : memref<4x128xi32, #tpu.memory_space<vmem>> -> memref<1x128xi32, #tpu.memory_space<vmem>>
    %dma_start3A_98 = tpu.memref_squeeze %dma_start3A_97 : memref<1x128xi32, #tpu.memory_space<vmem>> -> memref<128xi32, #tpu.memory_space<vmem>>
    %dma_start3A_99 = arith.constant 0 : i32
    %dma_start3A_100 = arith.constant 0 : i32
    %dma_start3A_101 = tpu.memref_slice %arg5[%dma_start3A_99, %dma_start3A_100] : memref<100000x128xf32, #tpu.memory_space<hbm>> -> memref<100000x128xf32, #tpu.memory_space<hbm>>
    tpu.enqueue_indirect_dma source(%dma_start3A_101 : memref<100000x128xf32, #tpu.memory_space<hbm>>) target(%arg12 : memref<128x128xf32, #tpu.memory_space<vmem>>) offsets(%dma_start3A_98 : memref<128xi32, #tpu.memory_space<vmem>>) semaphore(%arg18 : memref<!tpu.dma_semaphore, #tpu.memory_space<semaphore_mem>>)
    %dma_start3A_102 = arith.constant 2 : i32
    %dma_start3A_103 = arith.constant 0 : i32
    %dma_start3A_104 = tpu.memref_slice %arg11[%dma_start3A_102, %dma_start3A_103] : memref<4x128xi32, #tpu.memory_space<vmem>> -> memref<1x128xi32, #tpu.memory_space<vmem>>
    %dma_start3A_105 = tpu.memref_squeeze %dma_start3A_104 : memref<1x128xi32, #tpu.memory_space<vmem>> -> memref<128xi32, #tpu.memory_space<vmem>>
    %dma_start3A_106 = arith.constant 0 : i32
    %dma_start3A_107 = arith.constant 0 : i32
    %dma_start3A_108 = tpu.memref_slice %arg6[%dma_start3A_106, %dma_start3A_107] : memref<100000x128xf32, #tpu.memory_space<hbm>> -> memref<100000x128xf32, #tpu.memory_space<hbm>>
    tpu.enqueue_indirect_dma source(%dma_start3A_108 : memref<100000x128xf32, #tpu.memory_space<hbm>>) target(%arg14 : memref<128x128xf32, #tpu.memory_space<vmem>>) offsets(%dma_start3A_105 : memref<128xi32, #tpu.memory_space<vmem>>) semaphore(%arg18 : memref<!tpu.dma_semaphore, #tpu.memory_space<semaphore_mem>>)
    %dma_wait3A_109 = arith.constant 1 : i32
    %dma_wait3A_110 = arith.constant 0 : i32
    %dma_wait3A_111 = tpu.memref_slice %arg10[%dma_wait3A_109, %dma_wait3A_110] : memref<4x128xi32, #tpu.memory_space<vmem>> -> memref<1x128xi32, #tpu.memory_space<vmem>>
    %dma_wait3A_112 = tpu.memref_squeeze %dma_wait3A_111 : memref<1x128xi32, #tpu.memory_space<vmem>> -> memref<128xi32, #tpu.memory_space<vmem>>
    %dma_wait3A_113 = arith.constant 0 : i32
    %dma_wait3A_114 = arith.constant 0 : i32
    %dma_wait3A_115 = tpu.memref_slice %arg5[%dma_wait3A_113, %dma_wait3A_114] : memref<100000x128xf32, #tpu.memory_space<hbm>> -> memref<100000x128xf32, #tpu.memory_space<hbm>>
    tpu.wait_indirect_dma semaphore(%arg19 : memref<!tpu.dma_semaphore, #tpu.memory_space<semaphore_mem>>) src(%dma_wait3A_115 : memref<100000x128xf32, #tpu.memory_space<hbm>>) dst(%arg13 : memref<128x128xf32, #tpu.memory_space<vmem>>)
    %dma_wait3A_116 = arith.constant 1 : i32
    %dma_wait3A_117 = arith.constant 0 : i32
    %dma_wait3A_118 = tpu.memref_slice %arg11[%dma_wait3A_116, %dma_wait3A_117] : memref<4x128xi32, #tpu.memory_space<vmem>> -> memref<1x128xi32, #tpu.memory_space<vmem>>
    %dma_wait3A_119 = tpu.memref_squeeze %dma_wait3A_118 : memref<1x128xi32, #tpu.memory_space<vmem>> -> memref<128xi32, #tpu.memory_space<vmem>>
    %dma_wait3A_120 = arith.constant 0 : i32
    %dma_wait3A_121 = arith.constant 0 : i32
    %dma_wait3A_122 = tpu.memref_slice %arg6[%dma_wait3A_120, %dma_wait3A_121] : memref<100000x128xf32, #tpu.memory_space<hbm>> -> memref<100000x128xf32, #tpu.memory_space<hbm>>
    tpu.wait_indirect_dma semaphore(%arg19 : memref<!tpu.dma_semaphore, #tpu.memory_space<semaphore_mem>>) src(%dma_wait3A_122 : memref<100000x128xf32, #tpu.memory_space<hbm>>) dst(%arg15 : memref<128x128xf32, #tpu.memory_space<vmem>>)
    %scan3A_123 = arith.constant 0 : i32
    %scan3A_124 = arith.constant 0 : i32
    %scan3A_125 = arith.constant 8 : i32
    %scan3A_126 = arith.addi %scan3A_124, %scan3A_125 : i32
    %scan3A_127 = arith.constant 1 : i32
    scf.for %scan3A_185 = %scan3A_124 to %scan3A_126 step %scan3A_127  : i32 {
      %mul3A_186 = arith.constant 16 : i32
      %mul3A_187 = arith.muli %scan3A_185, %mul3A_186 : i32
      %get3A = arith.constant 1 : i32
      %get3A_188 = arith.index_cast %get3A : i32 to index
      %get3A_189 = arith.index_cast %mul3A_187 : i32 to index
      %get3A_190 = tpu.vector_load %arg9[%get3A_188, %get3A_189] {strides = array<i32>} : memref<4x128xi32, #tpu.memory_space<vmem>>, vector<16xi32>,
      %broadcast_in_dim3A = arith.constant 0.000000e+00 : f32
      %broadcast_in_dim3A_191 = vector.broadcast %broadcast_in_dim3A : f32 to vector<16xf32>
      %mul3A_192 = arith.constant 16 : i32
      %mul3A_193 = arith.muli %scan3A_185, %mul3A_192 : i32
      %add3A_194 = arith.constant 0 : i32
      %add3A_195 = arith.addi %mul3A_193, %add3A_194 : i32
      %slice3A = vector.extract_strided_slice %get3A_190 {offsets = [0], sizes = [1], strides = [1]} : vector<16xi32> to vector<1xi32>
      %squeeze3A = vector.extract %slice3A[0] : i32 from vector<1xi32>
      %shift_right_arithmetic3A = arith.constant 2 : i32
      %shift_right_arithmetic3A_196 = arith.shrsi %squeeze3A, %shift_right_arithmetic3A : i32
      %and3A = arith.constant 3 : i32
      %and3A_197 = arith.andi %squeeze3A, %and3A : i32
      %mul3A_198 = arith.constant 32 : i32
      %mul3A_199 = arith.muli %and3A_197, %mul3A_198 : i32
      %get3A_200 = arith.index_cast %add3A_195 : i32 to index
      %get3A_201 = arith.constant 0 : index
      %get3A_202 = tpu.vector_load %arg13[%get3A_200, %get3A_201] {strides = array<i32>} : memref<128x128xf32, #tpu.memory_space<vmem>>, vector<16xf32>,
      %get3A_203 = arith.index_cast %add3A_195 : i32 to index
      %get3A_204 = arith.constant 0 : index
      %get3A_205 = tpu.vector_load %arg15[%get3A_203, %get3A_204] {strides = array<i32>} : memref<128x128xf32, #tpu.memory_space<vmem>>, vector<16xf32>,
      %mul3A_206 = arith.mulf %get3A_202, %get3A_205 : vector<16xf32>
      %get3A_207 = arith.index_cast %shift_right_arithmetic3A_196 : i32 to index
      %get3A_208 = arith.index_cast %mul3A_199 : i32 to index
      %get3A_209 = tpu.vector_load %arg16[%get3A_207, %get3A_208] {strides = array<i32>} : memref<250x128xf32, #tpu.memory_space<vmem>>, vector<16xf32>,
      %mul3A_210 = arith.mulf %mul3A_206, %get3A_209 : vector<16xf32>
      %get3A_211 = arith.index_cast %add3A_195 : i32 to index
      %get3A_212 = arith.constant 16 : index
      %get3A_213 = tpu.vector_load %arg13[%get3A_211, %get3A_212] {strides = array<i32>} : memref<128x128xf32, #tpu.memory_space<vmem>>, vector<16xf32>,
      %get3A_214 = arith.index_cast %add3A_195 : i32 to index
      %get3A_215 = arith.constant 16 : index
      %get3A_216 = tpu.vector_load %arg15[%get3A_214, %get3A_215] {strides = array<i32>} : memref<128x128xf32, #tpu.memory_space<vmem>>, vector<16xf32>,
      %mul3A_217 = arith.mulf %get3A_213, %get3A_216 : vector<16xf32>
      %add3A_218 = arith.constant 16 : i32
      %add3A_219 = arith.addi %mul3A_199, %add3A_218 : i32
      %get3A_220 = arith.index_cast %shift_right_arithmetic3A_196 : i32 to index
      %get3A_221 = arith.index_cast %add3A_219 : i32 to index
      %get3A_222 = tpu.vector_load %arg16[%get3A_220, %get3A_221] {strides = array<i32>} : memref<250x128xf32, #tpu.memory_space<vmem>>, vector<16xf32>,
      %mul3A_223 = arith.mulf %mul3A_217, %get3A_222 : vector<16xf32>
      %add3A_224 = arith.addf %mul3A_210, %mul3A_223 : vector<16xf32>
      %reduce_sum3A = arith.constant true
      %reduce_sum3A_225 = vector.broadcast %reduce_sum3A : i1 to vector<16xi1>
      %reduce_sum3A_226 = tpu.scan <sum>, %add3A_224 masked %reduce_sum3A_225 : vector<16xf32>, vector<16xi1> -> vector<16xf32>
      %reduce_sum3A_227 = vector.extract %reduce_sum3A_226[15] : f32 from vector<16xf32>
      %broadcast_in_dim3A_228 = vector.broadcast %reduce_sum3A_227 : f32 to vector<16xf32>
      %select_n3A = arith.select %eq3A_17, %broadcast_in_dim3A_228, %broadcast_in_dim3A_191 : vector<16xi1>, vector<16xf32>
      %mul3A_229 = arith.constant 16 : i32
      %mul3A_230 = arith.muli %scan3A_185, %mul3A_229 : i32
      %add3A_231 = arith.constant 1 : i32
      %add3A_232 = arith.addi %mul3A_230, %add3A_231 : i32
      %slice3A_233 = vector.extract_strided_slice %get3A_190 {offsets = [1], sizes = [1], strides = [1]} : vector<16xi32> to vector<1xi32>
      %squeeze3A_234 = vector.extract %slice3A_233[0] : i32 from vector<1xi32>
      %shift_right_arithmetic3A_235 = arith.constant 2 : i32
      %shift_right_arithmetic3A_236 = arith.shrsi %squeeze3A_234, %shift_right_arithmetic3A_235 : i32
      %and3A_237 = arith.constant 3 : i32
      %and3A_238 = arith.andi %squeeze3A_234, %and3A_237 : i32
      %mul3A_239 = arith.constant 32 : i32
      %mul3A_240 = arith.muli %and3A_238, %mul3A_239 : i32
      %get3A_241 = arith.index_cast %add3A_232 : i32 to index
      %get3A_242 = arith.constant 0 : index
      %get3A_243 = tpu.vector_load %arg13[%get3A_241, %get3A_242] {strides = array<i32>} : memref<128x128xf32, #tpu.memory_space<vmem>>, vector<16xf32>,
      %get3A_244 = arith.index_cast %add3A_232 : i32 to index
      %get3A_245 = arith.constant 0 : index
      %get3A_246 = tpu.vector_load %arg15[%get3A_244, %get3A_245] {strides = array<i32>} : memref<128x128xf32, #tpu.memory_space<vmem>>, vector<16xf32>,
      %mul3A_247 = arith.mulf %get3A_243, %get3A_246 : vector<16xf32>
      %get3A_248 = arith.index_cast %shift_right_arithmetic3A_236 : i32 to index
      %get3A_249 = arith.index_cast %mul3A_240 : i32 to index
      %get3A_250 = tpu.vector_load %arg16[%get3A_248, %get3A_249] {strides = array<i32>} : memref<250x128xf32, #tpu.memory_space<vmem>>, vector<16xf32>,
      %mul3A_251 = arith.mulf %mul3A_247, %get3A_250 : vector<16xf32>
      %get3A_252 = arith.index_cast %add3A_232 : i32 to index
      %get3A_253 = arith.constant 16 : index
      %get3A_254 = tpu.vector_load %arg13[%get3A_252, %get3A_253] {strides = array<i32>} : memref<128x128xf32, #tpu.memory_space<vmem>>, vector<16xf32>,
      %get3A_255 = arith.index_cast %add3A_232 : i32 to index
      %get3A_256 = arith.constant 16 : index
      %get3A_257 = tpu.vector_load %arg15[%get3A_255, %get3A_256] {strides = array<i32>} : memref<128x128xf32, #tpu.memory_space<vmem>>, vector<16xf32>,
      %mul3A_258 = arith.mulf %get3A_254, %get3A_257 : vector<16xf32>
      %add3A_259 = arith.constant 16 : i32
      %add3A_260 = arith.addi %mul3A_240, %add3A_259 : i32
      %get3A_261 = arith.index_cast %shift_right_arithmetic3A_236 : i32 to index
      %get3A_262 = arith.index_cast %add3A_260 : i32 to index
      %get3A_263 = tpu.vector_load %arg16[%get3A_261, %get3A_262] {strides = array<i32>} : memref<250x128xf32, #tpu.memory_space<vmem>>, vector<16xf32>,
      %mul3A_264 = arith.mulf %mul3A_258, %get3A_263 : vector<16xf32>
      %add3A_265 = arith.addf %mul3A_251, %mul3A_264 : vector<16xf32>
      %reduce_sum3A_266 = arith.constant true
      %reduce_sum3A_267 = vector.broadcast %reduce_sum3A_266 : i1 to vector<16xi1>
      %reduce_sum3A_268 = tpu.scan <sum>, %add3A_265 masked %reduce_sum3A_267 : vector<16xf32>, vector<16xi1> -> vector<16xf32>
      %reduce_sum3A_269 = vector.extract %reduce_sum3A_268[15] : f32 from vector<16xf32>
      %broadcast_in_dim3A_270 = vector.broadcast %reduce_sum3A_269 : f32 to vector<16xf32>
      %select_n3A_271 = arith.select %eq3A_20, %broadcast_in_dim3A_270, %select_n3A : vector<16xi1>, vector<16xf32>
      %mul3A_272 = arith.constant 16 : i32
      %mul3A_273 = arith.muli %scan3A_185, %mul3A_272 : i32
      %add3A_274 = arith.constant 2 : i32
      %add3A_275 = arith.addi %mul3A_273, %add3A_274 : i32
      %slice3A_276 = vector.extract_strided_slice %get3A_190 {offsets = [2], sizes = [1], strides = [1]} : vector<16xi32> to vector<1xi32>
      %squeeze3A_277 = vector.extract %slice3A_276[0] : i32 from vector<1xi32>
      %shift_right_arithmetic3A_278 = arith.constant 2 : i32
      %shift_right_arithmetic3A_279 = arith.shrsi %squeeze3A_277, %shift_right_arithmetic3A_278 : i32
      %and3A_280 = arith.constant 3 : i32
      %and3A_281 = arith.andi %squeeze3A_277, %and3A_280 : i32
      %mul3A_282 = arith.constant 32 : i32
      %mul3A_283 = arith.muli %and3A_281, %mul3A_282 : i32
      %get3A_284 = arith.index_cast %add3A_275 : i32 to index
      %get3A_285 = arith.constant 0 : index
      %get3A_286 = tpu.vector_load %arg13[%get3A_284, %get3A_285] {strides = array<i32>} : memref<128x128xf32, #tpu.memory_space<vmem>>, vector<16xf32>,
      %get3A_287 = arith.index_cast %add3A_275 : i32 to index
      %get3A_288 = arith.constant 0 : index
      %get3A_289 = tpu.vector_load %arg15[%get3A_287, %get3A_288] {strides = array<i32>} : memref<128x128xf32, #tpu.memory_space<vmem>>, vector<16xf32>,
      %mul3A_290 = arith.mulf %get3A_286, %get3A_289 : vector<16xf32>
      %get3A_291 = arith.index_cast %shift_right_arithmetic3A_279 : i32 to index
      %get3A_292 = arith.index_cast %mul3A_283 : i32 to index
      %get3A_293 = tpu.vector_load %arg16[%get3A_291, %get3A_292] {strides = array<i32>} : memref<250x128xf32, #tpu.memory_space<vmem>>, vector<16xf32>,
      %mul3A_294 = arith.mulf %mul3A_290, %get3A_293 : vector<16xf32>
      %get3A_295 = arith.index_cast %add3A_275 : i32 to index
      %get3A_296 = arith.constant 16 : index
      %get3A_297 = tpu.vector_load %arg13[%get3A_295, %get3A_296] {strides = array<i32>} : memref<128x128xf32, #tpu.memory_space<vmem>>, vector<16xf32>,
      %get3A_298 = arith.index_cast %add3A_275 : i32 to index
      %get3A_299 = arith.constant 16 : index
      %get3A_300 = tpu.vector_load %arg15[%get3A_298, %get3A_299] {strides = array<i32>} : memref<128x128xf32, #tpu.memory_space<vmem>>, vector<16xf32>,
      %mul3A_301 = arith.mulf %get3A_297, %get3A_300 : vector<16xf32>
      %add3A_302 = arith.constant 16 : i32
      %add3A_303 = arith.addi %mul3A_283, %add3A_302 : i32
      %get3A_304 = arith.index_cast %shift_right_arithmetic3A_279 : i32 to index
      %get3A_305 = arith.index_cast %add3A_303 : i32 to index
      %get3A_306 = tpu.vector_load %arg16[%get3A_304, %get3A_305] {strides = array<i32>} : memref<250x128xf32, #tpu.memory_space<vmem>>, vector<16xf32>,
      %mul3A_307 = arith.mulf %mul3A_301, %get3A_306 : vector<16xf32>
      %add3A_308 = arith.addf %mul3A_294, %mul3A_307 : vector<16xf32>
      %reduce_sum3A_309 = arith.constant true
      %reduce_sum3A_310 = vector.broadcast %reduce_sum3A_309 : i1 to vector<16xi1>
      %reduce_sum3A_311 = tpu.scan <sum>, %add3A_308 masked %reduce_sum3A_310 : vector<16xf32>, vector<16xi1> -> vector<16xf32>
      %reduce_sum3A_312 = vector.extract %reduce_sum3A_311[15] : f32 from vector<16xf32>
      %broadcast_in_dim3A_313 = vector.broadcast %reduce_sum3A_312 : f32 to vector<16xf32>
      %select_n3A_314 = arith.select %eq3A_23, %broadcast_in_dim3A_313, %select_n3A_271 : vector<16xi1>, vector<16xf32>
      %mul3A_315 = arith.constant 16 : i32
      %mul3A_316 = arith.muli %scan3A_185, %mul3A_315 : i32
      %add3A_317 = arith.constant 3 : i32
      %add3A_318 = arith.addi %mul3A_316, %add3A_317 : i32
      %slice3A_319 = vector.extract_strided_slice %get3A_190 {offsets = [3], sizes = [1], strides = [1]} : vector<16xi32> to vector<1xi32>
      %squeeze3A_320 = vector.extract %slice3A_319[0] : i32 from vector<1xi32>
      %shift_right_arithmetic3A_321 = arith.constant 2 : i32
      %shift_right_arithmetic3A_322 = arith.shrsi %squeeze3A_320, %shift_right_arithmetic3A_321 : i32
      %and3A_323 = arith.constant 3 : i32
      %and3A_324 = arith.andi %squeeze3A_320, %and3A_323 : i32
      %mul3A_325 = arith.constant 32 : i32
      %mul3A_326 = arith.muli %and3A_324, %mul3A_325 : i32
      %get3A_327 = arith.index_cast %add3A_318 : i32 to index
      %get3A_328 = arith.constant 0 : index
      %get3A_329 = tpu.vector_load %arg13[%get3A_327, %get3A_328] {strides = array<i32>} : memref<128x128xf32, #tpu.memory_space<vmem>>, vector<16xf32>,
      %get3A_330 = arith.index_cast %add3A_318 : i32 to index
      %get3A_331 = arith.constant 0 : index
      %get3A_332 = tpu.vector_load %arg15[%get3A_330, %get3A_331] {strides = array<i32>} : memref<128x128xf32, #tpu.memory_space<vmem>>, vector<16xf32>,
      %mul3A_333 = arith.mulf %get3A_329, %get3A_332 : vector<16xf32>
      %get3A_334 = arith.index_cast %shift_right_arithmetic3A_322 : i32 to index
      %get3A_335 = arith.index_cast %mul3A_326 : i32 to index
      %get3A_336 = tpu.vector_load %arg16[%get3A_334, %get3A_335] {strides = array<i32>} : memref<250x128xf32, #tpu.memory_space<vmem>>, vector<16xf32>,
      %mul3A_337 = arith.mulf %mul3A_333, %get3A_336 : vector<16xf32>
      %get3A_338 = arith.index_cast %add3A_318 : i32 to index
      %get3A_339 = arith.constant 16 : index
      %get3A_340 = tpu.vector_load %arg13[%get3A_338, %get3A_339] {strides = array<i32>} : memref<128x128xf32, #tpu.memory_space<vmem>>, vector<16xf32>,
      %get3A_341 = arith.index_cast %add3A_318 : i32 to index
      %get3A_342 = arith.constant 16 : index
      %get3A_343 = tpu.vector_load %arg15[%get3A_341, %get3A_342] {strides = array<i32>} : memref<128x128xf32, #tpu.memory_space<vmem>>, vector<16xf32>,
      %mul3A_344 = arith.mulf %get3A_340, %get3A_343 : vector<16xf32>
      %add3A_345 = arith.constant 16 : i32
      %add3A_346 = arith.addi %mul3A_326, %add3A_345 : i32
      %get3A_347 = arith.index_cast %shift_right_arithmetic3A_322 : i32 to index
      %get3A_348 = arith.index_cast %add3A_346 : i32 to index
      %get3A_349 = tpu.vector_load %arg16[%get3A_347, %get3A_348] {strides = array<i32>} : memref<250x128xf32, #tpu.memory_space<vmem>>, vector<16xf32>,
      %mul3A_350 = arith.mulf %mul3A_344, %get3A_349 : vector<16xf32>
      %add3A_351 = arith.addf %mul3A_337, %mul3A_350 : vector<16xf32>
      %reduce_sum3A_352 = arith.constant true
      %reduce_sum3A_353 = vector.broadcast %reduce_sum3A_352 : i1 to vector<16xi1>
      %reduce_sum3A_354 = tpu.scan <sum>, %add3A_351 masked %reduce_sum3A_353 : vector<16xf32>, vector<16xi1> -> vector<16xf32>
      %reduce_sum3A_355 = vector.extract %reduce_sum3A_354[15] : f32 from vector<16xf32>
      %broadcast_in_dim3A_356 = vector.broadcast %reduce_sum3A_355 : f32 to vector<16xf32>
      %select_n3A_357 = arith.select %eq3A_26, %broadcast_in_dim3A_356, %select_n3A_314 : vector<16xi1>, vector<16xf32>
      %mul3A_358 = arith.constant 16 : i32
      %mul3A_359 = arith.muli %scan3A_185, %mul3A_358 : i32
      %add3A_360 = arith.constant 4 : i32
      %add3A_361 = arith.addi %mul3A_359, %add3A_360 : i32
      %slice3A_362 = vector.extract_strided_slice %get3A_190 {offsets = [4], sizes = [1], strides = [1]} : vector<16xi32> to vector<1xi32>
      %squeeze3A_363 = vector.extract %slice3A_362[0] : i32 from vector<1xi32>
      %shift_right_arithmetic3A_364 = arith.constant 2 : i32
      %shift_right_arithmetic3A_365 = arith.shrsi %squeeze3A_363, %shift_right_arithmetic3A_364 : i32
      %and3A_366 = arith.constant 3 : i32
      %and3A_367 = arith.andi %squeeze3A_363, %and3A_366 : i32
      %mul3A_368 = arith.constant 32 : i32
      %mul3A_369 = arith.muli %and3A_367, %mul3A_368 : i32
      %get3A_370 = arith.index_cast %add3A_361 : i32 to index
      %get3A_371 = arith.constant 0 : index
      %get3A_372 = tpu.vector_load %arg13[%get3A_370, %get3A_371] {strides = array<i32>} : memref<128x128xf32, #tpu.memory_space<vmem>>, vector<16xf32>,
      %get3A_373 = arith.index_cast %add3A_361 : i32 to index
      %get3A_374 = arith.constant 0 : index
      %get3A_375 = tpu.vector_load %arg15[%get3A_373, %get3A_374] {strides = array<i32>} : memref<128x128xf32, #tpu.memory_space<vmem>>, vector<16xf32>,
      %mul3A_376 = arith.mulf %get3A_372, %get3A_375 : vector<16xf32>
      %get3A_377 = arith.index_cast %shift_right_arithmetic3A_365 : i32 to index
      %get3A_378 = arith.index_cast %mul3A_369 : i32 to index
      %get3A_379 = tpu.vector_load %arg16[%get3A_377, %get3A_378] {strides = array<i32>} : memref<250x128xf32, #tpu.memory_space<vmem>>, vector<16xf32>,
      %mul3A_380 = arith.mulf %mul3A_376, %get3A_379 : vector<16xf32>
      %get3A_381 = arith.index_cast %add3A_361 : i32 to index
      %get3A_382 = arith.constant 16 : index
      %get3A_383 = tpu.vector_load %arg13[%get3A_381, %get3A_382] {strides = array<i32>} : memref<128x128xf32, #tpu.memory_space<vmem>>, vector<16xf32>,
      %get3A_384 = arith.index_cast %add3A_361 : i32 to index
      %get3A_385 = arith.constant 16 : index
      %get3A_386 = tpu.vector_load %arg15[%get3A_384, %get3A_385] {strides = array<i32>} : memref<128x128xf32, #tpu.memory_space<vmem>>, vector<16xf32>,
      %mul3A_387 = arith.mulf %get3A_383, %get3A_386 : vector<16xf32>
      %add3A_388 = arith.constant 16 : i32
      %add3A_389 = arith.addi %mul3A_369, %add3A_388 : i32
      %get3A_390 = arith.index_cast %shift_right_arithmetic3A_365 : i32 to index
      %get3A_391 = arith.index_cast %add3A_389 : i32 to index
      %get3A_392 = tpu.vector_load %arg16[%get3A_390, %get3A_391] {strides = array<i32>} : memref<250x128xf32, #tpu.memory_space<vmem>>, vector<16xf32>,
      %mul3A_393 = arith.mulf %mul3A_387, %get3A_392 : vector<16xf32>
      %add3A_394 = arith.addf %mul3A_380, %mul3A_393 : vector<16xf32>
      %reduce_sum3A_395 = arith.constant true
      %reduce_sum3A_396 = vector.broadcast %reduce_sum3A_395 : i1 to vector<16xi1>
      %reduce_sum3A_397 = tpu.scan <sum>, %add3A_394 masked %reduce_sum3A_396 : vector<16xf32>, vector<16xi1> -> vector<16xf32>
      %reduce_sum3A_398 = vector.extract %reduce_sum3A_397[15] : f32 from vector<16xf32>
      %broadcast_in_dim3A_399 = vector.broadcast %reduce_sum3A_398 : f32 to vector<16xf32>
      %select_n3A_400 = arith.select %eq3A_29, %broadcast_in_dim3A_399, %select_n3A_357 : vector<16xi1>, vector<16xf32>
      %mul3A_401 = arith.constant 16 : i32
      %mul3A_402 = arith.muli %scan3A_185, %mul3A_401 : i32
      %add3A_403 = arith.constant 5 : i32
      %add3A_404 = arith.addi %mul3A_402, %add3A_403 : i32
      %slice3A_405 = vector.extract_strided_slice %get3A_190 {offsets = [5], sizes = [1], strides = [1]} : vector<16xi32> to vector<1xi32>
      %squeeze3A_406 = vector.extract %slice3A_405[0] : i32 from vector<1xi32>
      %shift_right_arithmetic3A_407 = arith.constant 2 : i32
      %shift_right_arithmetic3A_408 = arith.shrsi %squeeze3A_406, %shift_right_arithmetic3A_407 : i32
      %and3A_409 = arith.constant 3 : i32
      %and3A_410 = arith.andi %squeeze3A_406, %and3A_409 : i32
      %mul3A_411 = arith.constant 32 : i32
      %mul3A_412 = arith.muli %and3A_410, %mul3A_411 : i32
      %get3A_413 = arith.index_cast %add3A_404 : i32 to index
      %get3A_414 = arith.constant 0 : index
      %get3A_415 = tpu.vector_load %arg13[%get3A_413, %get3A_414] {strides = array<i32>} : memref<128x128xf32, #tpu.memory_space<vmem>>, vector<16xf32>,
      %get3A_416 = arith.index_cast %add3A_404 : i32 to index
      %get3A_417 = arith.constant 0 : index
      %get3A_418 = tpu.vector_load %arg15[%get3A_416, %get3A_417] {strides = array<i32>} : memref<128x128xf32, #tpu.memory_space<vmem>>, vector<16xf32>,
      %mul3A_419 = arith.mulf %get3A_415, %get3A_418 : vector<16xf32>
      %get3A_420 = arith.index_cast %shift_right_arithmetic3A_408 : i32 to index
      %get3A_421 = arith.index_cast %mul3A_412 : i32 to index
      %get3A_422 = tpu.vector_load %arg16[%get3A_420, %get3A_421] {strides = array<i32>} : memref<250x128xf32, #tpu.memory_space<vmem>>, vector<16xf32>,
      %mul3A_423 = arith.mulf %mul3A_419, %get3A_422 : vector<16xf32>
      %get3A_424 = arith.index_cast %add3A_404 : i32 to index
      %get3A_425 = arith.constant 16 : index
      %get3A_426 = tpu.vector_load %arg13[%get3A_424, %get3A_425] {strides = array<i32>} : memref<128x128xf32, #tpu.memory_space<vmem>>, vector<16xf32>,
      %get3A_427 = arith.index_cast %add3A_404 : i32 to index
      %get3A_428 = arith.constant 16 : index
      %get3A_429 = tpu.vector_load %arg15[%get3A_427, %get3A_428] {strides = array<i32>} : memref<128x128xf32, #tpu.memory_space<vmem>>, vector<16xf32>,
      %mul3A_430 = arith.mulf %get3A_426, %get3A_429 : vector<16xf32>
      %add3A_431 = arith.constant 16 : i32
      %add3A_432 = arith.addi %mul3A_412, %add3A_431 : i32
      %get3A_433 = arith.index_cast %shift_right_arithmetic3A_408 : i32 to index
      %get3A_434 = arith.index_cast %add3A_432 : i32 to index
      %get3A_435 = tpu.vector_load %arg16[%get3A_433, %get3A_434] {strides = array<i32>} : memref<250x128xf32, #tpu.memory_space<vmem>>, vector<16xf32>,
      %mul3A_436 = arith.mulf %mul3A_430, %get3A_435 : vector<16xf32>
      %add3A_437 = arith.addf %mul3A_423, %mul3A_436 : vector<16xf32>
      %reduce_sum3A_438 = arith.constant true
      %reduce_sum3A_439 = vector.broadcast %reduce_sum3A_438 : i1 to vector<16xi1>
      %reduce_sum3A_440 = tpu.scan <sum>, %add3A_437 masked %reduce_sum3A_439 : vector<16xf32>, vector<16xi1> -> vector<16xf32>
      %reduce_sum3A_441 = vector.extract %reduce_sum3A_440[15] : f32 from vector<16xf32>
      %broadcast_in_dim3A_442 = vector.broadcast %reduce_sum3A_441 : f32 to vector<16xf32>
      %select_n3A_443 = arith.select %eq3A_32, %broadcast_in_dim3A_442, %select_n3A_400 : vector<16xi1>, vector<16xf32>
      %mul3A_444 = arith.constant 16 : i32
      %mul3A_445 = arith.muli %scan3A_185, %mul3A_444 : i32
      %add3A_446 = arith.constant 6 : i32
      %add3A_447 = arith.addi %mul3A_445, %add3A_446 : i32
      %slice3A_448 = vector.extract_strided_slice %get3A_190 {offsets = [6], sizes = [1], strides = [1]} : vector<16xi32> to vector<1xi32>
      %squeeze3A_449 = vector.extract %slice3A_448[0] : i32 from vector<1xi32>
      %shift_right_arithmetic3A_450 = arith.constant 2 : i32
      %shift_right_arithmetic3A_451 = arith.shrsi %squeeze3A_449, %shift_right_arithmetic3A_450 : i32
      %and3A_452 = arith.constant 3 : i32
      %and3A_453 = arith.andi %squeeze3A_449, %and3A_452 : i32
      %mul3A_454 = arith.constant 32 : i32
      %mul3A_455 = arith.muli %and3A_453, %mul3A_454 : i32
      %get3A_456 = arith.index_cast %add3A_447 : i32 to index
      %get3A_457 = arith.constant 0 : index
      %get3A_458 = tpu.vector_load %arg13[%get3A_456, %get3A_457] {strides = array<i32>} : memref<128x128xf32, #tpu.memory_space<vmem>>, vector<16xf32>,
      %get3A_459 = arith.index_cast %add3A_447 : i32 to index
      %get3A_460 = arith.constant 0 : index
      %get3A_461 = tpu.vector_load %arg15[%get3A_459, %get3A_460] {strides = array<i32>} : memref<128x128xf32, #tpu.memory_space<vmem>>, vector<16xf32>,
      %mul3A_462 = arith.mulf %get3A_458, %get3A_461 : vector<16xf32>
      %get3A_463 = arith.index_cast %shift_right_arithmetic3A_451 : i32 to index
      %get3A_464 = arith.index_cast %mul3A_455 : i32 to index
      %get3A_465 = tpu.vector_load %arg16[%get3A_463, %get3A_464] {strides = array<i32>} : memref<250x128xf32, #tpu.memory_space<vmem>>, vector<16xf32>,
      %mul3A_466 = arith.mulf %mul3A_462, %get3A_465 : vector<16xf32>
      %get3A_467 = arith.index_cast %add3A_447 : i32 to index
      %get3A_468 = arith.constant 16 : index
      %get3A_469 = tpu.vector_load %arg13[%get3A_467, %get3A_468] {strides = array<i32>} : memref<128x128xf32, #tpu.memory_space<vmem>>, vector<16xf32>,
      %get3A_470 = arith.index_cast %add3A_447 : i32 to index
      %get3A_471 = arith.constant 16 : index
      %get3A_472 = tpu.vector_load %arg15[%get3A_470, %get3A_471] {strides = array<i32>} : memref<128x128xf32, #tpu.memory_space<vmem>>, vector<16xf32>,
      %mul3A_473 = arith.mulf %get3A_469, %get3A_472 : vector<16xf32>
      %add3A_474 = arith.constant 16 : i32
      %add3A_475 = arith.addi %mul3A_455, %add3A_474 : i32
      %get3A_476 = arith.index_cast %shift_right_arithmetic3A_451 : i32 to index
      %get3A_477 = arith.index_cast %add3A_475 : i32 to index
      %get3A_478 = tpu.vector_load %arg16[%get3A_476, %get3A_477] {strides = array<i32>} : memref<250x128xf32, #tpu.memory_space<vmem>>, vector<16xf32>,
      %mul3A_479 = arith.mulf %mul3A_473, %get3A_478 : vector<16xf32>
      %add3A_480 = arith.addf %mul3A_466, %mul3A_479 : vector<16xf32>
      %reduce_sum3A_481 = arith.constant true
      %reduce_sum3A_482 = vector.broadcast %reduce_sum3A_481 : i1 to vector<16xi1>
      %reduce_sum3A_483 = tpu.scan <sum>, %add3A_480 masked %reduce_sum3A_482 : vector<16xf32>, vector<16xi1> -> vector<16xf32>
      %reduce_sum3A_484 = vector.extract %reduce_sum3A_483[15] : f32 from vector<16xf32>
      %broadcast_in_dim3A_485 = vector.broadcast %reduce_sum3A_484 : f32 to vector<16xf32>
      %select_n3A_486 = arith.select %eq3A_35, %broadcast_in_dim3A_485, %select_n3A_443 : vector<16xi1>, vector<16xf32>
      %mul3A_487 = arith.constant 16 : i32
      %mul3A_488 = arith.muli %scan3A_185, %mul3A_487 : i32
      %add3A_489 = arith.constant 7 : i32
      %add3A_490 = arith.addi %mul3A_488, %add3A_489 : i32
      %slice3A_491 = vector.extract_strided_slice %get3A_190 {offsets = [7], sizes = [1], strides = [1]} : vector<16xi32> to vector<1xi32>
      %squeeze3A_492 = vector.extract %slice3A_491[0] : i32 from vector<1xi32>
      %shift_right_arithmetic3A_493 = arith.constant 2 : i32
      %shift_right_arithmetic3A_494 = arith.shrsi %squeeze3A_492, %shift_right_arithmetic3A_493 : i32
      %and3A_495 = arith.constant 3 : i32
      %and3A_496 = arith.andi %squeeze3A_492, %and3A_495 : i32
      %mul3A_497 = arith.constant 32 : i32
      %mul3A_498 = arith.muli %and3A_496, %mul3A_497 : i32
      %get3A_499 = arith.index_cast %add3A_490 : i32 to index
      %get3A_500 = arith.constant 0 : index
      %get3A_501 = tpu.vector_load %arg13[%get3A_499, %get3A_500] {strides = array<i32>} : memref<128x128xf32, #tpu.memory_space<vmem>>, vector<16xf32>,
      %get3A_502 = arith.index_cast %add3A_490 : i32 to index
      %get3A_503 = arith.constant 0 : index
      %get3A_504 = tpu.vector_load %arg15[%get3A_502, %get3A_503] {strides = array<i32>} : memref<128x128xf32, #tpu.memory_space<vmem>>, vector<16xf32>,
      %mul3A_505 = arith.mulf %get3A_501, %get3A_504 : vector<16xf32>
      %get3A_506 = arith.index_cast %shift_right_arithmetic3A_494 : i32 to index
      %get3A_507 = arith.index_cast %mul3A_498 : i32 to index
      %get3A_508 = tpu.vector_load %arg16[%get3A_506, %get3A_507] {strides = array<i32>} : memref<250x128xf32, #tpu.memory_space<vmem>>, vector<16xf32>,
      %mul3A_509 = arith.mulf %mul3A_505, %get3A_508 : vector<16xf32>
      %get3A_510 = arith.index_cast %add3A_490 : i32 to index
      %get3A_511 = arith.constant 16 : index
      %get3A_512 = tpu.vector_load %arg13[%get3A_510, %get3A_511] {strides = array<i32>} : memref<128x128xf32, #tpu.memory_space<vmem>>, vector<16xf32>,
      %get3A_513 = arith.index_cast %add3A_490 : i32 to index
      %get3A_514 = arith.constant 16 : index
      %get3A_515 = tpu.vector_load %arg15[%get3A_513, %get3A_514] {strides = array<i32>} : memref<128x128xf32, #tpu.memory_space<vmem>>, vector<16xf32>,
      %mul3A_516 = arith.mulf %get3A_512, %get3A_515 : vector<16xf32>
      %add3A_517 = arith.constant 16 : i32
      %add3A_518 = arith.addi %mul3A_498, %add3A_517 : i32
      %get3A_519 = arith.index_cast %shift_right_arithmetic3A_494 : i32 to index
      %get3A_520 = arith.index_cast %add3A_518 : i32 to index
      %get3A_521 = tpu.vector_load %arg16[%get3A_519, %get3A_520] {strides = array<i32>} : memref<250x128xf32, #tpu.memory_space<vmem>>, vector<16xf32>,
      %mul3A_522 = arith.mulf %mul3A_516, %get3A_521 : vector<16xf32>
      %add3A_523 = arith.addf %mul3A_509, %mul3A_522 : vector<16xf32>
      %reduce_sum3A_524 = arith.constant true
      %reduce_sum3A_525 = vector.broadcast %reduce_sum3A_524 : i1 to vector<16xi1>
      %reduce_sum3A_526 = tpu.scan <sum>, %add3A_523 masked %reduce_sum3A_525 : vector<16xf32>, vector<16xi1> -> vector<16xf32>
      %reduce_sum3A_527 = vector.extract %reduce_sum3A_526[15] : f32 from vector<16xf32>
      %broadcast_in_dim3A_528 = vector.broadcast %reduce_sum3A_527 : f32 to vector<16xf32>
      %select_n3A_529 = arith.select %eq3A_38, %broadcast_in_dim3A_528, %select_n3A_486 : vector<16xi1>, vector<16xf32>
      %mul3A_530 = arith.constant 16 : i32
      %mul3A_531 = arith.muli %scan3A_185, %mul3A_530 : i32
      %add3A_532 = arith.constant 8 : i32
      %add3A_533 = arith.addi %mul3A_531, %add3A_532 : i32
      %slice3A_534 = vector.extract_strided_slice %get3A_190 {offsets = [8], sizes = [1], strides = [1]} : vector<16xi32> to vector<1xi32>
      %squeeze3A_535 = vector.extract %slice3A_534[0] : i32 from vector<1xi32>
      %shift_right_arithmetic3A_536 = arith.constant 2 : i32
      %shift_right_arithmetic3A_537 = arith.shrsi %squeeze3A_535, %shift_right_arithmetic3A_536 : i32
      %and3A_538 = arith.constant 3 : i32
      %and3A_539 = arith.andi %squeeze3A_535, %and3A_538 : i32
      %mul3A_540 = arith.constant 32 : i32
      %mul3A_541 = arith.muli %and3A_539, %mul3A_540 : i32
      %get3A_542 = arith.index_cast %add3A_533 : i32 to index
      %get3A_543 = arith.constant 0 : index
      %get3A_544 = tpu.vector_load %arg13[%get3A_542, %get3A_543] {strides = array<i32>} : memref<128x128xf32, #tpu.memory_space<vmem>>, vector<16xf32>,
      %get3A_545 = arith.index_cast %add3A_533 : i32 to index
      %get3A_546 = arith.constant 0 : index
      %get3A_547 = tpu.vector_load %arg15[%get3A_545, %get3A_546] {strides = array<i32>} : memref<128x128xf32, #tpu.memory_space<vmem>>, vector<16xf32>,
      %mul3A_548 = arith.mulf %get3A_544, %get3A_547 : vector<16xf32>
      %get3A_549 = arith.index_cast %shift_right_arithmetic3A_537 : i32 to index
      %get3A_550 = arith.index_cast %mul3A_541 : i32 to index
      %get3A_551 = tpu.vector_load %arg16[%get3A_549, %get3A_550] {strides = array<i32>} : memref<250x128xf32, #tpu.memory_space<vmem>>, vector<16xf32>,
      %mul3A_552 = arith.mulf %mul3A_548, %get3A_551 : vector<16xf32>
      %get3A_553 = arith.index_cast %add3A_533 : i32 to index
      %get3A_554 = arith.constant 16 : index
      %get3A_555 = tpu.vector_load %arg13[%get3A_553, %get3A_554] {strides = array<i32>} : memref<128x128xf32, #tpu.memory_space<vmem>>, vector<16xf32>,
      %get3A_556 = arith.index_cast %add3A_533 : i32 to index
      %get3A_557 = arith.constant 16 : index
      %get3A_558 = tpu.vector_load %arg15[%get3A_556, %get3A_557] {strides = array<i32>} : memref<128x128xf32, #tpu.memory_space<vmem>>, vector<16xf32>,
      %mul3A_559 = arith.mulf %get3A_555, %get3A_558 : vector<16xf32>
      %add3A_560 = arith.constant 16 : i32
      %add3A_561 = arith.addi %mul3A_541, %add3A_560 : i32
      %get3A_562 = arith.index_cast %shift_right_arithmetic3A_537 : i32 to index
      %get3A_563 = arith.index_cast %add3A_561 : i32 to index
      %get3A_564 = tpu.vector_load %arg16[%get3A_562, %get3A_563] {strides = array<i32>} : memref<250x128xf32, #tpu.memory_space<vmem>>, vector<16xf32>,
      %mul3A_565 = arith.mulf %mul3A_559, %get3A_564 : vector<16xf32>
      %add3A_566 = arith.addf %mul3A_552, %mul3A_565 : vector<16xf32>
      %reduce_sum3A_567 = arith.constant true
      %reduce_sum3A_568 = vector.broadcast %reduce_sum3A_567 : i1 to vector<16xi1>
      %reduce_sum3A_569 = tpu.scan <sum>, %add3A_566 masked %reduce_sum3A_568 : vector<16xf32>, vector<16xi1> -> vector<16xf32>
      %reduce_sum3A_570 = vector.extract %reduce_sum3A_569[15] : f32 from vector<16xf32>
      %broadcast_in_dim3A_571 = vector.broadcast %reduce_sum3A_570 : f32 to vector<16xf32>
      %select_n3A_572 = arith.select %eq3A_41, %broadcast_in_dim3A_571, %select_n3A_529 : vector<16xi1>, vector<16xf32>
      %mul3A_573 = arith.constant 16 : i32
      %mul3A_574 = arith.muli %scan3A_185, %mul3A_573 : i32
      %add3A_575 = arith.constant 9 : i32
      %add3A_576 = arith.addi %mul3A_574, %add3A_575 : i32
      %slice3A_577 = vector.extract_strided_slice %get3A_190 {offsets = [9], sizes = [1], strides = [1]} : vector<16xi32> to vector<1xi32>
      %squeeze3A_578 = vector.extract %slice3A_577[0] : i32 from vector<1xi32>
      %shift_right_arithmetic3A_579 = arith.constant 2 : i32
      %shift_right_arithmetic3A_580 = arith.shrsi %squeeze3A_578, %shift_right_arithmetic3A_579 : i32
      %and3A_581 = arith.constant 3 : i32
      %and3A_582 = arith.andi %squeeze3A_578, %and3A_581 : i32
      %mul3A_583 = arith.constant 32 : i32
      %mul3A_584 = arith.muli %and3A_582, %mul3A_583 : i32
      %get3A_585 = arith.index_cast %add3A_576 : i32 to index
      %get3A_586 = arith.constant 0 : index
      %get3A_587 = tpu.vector_load %arg13[%get3A_585, %get3A_586] {strides = array<i32>} : memref<128x128xf32, #tpu.memory_space<vmem>>, vector<16xf32>,
      %get3A_588 = arith.index_cast %add3A_576 : i32 to index
      %get3A_589 = arith.constant 0 : index
      %get3A_590 = tpu.vector_load %arg15[%get3A_588, %get3A_589] {strides = array<i32>} : memref<128x128xf32, #tpu.memory_space<vmem>>, vector<16xf32>,
      %mul3A_591 = arith.mulf %get3A_587, %get3A_590 : vector<16xf32>
      %get3A_592 = arith.index_cast %shift_right_arithmetic3A_580 : i32 to index
      %get3A_593 = arith.index_cast %mul3A_584 : i32 to index
      %get3A_594 = tpu.vector_load %arg16[%get3A_592, %get3A_593] {strides = array<i32>} : memref<250x128xf32, #tpu.memory_space<vmem>>, vector<16xf32>,
      %mul3A_595 = arith.mulf %mul3A_591, %get3A_594 : vector<16xf32>
      %get3A_596 = arith.index_cast %add3A_576 : i32 to index
      %get3A_597 = arith.constant 16 : index
      %get3A_598 = tpu.vector_load %arg13[%get3A_596, %get3A_597] {strides = array<i32>} : memref<128x128xf32, #tpu.memory_space<vmem>>, vector<16xf32>,
      %get3A_599 = arith.index_cast %add3A_576 : i32 to index
      %get3A_600 = arith.constant 16 : index
      %get3A_601 = tpu.vector_load %arg15[%get3A_599, %get3A_600] {strides = array<i32>} : memref<128x128xf32, #tpu.memory_space<vmem>>, vector<16xf32>,
      %mul3A_602 = arith.mulf %get3A_598, %get3A_601 : vector<16xf32>
      %add3A_603 = arith.constant 16 : i32
      %add3A_604 = arith.addi %mul3A_584, %add3A_603 : i32
      %get3A_605 = arith.index_cast %shift_right_arithmetic3A_580 : i32 to index
      %get3A_606 = arith.index_cast %add3A_604 : i32 to index
      %get3A_607 = tpu.vector_load %arg16[%get3A_605, %get3A_606] {strides = array<i32>} : memref<250x128xf32, #tpu.memory_space<vmem>>, vector<16xf32>,
      %mul3A_608 = arith.mulf %mul3A_602, %get3A_607 : vector<16xf32>
      %add3A_609 = arith.addf %mul3A_595, %mul3A_608 : vector<16xf32>
      %reduce_sum3A_610 = arith.constant true
      %reduce_sum3A_611 = vector.broadcast %reduce_sum3A_610 : i1 to vector<16xi1>
      %reduce_sum3A_612 = tpu.scan <sum>, %add3A_609 masked %reduce_sum3A_611 : vector<16xf32>, vector<16xi1> -> vector<16xf32>
      %reduce_sum3A_613 = vector.extract %reduce_sum3A_612[15] : f32 from vector<16xf32>
      %broadcast_in_dim3A_614 = vector.broadcast %reduce_sum3A_613 : f32 to vector<16xf32>
      %select_n3A_615 = arith.select %eq3A_44, %broadcast_in_dim3A_614, %select_n3A_572 : vector<16xi1>, vector<16xf32>
      %mul3A_616 = arith.constant 16 : i32
      %mul3A_617 = arith.muli %scan3A_185, %mul3A_616 : i32
      %add3A_618 = arith.constant 10 : i32
      %add3A_619 = arith.addi %mul3A_617, %add3A_618 : i32
      %slice3A_620 = vector.extract_strided_slice %get3A_190 {offsets = [10], sizes = [1], strides = [1]} : vector<16xi32> to vector<1xi32>
      %squeeze3A_621 = vector.extract %slice3A_620[0] : i32 from vector<1xi32>
      %shift_right_arithmetic3A_622 = arith.constant 2 : i32
      %shift_right_arithmetic3A_623 = arith.shrsi %squeeze3A_621, %shift_right_arithmetic3A_622 : i32
      %and3A_624 = arith.constant 3 : i32
      %and3A_625 = arith.andi %squeeze3A_621, %and3A_624 : i32
      %mul3A_626 = arith.constant 32 : i32
      %mul3A_627 = arith.muli %and3A_625, %mul3A_626 : i32
      %get3A_628 = arith.index_cast %add3A_619 : i32 to index
      %get3A_629 = arith.constant 0 : index
      %get3A_630 = tpu.vector_load %arg13[%get3A_628, %get3A_629] {strides = array<i32>} : memref<128x128xf32, #tpu.memory_space<vmem>>, vector<16xf32>,
      %get3A_631 = arith.index_cast %add3A_619 : i32 to index
      %get3A_632 = arith.constant 0 : index
      %get3A_633 = tpu.vector_load %arg15[%get3A_631, %get3A_632] {strides = array<i32>} : memref<128x128xf32, #tpu.memory_space<vmem>>, vector<16xf32>,
      %mul3A_634 = arith.mulf %get3A_630, %get3A_633 : vector<16xf32>
      %get3A_635 = arith.index_cast %shift_right_arithmetic3A_623 : i32 to index
      %get3A_636 = arith.index_cast %mul3A_627 : i32 to index
      %get3A_637 = tpu.vector_load %arg16[%get3A_635, %get3A_636] {strides = array<i32>} : memref<250x128xf32, #tpu.memory_space<vmem>>, vector<16xf32>,
      %mul3A_638 = arith.mulf %mul3A_634, %get3A_637 : vector<16xf32>
      %get3A_639 = arith.index_cast %add3A_619 : i32 to index
      %get3A_640 = arith.constant 16 : index
      %get3A_641 = tpu.vector_load %arg13[%get3A_639, %get3A_640] {strides = array<i32>} : memref<128x128xf32, #tpu.memory_space<vmem>>, vector<16xf32>,
      %get3A_642 = arith.index_cast %add3A_619 : i32 to index
      %get3A_643 = arith.constant 16 : index
      %get3A_644 = tpu.vector_load %arg15[%get3A_642, %get3A_643] {strides = array<i32>} : memref<128x128xf32, #tpu.memory_space<vmem>>, vector<16xf32>,
      %mul3A_645 = arith.mulf %get3A_641, %get3A_644 : vector<16xf32>
      %add3A_646 = arith.constant 16 : i32
      %add3A_647 = arith.addi %mul3A_627, %add3A_646 : i32
      %get3A_648 = arith.index_cast %shift_right_arithmetic3A_623 : i32 to index
      %get3A_649 = arith.index_cast %add3A_647 : i32 to index
      %get3A_650 = tpu.vector_load %arg16[%get3A_648, %get3A_649] {strides = array<i32>} : memref<250x128xf32, #tpu.memory_space<vmem>>, vector<16xf32>,
      %mul3A_651 = arith.mulf %mul3A_645, %get3A_650 : vector<16xf32>
      %add3A_652 = arith.addf %mul3A_638, %mul3A_651 : vector<16xf32>
      %reduce_sum3A_653 = arith.constant true
      %reduce_sum3A_654 = vector.broadcast %reduce_sum3A_653 : i1 to vector<16xi1>
      %reduce_sum3A_655 = tpu.scan <sum>, %add3A_652 masked %reduce_sum3A_654 : vector<16xf32>, vector<16xi1> -> vector<16xf32>
      %reduce_sum3A_656 = vector.extract %reduce_sum3A_655[15] : f32 from vector<16xf32>
      %broadcast_in_dim3A_657 = vector.broadcast %reduce_sum3A_656 : f32 to vector<16xf32>
      %select_n3A_658 = arith.select %eq3A_47, %broadcast_in_dim3A_657, %select_n3A_615 : vector<16xi1>, vector<16xf32>
      %mul3A_659 = arith.constant 16 : i32
      %mul3A_660 = arith.muli %scan3A_185, %mul3A_659 : i32
      %add3A_661 = arith.constant 11 : i32
      %add3A_662 = arith.addi %mul3A_660, %add3A_661 : i32
      %slice3A_663 = vector.extract_strided_slice %get3A_190 {offsets = [11], sizes = [1], strides = [1]} : vector<16xi32> to vector<1xi32>
      %squeeze3A_664 = vector.extract %slice3A_663[0] : i32 from vector<1xi32>
      %shift_right_arithmetic3A_665 = arith.constant 2 : i32
      %shift_right_arithmetic3A_666 = arith.shrsi %squeeze3A_664, %shift_right_arithmetic3A_665 : i32
      %and3A_667 = arith.constant 3 : i32
      %and3A_668 = arith.andi %squeeze3A_664, %and3A_667 : i32
      %mul3A_669 = arith.constant 32 : i32
      %mul3A_670 = arith.muli %and3A_668, %mul3A_669 : i32
      %get3A_671 = arith.index_cast %add3A_662 : i32 to index
      %get3A_672 = arith.constant 0 : index
      %get3A_673 = tpu.vector_load %arg13[%get3A_671, %get3A_672] {strides = array<i32>} : memref<128x128xf32, #tpu.memory_space<vmem>>, vector<16xf32>,
      %get3A_674 = arith.index_cast %add3A_662 : i32 to index
      %get3A_675 = arith.constant 0 : index
      %get3A_676 = tpu.vector_load %arg15[%get3A_674, %get3A_675] {strides = array<i32>} : memref<128x128xf32, #tpu.memory_space<vmem>>, vector<16xf32>,
      %mul3A_677 = arith.mulf %get3A_673, %get3A_676 : vector<16xf32>
      %get3A_678 = arith.index_cast %shift_right_arithmetic3A_666 : i32 to index
      %get3A_679 = arith.index_cast %mul3A_670 : i32 to index
      %get3A_680 = tpu.vector_load %arg16[%get3A_678, %get3A_679] {strides = array<i32>} : memref<250x128xf32, #tpu.memory_space<vmem>>, vector<16xf32>,
      %mul3A_681 = arith.mulf %mul3A_677, %get3A_680 : vector<16xf32>
      %get3A_682 = arith.index_cast %add3A_662 : i32 to index
      %get3A_683 = arith.constant 16 : index
      %get3A_684 = tpu.vector_load %arg13[%get3A_682, %get3A_683] {strides = array<i32>} : memref<128x128xf32, #tpu.memory_space<vmem>>, vector<16xf32>,
      %get3A_685 = arith.index_cast %add3A_662 : i32 to index
      %get3A_686 = arith.constant 16 : index
      %get3A_687 = tpu.vector_load %arg15[%get3A_685, %get3A_686] {strides = array<i32>} : memref<128x128xf32, #tpu.memory_space<vmem>>, vector<16xf32>,
      %mul3A_688 = arith.mulf %get3A_684, %get3A_687 : vector<16xf32>
      %add3A_689 = arith.constant 16 : i32
      %add3A_690 = arith.addi %mul3A_670, %add3A_689 : i32
      %get3A_691 = arith.index_cast %shift_right_arithmetic3A_666 : i32 to index
      %get3A_692 = arith.index_cast %add3A_690 : i32 to index
      %get3A_693 = tpu.vector_load %arg16[%get3A_691, %get3A_692] {strides = array<i32>} : memref<250x128xf32, #tpu.memory_space<vmem>>, vector<16xf32>,
      %mul3A_694 = arith.mulf %mul3A_688, %get3A_693 : vector<16xf32>
      %add3A_695 = arith.addf %mul3A_681, %mul3A_694 : vector<16xf32>
      %reduce_sum3A_696 = arith.constant true
      %reduce_sum3A_697 = vector.broadcast %reduce_sum3A_696 : i1 to vector<16xi1>
      %reduce_sum3A_698 = tpu.scan <sum>, %add3A_695 masked %reduce_sum3A_697 : vector<16xf32>, vector<16xi1> -> vector<16xf32>
      %reduce_sum3A_699 = vector.extract %reduce_sum3A_698[15] : f32 from vector<16xf32>
      %broadcast_in_dim3A_700 = vector.broadcast %reduce_sum3A_699 : f32 to vector<16xf32>
      %select_n3A_701 = arith.select %eq3A_50, %broadcast_in_dim3A_700, %select_n3A_658 : vector<16xi1>, vector<16xf32>
      %mul3A_702 = arith.constant 16 : i32
      %mul3A_703 = arith.muli %scan3A_185, %mul3A_702 : i32
      %add3A_704 = arith.constant 12 : i32
      %add3A_705 = arith.addi %mul3A_703, %add3A_704 : i32
      %slice3A_706 = vector.extract_strided_slice %get3A_190 {offsets = [12], sizes = [1], strides = [1]} : vector<16xi32> to vector<1xi32>
      %squeeze3A_707 = vector.extract %slice3A_706[0] : i32 from vector<1xi32>
      %shift_right_arithmetic3A_708 = arith.constant 2 : i32
      %shift_right_arithmetic3A_709 = arith.shrsi %squeeze3A_707, %shift_right_arithmetic3A_708 : i32
      %and3A_710 = arith.constant 3 : i32
      %and3A_711 = arith.andi %squeeze3A_707, %and3A_710 : i32
      %mul3A_712 = arith.constant 32 : i32
      %mul3A_713 = arith.muli %and3A_711, %mul3A_712 : i32
      %get3A_714 = arith.index_cast %add3A_705 : i32 to index
      %get3A_715 = arith.constant 0 : index
      %get3A_716 = tpu.vector_load %arg13[%get3A_714, %get3A_715] {strides = array<i32>} : memref<128x128xf32, #tpu.memory_space<vmem>>, vector<16xf32>,
      %get3A_717 = arith.index_cast %add3A_705 : i32 to index
      %get3A_718 = arith.constant 0 : index
      %get3A_719 = tpu.vector_load %arg15[%get3A_717, %get3A_718] {strides = array<i32>} : memref<128x128xf32, #tpu.memory_space<vmem>>, vector<16xf32>,
      %mul3A_720 = arith.mulf %get3A_716, %get3A_719 : vector<16xf32>
      %get3A_721 = arith.index_cast %shift_right_arithmetic3A_709 : i32 to index
      %get3A_722 = arith.index_cast %mul3A_713 : i32 to index
      %get3A_723 = tpu.vector_load %arg16[%get3A_721, %get3A_722] {strides = array<i32>} : memref<250x128xf32, #tpu.memory_space<vmem>>, vector<16xf32>,
      %mul3A_724 = arith.mulf %mul3A_720, %get3A_723 : vector<16xf32>
      %get3A_725 = arith.index_cast %add3A_705 : i32 to index
      %get3A_726 = arith.constant 16 : index
      %get3A_727 = tpu.vector_load %arg13[%get3A_725, %get3A_726] {strides = array<i32>} : memref<128x128xf32, #tpu.memory_space<vmem>>, vector<16xf32>,
      %get3A_728 = arith.index_cast %add3A_705 : i32 to index
      %get3A_729 = arith.constant 16 : index
      %get3A_730 = tpu.vector_load %arg15[%get3A_728, %get3A_729] {strides = array<i32>} : memref<128x128xf32, #tpu.memory_space<vmem>>, vector<16xf32>,
      %mul3A_731 = arith.mulf %get3A_727, %get3A_730 : vector<16xf32>
      %add3A_732 = arith.constant 16 : i32
      %add3A_733 = arith.addi %mul3A_713, %add3A_732 : i32
      %get3A_734 = arith.index_cast %shift_right_arithmetic3A_709 : i32 to index
      %get3A_735 = arith.index_cast %add3A_733 : i32 to index
      %get3A_736 = tpu.vector_load %arg16[%get3A_734, %get3A_735] {strides = array<i32>} : memref<250x128xf32, #tpu.memory_space<vmem>>, vector<16xf32>,
      %mul3A_737 = arith.mulf %mul3A_731, %get3A_736 : vector<16xf32>
      %add3A_738 = arith.addf %mul3A_724, %mul3A_737 : vector<16xf32>
      %reduce_sum3A_739 = arith.constant true
      %reduce_sum3A_740 = vector.broadcast %reduce_sum3A_739 : i1 to vector<16xi1>
      %reduce_sum3A_741 = tpu.scan <sum>, %add3A_738 masked %reduce_sum3A_740 : vector<16xf32>, vector<16xi1> -> vector<16xf32>
      %reduce_sum3A_742 = vector.extract %reduce_sum3A_741[15] : f32 from vector<16xf32>
      %broadcast_in_dim3A_743 = vector.broadcast %reduce_sum3A_742 : f32 to vector<16xf32>
      %select_n3A_744 = arith.select %eq3A_53, %broadcast_in_dim3A_743, %select_n3A_701 : vector<16xi1>, vector<16xf32>
      %mul3A_745 = arith.constant 16 : i32
      %mul3A_746 = arith.muli %scan3A_185, %mul3A_745 : i32
      %add3A_747 = arith.constant 13 : i32
      %add3A_748 = arith.addi %mul3A_746, %add3A_747 : i32
      %slice3A_749 = vector.extract_strided_slice %get3A_190 {offsets = [13], sizes = [1], strides = [1]} : vector<16xi32> to vector<1xi32>
      %squeeze3A_750 = vector.extract %slice3A_749[0] : i32 from vector<1xi32>
      %shift_right_arithmetic3A_751 = arith.constant 2 : i32
      %shift_right_arithmetic3A_752 = arith.shrsi %squeeze3A_750, %shift_right_arithmetic3A_751 : i32
      %and3A_753 = arith.constant 3 : i32
      %and3A_754 = arith.andi %squeeze3A_750, %and3A_753 : i32
      %mul3A_755 = arith.constant 32 : i32
      %mul3A_756 = arith.muli %and3A_754, %mul3A_755 : i32
      %get3A_757 = arith.index_cast %add3A_748 : i32 to index
      %get3A_758 = arith.constant 0 : index
      %get3A_759 = tpu.vector_load %arg13[%get3A_757, %get3A_758] {strides = array<i32>} : memref<128x128xf32, #tpu.memory_space<vmem>>, vector<16xf32>,
      %get3A_760 = arith.index_cast %add3A_748 : i32 to index
      %get3A_761 = arith.constant 0 : index
      %get3A_762 = tpu.vector_load %arg15[%get3A_760, %get3A_761] {strides = array<i32>} : memref<128x128xf32, #tpu.memory_space<vmem>>, vector<16xf32>,
      %mul3A_763 = arith.mulf %get3A_759, %get3A_762 : vector<16xf32>
      %get3A_764 = arith.index_cast %shift_right_arithmetic3A_752 : i32 to index
      %get3A_765 = arith.index_cast %mul3A_756 : i32 to index
      %get3A_766 = tpu.vector_load %arg16[%get3A_764, %get3A_765] {strides = array<i32>} : memref<250x128xf32, #tpu.memory_space<vmem>>, vector<16xf32>,
      %mul3A_767 = arith.mulf %mul3A_763, %get3A_766 : vector<16xf32>
      %get3A_768 = arith.index_cast %add3A_748 : i32 to index
      %get3A_769 = arith.constant 16 : index
      %get3A_770 = tpu.vector_load %arg13[%get3A_768, %get3A_769] {strides = array<i32>} : memref<128x128xf32, #tpu.memory_space<vmem>>, vector<16xf32>,
      %get3A_771 = arith.index_cast %add3A_748 : i32 to index
      %get3A_772 = arith.constant 16 : index
      %get3A_773 = tpu.vector_load %arg15[%get3A_771, %get3A_772] {strides = array<i32>} : memref<128x128xf32, #tpu.memory_space<vmem>>, vector<16xf32>,
      %mul3A_774 = arith.mulf %get3A_770, %get3A_773 : vector<16xf32>
      %add3A_775 = arith.constant 16 : i32
      %add3A_776 = arith.addi %mul3A_756, %add3A_775 : i32
      %get3A_777 = arith.index_cast %shift_right_arithmetic3A_752 : i32 to index
      %get3A_778 = arith.index_cast %add3A_776 : i32 to index
      %get3A_779 = tpu.vector_load %arg16[%get3A_777, %get3A_778] {strides = array<i32>} : memref<250x128xf32, #tpu.memory_space<vmem>>, vector<16xf32>,
      %mul3A_780 = arith.mulf %mul3A_774, %get3A_779 : vector<16xf32>
      %add3A_781 = arith.addf %mul3A_767, %mul3A_780 : vector<16xf32>
      %reduce_sum3A_782 = arith.constant true
      %reduce_sum3A_783 = vector.broadcast %reduce_sum3A_782 : i1 to vector<16xi1>
      %reduce_sum3A_784 = tpu.scan <sum>, %add3A_781 masked %reduce_sum3A_783 : vector<16xf32>, vector<16xi1> -> vector<16xf32>
      %reduce_sum3A_785 = vector.extract %reduce_sum3A_784[15] : f32 from vector<16xf32>
      %broadcast_in_dim3A_786 = vector.broadcast %reduce_sum3A_785 : f32 to vector<16xf32>
      %select_n3A_787 = arith.select %eq3A_56, %broadcast_in_dim3A_786, %select_n3A_744 : vector<16xi1>, vector<16xf32>
      %mul3A_788 = arith.constant 16 : i32
      %mul3A_789 = arith.muli %scan3A_185, %mul3A_788 : i32
      %add3A_790 = arith.constant 14 : i32
      %add3A_791 = arith.addi %mul3A_789, %add3A_790 : i32
      %slice3A_792 = vector.extract_strided_slice %get3A_190 {offsets = [14], sizes = [1], strides = [1]} : vector<16xi32> to vector<1xi32>
      %squeeze3A_793 = vector.extract %slice3A_792[0] : i32 from vector<1xi32>
      %shift_right_arithmetic3A_794 = arith.constant 2 : i32
      %shift_right_arithmetic3A_795 = arith.shrsi %squeeze3A_793, %shift_right_arithmetic3A_794 : i32
      %and3A_796 = arith.constant 3 : i32
      %and3A_797 = arith.andi %squeeze3A_793, %and3A_796 : i32
      %mul3A_798 = arith.constant 32 : i32
      %mul3A_799 = arith.muli %and3A_797, %mul3A_798 : i32
      %get3A_800 = arith.index_cast %add3A_791 : i32 to index
      %get3A_801 = arith.constant 0 : index
      %get3A_802 = tpu.vector_load %arg13[%get3A_800, %get3A_801] {strides = array<i32>} : memref<128x128xf32, #tpu.memory_space<vmem>>, vector<16xf32>,
      %get3A_803 = arith.index_cast %add3A_791 : i32 to index
      %get3A_804 = arith.constant 0 : index
      %get3A_805 = tpu.vector_load %arg15[%get3A_803, %get3A_804] {strides = array<i32>} : memref<128x128xf32, #tpu.memory_space<vmem>>, vector<16xf32>,
      %mul3A_806 = arith.mulf %get3A_802, %get3A_805 : vector<16xf32>
      %get3A_807 = arith.index_cast %shift_right_arithmetic3A_795 : i32 to index
      %get3A_808 = arith.index_cast %mul3A_799 : i32 to index
      %get3A_809 = tpu.vector_load %arg16[%get3A_807, %get3A_808] {strides = array<i32>} : memref<250x128xf32, #tpu.memory_space<vmem>>, vector<16xf32>,
      %mul3A_810 = arith.mulf %mul3A_806, %get3A_809 : vector<16xf32>
      %get3A_811 = arith.index_cast %add3A_791 : i32 to index
      %get3A_812 = arith.constant 16 : index
      %get3A_813 = tpu.vector_load %arg13[%get3A_811, %get3A_812] {strides = array<i32>} : memref<128x128xf32, #tpu.memory_space<vmem>>, vector<16xf32>,
      %get3A_814 = arith.index_cast %add3A_791 : i32 to index
      %get3A_815 = arith.constant 16 : index
      %get3A_816 = tpu.vector_load %arg15[%get3A_814, %get3A_815] {strides = array<i32>} : memref<128x128xf32, #tpu.memory_space<vmem>>, vector<16xf32>,
      %mul3A_817 = arith.mulf %get3A_813, %get3A_816 : vector<16xf32>
      %add3A_818 = arith.constant 16 : i32
      %add3A_819 = arith.addi %mul3A_799, %add3A_818 : i32
      %get3A_820 = arith.index_cast %shift_right_arithmetic3A_795 : i32 to index
      %get3A_821 = arith.index_cast %add3A_819 : i32 to index
      %get3A_822 = tpu.vector_load %arg16[%get3A_820, %get3A_821] {strides = array<i32>} : memref<250x128xf32, #tpu.memory_space<vmem>>, vector<16xf32>,
      %mul3A_823 = arith.mulf %mul3A_817, %get3A_822 : vector<16xf32>
      %add3A_824 = arith.addf %mul3A_810, %mul3A_823 : vector<16xf32>
      %reduce_sum3A_825 = arith.constant true
      %reduce_sum3A_826 = vector.broadcast %reduce_sum3A_825 : i1 to vector<16xi1>
      %reduce_sum3A_827 = tpu.scan <sum>, %add3A_824 masked %reduce_sum3A_826 : vector<16xf32>, vector<16xi1> -> vector<16xf32>
      %reduce_sum3A_828 = vector.extract %reduce_sum3A_827[15] : f32 from vector<16xf32>
      %broadcast_in_dim3A_829 = vector.broadcast %reduce_sum3A_828 : f32 to vector<16xf32>
      %select_n3A_830 = arith.select %eq3A_59, %broadcast_in_dim3A_829, %select_n3A_787 : vector<16xi1>, vector<16xf32>
      %mul3A_831 = arith.constant 16 : i32
      %mul3A_832 = arith.muli %scan3A_185, %mul3A_831 : i32
      %add3A_833 = arith.constant 15 : i32
      %add3A_834 = arith.addi %mul3A_832, %add3A_833 : i32
      %slice3A_835 = vector.extract_strided_slice %get3A_190 {offsets = [15], sizes = [1], strides = [1]} : vector<16xi32> to vector<1xi32>
      %squeeze3A_836 = vector.extract %slice3A_835[0] : i32 from vector<1xi32>
      %shift_right_arithmetic3A_837 = arith.constant 2 : i32
      %shift_right_arithmetic3A_838 = arith.shrsi %squeeze3A_836, %shift_right_arithmetic3A_837 : i32
      %and3A_839 = arith.constant 3 : i32
      %and3A_840 = arith.andi %squeeze3A_836, %and3A_839 : i32
      %mul3A_841 = arith.constant 32 : i32
      %mul3A_842 = arith.muli %and3A_840, %mul3A_841 : i32
      %get3A_843 = arith.index_cast %add3A_834 : i32 to index
      %get3A_844 = arith.constant 0 : index
      %get3A_845 = tpu.vector_load %arg13[%get3A_843, %get3A_844] {strides = array<i32>} : memref<128x128xf32, #tpu.memory_space<vmem>>, vector<16xf32>,
      %get3A_846 = arith.index_cast %add3A_834 : i32 to index
      %get3A_847 = arith.constant 0 : index
      %get3A_848 = tpu.vector_load %arg15[%get3A_846, %get3A_847] {strides = array<i32>} : memref<128x128xf32, #tpu.memory_space<vmem>>, vector<16xf32>,
      %mul3A_849 = arith.mulf %get3A_845, %get3A_848 : vector<16xf32>
      %get3A_850 = arith.index_cast %shift_right_arithmetic3A_838 : i32 to index
      %get3A_851 = arith.index_cast %mul3A_842 : i32 to index
      %get3A_852 = tpu.vector_load %arg16[%get3A_850, %get3A_851] {strides = array<i32>} : memref<250x128xf32, #tpu.memory_space<vmem>>, vector<16xf32>,
      %mul3A_853 = arith.mulf %mul3A_849, %get3A_852 : vector<16xf32>
      %get3A_854 = arith.index_cast %add3A_834 : i32 to index
      %get3A_855 = arith.constant 16 : index
      %get3A_856 = tpu.vector_load %arg13[%get3A_854, %get3A_855] {strides = array<i32>} : memref<128x128xf32, #tpu.memory_space<vmem>>, vector<16xf32>,
      %get3A_857 = arith.index_cast %add3A_834 : i32 to index
      %get3A_858 = arith.constant 16 : index
      %get3A_859 = tpu.vector_load %arg15[%get3A_857, %get3A_858] {strides = array<i32>} : memref<128x128xf32, #tpu.memory_space<vmem>>, vector<16xf32>,
      %mul3A_860 = arith.mulf %get3A_856, %get3A_859 : vector<16xf32>
      %add3A_861 = arith.constant 16 : i32
      %add3A_862 = arith.addi %mul3A_842, %add3A_861 : i32
      %get3A_863 = arith.index_cast %shift_right_arithmetic3A_838 : i32 to index
      %get3A_864 = arith.index_cast %add3A_862 : i32 to index
      %get3A_865 = tpu.vector_load %arg16[%get3A_863, %get3A_864] {strides = array<i32>} : memref<250x128xf32, #tpu.memory_space<vmem>>, vector<16xf32>,
      %mul3A_866 = arith.mulf %mul3A_860, %get3A_865 : vector<16xf32>
      %add3A_867 = arith.addf %mul3A_853, %mul3A_866 : vector<16xf32>
      %reduce_sum3A_868 = arith.constant true
      %reduce_sum3A_869 = vector.broadcast %reduce_sum3A_868 : i1 to vector<16xi1>
      %reduce_sum3A_870 = tpu.scan <sum>, %add3A_867 masked %reduce_sum3A_869 : vector<16xf32>, vector<16xi1> -> vector<16xf32>
      %reduce_sum3A_871 = vector.extract %reduce_sum3A_870[15] : f32 from vector<16xf32>
      %broadcast_in_dim3A_872 = vector.broadcast %reduce_sum3A_871 : f32 to vector<16xf32>
      %select_n3A_873 = arith.select %eq3A_62, %broadcast_in_dim3A_872, %select_n3A_830 : vector<16xi1>, vector<16xf32>
      %neg3A = arith.constant 0.000000e+00 : f32
      %neg3A_874 = vector.broadcast %neg3A : f32 to vector<16xf32>
      %neg3A_875 = arith.subf %neg3A_874, %select_n3A_873 : vector<16xf32>
      %exp3A = math.exp %neg3A_875 : vector<16xf32>
      %add3A_876 = arith.constant 1.000000e+00 : f32
      %add3A_877 = vector.broadcast %add3A_876 : f32 to vector<16xf32>
      %add3A_878 = arith.addf %add3A_877, %exp3A : vector<16xf32>
      %div3A = arith.constant 1.000000e+00 : f32
      %div3A_879 = vector.broadcast %div3A : f32 to vector<16xf32>
      %div3A_880 = arith.divf %div3A_879, %add3A_878 : vector<16xf32>
      %mul3A_881 = arith.constant 16 : i32
      %mul3A_882 = arith.muli %scan3A_185, %mul3A_881 : i32
      %add3A_883 = arith.constant 128 : i32
      %add3A_884 = arith.addi %add3A_883, %mul3A_882 : i32
      %swap3A = arith.index_cast %add3A_884 : i32 to index
      %swap3A_885 = tpu.vector_load %arg17[%swap3A] {strides = array<i32>} : memref<512xf32, #tpu.memory_space<vmem>>, vector<16xf32>,
      tpu.vector_store %arg17[%swap3A], %div3A_880 {strides = array<i32>} : memref<512xf32, #tpu.memory_space<vmem>>, vector<16xf32>,
    }
    %scan3A_128 = arith.constant 8 : i32
    %dma_start3A_129 = arith.constant 3 : i32
    %dma_start3A_130 = arith.constant 0 : i32
    %dma_start3A_131 = tpu.memref_slice %arg10[%dma_start3A_129, %dma_start3A_130] : memref<4x128xi32, #tpu.memory_space<vmem>> -> memref<1x128xi32, #tpu.memory_space<vmem>>
    %dma_start3A_132 = tpu.memref_squeeze %dma_start3A_131 : memref<1x128xi32, #tpu.memory_space<vmem>> -> memref<128xi32, #tpu.memory_space<vmem>>
    %dma_start3A_133 = arith.constant 0 : i32
    %dma_start3A_134 = arith.constant 0 : i32
    %dma_start3A_135 = tpu.memref_slice %arg5[%dma_start3A_133, %dma_start3A_134] : memref<100000x128xf32, #tpu.memory_space<hbm>> -> memref<100000x128xf32, #tpu.memory_space<hbm>>
    tpu.enqueue_indirect_dma source(%dma_start3A_135 : memref<100000x128xf32, #tpu.memory_space<hbm>>) target(%arg13 : memref<128x128xf32, #tpu.memory_space<vmem>>) offsets(%dma_start3A_132 : memref<128xi32, #tpu.memory_space<vmem>>) semaphore(%arg19 : memref<!tpu.dma_semaphore, #tpu.memory_space<semaphore_mem>>)
    %dma_start3A_136 = arith.constant 3 : i32
    %dma_start3A_137 = arith.constant 0 : i32
    %dma_start3A_138 = tpu.memref_slice %arg11[%dma_start3A_136, %dma_start3A_137] : memref<4x128xi32, #tpu.memory_space<vmem>> -> memref<1x128xi32, #tpu.memory_space<vmem>>
    %dma_start3A_139 = tpu.memref_squeeze %dma_start3A_138 : memref<1x128xi32, #tpu.memory_space<vmem>> -> memref<128xi32, #tpu.memory_space<vmem>>
    %dma_start3A_140 = arith.constant 0 : i32
    %dma_start3A_141 = arith.constant 0 : i32
    %dma_start3A_142 = tpu.memref_slice %arg6[%dma_start3A_140, %dma_start3A_141] : memref<100000x128xf32, #tpu.memory_space<hbm>> -> memref<100000x128xf32, #tpu.memory_space<hbm>>
    tpu.enqueue_indirect_dma source(%dma_start3A_142 : memref<100000x128xf32, #tpu.memory_space<hbm>>) target(%arg15 : memref<128x128xf32, #tpu.memory_space<vmem>>) offsets(%dma_start3A_139 : memref<128xi32, #tpu.memory_space<vmem>>) semaphore(%arg19 : memref<!tpu.dma_semaphore, #tpu.memory_space<semaphore_mem>>)
    %dma_wait3A_143 = arith.constant 2 : i32
    %dma_wait3A_144 = arith.constant 0 : i32
    %dma_wait3A_145 = tpu.memref_slice %arg10[%dma_wait3A_143, %dma_wait3A_144] : memref<4x128xi32, #tpu.memory_space<vmem>> -> memref<1x128xi32, #tpu.memory_space<vmem>>
    %dma_wait3A_146 = tpu.memref_squeeze %dma_wait3A_145 : memref<1x128xi32, #tpu.memory_space<vmem>> -> memref<128xi32, #tpu.memory_space<vmem>>
    %dma_wait3A_147 = arith.constant 0 : i32
    %dma_wait3A_148 = arith.constant 0 : i32
    %dma_wait3A_149 = tpu.memref_slice %arg5[%dma_wait3A_147, %dma_wait3A_148] : memref<100000x128xf32, #tpu.memory_space<hbm>> -> memref<100000x128xf32, #tpu.memory_space<hbm>>
    tpu.wait_indirect_dma semaphore(%arg18 : memref<!tpu.dma_semaphore, #tpu.memory_space<semaphore_mem>>) src(%dma_wait3A_149 : memref<100000x128xf32, #tpu.memory_space<hbm>>) dst(%arg12 : memref<128x128xf32, #tpu.memory_space<vmem>>)
    %dma_wait3A_150 = arith.constant 2 : i32
    %dma_wait3A_151 = arith.constant 0 : i32
    %dma_wait3A_152 = tpu.memref_slice %arg11[%dma_wait3A_150, %dma_wait3A_151] : memref<4x128xi32, #tpu.memory_space<vmem>> -> memref<1x128xi32, #tpu.memory_space<vmem>>
    %dma_wait3A_153 = tpu.memref_squeeze %dma_wait3A_152 : memref<1x128xi32, #tpu.memory_space<vmem>> -> memref<128xi32, #tpu.memory_space<vmem>>
    %dma_wait3A_154 = arith.constant 0 : i32
    %dma_wait3A_155 = arith.constant 0 : i32
    %dma_wait3A_156 = tpu.memref_slice %arg6[%dma_wait3A_154, %dma_wait3A_155] : memref<100000x128xf32, #tpu.memory_space<hbm>> -> memref<100000x128xf32, #tpu.memory_space<hbm>>
    tpu.wait_indirect_dma semaphore(%arg18 : memref<!tpu.dma_semaphore, #tpu.memory_space<semaphore_mem>>) src(%dma_wait3A_156 : memref<100000x128xf32, #tpu.memory_space<hbm>>) dst(%arg14 : memref<128x128xf32, #tpu.memory_space<vmem>>)
    %scan3A_157 = arith.constant 0 : i32
    %scan3A_158 = arith.constant 0 : i32
    %scan3A_159 = arith.constant 8 : i32
    %scan3A_160 = arith.addi %scan3A_158, %scan3A_159 : i32
    %scan3A_161 = arith.constant 1 : i32
    scf.for %scan3A_185 = %scan3A_158 to %scan3A_160 step %scan3A_161  : i32 {
      %mul3A_186 = arith.constant 16 : i32
      %mul3A_187 = arith.muli %scan3A_185, %mul3A_186 : i32
      %get3A = arith.constant 2 : i32
      %get3A_188 = arith.index_cast %get3A : i32 to index
      %get3A_189 = arith.index_cast %mul3A_187 : i32 to index
      %get3A_190 = tpu.vector_load %arg9[%get3A_188, %get3A_189] {strides = array<i32>} : memref<4x128xi32, #tpu.memory_space<vmem>>, vector<16xi32>,
      %broadcast_in_dim3A = arith.constant 0.000000e+00 : f32
      %broadcast_in_dim3A_191 = vector.broadcast %broadcast_in_dim3A : f32 to vector<16xf32>
      %mul3A_192 = arith.constant 16 : i32
      %mul3A_193 = arith.muli %scan3A_185, %mul3A_192 : i32
      %add3A_194 = arith.constant 0 : i32
      %add3A_195 = arith.addi %mul3A_193, %add3A_194 : i32
      %slice3A = vector.extract_strided_slice %get3A_190 {offsets = [0], sizes = [1], strides = [1]} : vector<16xi32> to vector<1xi32>
      %squeeze3A = vector.extract %slice3A[0] : i32 from vector<1xi32>
      %shift_right_arithmetic3A = arith.constant 2 : i32
      %shift_right_arithmetic3A_196 = arith.shrsi %squeeze3A, %shift_right_arithmetic3A : i32
      %and3A = arith.constant 3 : i32
      %and3A_197 = arith.andi %squeeze3A, %and3A : i32
      %mul3A_198 = arith.constant 32 : i32
      %mul3A_199 = arith.muli %and3A_197, %mul3A_198 : i32
      %get3A_200 = arith.index_cast %add3A_195 : i32 to index
      %get3A_201 = arith.constant 0 : index
      %get3A_202 = tpu.vector_load %arg12[%get3A_200, %get3A_201] {strides = array<i32>} : memref<128x128xf32, #tpu.memory_space<vmem>>, vector<16xf32>,
      %get3A_203 = arith.index_cast %add3A_195 : i32 to index
      %get3A_204 = arith.constant 0 : index
      %get3A_205 = tpu.vector_load %arg14[%get3A_203, %get3A_204] {strides = array<i32>} : memref<128x128xf32, #tpu.memory_space<vmem>>, vector<16xf32>,
      %mul3A_206 = arith.mulf %get3A_202, %get3A_205 : vector<16xf32>
      %get3A_207 = arith.index_cast %shift_right_arithmetic3A_196 : i32 to index
      %get3A_208 = arith.index_cast %mul3A_199 : i32 to index
      %get3A_209 = tpu.vector_load %arg16[%get3A_207, %get3A_208] {strides = array<i32>} : memref<250x128xf32, #tpu.memory_space<vmem>>, vector<16xf32>,
      %mul3A_210 = arith.mulf %mul3A_206, %get3A_209 : vector<16xf32>
      %get3A_211 = arith.index_cast %add3A_195 : i32 to index
      %get3A_212 = arith.constant 16 : index
      %get3A_213 = tpu.vector_load %arg12[%get3A_211, %get3A_212] {strides = array<i32>} : memref<128x128xf32, #tpu.memory_space<vmem>>, vector<16xf32>,
      %get3A_214 = arith.index_cast %add3A_195 : i32 to index
      %get3A_215 = arith.constant 16 : index
      %get3A_216 = tpu.vector_load %arg14[%get3A_214, %get3A_215] {strides = array<i32>} : memref<128x128xf32, #tpu.memory_space<vmem>>, vector<16xf32>,
      %mul3A_217 = arith.mulf %get3A_213, %get3A_216 : vector<16xf32>
      %add3A_218 = arith.constant 16 : i32
      %add3A_219 = arith.addi %mul3A_199, %add3A_218 : i32
      %get3A_220 = arith.index_cast %shift_right_arithmetic3A_196 : i32 to index
      %get3A_221 = arith.index_cast %add3A_219 : i32 to index
      %get3A_222 = tpu.vector_load %arg16[%get3A_220, %get3A_221] {strides = array<i32>} : memref<250x128xf32, #tpu.memory_space<vmem>>, vector<16xf32>,
      %mul3A_223 = arith.mulf %mul3A_217, %get3A_222 : vector<16xf32>
      %add3A_224 = arith.addf %mul3A_210, %mul3A_223 : vector<16xf32>
      %reduce_sum3A = arith.constant true
      %reduce_sum3A_225 = vector.broadcast %reduce_sum3A : i1 to vector<16xi1>
      %reduce_sum3A_226 = tpu.scan <sum>, %add3A_224 masked %reduce_sum3A_225 : vector<16xf32>, vector<16xi1> -> vector<16xf32>
      %reduce_sum3A_227 = vector.extract %reduce_sum3A_226[15] : f32 from vector<16xf32>
      %broadcast_in_dim3A_228 = vector.broadcast %reduce_sum3A_227 : f32 to vector<16xf32>
      %select_n3A = arith.select %eq3A_17, %broadcast_in_dim3A_228, %broadcast_in_dim3A_191 : vector<16xi1>, vector<16xf32>
      %mul3A_229 = arith.constant 16 : i32
      %mul3A_230 = arith.muli %scan3A_185, %mul3A_229 : i32
      %add3A_231 = arith.constant 1 : i32
      %add3A_232 = arith.addi %mul3A_230, %add3A_231 : i32
      %slice3A_233 = vector.extract_strided_slice %get3A_190 {offsets = [1], sizes = [1], strides = [1]} : vector<16xi32> to vector<1xi32>
      %squeeze3A_234 = vector.extract %slice3A_233[0] : i32 from vector<1xi32>
      %shift_right_arithmetic3A_235 = arith.constant 2 : i32
      %shift_right_arithmetic3A_236 = arith.shrsi %squeeze3A_234, %shift_right_arithmetic3A_235 : i32
      %and3A_237 = arith.constant 3 : i32
      %and3A_238 = arith.andi %squeeze3A_234, %and3A_237 : i32
      %mul3A_239 = arith.constant 32 : i32
      %mul3A_240 = arith.muli %and3A_238, %mul3A_239 : i32
      %get3A_241 = arith.index_cast %add3A_232 : i32 to index
      %get3A_242 = arith.constant 0 : index
      %get3A_243 = tpu.vector_load %arg12[%get3A_241, %get3A_242] {strides = array<i32>} : memref<128x128xf32, #tpu.memory_space<vmem>>, vector<16xf32>,
      %get3A_244 = arith.index_cast %add3A_232 : i32 to index
      %get3A_245 = arith.constant 0 : index
      %get3A_246 = tpu.vector_load %arg14[%get3A_244, %get3A_245] {strides = array<i32>} : memref<128x128xf32, #tpu.memory_space<vmem>>, vector<16xf32>,
      %mul3A_247 = arith.mulf %get3A_243, %get3A_246 : vector<16xf32>
      %get3A_248 = arith.index_cast %shift_right_arithmetic3A_236 : i32 to index
      %get3A_249 = arith.index_cast %mul3A_240 : i32 to index
      %get3A_250 = tpu.vector_load %arg16[%get3A_248, %get3A_249] {strides = array<i32>} : memref<250x128xf32, #tpu.memory_space<vmem>>, vector<16xf32>,
      %mul3A_251 = arith.mulf %mul3A_247, %get3A_250 : vector<16xf32>
      %get3A_252 = arith.index_cast %add3A_232 : i32 to index
      %get3A_253 = arith.constant 16 : index
      %get3A_254 = tpu.vector_load %arg12[%get3A_252, %get3A_253] {strides = array<i32>} : memref<128x128xf32, #tpu.memory_space<vmem>>, vector<16xf32>,
      %get3A_255 = arith.index_cast %add3A_232 : i32 to index
      %get3A_256 = arith.constant 16 : index
      %get3A_257 = tpu.vector_load %arg14[%get3A_255, %get3A_256] {strides = array<i32>} : memref<128x128xf32, #tpu.memory_space<vmem>>, vector<16xf32>,
      %mul3A_258 = arith.mulf %get3A_254, %get3A_257 : vector<16xf32>
      %add3A_259 = arith.constant 16 : i32
      %add3A_260 = arith.addi %mul3A_240, %add3A_259 : i32
      %get3A_261 = arith.index_cast %shift_right_arithmetic3A_236 : i32 to index
      %get3A_262 = arith.index_cast %add3A_260 : i32 to index
      %get3A_263 = tpu.vector_load %arg16[%get3A_261, %get3A_262] {strides = array<i32>} : memref<250x128xf32, #tpu.memory_space<vmem>>, vector<16xf32>,
      %mul3A_264 = arith.mulf %mul3A_258, %get3A_263 : vector<16xf32>
      %add3A_265 = arith.addf %mul3A_251, %mul3A_264 : vector<16xf32>
      %reduce_sum3A_266 = arith.constant true
      %reduce_sum3A_267 = vector.broadcast %reduce_sum3A_266 : i1 to vector<16xi1>
      %reduce_sum3A_268 = tpu.scan <sum>, %add3A_265 masked %reduce_sum3A_267 : vector<16xf32>, vector<16xi1> -> vector<16xf32>
      %reduce_sum3A_269 = vector.extract %reduce_sum3A_268[15] : f32 from vector<16xf32>
      %broadcast_in_dim3A_270 = vector.broadcast %reduce_sum3A_269 : f32 to vector<16xf32>
      %select_n3A_271 = arith.select %eq3A_20, %broadcast_in_dim3A_270, %select_n3A : vector<16xi1>, vector<16xf32>
      %mul3A_272 = arith.constant 16 : i32
      %mul3A_273 = arith.muli %scan3A_185, %mul3A_272 : i32
      %add3A_274 = arith.constant 2 : i32
      %add3A_275 = arith.addi %mul3A_273, %add3A_274 : i32
      %slice3A_276 = vector.extract_strided_slice %get3A_190 {offsets = [2], sizes = [1], strides = [1]} : vector<16xi32> to vector<1xi32>
      %squeeze3A_277 = vector.extract %slice3A_276[0] : i32 from vector<1xi32>
      %shift_right_arithmetic3A_278 = arith.constant 2 : i32
      %shift_right_arithmetic3A_279 = arith.shrsi %squeeze3A_277, %shift_right_arithmetic3A_278 : i32
      %and3A_280 = arith.constant 3 : i32
      %and3A_281 = arith.andi %squeeze3A_277, %and3A_280 : i32
      %mul3A_282 = arith.constant 32 : i32
      %mul3A_283 = arith.muli %and3A_281, %mul3A_282 : i32
      %get3A_284 = arith.index_cast %add3A_275 : i32 to index
      %get3A_285 = arith.constant 0 : index
      %get3A_286 = tpu.vector_load %arg12[%get3A_284, %get3A_285] {strides = array<i32>} : memref<128x128xf32, #tpu.memory_space<vmem>>, vector<16xf32>,
      %get3A_287 = arith.index_cast %add3A_275 : i32 to index
      %get3A_288 = arith.constant 0 : index
      %get3A_289 = tpu.vector_load %arg14[%get3A_287, %get3A_288] {strides = array<i32>} : memref<128x128xf32, #tpu.memory_space<vmem>>, vector<16xf32>,
      %mul3A_290 = arith.mulf %get3A_286, %get3A_289 : vector<16xf32>
      %get3A_291 = arith.index_cast %shift_right_arithmetic3A_279 : i32 to index
      %get3A_292 = arith.index_cast %mul3A_283 : i32 to index
      %get3A_293 = tpu.vector_load %arg16[%get3A_291, %get3A_292] {strides = array<i32>} : memref<250x128xf32, #tpu.memory_space<vmem>>, vector<16xf32>,
      %mul3A_294 = arith.mulf %mul3A_290, %get3A_293 : vector<16xf32>
      %get3A_295 = arith.index_cast %add3A_275 : i32 to index
      %get3A_296 = arith.constant 16 : index
      %get3A_297 = tpu.vector_load %arg12[%get3A_295, %get3A_296] {strides = array<i32>} : memref<128x128xf32, #tpu.memory_space<vmem>>, vector<16xf32>,
      %get3A_298 = arith.index_cast %add3A_275 : i32 to index
      %get3A_299 = arith.constant 16 : index
      %get3A_300 = tpu.vector_load %arg14[%get3A_298, %get3A_299] {strides = array<i32>} : memref<128x128xf32, #tpu.memory_space<vmem>>, vector<16xf32>,
      %mul3A_301 = arith.mulf %get3A_297, %get3A_300 : vector<16xf32>
      %add3A_302 = arith.constant 16 : i32
      %add3A_303 = arith.addi %mul3A_283, %add3A_302 : i32
      %get3A_304 = arith.index_cast %shift_right_arithmetic3A_279 : i32 to index
      %get3A_305 = arith.index_cast %add3A_303 : i32 to index
      %get3A_306 = tpu.vector_load %arg16[%get3A_304, %get3A_305] {strides = array<i32>} : memref<250x128xf32, #tpu.memory_space<vmem>>, vector<16xf32>,
      %mul3A_307 = arith.mulf %mul3A_301, %get3A_306 : vector<16xf32>
      %add3A_308 = arith.addf %mul3A_294, %mul3A_307 : vector<16xf32>
      %reduce_sum3A_309 = arith.constant true
      %reduce_sum3A_310 = vector.broadcast %reduce_sum3A_309 : i1 to vector<16xi1>
      %reduce_sum3A_311 = tpu.scan <sum>, %add3A_308 masked %reduce_sum3A_310 : vector<16xf32>, vector<16xi1> -> vector<16xf32>
      %reduce_sum3A_312 = vector.extract %reduce_sum3A_311[15] : f32 from vector<16xf32>
      %broadcast_in_dim3A_313 = vector.broadcast %reduce_sum3A_312 : f32 to vector<16xf32>
      %select_n3A_314 = arith.select %eq3A_23, %broadcast_in_dim3A_313, %select_n3A_271 : vector<16xi1>, vector<16xf32>
      %mul3A_315 = arith.constant 16 : i32
      %mul3A_316 = arith.muli %scan3A_185, %mul3A_315 : i32
      %add3A_317 = arith.constant 3 : i32
      %add3A_318 = arith.addi %mul3A_316, %add3A_317 : i32
      %slice3A_319 = vector.extract_strided_slice %get3A_190 {offsets = [3], sizes = [1], strides = [1]} : vector<16xi32> to vector<1xi32>
      %squeeze3A_320 = vector.extract %slice3A_319[0] : i32 from vector<1xi32>
      %shift_right_arithmetic3A_321 = arith.constant 2 : i32
      %shift_right_arithmetic3A_322 = arith.shrsi %squeeze3A_320, %shift_right_arithmetic3A_321 : i32
      %and3A_323 = arith.constant 3 : i32
      %and3A_324 = arith.andi %squeeze3A_320, %and3A_323 : i32
      %mul3A_325 = arith.constant 32 : i32
      %mul3A_326 = arith.muli %and3A_324, %mul3A_325 : i32
      %get3A_327 = arith.index_cast %add3A_318 : i32 to index
      %get3A_328 = arith.constant 0 : index
      %get3A_329 = tpu.vector_load %arg12[%get3A_327, %get3A_328] {strides = array<i32>} : memref<128x128xf32, #tpu.memory_space<vmem>>, vector<16xf32>,
      %get3A_330 = arith.index_cast %add3A_318 : i32 to index
      %get3A_331 = arith.constant 0 : index
      %get3A_332 = tpu.vector_load %arg14[%get3A_330, %get3A_331] {strides = array<i32>} : memref<128x128xf32, #tpu.memory_space<vmem>>, vector<16xf32>,
      %mul3A_333 = arith.mulf %get3A_329, %get3A_332 : vector<16xf32>
      %get3A_334 = arith.index_cast %shift_right_arithmetic3A_322 : i32 to index
      %get3A_335 = arith.index_cast %mul3A_326 : i32 to index
      %get3A_336 = tpu.vector_load %arg16[%get3A_334, %get3A_335] {strides = array<i32>} : memref<250x128xf32, #tpu.memory_space<vmem>>, vector<16xf32>,
      %mul3A_337 = arith.mulf %mul3A_333, %get3A_336 : vector<16xf32>
      %get3A_338 = arith.index_cast %add3A_318 : i32 to index
      %get3A_339 = arith.constant 16 : index
      %get3A_340 = tpu.vector_load %arg12[%get3A_338, %get3A_339] {strides = array<i32>} : memref<128x128xf32, #tpu.memory_space<vmem>>, vector<16xf32>,
      %get3A_341 = arith.index_cast %add3A_318 : i32 to index
      %get3A_342 = arith.constant 16 : index
      %get3A_343 = tpu.vector_load %arg14[%get3A_341, %get3A_342] {strides = array<i32>} : memref<128x128xf32, #tpu.memory_space<vmem>>, vector<16xf32>,
      %mul3A_344 = arith.mulf %get3A_340, %get3A_343 : vector<16xf32>
      %add3A_345 = arith.constant 16 : i32
      %add3A_346 = arith.addi %mul3A_326, %add3A_345 : i32
      %get3A_347 = arith.index_cast %shift_right_arithmetic3A_322 : i32 to index
      %get3A_348 = arith.index_cast %add3A_346 : i32 to index
      %get3A_349 = tpu.vector_load %arg16[%get3A_347, %get3A_348] {strides = array<i32>} : memref<250x128xf32, #tpu.memory_space<vmem>>, vector<16xf32>,
      %mul3A_350 = arith.mulf %mul3A_344, %get3A_349 : vector<16xf32>
      %add3A_351 = arith.addf %mul3A_337, %mul3A_350 : vector<16xf32>
      %reduce_sum3A_352 = arith.constant true
      %reduce_sum3A_353 = vector.broadcast %reduce_sum3A_352 : i1 to vector<16xi1>
      %reduce_sum3A_354 = tpu.scan <sum>, %add3A_351 masked %reduce_sum3A_353 : vector<16xf32>, vector<16xi1> -> vector<16xf32>
      %reduce_sum3A_355 = vector.extract %reduce_sum3A_354[15] : f32 from vector<16xf32>
      %broadcast_in_dim3A_356 = vector.broadcast %reduce_sum3A_355 : f32 to vector<16xf32>
      %select_n3A_357 = arith.select %eq3A_26, %broadcast_in_dim3A_356, %select_n3A_314 : vector<16xi1>, vector<16xf32>
      %mul3A_358 = arith.constant 16 : i32
      %mul3A_359 = arith.muli %scan3A_185, %mul3A_358 : i32
      %add3A_360 = arith.constant 4 : i32
      %add3A_361 = arith.addi %mul3A_359, %add3A_360 : i32
      %slice3A_362 = vector.extract_strided_slice %get3A_190 {offsets = [4], sizes = [1], strides = [1]} : vector<16xi32> to vector<1xi32>
      %squeeze3A_363 = vector.extract %slice3A_362[0] : i32 from vector<1xi32>
      %shift_right_arithmetic3A_364 = arith.constant 2 : i32
      %shift_right_arithmetic3A_365 = arith.shrsi %squeeze3A_363, %shift_right_arithmetic3A_364 : i32
      %and3A_366 = arith.constant 3 : i32
      %and3A_367 = arith.andi %squeeze3A_363, %and3A_366 : i32
      %mul3A_368 = arith.constant 32 : i32
      %mul3A_369 = arith.muli %and3A_367, %mul3A_368 : i32
      %get3A_370 = arith.index_cast %add3A_361 : i32 to index
      %get3A_371 = arith.constant 0 : index
      %get3A_372 = tpu.vector_load %arg12[%get3A_370, %get3A_371] {strides = array<i32>} : memref<128x128xf32, #tpu.memory_space<vmem>>, vector<16xf32>,
      %get3A_373 = arith.index_cast %add3A_361 : i32 to index
      %get3A_374 = arith.constant 0 : index
      %get3A_375 = tpu.vector_load %arg14[%get3A_373, %get3A_374] {strides = array<i32>} : memref<128x128xf32, #tpu.memory_space<vmem>>, vector<16xf32>,
      %mul3A_376 = arith.mulf %get3A_372, %get3A_375 : vector<16xf32>
      %get3A_377 = arith.index_cast %shift_right_arithmetic3A_365 : i32 to index
      %get3A_378 = arith.index_cast %mul3A_369 : i32 to index
      %get3A_379 = tpu.vector_load %arg16[%get3A_377, %get3A_378] {strides = array<i32>} : memref<250x128xf32, #tpu.memory_space<vmem>>, vector<16xf32>,
      %mul3A_380 = arith.mulf %mul3A_376, %get3A_379 : vector<16xf32>
      %get3A_381 = arith.index_cast %add3A_361 : i32 to index
      %get3A_382 = arith.constant 16 : index
      %get3A_383 = tpu.vector_load %arg12[%get3A_381, %get3A_382] {strides = array<i32>} : memref<128x128xf32, #tpu.memory_space<vmem>>, vector<16xf32>,
      %get3A_384 = arith.index_cast %add3A_361 : i32 to index
      %get3A_385 = arith.constant 16 : index
      %get3A_386 = tpu.vector_load %arg14[%get3A_384, %get3A_385] {strides = array<i32>} : memref<128x128xf32, #tpu.memory_space<vmem>>, vector<16xf32>,
      %mul3A_387 = arith.mulf %get3A_383, %get3A_386 : vector<16xf32>
      %add3A_388 = arith.constant 16 : i32
      %add3A_389 = arith.addi %mul3A_369, %add3A_388 : i32
      %get3A_390 = arith.index_cast %shift_right_arithmetic3A_365 : i32 to index
      %get3A_391 = arith.index_cast %add3A_389 : i32 to index
      %get3A_392 = tpu.vector_load %arg16[%get3A_390, %get3A_391] {strides = array<i32>} : memref<250x128xf32, #tpu.memory_space<vmem>>, vector<16xf32>,
      %mul3A_393 = arith.mulf %mul3A_387, %get3A_392 : vector<16xf32>
      %add3A_394 = arith.addf %mul3A_380, %mul3A_393 : vector<16xf32>
      %reduce_sum3A_395 = arith.constant true
      %reduce_sum3A_396 = vector.broadcast %reduce_sum3A_395 : i1 to vector<16xi1>
      %reduce_sum3A_397 = tpu.scan <sum>, %add3A_394 masked %reduce_sum3A_396 : vector<16xf32>, vector<16xi1> -> vector<16xf32>
      %reduce_sum3A_398 = vector.extract %reduce_sum3A_397[15] : f32 from vector<16xf32>
      %broadcast_in_dim3A_399 = vector.broadcast %reduce_sum3A_398 : f32 to vector<16xf32>
      %select_n3A_400 = arith.select %eq3A_29, %broadcast_in_dim3A_399, %select_n3A_357 : vector<16xi1>, vector<16xf32>
      %mul3A_401 = arith.constant 16 : i32
      %mul3A_402 = arith.muli %scan3A_185, %mul3A_401 : i32
      %add3A_403 = arith.constant 5 : i32
      %add3A_404 = arith.addi %mul3A_402, %add3A_403 : i32
      %slice3A_405 = vector.extract_strided_slice %get3A_190 {offsets = [5], sizes = [1], strides = [1]} : vector<16xi32> to vector<1xi32>
      %squeeze3A_406 = vector.extract %slice3A_405[0] : i32 from vector<1xi32>
      %shift_right_arithmetic3A_407 = arith.constant 2 : i32
      %shift_right_arithmetic3A_408 = arith.shrsi %squeeze3A_406, %shift_right_arithmetic3A_407 : i32
      %and3A_409 = arith.constant 3 : i32
      %and3A_410 = arith.andi %squeeze3A_406, %and3A_409 : i32
      %mul3A_411 = arith.constant 32 : i32
      %mul3A_412 = arith.muli %and3A_410, %mul3A_411 : i32
      %get3A_413 = arith.index_cast %add3A_404 : i32 to index
      %get3A_414 = arith.constant 0 : index
      %get3A_415 = tpu.vector_load %arg12[%get3A_413, %get3A_414] {strides = array<i32>} : memref<128x128xf32, #tpu.memory_space<vmem>>, vector<16xf32>,
      %get3A_416 = arith.index_cast %add3A_404 : i32 to index
      %get3A_417 = arith.constant 0 : index
      %get3A_418 = tpu.vector_load %arg14[%get3A_416, %get3A_417] {strides = array<i32>} : memref<128x128xf32, #tpu.memory_space<vmem>>, vector<16xf32>,
      %mul3A_419 = arith.mulf %get3A_415, %get3A_418 : vector<16xf32>
      %get3A_420 = arith.index_cast %shift_right_arithmetic3A_408 : i32 to index
      %get3A_421 = arith.index_cast %mul3A_412 : i32 to index
      %get3A_422 = tpu.vector_load %arg16[%get3A_420, %get3A_421] {strides = array<i32>} : memref<250x128xf32, #tpu.memory_space<vmem>>, vector<16xf32>,
      %mul3A_423 = arith.mulf %mul3A_419, %get3A_422 : vector<16xf32>
      %get3A_424 = arith.index_cast %add3A_404 : i32 to index
      %get3A_425 = arith.constant 16 : index
      %get3A_426 = tpu.vector_load %arg12[%get3A_424, %get3A_425] {strides = array<i32>} : memref<128x128xf32, #tpu.memory_space<vmem>>, vector<16xf32>,
      %get3A_427 = arith.index_cast %add3A_404 : i32 to index
      %get3A_428 = arith.constant 16 : index
      %get3A_429 = tpu.vector_load %arg14[%get3A_427, %get3A_428] {strides = array<i32>} : memref<128x128xf32, #tpu.memory_space<vmem>>, vector<16xf32>,
      %mul3A_430 = arith.mulf %get3A_426, %get3A_429 : vector<16xf32>
      %add3A_431 = arith.constant 16 : i32
      %add3A_432 = arith.addi %mul3A_412, %add3A_431 : i32
      %get3A_433 = arith.index_cast %shift_right_arithmetic3A_408 : i32 to index
      %get3A_434 = arith.index_cast %add3A_432 : i32 to index
      %get3A_435 = tpu.vector_load %arg16[%get3A_433, %get3A_434] {strides = array<i32>} : memref<250x128xf32, #tpu.memory_space<vmem>>, vector<16xf32>,
      %mul3A_436 = arith.mulf %mul3A_430, %get3A_435 : vector<16xf32>
      %add3A_437 = arith.addf %mul3A_423, %mul3A_436 : vector<16xf32>
      %reduce_sum3A_438 = arith.constant true
      %reduce_sum3A_439 = vector.broadcast %reduce_sum3A_438 : i1 to vector<16xi1>
      %reduce_sum3A_440 = tpu.scan <sum>, %add3A_437 masked %reduce_sum3A_439 : vector<16xf32>, vector<16xi1> -> vector<16xf32>
      %reduce_sum3A_441 = vector.extract %reduce_sum3A_440[15] : f32 from vector<16xf32>
      %broadcast_in_dim3A_442 = vector.broadcast %reduce_sum3A_441 : f32 to vector<16xf32>
      %select_n3A_443 = arith.select %eq3A_32, %broadcast_in_dim3A_442, %select_n3A_400 : vector<16xi1>, vector<16xf32>
      %mul3A_444 = arith.constant 16 : i32
      %mul3A_445 = arith.muli %scan3A_185, %mul3A_444 : i32
      %add3A_446 = arith.constant 6 : i32
      %add3A_447 = arith.addi %mul3A_445, %add3A_446 : i32
      %slice3A_448 = vector.extract_strided_slice %get3A_190 {offsets = [6], sizes = [1], strides = [1]} : vector<16xi32> to vector<1xi32>
      %squeeze3A_449 = vector.extract %slice3A_448[0] : i32 from vector<1xi32>
      %shift_right_arithmetic3A_450 = arith.constant 2 : i32
      %shift_right_arithmetic3A_451 = arith.shrsi %squeeze3A_449, %shift_right_arithmetic3A_450 : i32
      %and3A_452 = arith.constant 3 : i32
      %and3A_453 = arith.andi %squeeze3A_449, %and3A_452 : i32
      %mul3A_454 = arith.constant 32 : i32
      %mul3A_455 = arith.muli %and3A_453, %mul3A_454 : i32
      %get3A_456 = arith.index_cast %add3A_447 : i32 to index
      %get3A_457 = arith.constant 0 : index
      %get3A_458 = tpu.vector_load %arg12[%get3A_456, %get3A_457] {strides = array<i32>} : memref<128x128xf32, #tpu.memory_space<vmem>>, vector<16xf32>,
      %get3A_459 = arith.index_cast %add3A_447 : i32 to index
      %get3A_460 = arith.constant 0 : index
      %get3A_461 = tpu.vector_load %arg14[%get3A_459, %get3A_460] {strides = array<i32>} : memref<128x128xf32, #tpu.memory_space<vmem>>, vector<16xf32>,
      %mul3A_462 = arith.mulf %get3A_458, %get3A_461 : vector<16xf32>
      %get3A_463 = arith.index_cast %shift_right_arithmetic3A_451 : i32 to index
      %get3A_464 = arith.index_cast %mul3A_455 : i32 to index
      %get3A_465 = tpu.vector_load %arg16[%get3A_463, %get3A_464] {strides = array<i32>} : memref<250x128xf32, #tpu.memory_space<vmem>>, vector<16xf32>,
      %mul3A_466 = arith.mulf %mul3A_462, %get3A_465 : vector<16xf32>
      %get3A_467 = arith.index_cast %add3A_447 : i32 to index
      %get3A_468 = arith.constant 16 : index
      %get3A_469 = tpu.vector_load %arg12[%get3A_467, %get3A_468] {strides = array<i32>} : memref<128x128xf32, #tpu.memory_space<vmem>>, vector<16xf32>,
      %get3A_470 = arith.index_cast %add3A_447 : i32 to index
      %get3A_471 = arith.constant 16 : index
      %get3A_472 = tpu.vector_load %arg14[%get3A_470, %get3A_471] {strides = array<i32>} : memref<128x128xf32, #tpu.memory_space<vmem>>, vector<16xf32>,
      %mul3A_473 = arith.mulf %get3A_469, %get3A_472 : vector<16xf32>
      %add3A_474 = arith.constant 16 : i32
      %add3A_475 = arith.addi %mul3A_455, %add3A_474 : i32
      %get3A_476 = arith.index_cast %shift_right_arithmetic3A_451 : i32 to index
      %get3A_477 = arith.index_cast %add3A_475 : i32 to index
      %get3A_478 = tpu.vector_load %arg16[%get3A_476, %get3A_477] {strides = array<i32>} : memref<250x128xf32, #tpu.memory_space<vmem>>, vector<16xf32>,
      %mul3A_479 = arith.mulf %mul3A_473, %get3A_478 : vector<16xf32>
      %add3A_480 = arith.addf %mul3A_466, %mul3A_479 : vector<16xf32>
      %reduce_sum3A_481 = arith.constant true
      %reduce_sum3A_482 = vector.broadcast %reduce_sum3A_481 : i1 to vector<16xi1>
      %reduce_sum3A_483 = tpu.scan <sum>, %add3A_480 masked %reduce_sum3A_482 : vector<16xf32>, vector<16xi1> -> vector<16xf32>
      %reduce_sum3A_484 = vector.extract %reduce_sum3A_483[15] : f32 from vector<16xf32>
      %broadcast_in_dim3A_485 = vector.broadcast %reduce_sum3A_484 : f32 to vector<16xf32>
      %select_n3A_486 = arith.select %eq3A_35, %broadcast_in_dim3A_485, %select_n3A_443 : vector<16xi1>, vector<16xf32>
      %mul3A_487 = arith.constant 16 : i32
      %mul3A_488 = arith.muli %scan3A_185, %mul3A_487 : i32
      %add3A_489 = arith.constant 7 : i32
      %add3A_490 = arith.addi %mul3A_488, %add3A_489 : i32
      %slice3A_491 = vector.extract_strided_slice %get3A_190 {offsets = [7], sizes = [1], strides = [1]} : vector<16xi32> to vector<1xi32>
      %squeeze3A_492 = vector.extract %slice3A_491[0] : i32 from vector<1xi32>
      %shift_right_arithmetic3A_493 = arith.constant 2 : i32
      %shift_right_arithmetic3A_494 = arith.shrsi %squeeze3A_492, %shift_right_arithmetic3A_493 : i32
      %and3A_495 = arith.constant 3 : i32
      %and3A_496 = arith.andi %squeeze3A_492, %and3A_495 : i32
      %mul3A_497 = arith.constant 32 : i32
      %mul3A_498 = arith.muli %and3A_496, %mul3A_497 : i32
      %get3A_499 = arith.index_cast %add3A_490 : i32 to index
      %get3A_500 = arith.constant 0 : index
      %get3A_501 = tpu.vector_load %arg12[%get3A_499, %get3A_500] {strides = array<i32>} : memref<128x128xf32, #tpu.memory_space<vmem>>, vector<16xf32>,
      %get3A_502 = arith.index_cast %add3A_490 : i32 to index
      %get3A_503 = arith.constant 0 : index
      %get3A_504 = tpu.vector_load %arg14[%get3A_502, %get3A_503] {strides = array<i32>} : memref<128x128xf32, #tpu.memory_space<vmem>>, vector<16xf32>,
      %mul3A_505 = arith.mulf %get3A_501, %get3A_504 : vector<16xf32>
      %get3A_506 = arith.index_cast %shift_right_arithmetic3A_494 : i32 to index
      %get3A_507 = arith.index_cast %mul3A_498 : i32 to index
      %get3A_508 = tpu.vector_load %arg16[%get3A_506, %get3A_507] {strides = array<i32>} : memref<250x128xf32, #tpu.memory_space<vmem>>, vector<16xf32>,
      %mul3A_509 = arith.mulf %mul3A_505, %get3A_508 : vector<16xf32>
      %get3A_510 = arith.index_cast %add3A_490 : i32 to index
      %get3A_511 = arith.constant 16 : index
      %get3A_512 = tpu.vector_load %arg12[%get3A_510, %get3A_511] {strides = array<i32>} : memref<128x128xf32, #tpu.memory_space<vmem>>, vector<16xf32>,
      %get3A_513 = arith.index_cast %add3A_490 : i32 to index
      %get3A_514 = arith.constant 16 : index
      %get3A_515 = tpu.vector_load %arg14[%get3A_513, %get3A_514] {strides = array<i32>} : memref<128x128xf32, #tpu.memory_space<vmem>>, vector<16xf32>,
      %mul3A_516 = arith.mulf %get3A_512, %get3A_515 : vector<16xf32>
      %add3A_517 = arith.constant 16 : i32
      %add3A_518 = arith.addi %mul3A_498, %add3A_517 : i32
      %get3A_519 = arith.index_cast %shift_right_arithmetic3A_494 : i32 to index
      %get3A_520 = arith.index_cast %add3A_518 : i32 to index
      %get3A_521 = tpu.vector_load %arg16[%get3A_519, %get3A_520] {strides = array<i32>} : memref<250x128xf32, #tpu.memory_space<vmem>>, vector<16xf32>,
      %mul3A_522 = arith.mulf %mul3A_516, %get3A_521 : vector<16xf32>
      %add3A_523 = arith.addf %mul3A_509, %mul3A_522 : vector<16xf32>
      %reduce_sum3A_524 = arith.constant true
      %reduce_sum3A_525 = vector.broadcast %reduce_sum3A_524 : i1 to vector<16xi1>
      %reduce_sum3A_526 = tpu.scan <sum>, %add3A_523 masked %reduce_sum3A_525 : vector<16xf32>, vector<16xi1> -> vector<16xf32>
      %reduce_sum3A_527 = vector.extract %reduce_sum3A_526[15] : f32 from vector<16xf32>
      %broadcast_in_dim3A_528 = vector.broadcast %reduce_sum3A_527 : f32 to vector<16xf32>
      %select_n3A_529 = arith.select %eq3A_38, %broadcast_in_dim3A_528, %select_n3A_486 : vector<16xi1>, vector<16xf32>
      %mul3A_530 = arith.constant 16 : i32
      %mul3A_531 = arith.muli %scan3A_185, %mul3A_530 : i32
      %add3A_532 = arith.constant 8 : i32
      %add3A_533 = arith.addi %mul3A_531, %add3A_532 : i32
      %slice3A_534 = vector.extract_strided_slice %get3A_190 {offsets = [8], sizes = [1], strides = [1]} : vector<16xi32> to vector<1xi32>
      %squeeze3A_535 = vector.extract %slice3A_534[0] : i32 from vector<1xi32>
      %shift_right_arithmetic3A_536 = arith.constant 2 : i32
      %shift_right_arithmetic3A_537 = arith.shrsi %squeeze3A_535, %shift_right_arithmetic3A_536 : i32
      %and3A_538 = arith.constant 3 : i32
      %and3A_539 = arith.andi %squeeze3A_535, %and3A_538 : i32
      %mul3A_540 = arith.constant 32 : i32
      %mul3A_541 = arith.muli %and3A_539, %mul3A_540 : i32
      %get3A_542 = arith.index_cast %add3A_533 : i32 to index
      %get3A_543 = arith.constant 0 : index
      %get3A_544 = tpu.vector_load %arg12[%get3A_542, %get3A_543] {strides = array<i32>} : memref<128x128xf32, #tpu.memory_space<vmem>>, vector<16xf32>,
      %get3A_545 = arith.index_cast %add3A_533 : i32 to index
      %get3A_546 = arith.constant 0 : index
      %get3A_547 = tpu.vector_load %arg14[%get3A_545, %get3A_546] {strides = array<i32>} : memref<128x128xf32, #tpu.memory_space<vmem>>, vector<16xf32>,
      %mul3A_548 = arith.mulf %get3A_544, %get3A_547 : vector<16xf32>
      %get3A_549 = arith.index_cast %shift_right_arithmetic3A_537 : i32 to index
      %get3A_550 = arith.index_cast %mul3A_541 : i32 to index
      %get3A_551 = tpu.vector_load %arg16[%get3A_549, %get3A_550] {strides = array<i32>} : memref<250x128xf32, #tpu.memory_space<vmem>>, vector<16xf32>,
      %mul3A_552 = arith.mulf %mul3A_548, %get3A_551 : vector<16xf32>
      %get3A_553 = arith.index_cast %add3A_533 : i32 to index
      %get3A_554 = arith.constant 16 : index
      %get3A_555 = tpu.vector_load %arg12[%get3A_553, %get3A_554] {strides = array<i32>} : memref<128x128xf32, #tpu.memory_space<vmem>>, vector<16xf32>,
      %get3A_556 = arith.index_cast %add3A_533 : i32 to index
      %get3A_557 = arith.constant 16 : index
      %get3A_558 = tpu.vector_load %arg14[%get3A_556, %get3A_557] {strides = array<i32>} : memref<128x128xf32, #tpu.memory_space<vmem>>, vector<16xf32>,
      %mul3A_559 = arith.mulf %get3A_555, %get3A_558 : vector<16xf32>
      %add3A_560 = arith.constant 16 : i32
      %add3A_561 = arith.addi %mul3A_541, %add3A_560 : i32
      %get3A_562 = arith.index_cast %shift_right_arithmetic3A_537 : i32 to index
      %get3A_563 = arith.index_cast %add3A_561 : i32 to index
      %get3A_564 = tpu.vector_load %arg16[%get3A_562, %get3A_563] {strides = array<i32>} : memref<250x128xf32, #tpu.memory_space<vmem>>, vector<16xf32>,
      %mul3A_565 = arith.mulf %mul3A_559, %get3A_564 : vector<16xf32>
      %add3A_566 = arith.addf %mul3A_552, %mul3A_565 : vector<16xf32>
      %reduce_sum3A_567 = arith.constant true
      %reduce_sum3A_568 = vector.broadcast %reduce_sum3A_567 : i1 to vector<16xi1>
      %reduce_sum3A_569 = tpu.scan <sum>, %add3A_566 masked %reduce_sum3A_568 : vector<16xf32>, vector<16xi1> -> vector<16xf32>
      %reduce_sum3A_570 = vector.extract %reduce_sum3A_569[15] : f32 from vector<16xf32>
      %broadcast_in_dim3A_571 = vector.broadcast %reduce_sum3A_570 : f32 to vector<16xf32>
      %select_n3A_572 = arith.select %eq3A_41, %broadcast_in_dim3A_571, %select_n3A_529 : vector<16xi1>, vector<16xf32>
      %mul3A_573 = arith.constant 16 : i32
      %mul3A_574 = arith.muli %scan3A_185, %mul3A_573 : i32
      %add3A_575 = arith.constant 9 : i32
      %add3A_576 = arith.addi %mul3A_574, %add3A_575 : i32
      %slice3A_577 = vector.extract_strided_slice %get3A_190 {offsets = [9], sizes = [1], strides = [1]} : vector<16xi32> to vector<1xi32>
      %squeeze3A_578 = vector.extract %slice3A_577[0] : i32 from vector<1xi32>
      %shift_right_arithmetic3A_579 = arith.constant 2 : i32
      %shift_right_arithmetic3A_580 = arith.shrsi %squeeze3A_578, %shift_right_arithmetic3A_579 : i32
      %and3A_581 = arith.constant 3 : i32
      %and3A_582 = arith.andi %squeeze3A_578, %and3A_581 : i32
      %mul3A_583 = arith.constant 32 : i32
      %mul3A_584 = arith.muli %and3A_582, %mul3A_583 : i32
      %get3A_585 = arith.index_cast %add3A_576 : i32 to index
      %get3A_586 = arith.constant 0 : index
      %get3A_587 = tpu.vector_load %arg12[%get3A_585, %get3A_586] {strides = array<i32>} : memref<128x128xf32, #tpu.memory_space<vmem>>, vector<16xf32>,
      %get3A_588 = arith.index_cast %add3A_576 : i32 to index
      %get3A_589 = arith.constant 0 : index
      %get3A_590 = tpu.vector_load %arg14[%get3A_588, %get3A_589] {strides = array<i32>} : memref<128x128xf32, #tpu.memory_space<vmem>>, vector<16xf32>,
      %mul3A_591 = arith.mulf %get3A_587, %get3A_590 : vector<16xf32>
      %get3A_592 = arith.index_cast %shift_right_arithmetic3A_580 : i32 to index
      %get3A_593 = arith.index_cast %mul3A_584 : i32 to index
      %get3A_594 = tpu.vector_load %arg16[%get3A_592, %get3A_593] {strides = array<i32>} : memref<250x128xf32, #tpu.memory_space<vmem>>, vector<16xf32>,
      %mul3A_595 = arith.mulf %mul3A_591, %get3A_594 : vector<16xf32>
      %get3A_596 = arith.index_cast %add3A_576 : i32 to index
      %get3A_597 = arith.constant 16 : index
      %get3A_598 = tpu.vector_load %arg12[%get3A_596, %get3A_597] {strides = array<i32>} : memref<128x128xf32, #tpu.memory_space<vmem>>, vector<16xf32>,
      %get3A_599 = arith.index_cast %add3A_576 : i32 to index
      %get3A_600 = arith.constant 16 : index
      %get3A_601 = tpu.vector_load %arg14[%get3A_599, %get3A_600] {strides = array<i32>} : memref<128x128xf32, #tpu.memory_space<vmem>>, vector<16xf32>,
      %mul3A_602 = arith.mulf %get3A_598, %get3A_601 : vector<16xf32>
      %add3A_603 = arith.constant 16 : i32
      %add3A_604 = arith.addi %mul3A_584, %add3A_603 : i32
      %get3A_605 = arith.index_cast %shift_right_arithmetic3A_580 : i32 to index
      %get3A_606 = arith.index_cast %add3A_604 : i32 to index
      %get3A_607 = tpu.vector_load %arg16[%get3A_605, %get3A_606] {strides = array<i32>} : memref<250x128xf32, #tpu.memory_space<vmem>>, vector<16xf32>,
      %mul3A_608 = arith.mulf %mul3A_602, %get3A_607 : vector<16xf32>
      %add3A_609 = arith.addf %mul3A_595, %mul3A_608 : vector<16xf32>
      %reduce_sum3A_610 = arith.constant true
      %reduce_sum3A_611 = vector.broadcast %reduce_sum3A_610 : i1 to vector<16xi1>
      %reduce_sum3A_612 = tpu.scan <sum>, %add3A_609 masked %reduce_sum3A_611 : vector<16xf32>, vector<16xi1> -> vector<16xf32>
      %reduce_sum3A_613 = vector.extract %reduce_sum3A_612[15] : f32 from vector<16xf32>
      %broadcast_in_dim3A_614 = vector.broadcast %reduce_sum3A_613 : f32 to vector<16xf32>
      %select_n3A_615 = arith.select %eq3A_44, %broadcast_in_dim3A_614, %select_n3A_572 : vector<16xi1>, vector<16xf32>
      %mul3A_616 = arith.constant 16 : i32
      %mul3A_617 = arith.muli %scan3A_185, %mul3A_616 : i32
      %add3A_618 = arith.constant 10 : i32
      %add3A_619 = arith.addi %mul3A_617, %add3A_618 : i32
      %slice3A_620 = vector.extract_strided_slice %get3A_190 {offsets = [10], sizes = [1], strides = [1]} : vector<16xi32> to vector<1xi32>
      %squeeze3A_621 = vector.extract %slice3A_620[0] : i32 from vector<1xi32>
      %shift_right_arithmetic3A_622 = arith.constant 2 : i32
      %shift_right_arithmetic3A_623 = arith.shrsi %squeeze3A_621, %shift_right_arithmetic3A_622 : i32
      %and3A_624 = arith.constant 3 : i32
      %and3A_625 = arith.andi %squeeze3A_621, %and3A_624 : i32
      %mul3A_626 = arith.constant 32 : i32
      %mul3A_627 = arith.muli %and3A_625, %mul3A_626 : i32
      %get3A_628 = arith.index_cast %add3A_619 : i32 to index
      %get3A_629 = arith.constant 0 : index
      %get3A_630 = tpu.vector_load %arg12[%get3A_628, %get3A_629] {strides = array<i32>} : memref<128x128xf32, #tpu.memory_space<vmem>>, vector<16xf32>,
      %get3A_631 = arith.index_cast %add3A_619 : i32 to index
      %get3A_632 = arith.constant 0 : index
      %get3A_633 = tpu.vector_load %arg14[%get3A_631, %get3A_632] {strides = array<i32>} : memref<128x128xf32, #tpu.memory_space<vmem>>, vector<16xf32>,
      %mul3A_634 = arith.mulf %get3A_630, %get3A_633 : vector<16xf32>
      %get3A_635 = arith.index_cast %shift_right_arithmetic3A_623 : i32 to index
      %get3A_636 = arith.index_cast %mul3A_627 : i32 to index
      %get3A_637 = tpu.vector_load %arg16[%get3A_635, %get3A_636] {strides = array<i32>} : memref<250x128xf32, #tpu.memory_space<vmem>>, vector<16xf32>,
      %mul3A_638 = arith.mulf %mul3A_634, %get3A_637 : vector<16xf32>
      %get3A_639 = arith.index_cast %add3A_619 : i32 to index
      %get3A_640 = arith.constant 16 : index
      %get3A_641 = tpu.vector_load %arg12[%get3A_639, %get3A_640] {strides = array<i32>} : memref<128x128xf32, #tpu.memory_space<vmem>>, vector<16xf32>,
      %get3A_642 = arith.index_cast %add3A_619 : i32 to index
      %get3A_643 = arith.constant 16 : index
      %get3A_644 = tpu.vector_load %arg14[%get3A_642, %get3A_643] {strides = array<i32>} : memref<128x128xf32, #tpu.memory_space<vmem>>, vector<16xf32>,
      %mul3A_645 = arith.mulf %get3A_641, %get3A_644 : vector<16xf32>
      %add3A_646 = arith.constant 16 : i32
      %add3A_647 = arith.addi %mul3A_627, %add3A_646 : i32
      %get3A_648 = arith.index_cast %shift_right_arithmetic3A_623 : i32 to index
      %get3A_649 = arith.index_cast %add3A_647 : i32 to index
      %get3A_650 = tpu.vector_load %arg16[%get3A_648, %get3A_649] {strides = array<i32>} : memref<250x128xf32, #tpu.memory_space<vmem>>, vector<16xf32>,
      %mul3A_651 = arith.mulf %mul3A_645, %get3A_650 : vector<16xf32>
      %add3A_652 = arith.addf %mul3A_638, %mul3A_651 : vector<16xf32>
      %reduce_sum3A_653 = arith.constant true
      %reduce_sum3A_654 = vector.broadcast %reduce_sum3A_653 : i1 to vector<16xi1>
      %reduce_sum3A_655 = tpu.scan <sum>, %add3A_652 masked %reduce_sum3A_654 : vector<16xf32>, vector<16xi1> -> vector<16xf32>
      %reduce_sum3A_656 = vector.extract %reduce_sum3A_655[15] : f32 from vector<16xf32>
      %broadcast_in_dim3A_657 = vector.broadcast %reduce_sum3A_656 : f32 to vector<16xf32>
      %select_n3A_658 = arith.select %eq3A_47, %broadcast_in_dim3A_657, %select_n3A_615 : vector<16xi1>, vector<16xf32>
      %mul3A_659 = arith.constant 16 : i32
      %mul3A_660 = arith.muli %scan3A_185, %mul3A_659 : i32
      %add3A_661 = arith.constant 11 : i32
      %add3A_662 = arith.addi %mul3A_660, %add3A_661 : i32
      %slice3A_663 = vector.extract_strided_slice %get3A_190 {offsets = [11], sizes = [1], strides = [1]} : vector<16xi32> to vector<1xi32>
      %squeeze3A_664 = vector.extract %slice3A_663[0] : i32 from vector<1xi32>
      %shift_right_arithmetic3A_665 = arith.constant 2 : i32
      %shift_right_arithmetic3A_666 = arith.shrsi %squeeze3A_664, %shift_right_arithmetic3A_665 : i32
      %and3A_667 = arith.constant 3 : i32
      %and3A_668 = arith.andi %squeeze3A_664, %and3A_667 : i32
      %mul3A_669 = arith.constant 32 : i32
      %mul3A_670 = arith.muli %and3A_668, %mul3A_669 : i32
      %get3A_671 = arith.index_cast %add3A_662 : i32 to index
      %get3A_672 = arith.constant 0 : index
      %get3A_673 = tpu.vector_load %arg12[%get3A_671, %get3A_672] {strides = array<i32>} : memref<128x128xf32, #tpu.memory_space<vmem>>, vector<16xf32>,
      %get3A_674 = arith.index_cast %add3A_662 : i32 to index
      %get3A_675 = arith.constant 0 : index
      %get3A_676 = tpu.vector_load %arg14[%get3A_674, %get3A_675] {strides = array<i32>} : memref<128x128xf32, #tpu.memory_space<vmem>>, vector<16xf32>,
      %mul3A_677 = arith.mulf %get3A_673, %get3A_676 : vector<16xf32>
      %get3A_678 = arith.index_cast %shift_right_arithmetic3A_666 : i32 to index
      %get3A_679 = arith.index_cast %mul3A_670 : i32 to index
      %get3A_680 = tpu.vector_load %arg16[%get3A_678, %get3A_679] {strides = array<i32>} : memref<250x128xf32, #tpu.memory_space<vmem>>, vector<16xf32>,
      %mul3A_681 = arith.mulf %mul3A_677, %get3A_680 : vector<16xf32>
      %get3A_682 = arith.index_cast %add3A_662 : i32 to index
      %get3A_683 = arith.constant 16 : index
      %get3A_684 = tpu.vector_load %arg12[%get3A_682, %get3A_683] {strides = array<i32>} : memref<128x128xf32, #tpu.memory_space<vmem>>, vector<16xf32>,
      %get3A_685 = arith.index_cast %add3A_662 : i32 to index
      %get3A_686 = arith.constant 16 : index
      %get3A_687 = tpu.vector_load %arg14[%get3A_685, %get3A_686] {strides = array<i32>} : memref<128x128xf32, #tpu.memory_space<vmem>>, vector<16xf32>,
      %mul3A_688 = arith.mulf %get3A_684, %get3A_687 : vector<16xf32>
      %add3A_689 = arith.constant 16 : i32
      %add3A_690 = arith.addi %mul3A_670, %add3A_689 : i32
      %get3A_691 = arith.index_cast %shift_right_arithmetic3A_666 : i32 to index
      %get3A_692 = arith.index_cast %add3A_690 : i32 to index
      %get3A_693 = tpu.vector_load %arg16[%get3A_691, %get3A_692] {strides = array<i32>} : memref<250x128xf32, #tpu.memory_space<vmem>>, vector<16xf32>,
      %mul3A_694 = arith.mulf %mul3A_688, %get3A_693 : vector<16xf32>
      %add3A_695 = arith.addf %mul3A_681, %mul3A_694 : vector<16xf32>
      %reduce_sum3A_696 = arith.constant true
      %reduce_sum3A_697 = vector.broadcast %reduce_sum3A_696 : i1 to vector<16xi1>
      %reduce_sum3A_698 = tpu.scan <sum>, %add3A_695 masked %reduce_sum3A_697 : vector<16xf32>, vector<16xi1> -> vector<16xf32>
      %reduce_sum3A_699 = vector.extract %reduce_sum3A_698[15] : f32 from vector<16xf32>
      %broadcast_in_dim3A_700 = vector.broadcast %reduce_sum3A_699 : f32 to vector<16xf32>
      %select_n3A_701 = arith.select %eq3A_50, %broadcast_in_dim3A_700, %select_n3A_658 : vector<16xi1>, vector<16xf32>
      %mul3A_702 = arith.constant 16 : i32
      %mul3A_703 = arith.muli %scan3A_185, %mul3A_702 : i32
      %add3A_704 = arith.constant 12 : i32
      %add3A_705 = arith.addi %mul3A_703, %add3A_704 : i32
      %slice3A_706 = vector.extract_strided_slice %get3A_190 {offsets = [12], sizes = [1], strides = [1]} : vector<16xi32> to vector<1xi32>
      %squeeze3A_707 = vector.extract %slice3A_706[0] : i32 from vector<1xi32>
      %shift_right_arithmetic3A_708 = arith.constant 2 : i32
      %shift_right_arithmetic3A_709 = arith.shrsi %squeeze3A_707, %shift_right_arithmetic3A_708 : i32
      %and3A_710 = arith.constant 3 : i32
      %and3A_711 = arith.andi %squeeze3A_707, %and3A_710 : i32
      %mul3A_712 = arith.constant 32 : i32
      %mul3A_713 = arith.muli %and3A_711, %mul3A_712 : i32
      %get3A_714 = arith.index_cast %add3A_705 : i32 to index
      %get3A_715 = arith.constant 0 : index
      %get3A_716 = tpu.vector_load %arg12[%get3A_714, %get3A_715] {strides = array<i32>} : memref<128x128xf32, #tpu.memory_space<vmem>>, vector<16xf32>,
      %get3A_717 = arith.index_cast %add3A_705 : i32 to index
      %get3A_718 = arith.constant 0 : index
      %get3A_719 = tpu.vector_load %arg14[%get3A_717, %get3A_718] {strides = array<i32>} : memref<128x128xf32, #tpu.memory_space<vmem>>, vector<16xf32>,
      %mul3A_720 = arith.mulf %get3A_716, %get3A_719 : vector<16xf32>
      %get3A_721 = arith.index_cast %shift_right_arithmetic3A_709 : i32 to index
      %get3A_722 = arith.index_cast %mul3A_713 : i32 to index
      %get3A_723 = tpu.vector_load %arg16[%get3A_721, %get3A_722] {strides = array<i32>} : memref<250x128xf32, #tpu.memory_space<vmem>>, vector<16xf32>,
      %mul3A_724 = arith.mulf %mul3A_720, %get3A_723 : vector<16xf32>
      %get3A_725 = arith.index_cast %add3A_705 : i32 to index
      %get3A_726 = arith.constant 16 : index
      %get3A_727 = tpu.vector_load %arg12[%get3A_725, %get3A_726] {strides = array<i32>} : memref<128x128xf32, #tpu.memory_space<vmem>>, vector<16xf32>,
      %get3A_728 = arith.index_cast %add3A_705 : i32 to index
      %get3A_729 = arith.constant 16 : index
      %get3A_730 = tpu.vector_load %arg14[%get3A_728, %get3A_729] {strides = array<i32>} : memref<128x128xf32, #tpu.memory_space<vmem>>, vector<16xf32>,
      %mul3A_731 = arith.mulf %get3A_727, %get3A_730 : vector<16xf32>
      %add3A_732 = arith.constant 16 : i32
      %add3A_733 = arith.addi %mul3A_713, %add3A_732 : i32
      %get3A_734 = arith.index_cast %shift_right_arithmetic3A_709 : i32 to index
      %get3A_735 = arith.index_cast %add3A_733 : i32 to index
      %get3A_736 = tpu.vector_load %arg16[%get3A_734, %get3A_735] {strides = array<i32>} : memref<250x128xf32, #tpu.memory_space<vmem>>, vector<16xf32>,
      %mul3A_737 = arith.mulf %mul3A_731, %get3A_736 : vector<16xf32>
      %add3A_738 = arith.addf %mul3A_724, %mul3A_737 : vector<16xf32>
      %reduce_sum3A_739 = arith.constant true
      %reduce_sum3A_740 = vector.broadcast %reduce_sum3A_739 : i1 to vector<16xi1>
      %reduce_sum3A_741 = tpu.scan <sum>, %add3A_738 masked %reduce_sum3A_740 : vector<16xf32>, vector<16xi1> -> vector<16xf32>
      %reduce_sum3A_742 = vector.extract %reduce_sum3A_741[15] : f32 from vector<16xf32>
      %broadcast_in_dim3A_743 = vector.broadcast %reduce_sum3A_742 : f32 to vector<16xf32>
      %select_n3A_744 = arith.select %eq3A_53, %broadcast_in_dim3A_743, %select_n3A_701 : vector<16xi1>, vector<16xf32>
      %mul3A_745 = arith.constant 16 : i32
      %mul3A_746 = arith.muli %scan3A_185, %mul3A_745 : i32
      %add3A_747 = arith.constant 13 : i32
      %add3A_748 = arith.addi %mul3A_746, %add3A_747 : i32
      %slice3A_749 = vector.extract_strided_slice %get3A_190 {offsets = [13], sizes = [1], strides = [1]} : vector<16xi32> to vector<1xi32>
      %squeeze3A_750 = vector.extract %slice3A_749[0] : i32 from vector<1xi32>
      %shift_right_arithmetic3A_751 = arith.constant 2 : i32
      %shift_right_arithmetic3A_752 = arith.shrsi %squeeze3A_750, %shift_right_arithmetic3A_751 : i32
      %and3A_753 = arith.constant 3 : i32
      %and3A_754 = arith.andi %squeeze3A_750, %and3A_753 : i32
      %mul3A_755 = arith.constant 32 : i32
      %mul3A_756 = arith.muli %and3A_754, %mul3A_755 : i32
      %get3A_757 = arith.index_cast %add3A_748 : i32 to index
      %get3A_758 = arith.constant 0 : index
      %get3A_759 = tpu.vector_load %arg12[%get3A_757, %get3A_758] {strides = array<i32>} : memref<128x128xf32, #tpu.memory_space<vmem>>, vector<16xf32>,
      %get3A_760 = arith.index_cast %add3A_748 : i32 to index
      %get3A_761 = arith.constant 0 : index
      %get3A_762 = tpu.vector_load %arg14[%get3A_760, %get3A_761] {strides = array<i32>} : memref<128x128xf32, #tpu.memory_space<vmem>>, vector<16xf32>,
      %mul3A_763 = arith.mulf %get3A_759, %get3A_762 : vector<16xf32>
      %get3A_764 = arith.index_cast %shift_right_arithmetic3A_752 : i32 to index
      %get3A_765 = arith.index_cast %mul3A_756 : i32 to index
      %get3A_766 = tpu.vector_load %arg16[%get3A_764, %get3A_765] {strides = array<i32>} : memref<250x128xf32, #tpu.memory_space<vmem>>, vector<16xf32>,
      %mul3A_767 = arith.mulf %mul3A_763, %get3A_766 : vector<16xf32>
      %get3A_768 = arith.index_cast %add3A_748 : i32 to index
      %get3A_769 = arith.constant 16 : index
      %get3A_770 = tpu.vector_load %arg12[%get3A_768, %get3A_769] {strides = array<i32>} : memref<128x128xf32, #tpu.memory_space<vmem>>, vector<16xf32>,
      %get3A_771 = arith.index_cast %add3A_748 : i32 to index
      %get3A_772 = arith.constant 16 : index
      %get3A_773 = tpu.vector_load %arg14[%get3A_771, %get3A_772] {strides = array<i32>} : memref<128x128xf32, #tpu.memory_space<vmem>>, vector<16xf32>,
      %mul3A_774 = arith.mulf %get3A_770, %get3A_773 : vector<16xf32>
      %add3A_775 = arith.constant 16 : i32
      %add3A_776 = arith.addi %mul3A_756, %add3A_775 : i32
      %get3A_777 = arith.index_cast %shift_right_arithmetic3A_752 : i32 to index
      %get3A_778 = arith.index_cast %add3A_776 : i32 to index
      %get3A_779 = tpu.vector_load %arg16[%get3A_777, %get3A_778] {strides = array<i32>} : memref<250x128xf32, #tpu.memory_space<vmem>>, vector<16xf32>,
      %mul3A_780 = arith.mulf %mul3A_774, %get3A_779 : vector<16xf32>
      %add3A_781 = arith.addf %mul3A_767, %mul3A_780 : vector<16xf32>
      %reduce_sum3A_782 = arith.constant true
      %reduce_sum3A_783 = vector.broadcast %reduce_sum3A_782 : i1 to vector<16xi1>
      %reduce_sum3A_784 = tpu.scan <sum>, %add3A_781 masked %reduce_sum3A_783 : vector<16xf32>, vector<16xi1> -> vector<16xf32>
      %reduce_sum3A_785 = vector.extract %reduce_sum3A_784[15] : f32 from vector<16xf32>
      %broadcast_in_dim3A_786 = vector.broadcast %reduce_sum3A_785 : f32 to vector<16xf32>
      %select_n3A_787 = arith.select %eq3A_56, %broadcast_in_dim3A_786, %select_n3A_744 : vector<16xi1>, vector<16xf32>
      %mul3A_788 = arith.constant 16 : i32
      %mul3A_789 = arith.muli %scan3A_185, %mul3A_788 : i32
      %add3A_790 = arith.constant 14 : i32
      %add3A_791 = arith.addi %mul3A_789, %add3A_790 : i32
      %slice3A_792 = vector.extract_strided_slice %get3A_190 {offsets = [14], sizes = [1], strides = [1]} : vector<16xi32> to vector<1xi32>
      %squeeze3A_793 = vector.extract %slice3A_792[0] : i32 from vector<1xi32>
      %shift_right_arithmetic3A_794 = arith.constant 2 : i32
      %shift_right_arithmetic3A_795 = arith.shrsi %squeeze3A_793, %shift_right_arithmetic3A_794 : i32
      %and3A_796 = arith.constant 3 : i32
      %and3A_797 = arith.andi %squeeze3A_793, %and3A_796 : i32
      %mul3A_798 = arith.constant 32 : i32
      %mul3A_799 = arith.muli %and3A_797, %mul3A_798 : i32
      %get3A_800 = arith.index_cast %add3A_791 : i32 to index
      %get3A_801 = arith.constant 0 : index
      %get3A_802 = tpu.vector_load %arg12[%get3A_800, %get3A_801] {strides = array<i32>} : memref<128x128xf32, #tpu.memory_space<vmem>>, vector<16xf32>,
      %get3A_803 = arith.index_cast %add3A_791 : i32 to index
      %get3A_804 = arith.constant 0 : index
      %get3A_805 = tpu.vector_load %arg14[%get3A_803, %get3A_804] {strides = array<i32>} : memref<128x128xf32, #tpu.memory_space<vmem>>, vector<16xf32>,
      %mul3A_806 = arith.mulf %get3A_802, %get3A_805 : vector<16xf32>
      %get3A_807 = arith.index_cast %shift_right_arithmetic3A_795 : i32 to index
      %get3A_808 = arith.index_cast %mul3A_799 : i32 to index
      %get3A_809 = tpu.vector_load %arg16[%get3A_807, %get3A_808] {strides = array<i32>} : memref<250x128xf32, #tpu.memory_space<vmem>>, vector<16xf32>,
      %mul3A_810 = arith.mulf %mul3A_806, %get3A_809 : vector<16xf32>
      %get3A_811 = arith.index_cast %add3A_791 : i32 to index
      %get3A_812 = arith.constant 16 : index
      %get3A_813 = tpu.vector_load %arg12[%get3A_811, %get3A_812] {strides = array<i32>} : memref<128x128xf32, #tpu.memory_space<vmem>>, vector<16xf32>,
      %get3A_814 = arith.index_cast %add3A_791 : i32 to index
      %get3A_815 = arith.constant 16 : index
      %get3A_816 = tpu.vector_load %arg14[%get3A_814, %get3A_815] {strides = array<i32>} : memref<128x128xf32, #tpu.memory_space<vmem>>, vector<16xf32>,
      %mul3A_817 = arith.mulf %get3A_813, %get3A_816 : vector<16xf32>
      %add3A_818 = arith.constant 16 : i32
      %add3A_819 = arith.addi %mul3A_799, %add3A_818 : i32
      %get3A_820 = arith.index_cast %shift_right_arithmetic3A_795 : i32 to index
      %get3A_821 = arith.index_cast %add3A_819 : i32 to index
      %get3A_822 = tpu.vector_load %arg16[%get3A_820, %get3A_821] {strides = array<i32>} : memref<250x128xf32, #tpu.memory_space<vmem>>, vector<16xf32>,
      %mul3A_823 = arith.mulf %mul3A_817, %get3A_822 : vector<16xf32>
      %add3A_824 = arith.addf %mul3A_810, %mul3A_823 : vector<16xf32>
      %reduce_sum3A_825 = arith.constant true
      %reduce_sum3A_826 = vector.broadcast %reduce_sum3A_825 : i1 to vector<16xi1>
      %reduce_sum3A_827 = tpu.scan <sum>, %add3A_824 masked %reduce_sum3A_826 : vector<16xf32>, vector<16xi1> -> vector<16xf32>
      %reduce_sum3A_828 = vector.extract %reduce_sum3A_827[15] : f32 from vector<16xf32>
      %broadcast_in_dim3A_829 = vector.broadcast %reduce_sum3A_828 : f32 to vector<16xf32>
      %select_n3A_830 = arith.select %eq3A_59, %broadcast_in_dim3A_829, %select_n3A_787 : vector<16xi1>, vector<16xf32>
      %mul3A_831 = arith.constant 16 : i32
      %mul3A_832 = arith.muli %scan3A_185, %mul3A_831 : i32
      %add3A_833 = arith.constant 15 : i32
      %add3A_834 = arith.addi %mul3A_832, %add3A_833 : i32
      %slice3A_835 = vector.extract_strided_slice %get3A_190 {offsets = [15], sizes = [1], strides = [1]} : vector<16xi32> to vector<1xi32>
      %squeeze3A_836 = vector.extract %slice3A_835[0] : i32 from vector<1xi32>
      %shift_right_arithmetic3A_837 = arith.constant 2 : i32
      %shift_right_arithmetic3A_838 = arith.shrsi %squeeze3A_836, %shift_right_arithmetic3A_837 : i32
      %and3A_839 = arith.constant 3 : i32
      %and3A_840 = arith.andi %squeeze3A_836, %and3A_839 : i32
      %mul3A_841 = arith.constant 32 : i32
      %mul3A_842 = arith.muli %and3A_840, %mul3A_841 : i32
      %get3A_843 = arith.index_cast %add3A_834 : i32 to index
      %get3A_844 = arith.constant 0 : index
      %get3A_845 = tpu.vector_load %arg12[%get3A_843, %get3A_844] {strides = array<i32>} : memref<128x128xf32, #tpu.memory_space<vmem>>, vector<16xf32>,
      %get3A_846 = arith.index_cast %add3A_834 : i32 to index
      %get3A_847 = arith.constant 0 : index
      %get3A_848 = tpu.vector_load %arg14[%get3A_846, %get3A_847] {strides = array<i32>} : memref<128x128xf32, #tpu.memory_space<vmem>>, vector<16xf32>,
      %mul3A_849 = arith.mulf %get3A_845, %get3A_848 : vector<16xf32>
      %get3A_850 = arith.index_cast %shift_right_arithmetic3A_838 : i32 to index
      %get3A_851 = arith.index_cast %mul3A_842 : i32 to index
      %get3A_852 = tpu.vector_load %arg16[%get3A_850, %get3A_851] {strides = array<i32>} : memref<250x128xf32, #tpu.memory_space<vmem>>, vector<16xf32>,
      %mul3A_853 = arith.mulf %mul3A_849, %get3A_852 : vector<16xf32>
      %get3A_854 = arith.index_cast %add3A_834 : i32 to index
      %get3A_855 = arith.constant 16 : index
      %get3A_856 = tpu.vector_load %arg12[%get3A_854, %get3A_855] {strides = array<i32>} : memref<128x128xf32, #tpu.memory_space<vmem>>, vector<16xf32>,
      %get3A_857 = arith.index_cast %add3A_834 : i32 to index
      %get3A_858 = arith.constant 16 : index
      %get3A_859 = tpu.vector_load %arg14[%get3A_857, %get3A_858] {strides = array<i32>} : memref<128x128xf32, #tpu.memory_space<vmem>>, vector<16xf32>,
      %mul3A_860 = arith.mulf %get3A_856, %get3A_859 : vector<16xf32>
      %add3A_861 = arith.constant 16 : i32
      %add3A_862 = arith.addi %mul3A_842, %add3A_861 : i32
      %get3A_863 = arith.index_cast %shift_right_arithmetic3A_838 : i32 to index
      %get3A_864 = arith.index_cast %add3A_862 : i32 to index
      %get3A_865 = tpu.vector_load %arg16[%get3A_863, %get3A_864] {strides = array<i32>} : memref<250x128xf32, #tpu.memory_space<vmem>>, vector<16xf32>,
      %mul3A_866 = arith.mulf %mul3A_860, %get3A_865 : vector<16xf32>
      %add3A_867 = arith.addf %mul3A_853, %mul3A_866 : vector<16xf32>
      %reduce_sum3A_868 = arith.constant true
      %reduce_sum3A_869 = vector.broadcast %reduce_sum3A_868 : i1 to vector<16xi1>
      %reduce_sum3A_870 = tpu.scan <sum>, %add3A_867 masked %reduce_sum3A_869 : vector<16xf32>, vector<16xi1> -> vector<16xf32>
      %reduce_sum3A_871 = vector.extract %reduce_sum3A_870[15] : f32 from vector<16xf32>
      %broadcast_in_dim3A_872 = vector.broadcast %reduce_sum3A_871 : f32 to vector<16xf32>
      %select_n3A_873 = arith.select %eq3A_62, %broadcast_in_dim3A_872, %select_n3A_830 : vector<16xi1>, vector<16xf32>
      %neg3A = arith.constant 0.000000e+00 : f32
      %neg3A_874 = vector.broadcast %neg3A : f32 to vector<16xf32>
      %neg3A_875 = arith.subf %neg3A_874, %select_n3A_873 : vector<16xf32>
      %exp3A = math.exp %neg3A_875 : vector<16xf32>
      %add3A_876 = arith.constant 1.000000e+00 : f32
      %add3A_877 = vector.broadcast %add3A_876 : f32 to vector<16xf32>
      %add3A_878 = arith.addf %add3A_877, %exp3A : vector<16xf32>
      %div3A = arith.constant 1.000000e+00 : f32
      %div3A_879 = vector.broadcast %div3A : f32 to vector<16xf32>
      %div3A_880 = arith.divf %div3A_879, %add3A_878 : vector<16xf32>
      %mul3A_881 = arith.constant 16 : i32
      %mul3A_882 = arith.muli %scan3A_185, %mul3A_881 : i32
      %add3A_883 = arith.constant 256 : i32
      %add3A_884 = arith.addi %add3A_883, %mul3A_882 : i32
      %swap3A = arith.index_cast %add3A_884 : i32 to index
      %swap3A_885 = tpu.vector_load %arg17[%swap3A] {strides = array<i32>} : memref<512xf32, #tpu.memory_space<vmem>>, vector<16xf32>,
      tpu.vector_store %arg17[%swap3A], %div3A_880 {strides = array<i32>} : memref<512xf32, #tpu.memory_space<vmem>>, vector<16xf32>,
    }
    %scan3A_162 = arith.constant 8 : i32
    %dma_wait3A_163 = arith.constant 3 : i32
    %dma_wait3A_164 = arith.constant 0 : i32
    %dma_wait3A_165 = tpu.memref_slice %arg10[%dma_wait3A_163, %dma_wait3A_164] : memref<4x128xi32, #tpu.memory_space<vmem>> -> memref<1x128xi32, #tpu.memory_space<vmem>>
    %dma_wait3A_166 = tpu.memref_squeeze %dma_wait3A_165 : memref<1x128xi32, #tpu.memory_space<vmem>> -> memref<128xi32, #tpu.memory_space<vmem>>
    %dma_wait3A_167 = arith.constant 0 : i32
    %dma_wait3A_168 = arith.constant 0 : i32
    %dma_wait3A_169 = tpu.memref_slice %arg5[%dma_wait3A_167, %dma_wait3A_168] : memref<100000x128xf32, #tpu.memory_space<hbm>> -> memref<100000x128xf32, #tpu.memory_space<hbm>>
    tpu.wait_indirect_dma semaphore(%arg19 : memref<!tpu.dma_semaphore, #tpu.memory_space<semaphore_mem>>) src(%dma_wait3A_169 : memref<100000x128xf32, #tpu.memory_space<hbm>>) dst(%arg13 : memref<128x128xf32, #tpu.memory_space<vmem>>)
    %dma_wait3A_170 = arith.constant 3 : i32
    %dma_wait3A_171 = arith.constant 0 : i32
    %dma_wait3A_172 = tpu.memref_slice %arg11[%dma_wait3A_170, %dma_wait3A_171] : memref<4x128xi32, #tpu.memory_space<vmem>> -> memref<1x128xi32, #tpu.memory_space<vmem>>
    %dma_wait3A_173 = tpu.memref_squeeze %dma_wait3A_172 : memref<1x128xi32, #tpu.memory_space<vmem>> -> memref<128xi32, #tpu.memory_space<vmem>>
    %dma_wait3A_174 = arith.constant 0 : i32
    %dma_wait3A_175 = arith.constant 0 : i32
    %dma_wait3A_176 = tpu.memref_slice %arg6[%dma_wait3A_174, %dma_wait3A_175] : memref<100000x128xf32, #tpu.memory_space<hbm>> -> memref<100000x128xf32, #tpu.memory_space<hbm>>
    tpu.wait_indirect_dma semaphore(%arg19 : memref<!tpu.dma_semaphore, #tpu.memory_space<semaphore_mem>>) src(%dma_wait3A_176 : memref<100000x128xf32, #tpu.memory_space<hbm>>) dst(%arg15 : memref<128x128xf32, #tpu.memory_space<vmem>>)
    %scan3A_177 = arith.constant 0 : i32
    %scan3A_178 = arith.constant 0 : i32
    %scan3A_179 = arith.constant 8 : i32
    %scan3A_180 = arith.addi %scan3A_178, %scan3A_179 : i32
    %scan3A_181 = arith.constant 1 : i32
    scf.for %scan3A_185 = %scan3A_178 to %scan3A_180 step %scan3A_181  : i32 {
      %mul3A_186 = arith.constant 16 : i32
      %mul3A_187 = arith.muli %scan3A_185, %mul3A_186 : i32
      %get3A = arith.constant 3 : i32
      %get3A_188 = arith.index_cast %get3A : i32 to index
      %get3A_189 = arith.index_cast %mul3A_187 : i32 to index
      %get3A_190 = tpu.vector_load %arg9[%get3A_188, %get3A_189] {strides = array<i32>} : memref<4x128xi32, #tpu.memory_space<vmem>>, vector<16xi32>,
      %broadcast_in_dim3A = arith.constant 0.000000e+00 : f32
      %broadcast_in_dim3A_191 = vector.broadcast %broadcast_in_dim3A : f32 to vector<16xf32>
      %mul3A_192 = arith.constant 16 : i32
      %mul3A_193 = arith.muli %scan3A_185, %mul3A_192 : i32
      %add3A_194 = arith.constant 0 : i32
      %add3A_195 = arith.addi %mul3A_193, %add3A_194 : i32
      %slice3A = vector.extract_strided_slice %get3A_190 {offsets = [0], sizes = [1], strides = [1]} : vector<16xi32> to vector<1xi32>
      %squeeze3A = vector.extract %slice3A[0] : i32 from vector<1xi32>
      %shift_right_arithmetic3A = arith.constant 2 : i32
      %shift_right_arithmetic3A_196 = arith.shrsi %squeeze3A, %shift_right_arithmetic3A : i32
      %and3A = arith.constant 3 : i32
      %and3A_197 = arith.andi %squeeze3A, %and3A : i32
      %mul3A_198 = arith.constant 32 : i32
      %mul3A_199 = arith.muli %and3A_197, %mul3A_198 : i32
      %get3A_200 = arith.index_cast %add3A_195 : i32 to index
      %get3A_201 = arith.constant 0 : index
      %get3A_202 = tpu.vector_load %arg13[%get3A_200, %get3A_201] {strides = array<i32>} : memref<128x128xf32, #tpu.memory_space<vmem>>, vector<16xf32>,
      %get3A_203 = arith.index_cast %add3A_195 : i32 to index
      %get3A_204 = arith.constant 0 : index
      %get3A_205 = tpu.vector_load %arg15[%get3A_203, %get3A_204] {strides = array<i32>} : memref<128x128xf32, #tpu.memory_space<vmem>>, vector<16xf32>,
      %mul3A_206 = arith.mulf %get3A_202, %get3A_205 : vector<16xf32>
      %get3A_207 = arith.index_cast %shift_right_arithmetic3A_196 : i32 to index
      %get3A_208 = arith.index_cast %mul3A_199 : i32 to index
      %get3A_209 = tpu.vector_load %arg16[%get3A_207, %get3A_208] {strides = array<i32>} : memref<250x128xf32, #tpu.memory_space<vmem>>, vector<16xf32>,
      %mul3A_210 = arith.mulf %mul3A_206, %get3A_209 : vector<16xf32>
      %get3A_211 = arith.index_cast %add3A_195 : i32 to index
      %get3A_212 = arith.constant 16 : index
      %get3A_213 = tpu.vector_load %arg13[%get3A_211, %get3A_212] {strides = array<i32>} : memref<128x128xf32, #tpu.memory_space<vmem>>, vector<16xf32>,
      %get3A_214 = arith.index_cast %add3A_195 : i32 to index
      %get3A_215 = arith.constant 16 : index
      %get3A_216 = tpu.vector_load %arg15[%get3A_214, %get3A_215] {strides = array<i32>} : memref<128x128xf32, #tpu.memory_space<vmem>>, vector<16xf32>,
      %mul3A_217 = arith.mulf %get3A_213, %get3A_216 : vector<16xf32>
      %add3A_218 = arith.constant 16 : i32
      %add3A_219 = arith.addi %mul3A_199, %add3A_218 : i32
      %get3A_220 = arith.index_cast %shift_right_arithmetic3A_196 : i32 to index
      %get3A_221 = arith.index_cast %add3A_219 : i32 to index
      %get3A_222 = tpu.vector_load %arg16[%get3A_220, %get3A_221] {strides = array<i32>} : memref<250x128xf32, #tpu.memory_space<vmem>>, vector<16xf32>,
      %mul3A_223 = arith.mulf %mul3A_217, %get3A_222 : vector<16xf32>
      %add3A_224 = arith.addf %mul3A_210, %mul3A_223 : vector<16xf32>
      %reduce_sum3A = arith.constant true
      %reduce_sum3A_225 = vector.broadcast %reduce_sum3A : i1 to vector<16xi1>
      %reduce_sum3A_226 = tpu.scan <sum>, %add3A_224 masked %reduce_sum3A_225 : vector<16xf32>, vector<16xi1> -> vector<16xf32>
      %reduce_sum3A_227 = vector.extract %reduce_sum3A_226[15] : f32 from vector<16xf32>
      %broadcast_in_dim3A_228 = vector.broadcast %reduce_sum3A_227 : f32 to vector<16xf32>
      %select_n3A = arith.select %eq3A_17, %broadcast_in_dim3A_228, %broadcast_in_dim3A_191 : vector<16xi1>, vector<16xf32>
      %mul3A_229 = arith.constant 16 : i32
      %mul3A_230 = arith.muli %scan3A_185, %mul3A_229 : i32
      %add3A_231 = arith.constant 1 : i32
      %add3A_232 = arith.addi %mul3A_230, %add3A_231 : i32
      %slice3A_233 = vector.extract_strided_slice %get3A_190 {offsets = [1], sizes = [1], strides = [1]} : vector<16xi32> to vector<1xi32>
      %squeeze3A_234 = vector.extract %slice3A_233[0] : i32 from vector<1xi32>
      %shift_right_arithmetic3A_235 = arith.constant 2 : i32
      %shift_right_arithmetic3A_236 = arith.shrsi %squeeze3A_234, %shift_right_arithmetic3A_235 : i32
      %and3A_237 = arith.constant 3 : i32
      %and3A_238 = arith.andi %squeeze3A_234, %and3A_237 : i32
      %mul3A_239 = arith.constant 32 : i32
      %mul3A_240 = arith.muli %and3A_238, %mul3A_239 : i32
      %get3A_241 = arith.index_cast %add3A_232 : i32 to index
      %get3A_242 = arith.constant 0 : index
      %get3A_243 = tpu.vector_load %arg13[%get3A_241, %get3A_242] {strides = array<i32>} : memref<128x128xf32, #tpu.memory_space<vmem>>, vector<16xf32>,
      %get3A_244 = arith.index_cast %add3A_232 : i32 to index
      %get3A_245 = arith.constant 0 : index
      %get3A_246 = tpu.vector_load %arg15[%get3A_244, %get3A_245] {strides = array<i32>} : memref<128x128xf32, #tpu.memory_space<vmem>>, vector<16xf32>,
      %mul3A_247 = arith.mulf %get3A_243, %get3A_246 : vector<16xf32>
      %get3A_248 = arith.index_cast %shift_right_arithmetic3A_236 : i32 to index
      %get3A_249 = arith.index_cast %mul3A_240 : i32 to index
      %get3A_250 = tpu.vector_load %arg16[%get3A_248, %get3A_249] {strides = array<i32>} : memref<250x128xf32, #tpu.memory_space<vmem>>, vector<16xf32>,
      %mul3A_251 = arith.mulf %mul3A_247, %get3A_250 : vector<16xf32>
      %get3A_252 = arith.index_cast %add3A_232 : i32 to index
      %get3A_253 = arith.constant 16 : index
      %get3A_254 = tpu.vector_load %arg13[%get3A_252, %get3A_253] {strides = array<i32>} : memref<128x128xf32, #tpu.memory_space<vmem>>, vector<16xf32>,
      %get3A_255 = arith.index_cast %add3A_232 : i32 to index
      %get3A_256 = arith.constant 16 : index
      %get3A_257 = tpu.vector_load %arg15[%get3A_255, %get3A_256] {strides = array<i32>} : memref<128x128xf32, #tpu.memory_space<vmem>>, vector<16xf32>,
      %mul3A_258 = arith.mulf %get3A_254, %get3A_257 : vector<16xf32>
      %add3A_259 = arith.constant 16 : i32
      %add3A_260 = arith.addi %mul3A_240, %add3A_259 : i32
      %get3A_261 = arith.index_cast %shift_right_arithmetic3A_236 : i32 to index
      %get3A_262 = arith.index_cast %add3A_260 : i32 to index
      %get3A_263 = tpu.vector_load %arg16[%get3A_261, %get3A_262] {strides = array<i32>} : memref<250x128xf32, #tpu.memory_space<vmem>>, vector<16xf32>,
      %mul3A_264 = arith.mulf %mul3A_258, %get3A_263 : vector<16xf32>
      %add3A_265 = arith.addf %mul3A_251, %mul3A_264 : vector<16xf32>
      %reduce_sum3A_266 = arith.constant true
      %reduce_sum3A_267 = vector.broadcast %reduce_sum3A_266 : i1 to vector<16xi1>
      %reduce_sum3A_268 = tpu.scan <sum>, %add3A_265 masked %reduce_sum3A_267 : vector<16xf32>, vector<16xi1> -> vector<16xf32>
      %reduce_sum3A_269 = vector.extract %reduce_sum3A_268[15] : f32 from vector<16xf32>
      %broadcast_in_dim3A_270 = vector.broadcast %reduce_sum3A_269 : f32 to vector<16xf32>
      %select_n3A_271 = arith.select %eq3A_20, %broadcast_in_dim3A_270, %select_n3A : vector<16xi1>, vector<16xf32>
      %mul3A_272 = arith.constant 16 : i32
      %mul3A_273 = arith.muli %scan3A_185, %mul3A_272 : i32
      %add3A_274 = arith.constant 2 : i32
      %add3A_275 = arith.addi %mul3A_273, %add3A_274 : i32
      %slice3A_276 = vector.extract_strided_slice %get3A_190 {offsets = [2], sizes = [1], strides = [1]} : vector<16xi32> to vector<1xi32>
      %squeeze3A_277 = vector.extract %slice3A_276[0] : i32 from vector<1xi32>
      %shift_right_arithmetic3A_278 = arith.constant 2 : i32
      %shift_right_arithmetic3A_279 = arith.shrsi %squeeze3A_277, %shift_right_arithmetic3A_278 : i32
      %and3A_280 = arith.constant 3 : i32
      %and3A_281 = arith.andi %squeeze3A_277, %and3A_280 : i32
      %mul3A_282 = arith.constant 32 : i32
      %mul3A_283 = arith.muli %and3A_281, %mul3A_282 : i32
      %get3A_284 = arith.index_cast %add3A_275 : i32 to index
      %get3A_285 = arith.constant 0 : index
      %get3A_286 = tpu.vector_load %arg13[%get3A_284, %get3A_285] {strides = array<i32>} : memref<128x128xf32, #tpu.memory_space<vmem>>, vector<16xf32>,
      %get3A_287 = arith.index_cast %add3A_275 : i32 to index
      %get3A_288 = arith.constant 0 : index
      %get3A_289 = tpu.vector_load %arg15[%get3A_287, %get3A_288] {strides = array<i32>} : memref<128x128xf32, #tpu.memory_space<vmem>>, vector<16xf32>,
      %mul3A_290 = arith.mulf %get3A_286, %get3A_289 : vector<16xf32>
      %get3A_291 = arith.index_cast %shift_right_arithmetic3A_279 : i32 to index
      %get3A_292 = arith.index_cast %mul3A_283 : i32 to index
      %get3A_293 = tpu.vector_load %arg16[%get3A_291, %get3A_292] {strides = array<i32>} : memref<250x128xf32, #tpu.memory_space<vmem>>, vector<16xf32>,
      %mul3A_294 = arith.mulf %mul3A_290, %get3A_293 : vector<16xf32>
      %get3A_295 = arith.index_cast %add3A_275 : i32 to index
      %get3A_296 = arith.constant 16 : index
      %get3A_297 = tpu.vector_load %arg13[%get3A_295, %get3A_296] {strides = array<i32>} : memref<128x128xf32, #tpu.memory_space<vmem>>, vector<16xf32>,
      %get3A_298 = arith.index_cast %add3A_275 : i32 to index
      %get3A_299 = arith.constant 16 : index
      %get3A_300 = tpu.vector_load %arg15[%get3A_298, %get3A_299] {strides = array<i32>} : memref<128x128xf32, #tpu.memory_space<vmem>>, vector<16xf32>,
      %mul3A_301 = arith.mulf %get3A_297, %get3A_300 : vector<16xf32>
      %add3A_302 = arith.constant 16 : i32
      %add3A_303 = arith.addi %mul3A_283, %add3A_302 : i32
      %get3A_304 = arith.index_cast %shift_right_arithmetic3A_279 : i32 to index
      %get3A_305 = arith.index_cast %add3A_303 : i32 to index
      %get3A_306 = tpu.vector_load %arg16[%get3A_304, %get3A_305] {strides = array<i32>} : memref<250x128xf32, #tpu.memory_space<vmem>>, vector<16xf32>,
      %mul3A_307 = arith.mulf %mul3A_301, %get3A_306 : vector<16xf32>
      %add3A_308 = arith.addf %mul3A_294, %mul3A_307 : vector<16xf32>
      %reduce_sum3A_309 = arith.constant true
      %reduce_sum3A_310 = vector.broadcast %reduce_sum3A_309 : i1 to vector<16xi1>
      %reduce_sum3A_311 = tpu.scan <sum>, %add3A_308 masked %reduce_sum3A_310 : vector<16xf32>, vector<16xi1> -> vector<16xf32>
      %reduce_sum3A_312 = vector.extract %reduce_sum3A_311[15] : f32 from vector<16xf32>
      %broadcast_in_dim3A_313 = vector.broadcast %reduce_sum3A_312 : f32 to vector<16xf32>
      %select_n3A_314 = arith.select %eq3A_23, %broadcast_in_dim3A_313, %select_n3A_271 : vector<16xi1>, vector<16xf32>
      %mul3A_315 = arith.constant 16 : i32
      %mul3A_316 = arith.muli %scan3A_185, %mul3A_315 : i32
      %add3A_317 = arith.constant 3 : i32
      %add3A_318 = arith.addi %mul3A_316, %add3A_317 : i32
      %slice3A_319 = vector.extract_strided_slice %get3A_190 {offsets = [3], sizes = [1], strides = [1]} : vector<16xi32> to vector<1xi32>
      %squeeze3A_320 = vector.extract %slice3A_319[0] : i32 from vector<1xi32>
      %shift_right_arithmetic3A_321 = arith.constant 2 : i32
      %shift_right_arithmetic3A_322 = arith.shrsi %squeeze3A_320, %shift_right_arithmetic3A_321 : i32
      %and3A_323 = arith.constant 3 : i32
      %and3A_324 = arith.andi %squeeze3A_320, %and3A_323 : i32
      %mul3A_325 = arith.constant 32 : i32
      %mul3A_326 = arith.muli %and3A_324, %mul3A_325 : i32
      %get3A_327 = arith.index_cast %add3A_318 : i32 to index
      %get3A_328 = arith.constant 0 : index
      %get3A_329 = tpu.vector_load %arg13[%get3A_327, %get3A_328] {strides = array<i32>} : memref<128x128xf32, #tpu.memory_space<vmem>>, vector<16xf32>,
      %get3A_330 = arith.index_cast %add3A_318 : i32 to index
      %get3A_331 = arith.constant 0 : index
      %get3A_332 = tpu.vector_load %arg15[%get3A_330, %get3A_331] {strides = array<i32>} : memref<128x128xf32, #tpu.memory_space<vmem>>, vector<16xf32>,
      %mul3A_333 = arith.mulf %get3A_329, %get3A_332 : vector<16xf32>
      %get3A_334 = arith.index_cast %shift_right_arithmetic3A_322 : i32 to index
      %get3A_335 = arith.index_cast %mul3A_326 : i32 to index
      %get3A_336 = tpu.vector_load %arg16[%get3A_334, %get3A_335] {strides = array<i32>} : memref<250x128xf32, #tpu.memory_space<vmem>>, vector<16xf32>,
      %mul3A_337 = arith.mulf %mul3A_333, %get3A_336 : vector<16xf32>
      %get3A_338 = arith.index_cast %add3A_318 : i32 to index
      %get3A_339 = arith.constant 16 : index
      %get3A_340 = tpu.vector_load %arg13[%get3A_338, %get3A_339] {strides = array<i32>} : memref<128x128xf32, #tpu.memory_space<vmem>>, vector<16xf32>,
      %get3A_341 = arith.index_cast %add3A_318 : i32 to index
      %get3A_342 = arith.constant 16 : index
      %get3A_343 = tpu.vector_load %arg15[%get3A_341, %get3A_342] {strides = array<i32>} : memref<128x128xf32, #tpu.memory_space<vmem>>, vector<16xf32>,
      %mul3A_344 = arith.mulf %get3A_340, %get3A_343 : vector<16xf32>
      %add3A_345 = arith.constant 16 : i32
      %add3A_346 = arith.addi %mul3A_326, %add3A_345 : i32
      %get3A_347 = arith.index_cast %shift_right_arithmetic3A_322 : i32 to index
      %get3A_348 = arith.index_cast %add3A_346 : i32 to index
      %get3A_349 = tpu.vector_load %arg16[%get3A_347, %get3A_348] {strides = array<i32>} : memref<250x128xf32, #tpu.memory_space<vmem>>, vector<16xf32>,
      %mul3A_350 = arith.mulf %mul3A_344, %get3A_349 : vector<16xf32>
      %add3A_351 = arith.addf %mul3A_337, %mul3A_350 : vector<16xf32>
      %reduce_sum3A_352 = arith.constant true
      %reduce_sum3A_353 = vector.broadcast %reduce_sum3A_352 : i1 to vector<16xi1>
      %reduce_sum3A_354 = tpu.scan <sum>, %add3A_351 masked %reduce_sum3A_353 : vector<16xf32>, vector<16xi1> -> vector<16xf32>
      %reduce_sum3A_355 = vector.extract %reduce_sum3A_354[15] : f32 from vector<16xf32>
      %broadcast_in_dim3A_356 = vector.broadcast %reduce_sum3A_355 : f32 to vector<16xf32>
      %select_n3A_357 = arith.select %eq3A_26, %broadcast_in_dim3A_356, %select_n3A_314 : vector<16xi1>, vector<16xf32>
      %mul3A_358 = arith.constant 16 : i32
      %mul3A_359 = arith.muli %scan3A_185, %mul3A_358 : i32
      %add3A_360 = arith.constant 4 : i32
      %add3A_361 = arith.addi %mul3A_359, %add3A_360 : i32
      %slice3A_362 = vector.extract_strided_slice %get3A_190 {offsets = [4], sizes = [1], strides = [1]} : vector<16xi32> to vector<1xi32>
      %squeeze3A_363 = vector.extract %slice3A_362[0] : i32 from vector<1xi32>
      %shift_right_arithmetic3A_364 = arith.constant 2 : i32
      %shift_right_arithmetic3A_365 = arith.shrsi %squeeze3A_363, %shift_right_arithmetic3A_364 : i32
      %and3A_366 = arith.constant 3 : i32
      %and3A_367 = arith.andi %squeeze3A_363, %and3A_366 : i32
      %mul3A_368 = arith.constant 32 : i32
      %mul3A_369 = arith.muli %and3A_367, %mul3A_368 : i32
      %get3A_370 = arith.index_cast %add3A_361 : i32 to index
      %get3A_371 = arith.constant 0 : index
      %get3A_372 = tpu.vector_load %arg13[%get3A_370, %get3A_371] {strides = array<i32>} : memref<128x128xf32, #tpu.memory_space<vmem>>, vector<16xf32>,
      %get3A_373 = arith.index_cast %add3A_361 : i32 to index
      %get3A_374 = arith.constant 0 : index
      %get3A_375 = tpu.vector_load %arg15[%get3A_373, %get3A_374] {strides = array<i32>} : memref<128x128xf32, #tpu.memory_space<vmem>>, vector<16xf32>,
      %mul3A_376 = arith.mulf %get3A_372, %get3A_375 : vector<16xf32>
      %get3A_377 = arith.index_cast %shift_right_arithmetic3A_365 : i32 to index
      %get3A_378 = arith.index_cast %mul3A_369 : i32 to index
      %get3A_379 = tpu.vector_load %arg16[%get3A_377, %get3A_378] {strides = array<i32>} : memref<250x128xf32, #tpu.memory_space<vmem>>, vector<16xf32>,
      %mul3A_380 = arith.mulf %mul3A_376, %get3A_379 : vector<16xf32>
      %get3A_381 = arith.index_cast %add3A_361 : i32 to index
      %get3A_382 = arith.constant 16 : index
      %get3A_383 = tpu.vector_load %arg13[%get3A_381, %get3A_382] {strides = array<i32>} : memref<128x128xf32, #tpu.memory_space<vmem>>, vector<16xf32>,
      %get3A_384 = arith.index_cast %add3A_361 : i32 to index
      %get3A_385 = arith.constant 16 : index
      %get3A_386 = tpu.vector_load %arg15[%get3A_384, %get3A_385] {strides = array<i32>} : memref<128x128xf32, #tpu.memory_space<vmem>>, vector<16xf32>,
      %mul3A_387 = arith.mulf %get3A_383, %get3A_386 : vector<16xf32>
      %add3A_388 = arith.constant 16 : i32
      %add3A_389 = arith.addi %mul3A_369, %add3A_388 : i32
      %get3A_390 = arith.index_cast %shift_right_arithmetic3A_365 : i32 to index
      %get3A_391 = arith.index_cast %add3A_389 : i32 to index
      %get3A_392 = tpu.vector_load %arg16[%get3A_390, %get3A_391] {strides = array<i32>} : memref<250x128xf32, #tpu.memory_space<vmem>>, vector<16xf32>,
      %mul3A_393 = arith.mulf %mul3A_387, %get3A_392 : vector<16xf32>
      %add3A_394 = arith.addf %mul3A_380, %mul3A_393 : vector<16xf32>
      %reduce_sum3A_395 = arith.constant true
      %reduce_sum3A_396 = vector.broadcast %reduce_sum3A_395 : i1 to vector<16xi1>
      %reduce_sum3A_397 = tpu.scan <sum>, %add3A_394 masked %reduce_sum3A_396 : vector<16xf32>, vector<16xi1> -> vector<16xf32>
      %reduce_sum3A_398 = vector.extract %reduce_sum3A_397[15] : f32 from vector<16xf32>
      %broadcast_in_dim3A_399 = vector.broadcast %reduce_sum3A_398 : f32 to vector<16xf32>
      %select_n3A_400 = arith.select %eq3A_29, %broadcast_in_dim3A_399, %select_n3A_357 : vector<16xi1>, vector<16xf32>
      %mul3A_401 = arith.constant 16 : i32
      %mul3A_402 = arith.muli %scan3A_185, %mul3A_401 : i32
      %add3A_403 = arith.constant 5 : i32
      %add3A_404 = arith.addi %mul3A_402, %add3A_403 : i32
      %slice3A_405 = vector.extract_strided_slice %get3A_190 {offsets = [5], sizes = [1], strides = [1]} : vector<16xi32> to vector<1xi32>
      %squeeze3A_406 = vector.extract %slice3A_405[0] : i32 from vector<1xi32>
      %shift_right_arithmetic3A_407 = arith.constant 2 : i32
      %shift_right_arithmetic3A_408 = arith.shrsi %squeeze3A_406, %shift_right_arithmetic3A_407 : i32
      %and3A_409 = arith.constant 3 : i32
      %and3A_410 = arith.andi %squeeze3A_406, %and3A_409 : i32
      %mul3A_411 = arith.constant 32 : i32
      %mul3A_412 = arith.muli %and3A_410, %mul3A_411 : i32
      %get3A_413 = arith.index_cast %add3A_404 : i32 to index
      %get3A_414 = arith.constant 0 : index
      %get3A_415 = tpu.vector_load %arg13[%get3A_413, %get3A_414] {strides = array<i32>} : memref<128x128xf32, #tpu.memory_space<vmem>>, vector<16xf32>,
      %get3A_416 = arith.index_cast %add3A_404 : i32 to index
      %get3A_417 = arith.constant 0 : index
      %get3A_418 = tpu.vector_load %arg15[%get3A_416, %get3A_417] {strides = array<i32>} : memref<128x128xf32, #tpu.memory_space<vmem>>, vector<16xf32>,
      %mul3A_419 = arith.mulf %get3A_415, %get3A_418 : vector<16xf32>
      %get3A_420 = arith.index_cast %shift_right_arithmetic3A_408 : i32 to index
      %get3A_421 = arith.index_cast %mul3A_412 : i32 to index
      %get3A_422 = tpu.vector_load %arg16[%get3A_420, %get3A_421] {strides = array<i32>} : memref<250x128xf32, #tpu.memory_space<vmem>>, vector<16xf32>,
      %mul3A_423 = arith.mulf %mul3A_419, %get3A_422 : vector<16xf32>
      %get3A_424 = arith.index_cast %add3A_404 : i32 to index
      %get3A_425 = arith.constant 16 : index
      %get3A_426 = tpu.vector_load %arg13[%get3A_424, %get3A_425] {strides = array<i32>} : memref<128x128xf32, #tpu.memory_space<vmem>>, vector<16xf32>,
      %get3A_427 = arith.index_cast %add3A_404 : i32 to index
      %get3A_428 = arith.constant 16 : index
      %get3A_429 = tpu.vector_load %arg15[%get3A_427, %get3A_428] {strides = array<i32>} : memref<128x128xf32, #tpu.memory_space<vmem>>, vector<16xf32>,
      %mul3A_430 = arith.mulf %get3A_426, %get3A_429 : vector<16xf32>
      %add3A_431 = arith.constant 16 : i32
      %add3A_432 = arith.addi %mul3A_412, %add3A_431 : i32
      %get3A_433 = arith.index_cast %shift_right_arithmetic3A_408 : i32 to index
      %get3A_434 = arith.index_cast %add3A_432 : i32 to index
      %get3A_435 = tpu.vector_load %arg16[%get3A_433, %get3A_434] {strides = array<i32>} : memref<250x128xf32, #tpu.memory_space<vmem>>, vector<16xf32>,
      %mul3A_436 = arith.mulf %mul3A_430, %get3A_435 : vector<16xf32>
      %add3A_437 = arith.addf %mul3A_423, %mul3A_436 : vector<16xf32>
      %reduce_sum3A_438 = arith.constant true
      %reduce_sum3A_439 = vector.broadcast %reduce_sum3A_438 : i1 to vector<16xi1>
      %reduce_sum3A_440 = tpu.scan <sum>, %add3A_437 masked %reduce_sum3A_439 : vector<16xf32>, vector<16xi1> -> vector<16xf32>
      %reduce_sum3A_441 = vector.extract %reduce_sum3A_440[15] : f32 from vector<16xf32>
      %broadcast_in_dim3A_442 = vector.broadcast %reduce_sum3A_441 : f32 to vector<16xf32>
      %select_n3A_443 = arith.select %eq3A_32, %broadcast_in_dim3A_442, %select_n3A_400 : vector<16xi1>, vector<16xf32>
      %mul3A_444 = arith.constant 16 : i32
      %mul3A_445 = arith.muli %scan3A_185, %mul3A_444 : i32
      %add3A_446 = arith.constant 6 : i32
      %add3A_447 = arith.addi %mul3A_445, %add3A_446 : i32
      %slice3A_448 = vector.extract_strided_slice %get3A_190 {offsets = [6], sizes = [1], strides = [1]} : vector<16xi32> to vector<1xi32>
      %squeeze3A_449 = vector.extract %slice3A_448[0] : i32 from vector<1xi32>
      %shift_right_arithmetic3A_450 = arith.constant 2 : i32
      %shift_right_arithmetic3A_451 = arith.shrsi %squeeze3A_449, %shift_right_arithmetic3A_450 : i32
      %and3A_452 = arith.constant 3 : i32
      %and3A_453 = arith.andi %squeeze3A_449, %and3A_452 : i32
      %mul3A_454 = arith.constant 32 : i32
      %mul3A_455 = arith.muli %and3A_453, %mul3A_454 : i32
      %get3A_456 = arith.index_cast %add3A_447 : i32 to index
      %get3A_457 = arith.constant 0 : index
      %get3A_458 = tpu.vector_load %arg13[%get3A_456, %get3A_457] {strides = array<i32>} : memref<128x128xf32, #tpu.memory_space<vmem>>, vector<16xf32>,
      %get3A_459 = arith.index_cast %add3A_447 : i32 to index
      %get3A_460 = arith.constant 0 : index
      %get3A_461 = tpu.vector_load %arg15[%get3A_459, %get3A_460] {strides = array<i32>} : memref<128x128xf32, #tpu.memory_space<vmem>>, vector<16xf32>,
      %mul3A_462 = arith.mulf %get3A_458, %get3A_461 : vector<16xf32>
      %get3A_463 = arith.index_cast %shift_right_arithmetic3A_451 : i32 to index
      %get3A_464 = arith.index_cast %mul3A_455 : i32 to index
      %get3A_465 = tpu.vector_load %arg16[%get3A_463, %get3A_464] {strides = array<i32>} : memref<250x128xf32, #tpu.memory_space<vmem>>, vector<16xf32>,
      %mul3A_466 = arith.mulf %mul3A_462, %get3A_465 : vector<16xf32>
      %get3A_467 = arith.index_cast %add3A_447 : i32 to index
      %get3A_468 = arith.constant 16 : index
      %get3A_469 = tpu.vector_load %arg13[%get3A_467, %get3A_468] {strides = array<i32>} : memref<128x128xf32, #tpu.memory_space<vmem>>, vector<16xf32>,
      %get3A_470 = arith.index_cast %add3A_447 : i32 to index
      %get3A_471 = arith.constant 16 : index
      %get3A_472 = tpu.vector_load %arg15[%get3A_470, %get3A_471] {strides = array<i32>} : memref<128x128xf32, #tpu.memory_space<vmem>>, vector<16xf32>,
      %mul3A_473 = arith.mulf %get3A_469, %get3A_472 : vector<16xf32>
      %add3A_474 = arith.constant 16 : i32
      %add3A_475 = arith.addi %mul3A_455, %add3A_474 : i32
      %get3A_476 = arith.index_cast %shift_right_arithmetic3A_451 : i32 to index
      %get3A_477 = arith.index_cast %add3A_475 : i32 to index
      %get3A_478 = tpu.vector_load %arg16[%get3A_476, %get3A_477] {strides = array<i32>} : memref<250x128xf32, #tpu.memory_space<vmem>>, vector<16xf32>,
      %mul3A_479 = arith.mulf %mul3A_473, %get3A_478 : vector<16xf32>
      %add3A_480 = arith.addf %mul3A_466, %mul3A_479 : vector<16xf32>
      %reduce_sum3A_481 = arith.constant true
      %reduce_sum3A_482 = vector.broadcast %reduce_sum3A_481 : i1 to vector<16xi1>
      %reduce_sum3A_483 = tpu.scan <sum>, %add3A_480 masked %reduce_sum3A_482 : vector<16xf32>, vector<16xi1> -> vector<16xf32>
      %reduce_sum3A_484 = vector.extract %reduce_sum3A_483[15] : f32 from vector<16xf32>
      %broadcast_in_dim3A_485 = vector.broadcast %reduce_sum3A_484 : f32 to vector<16xf32>
      %select_n3A_486 = arith.select %eq3A_35, %broadcast_in_dim3A_485, %select_n3A_443 : vector<16xi1>, vector<16xf32>
      %mul3A_487 = arith.constant 16 : i32
      %mul3A_488 = arith.muli %scan3A_185, %mul3A_487 : i32
      %add3A_489 = arith.constant 7 : i32
      %add3A_490 = arith.addi %mul3A_488, %add3A_489 : i32
      %slice3A_491 = vector.extract_strided_slice %get3A_190 {offsets = [7], sizes = [1], strides = [1]} : vector<16xi32> to vector<1xi32>
      %squeeze3A_492 = vector.extract %slice3A_491[0] : i32 from vector<1xi32>
      %shift_right_arithmetic3A_493 = arith.constant 2 : i32
      %shift_right_arithmetic3A_494 = arith.shrsi %squeeze3A_492, %shift_right_arithmetic3A_493 : i32
      %and3A_495 = arith.constant 3 : i32
      %and3A_496 = arith.andi %squeeze3A_492, %and3A_495 : i32
      %mul3A_497 = arith.constant 32 : i32
      %mul3A_498 = arith.muli %and3A_496, %mul3A_497 : i32
      %get3A_499 = arith.index_cast %add3A_490 : i32 to index
      %get3A_500 = arith.constant 0 : index
      %get3A_501 = tpu.vector_load %arg13[%get3A_499, %get3A_500] {strides = array<i32>} : memref<128x128xf32, #tpu.memory_space<vmem>>, vector<16xf32>,
      %get3A_502 = arith.index_cast %add3A_490 : i32 to index
      %get3A_503 = arith.constant 0 : index
      %get3A_504 = tpu.vector_load %arg15[%get3A_502, %get3A_503] {strides = array<i32>} : memref<128x128xf32, #tpu.memory_space<vmem>>, vector<16xf32>,
      %mul3A_505 = arith.mulf %get3A_501, %get3A_504 : vector<16xf32>
      %get3A_506 = arith.index_cast %shift_right_arithmetic3A_494 : i32 to index
      %get3A_507 = arith.index_cast %mul3A_498 : i32 to index
      %get3A_508 = tpu.vector_load %arg16[%get3A_506, %get3A_507] {strides = array<i32>} : memref<250x128xf32, #tpu.memory_space<vmem>>, vector<16xf32>,
      %mul3A_509 = arith.mulf %mul3A_505, %get3A_508 : vector<16xf32>
      %get3A_510 = arith.index_cast %add3A_490 : i32 to index
      %get3A_511 = arith.constant 16 : index
      %get3A_512 = tpu.vector_load %arg13[%get3A_510, %get3A_511] {strides = array<i32>} : memref<128x128xf32, #tpu.memory_space<vmem>>, vector<16xf32>,
      %get3A_513 = arith.index_cast %add3A_490 : i32 to index
      %get3A_514 = arith.constant 16 : index
      %get3A_515 = tpu.vector_load %arg15[%get3A_513, %get3A_514] {strides = array<i32>} : memref<128x128xf32, #tpu.memory_space<vmem>>, vector<16xf32>,
      %mul3A_516 = arith.mulf %get3A_512, %get3A_515 : vector<16xf32>
      %add3A_517 = arith.constant 16 : i32
      %add3A_518 = arith.addi %mul3A_498, %add3A_517 : i32
      %get3A_519 = arith.index_cast %shift_right_arithmetic3A_494 : i32 to index
      %get3A_520 = arith.index_cast %add3A_518 : i32 to index
      %get3A_521 = tpu.vector_load %arg16[%get3A_519, %get3A_520] {strides = array<i32>} : memref<250x128xf32, #tpu.memory_space<vmem>>, vector<16xf32>,
      %mul3A_522 = arith.mulf %mul3A_516, %get3A_521 : vector<16xf32>
      %add3A_523 = arith.addf %mul3A_509, %mul3A_522 : vector<16xf32>
      %reduce_sum3A_524 = arith.constant true
      %reduce_sum3A_525 = vector.broadcast %reduce_sum3A_524 : i1 to vector<16xi1>
      %reduce_sum3A_526 = tpu.scan <sum>, %add3A_523 masked %reduce_sum3A_525 : vector<16xf32>, vector<16xi1> -> vector<16xf32>
      %reduce_sum3A_527 = vector.extract %reduce_sum3A_526[15] : f32 from vector<16xf32>
      %broadcast_in_dim3A_528 = vector.broadcast %reduce_sum3A_527 : f32 to vector<16xf32>
      %select_n3A_529 = arith.select %eq3A_38, %broadcast_in_dim3A_528, %select_n3A_486 : vector<16xi1>, vector<16xf32>
      %mul3A_530 = arith.constant 16 : i32
      %mul3A_531 = arith.muli %scan3A_185, %mul3A_530 : i32
      %add3A_532 = arith.constant 8 : i32
      %add3A_533 = arith.addi %mul3A_531, %add3A_532 : i32
      %slice3A_534 = vector.extract_strided_slice %get3A_190 {offsets = [8], sizes = [1], strides = [1]} : vector<16xi32> to vector<1xi32>
      %squeeze3A_535 = vector.extract %slice3A_534[0] : i32 from vector<1xi32>
      %shift_right_arithmetic3A_536 = arith.constant 2 : i32
      %shift_right_arithmetic3A_537 = arith.shrsi %squeeze3A_535, %shift_right_arithmetic3A_536 : i32
      %and3A_538 = arith.constant 3 : i32
      %and3A_539 = arith.andi %squeeze3A_535, %and3A_538 : i32
      %mul3A_540 = arith.constant 32 : i32
      %mul3A_541 = arith.muli %and3A_539, %mul3A_540 : i32
      %get3A_542 = arith.index_cast %add3A_533 : i32 to index
      %get3A_543 = arith.constant 0 : index
      %get3A_544 = tpu.vector_load %arg13[%get3A_542, %get3A_543] {strides = array<i32>} : memref<128x128xf32, #tpu.memory_space<vmem>>, vector<16xf32>,
      %get3A_545 = arith.index_cast %add3A_533 : i32 to index
      %get3A_546 = arith.constant 0 : index
      %get3A_547 = tpu.vector_load %arg15[%get3A_545, %get3A_546] {strides = array<i32>} : memref<128x128xf32, #tpu.memory_space<vmem>>, vector<16xf32>,
      %mul3A_548 = arith.mulf %get3A_544, %get3A_547 : vector<16xf32>
      %get3A_549 = arith.index_cast %shift_right_arithmetic3A_537 : i32 to index
      %get3A_550 = arith.index_cast %mul3A_541 : i32 to index
      %get3A_551 = tpu.vector_load %arg16[%get3A_549, %get3A_550] {strides = array<i32>} : memref<250x128xf32, #tpu.memory_space<vmem>>, vector<16xf32>,
      %mul3A_552 = arith.mulf %mul3A_548, %get3A_551 : vector<16xf32>
      %get3A_553 = arith.index_cast %add3A_533 : i32 to index
      %get3A_554 = arith.constant 16 : index
      %get3A_555 = tpu.vector_load %arg13[%get3A_553, %get3A_554] {strides = array<i32>} : memref<128x128xf32, #tpu.memory_space<vmem>>, vector<16xf32>,
      %get3A_556 = arith.index_cast %add3A_533 : i32 to index
      %get3A_557 = arith.constant 16 : index
      %get3A_558 = tpu.vector_load %arg15[%get3A_556, %get3A_557] {strides = array<i32>} : memref<128x128xf32, #tpu.memory_space<vmem>>, vector<16xf32>,
      %mul3A_559 = arith.mulf %get3A_555, %get3A_558 : vector<16xf32>
      %add3A_560 = arith.constant 16 : i32
      %add3A_561 = arith.addi %mul3A_541, %add3A_560 : i32
      %get3A_562 = arith.index_cast %shift_right_arithmetic3A_537 : i32 to index
      %get3A_563 = arith.index_cast %add3A_561 : i32 to index
      %get3A_564 = tpu.vector_load %arg16[%get3A_562, %get3A_563] {strides = array<i32>} : memref<250x128xf32, #tpu.memory_space<vmem>>, vector<16xf32>,
      %mul3A_565 = arith.mulf %mul3A_559, %get3A_564 : vector<16xf32>
      %add3A_566 = arith.addf %mul3A_552, %mul3A_565 : vector<16xf32>
      %reduce_sum3A_567 = arith.constant true
      %reduce_sum3A_568 = vector.broadcast %reduce_sum3A_567 : i1 to vector<16xi1>
      %reduce_sum3A_569 = tpu.scan <sum>, %add3A_566 masked %reduce_sum3A_568 : vector<16xf32>, vector<16xi1> -> vector<16xf32>
      %reduce_sum3A_570 = vector.extract %reduce_sum3A_569[15] : f32 from vector<16xf32>
      %broadcast_in_dim3A_571 = vector.broadcast %reduce_sum3A_570 : f32 to vector<16xf32>
      %select_n3A_572 = arith.select %eq3A_41, %broadcast_in_dim3A_571, %select_n3A_529 : vector<16xi1>, vector<16xf32>
      %mul3A_573 = arith.constant 16 : i32
      %mul3A_574 = arith.muli %scan3A_185, %mul3A_573 : i32
      %add3A_575 = arith.constant 9 : i32
      %add3A_576 = arith.addi %mul3A_574, %add3A_575 : i32
      %slice3A_577 = vector.extract_strided_slice %get3A_190 {offsets = [9], sizes = [1], strides = [1]} : vector<16xi32> to vector<1xi32>
      %squeeze3A_578 = vector.extract %slice3A_577[0] : i32 from vector<1xi32>
      %shift_right_arithmetic3A_579 = arith.constant 2 : i32
      %shift_right_arithmetic3A_580 = arith.shrsi %squeeze3A_578, %shift_right_arithmetic3A_579 : i32
      %and3A_581 = arith.constant 3 : i32
      %and3A_582 = arith.andi %squeeze3A_578, %and3A_581 : i32
      %mul3A_583 = arith.constant 32 : i32
      %mul3A_584 = arith.muli %and3A_582, %mul3A_583 : i32
      %get3A_585 = arith.index_cast %add3A_576 : i32 to index
      %get3A_586 = arith.constant 0 : index
      %get3A_587 = tpu.vector_load %arg13[%get3A_585, %get3A_586] {strides = array<i32>} : memref<128x128xf32, #tpu.memory_space<vmem>>, vector<16xf32>,
      %get3A_588 = arith.index_cast %add3A_576 : i32 to index
      %get3A_589 = arith.constant 0 : index
      %get3A_590 = tpu.vector_load %arg15[%get3A_588, %get3A_589] {strides = array<i32>} : memref<128x128xf32, #tpu.memory_space<vmem>>, vector<16xf32>,
      %mul3A_591 = arith.mulf %get3A_587, %get3A_590 : vector<16xf32>
      %get3A_592 = arith.index_cast %shift_right_arithmetic3A_580 : i32 to index
      %get3A_593 = arith.index_cast %mul3A_584 : i32 to index
      %get3A_594 = tpu.vector_load %arg16[%get3A_592, %get3A_593] {strides = array<i32>} : memref<250x128xf32, #tpu.memory_space<vmem>>, vector<16xf32>,
      %mul3A_595 = arith.mulf %mul3A_591, %get3A_594 : vector<16xf32>
      %get3A_596 = arith.index_cast %add3A_576 : i32 to index
      %get3A_597 = arith.constant 16 : index
      %get3A_598 = tpu.vector_load %arg13[%get3A_596, %get3A_597] {strides = array<i32>} : memref<128x128xf32, #tpu.memory_space<vmem>>, vector<16xf32>,
      %get3A_599 = arith.index_cast %add3A_576 : i32 to index
      %get3A_600 = arith.constant 16 : index
      %get3A_601 = tpu.vector_load %arg15[%get3A_599, %get3A_600] {strides = array<i32>} : memref<128x128xf32, #tpu.memory_space<vmem>>, vector<16xf32>,
      %mul3A_602 = arith.mulf %get3A_598, %get3A_601 : vector<16xf32>
      %add3A_603 = arith.constant 16 : i32
      %add3A_604 = arith.addi %mul3A_584, %add3A_603 : i32
      %get3A_605 = arith.index_cast %shift_right_arithmetic3A_580 : i32 to index
      %get3A_606 = arith.index_cast %add3A_604 : i32 to index
      %get3A_607 = tpu.vector_load %arg16[%get3A_605, %get3A_606] {strides = array<i32>} : memref<250x128xf32, #tpu.memory_space<vmem>>, vector<16xf32>,
      %mul3A_608 = arith.mulf %mul3A_602, %get3A_607 : vector<16xf32>
      %add3A_609 = arith.addf %mul3A_595, %mul3A_608 : vector<16xf32>
      %reduce_sum3A_610 = arith.constant true
      %reduce_sum3A_611 = vector.broadcast %reduce_sum3A_610 : i1 to vector<16xi1>
      %reduce_sum3A_612 = tpu.scan <sum>, %add3A_609 masked %reduce_sum3A_611 : vector<16xf32>, vector<16xi1> -> vector<16xf32>
      %reduce_sum3A_613 = vector.extract %reduce_sum3A_612[15] : f32 from vector<16xf32>
      %broadcast_in_dim3A_614 = vector.broadcast %reduce_sum3A_613 : f32 to vector<16xf32>
      %select_n3A_615 = arith.select %eq3A_44, %broadcast_in_dim3A_614, %select_n3A_572 : vector<16xi1>, vector<16xf32>
      %mul3A_616 = arith.constant 16 : i32
      %mul3A_617 = arith.muli %scan3A_185, %mul3A_616 : i32
      %add3A_618 = arith.constant 10 : i32
      %add3A_619 = arith.addi %mul3A_617, %add3A_618 : i32
      %slice3A_620 = vector.extract_strided_slice %get3A_190 {offsets = [10], sizes = [1], strides = [1]} : vector<16xi32> to vector<1xi32>
      %squeeze3A_621 = vector.extract %slice3A_620[0] : i32 from vector<1xi32>
      %shift_right_arithmetic3A_622 = arith.constant 2 : i32
      %shift_right_arithmetic3A_623 = arith.shrsi %squeeze3A_621, %shift_right_arithmetic3A_622 : i32
      %and3A_624 = arith.constant 3 : i32
      %and3A_625 = arith.andi %squeeze3A_621, %and3A_624 : i32
      %mul3A_626 = arith.constant 32 : i32
      %mul3A_627 = arith.muli %and3A_625, %mul3A_626 : i32
      %get3A_628 = arith.index_cast %add3A_619 : i32 to index
      %get3A_629 = arith.constant 0 : index
      %get3A_630 = tpu.vector_load %arg13[%get3A_628, %get3A_629] {strides = array<i32>} : memref<128x128xf32, #tpu.memory_space<vmem>>, vector<16xf32>,
      %get3A_631 = arith.index_cast %add3A_619 : i32 to index
      %get3A_632 = arith.constant 0 : index
      %get3A_633 = tpu.vector_load %arg15[%get3A_631, %get3A_632] {strides = array<i32>} : memref<128x128xf32, #tpu.memory_space<vmem>>, vector<16xf32>,
      %mul3A_634 = arith.mulf %get3A_630, %get3A_633 : vector<16xf32>
      %get3A_635 = arith.index_cast %shift_right_arithmetic3A_623 : i32 to index
      %get3A_636 = arith.index_cast %mul3A_627 : i32 to index
      %get3A_637 = tpu.vector_load %arg16[%get3A_635, %get3A_636] {strides = array<i32>} : memref<250x128xf32, #tpu.memory_space<vmem>>, vector<16xf32>,
      %mul3A_638 = arith.mulf %mul3A_634, %get3A_637 : vector<16xf32>
      %get3A_639 = arith.index_cast %add3A_619 : i32 to index
      %get3A_640 = arith.constant 16 : index
      %get3A_641 = tpu.vector_load %arg13[%get3A_639, %get3A_640] {strides = array<i32>} : memref<128x128xf32, #tpu.memory_space<vmem>>, vector<16xf32>,
      %get3A_642 = arith.index_cast %add3A_619 : i32 to index
      %get3A_643 = arith.constant 16 : index
      %get3A_644 = tpu.vector_load %arg15[%get3A_642, %get3A_643] {strides = array<i32>} : memref<128x128xf32, #tpu.memory_space<vmem>>, vector<16xf32>,
      %mul3A_645 = arith.mulf %get3A_641, %get3A_644 : vector<16xf32>
      %add3A_646 = arith.constant 16 : i32
      %add3A_647 = arith.addi %mul3A_627, %add3A_646 : i32
      %get3A_648 = arith.index_cast %shift_right_arithmetic3A_623 : i32 to index
      %get3A_649 = arith.index_cast %add3A_647 : i32 to index
      %get3A_650 = tpu.vector_load %arg16[%get3A_648, %get3A_649] {strides = array<i32>} : memref<250x128xf32, #tpu.memory_space<vmem>>, vector<16xf32>,
      %mul3A_651 = arith.mulf %mul3A_645, %get3A_650 : vector<16xf32>
      %add3A_652 = arith.addf %mul3A_638, %mul3A_651 : vector<16xf32>
      %reduce_sum3A_653 = arith.constant true
      %reduce_sum3A_654 = vector.broadcast %reduce_sum3A_653 : i1 to vector<16xi1>
      %reduce_sum3A_655 = tpu.scan <sum>, %add3A_652 masked %reduce_sum3A_654 : vector<16xf32>, vector<16xi1> -> vector<16xf32>
      %reduce_sum3A_656 = vector.extract %reduce_sum3A_655[15] : f32 from vector<16xf32>
      %broadcast_in_dim3A_657 = vector.broadcast %reduce_sum3A_656 : f32 to vector<16xf32>
      %select_n3A_658 = arith.select %eq3A_47, %broadcast_in_dim3A_657, %select_n3A_615 : vector<16xi1>, vector<16xf32>
      %mul3A_659 = arith.constant 16 : i32
      %mul3A_660 = arith.muli %scan3A_185, %mul3A_659 : i32
      %add3A_661 = arith.constant 11 : i32
      %add3A_662 = arith.addi %mul3A_660, %add3A_661 : i32
      %slice3A_663 = vector.extract_strided_slice %get3A_190 {offsets = [11], sizes = [1], strides = [1]} : vector<16xi32> to vector<1xi32>
      %squeeze3A_664 = vector.extract %slice3A_663[0] : i32 from vector<1xi32>
      %shift_right_arithmetic3A_665 = arith.constant 2 : i32
      %shift_right_arithmetic3A_666 = arith.shrsi %squeeze3A_664, %shift_right_arithmetic3A_665 : i32
      %and3A_667 = arith.constant 3 : i32
      %and3A_668 = arith.andi %squeeze3A_664, %and3A_667 : i32
      %mul3A_669 = arith.constant 32 : i32
      %mul3A_670 = arith.muli %and3A_668, %mul3A_669 : i32
      %get3A_671 = arith.index_cast %add3A_662 : i32 to index
      %get3A_672 = arith.constant 0 : index
      %get3A_673 = tpu.vector_load %arg13[%get3A_671, %get3A_672] {strides = array<i32>} : memref<128x128xf32, #tpu.memory_space<vmem>>, vector<16xf32>,
      %get3A_674 = arith.index_cast %add3A_662 : i32 to index
      %get3A_675 = arith.constant 0 : index
      %get3A_676 = tpu.vector_load %arg15[%get3A_674, %get3A_675] {strides = array<i32>} : memref<128x128xf32, #tpu.memory_space<vmem>>, vector<16xf32>,
      %mul3A_677 = arith.mulf %get3A_673, %get3A_676 : vector<16xf32>
      %get3A_678 = arith.index_cast %shift_right_arithmetic3A_666 : i32 to index
      %get3A_679 = arith.index_cast %mul3A_670 : i32 to index
      %get3A_680 = tpu.vector_load %arg16[%get3A_678, %get3A_679] {strides = array<i32>} : memref<250x128xf32, #tpu.memory_space<vmem>>, vector<16xf32>,
      %mul3A_681 = arith.mulf %mul3A_677, %get3A_680 : vector<16xf32>
      %get3A_682 = arith.index_cast %add3A_662 : i32 to index
      %get3A_683 = arith.constant 16 : index
      %get3A_684 = tpu.vector_load %arg13[%get3A_682, %get3A_683] {strides = array<i32>} : memref<128x128xf32, #tpu.memory_space<vmem>>, vector<16xf32>,
      %get3A_685 = arith.index_cast %add3A_662 : i32 to index
      %get3A_686 = arith.constant 16 : index
      %get3A_687 = tpu.vector_load %arg15[%get3A_685, %get3A_686] {strides = array<i32>} : memref<128x128xf32, #tpu.memory_space<vmem>>, vector<16xf32>,
      %mul3A_688 = arith.mulf %get3A_684, %get3A_687 : vector<16xf32>
      %add3A_689 = arith.constant 16 : i32
      %add3A_690 = arith.addi %mul3A_670, %add3A_689 : i32
      %get3A_691 = arith.index_cast %shift_right_arithmetic3A_666 : i32 to index
      %get3A_692 = arith.index_cast %add3A_690 : i32 to index
      %get3A_693 = tpu.vector_load %arg16[%get3A_691, %get3A_692] {strides = array<i32>} : memref<250x128xf32, #tpu.memory_space<vmem>>, vector<16xf32>,
      %mul3A_694 = arith.mulf %mul3A_688, %get3A_693 : vector<16xf32>
      %add3A_695 = arith.addf %mul3A_681, %mul3A_694 : vector<16xf32>
      %reduce_sum3A_696 = arith.constant true
      %reduce_sum3A_697 = vector.broadcast %reduce_sum3A_696 : i1 to vector<16xi1>
      %reduce_sum3A_698 = tpu.scan <sum>, %add3A_695 masked %reduce_sum3A_697 : vector<16xf32>, vector<16xi1> -> vector<16xf32>
      %reduce_sum3A_699 = vector.extract %reduce_sum3A_698[15] : f32 from vector<16xf32>
      %broadcast_in_dim3A_700 = vector.broadcast %reduce_sum3A_699 : f32 to vector<16xf32>
      %select_n3A_701 = arith.select %eq3A_50, %broadcast_in_dim3A_700, %select_n3A_658 : vector<16xi1>, vector<16xf32>
      %mul3A_702 = arith.constant 16 : i32
      %mul3A_703 = arith.muli %scan3A_185, %mul3A_702 : i32
      %add3A_704 = arith.constant 12 : i32
      %add3A_705 = arith.addi %mul3A_703, %add3A_704 : i32
      %slice3A_706 = vector.extract_strided_slice %get3A_190 {offsets = [12], sizes = [1], strides = [1]} : vector<16xi32> to vector<1xi32>
      %squeeze3A_707 = vector.extract %slice3A_706[0] : i32 from vector<1xi32>
      %shift_right_arithmetic3A_708 = arith.constant 2 : i32
      %shift_right_arithmetic3A_709 = arith.shrsi %squeeze3A_707, %shift_right_arithmetic3A_708 : i32
      %and3A_710 = arith.constant 3 : i32
      %and3A_711 = arith.andi %squeeze3A_707, %and3A_710 : i32
      %mul3A_712 = arith.constant 32 : i32
      %mul3A_713 = arith.muli %and3A_711, %mul3A_712 : i32
      %get3A_714 = arith.index_cast %add3A_705 : i32 to index
      %get3A_715 = arith.constant 0 : index
      %get3A_716 = tpu.vector_load %arg13[%get3A_714, %get3A_715] {strides = array<i32>} : memref<128x128xf32, #tpu.memory_space<vmem>>, vector<16xf32>,
      %get3A_717 = arith.index_cast %add3A_705 : i32 to index
      %get3A_718 = arith.constant 0 : index
      %get3A_719 = tpu.vector_load %arg15[%get3A_717, %get3A_718] {strides = array<i32>} : memref<128x128xf32, #tpu.memory_space<vmem>>, vector<16xf32>,
      %mul3A_720 = arith.mulf %get3A_716, %get3A_719 : vector<16xf32>
      %get3A_721 = arith.index_cast %shift_right_arithmetic3A_709 : i32 to index
      %get3A_722 = arith.index_cast %mul3A_713 : i32 to index
      %get3A_723 = tpu.vector_load %arg16[%get3A_721, %get3A_722] {strides = array<i32>} : memref<250x128xf32, #tpu.memory_space<vmem>>, vector<16xf32>,
      %mul3A_724 = arith.mulf %mul3A_720, %get3A_723 : vector<16xf32>
      %get3A_725 = arith.index_cast %add3A_705 : i32 to index
      %get3A_726 = arith.constant 16 : index
      %get3A_727 = tpu.vector_load %arg13[%get3A_725, %get3A_726] {strides = array<i32>} : memref<128x128xf32, #tpu.memory_space<vmem>>, vector<16xf32>,
      %get3A_728 = arith.index_cast %add3A_705 : i32 to index
      %get3A_729 = arith.constant 16 : index
      %get3A_730 = tpu.vector_load %arg15[%get3A_728, %get3A_729] {strides = array<i32>} : memref<128x128xf32, #tpu.memory_space<vmem>>, vector<16xf32>,
      %mul3A_731 = arith.mulf %get3A_727, %get3A_730 : vector<16xf32>
      %add3A_732 = arith.constant 16 : i32
      %add3A_733 = arith.addi %mul3A_713, %add3A_732 : i32
      %get3A_734 = arith.index_cast %shift_right_arithmetic3A_709 : i32 to index
      %get3A_735 = arith.index_cast %add3A_733 : i32 to index
      %get3A_736 = tpu.vector_load %arg16[%get3A_734, %get3A_735] {strides = array<i32>} : memref<250x128xf32, #tpu.memory_space<vmem>>, vector<16xf32>,
      %mul3A_737 = arith.mulf %mul3A_731, %get3A_736 : vector<16xf32>
      %add3A_738 = arith.addf %mul3A_724, %mul3A_737 : vector<16xf32>
      %reduce_sum3A_739 = arith.constant true
      %reduce_sum3A_740 = vector.broadcast %reduce_sum3A_739 : i1 to vector<16xi1>
      %reduce_sum3A_741 = tpu.scan <sum>, %add3A_738 masked %reduce_sum3A_740 : vector<16xf32>, vector<16xi1> -> vector<16xf32>
      %reduce_sum3A_742 = vector.extract %reduce_sum3A_741[15] : f32 from vector<16xf32>
      %broadcast_in_dim3A_743 = vector.broadcast %reduce_sum3A_742 : f32 to vector<16xf32>
      %select_n3A_744 = arith.select %eq3A_53, %broadcast_in_dim3A_743, %select_n3A_701 : vector<16xi1>, vector<16xf32>
      %mul3A_745 = arith.constant 16 : i32
      %mul3A_746 = arith.muli %scan3A_185, %mul3A_745 : i32
      %add3A_747 = arith.constant 13 : i32
      %add3A_748 = arith.addi %mul3A_746, %add3A_747 : i32
      %slice3A_749 = vector.extract_strided_slice %get3A_190 {offsets = [13], sizes = [1], strides = [1]} : vector<16xi32> to vector<1xi32>
      %squeeze3A_750 = vector.extract %slice3A_749[0] : i32 from vector<1xi32>
      %shift_right_arithmetic3A_751 = arith.constant 2 : i32
      %shift_right_arithmetic3A_752 = arith.shrsi %squeeze3A_750, %shift_right_arithmetic3A_751 : i32
      %and3A_753 = arith.constant 3 : i32
      %and3A_754 = arith.andi %squeeze3A_750, %and3A_753 : i32
      %mul3A_755 = arith.constant 32 : i32
      %mul3A_756 = arith.muli %and3A_754, %mul3A_755 : i32
      %get3A_757 = arith.index_cast %add3A_748 : i32 to index
      %get3A_758 = arith.constant 0 : index
      %get3A_759 = tpu.vector_load %arg13[%get3A_757, %get3A_758] {strides = array<i32>} : memref<128x128xf32, #tpu.memory_space<vmem>>, vector<16xf32>,
      %get3A_760 = arith.index_cast %add3A_748 : i32 to index
      %get3A_761 = arith.constant 0 : index
      %get3A_762 = tpu.vector_load %arg15[%get3A_760, %get3A_761] {strides = array<i32>} : memref<128x128xf32, #tpu.memory_space<vmem>>, vector<16xf32>,
      %mul3A_763 = arith.mulf %get3A_759, %get3A_762 : vector<16xf32>
      %get3A_764 = arith.index_cast %shift_right_arithmetic3A_752 : i32 to index
      %get3A_765 = arith.index_cast %mul3A_756 : i32 to index
      %get3A_766 = tpu.vector_load %arg16[%get3A_764, %get3A_765] {strides = array<i32>} : memref<250x128xf32, #tpu.memory_space<vmem>>, vector<16xf32>,
      %mul3A_767 = arith.mulf %mul3A_763, %get3A_766 : vector<16xf32>
      %get3A_768 = arith.index_cast %add3A_748 : i32 to index
      %get3A_769 = arith.constant 16 : index
      %get3A_770 = tpu.vector_load %arg13[%get3A_768, %get3A_769] {strides = array<i32>} : memref<128x128xf32, #tpu.memory_space<vmem>>, vector<16xf32>,
      %get3A_771 = arith.index_cast %add3A_748 : i32 to index
      %get3A_772 = arith.constant 16 : index
      %get3A_773 = tpu.vector_load %arg15[%get3A_771, %get3A_772] {strides = array<i32>} : memref<128x128xf32, #tpu.memory_space<vmem>>, vector<16xf32>,
      %mul3A_774 = arith.mulf %get3A_770, %get3A_773 : vector<16xf32>
      %add3A_775 = arith.constant 16 : i32
      %add3A_776 = arith.addi %mul3A_756, %add3A_775 : i32
      %get3A_777 = arith.index_cast %shift_right_arithmetic3A_752 : i32 to index
      %get3A_778 = arith.index_cast %add3A_776 : i32 to index
      %get3A_779 = tpu.vector_load %arg16[%get3A_777, %get3A_778] {strides = array<i32>} : memref<250x128xf32, #tpu.memory_space<vmem>>, vector<16xf32>,
      %mul3A_780 = arith.mulf %mul3A_774, %get3A_779 : vector<16xf32>
      %add3A_781 = arith.addf %mul3A_767, %mul3A_780 : vector<16xf32>
      %reduce_sum3A_782 = arith.constant true
      %reduce_sum3A_783 = vector.broadcast %reduce_sum3A_782 : i1 to vector<16xi1>
      %reduce_sum3A_784 = tpu.scan <sum>, %add3A_781 masked %reduce_sum3A_783 : vector<16xf32>, vector<16xi1> -> vector<16xf32>
      %reduce_sum3A_785 = vector.extract %reduce_sum3A_784[15] : f32 from vector<16xf32>
      %broadcast_in_dim3A_786 = vector.broadcast %reduce_sum3A_785 : f32 to vector<16xf32>
      %select_n3A_787 = arith.select %eq3A_56, %broadcast_in_dim3A_786, %select_n3A_744 : vector<16xi1>, vector<16xf32>
      %mul3A_788 = arith.constant 16 : i32
      %mul3A_789 = arith.muli %scan3A_185, %mul3A_788 : i32
      %add3A_790 = arith.constant 14 : i32
      %add3A_791 = arith.addi %mul3A_789, %add3A_790 : i32
      %slice3A_792 = vector.extract_strided_slice %get3A_190 {offsets = [14], sizes = [1], strides = [1]} : vector<16xi32> to vector<1xi32>
      %squeeze3A_793 = vector.extract %slice3A_792[0] : i32 from vector<1xi32>
      %shift_right_arithmetic3A_794 = arith.constant 2 : i32
      %shift_right_arithmetic3A_795 = arith.shrsi %squeeze3A_793, %shift_right_arithmetic3A_794 : i32
      %and3A_796 = arith.constant 3 : i32
      %and3A_797 = arith.andi %squeeze3A_793, %and3A_796 : i32
      %mul3A_798 = arith.constant 32 : i32
      %mul3A_799 = arith.muli %and3A_797, %mul3A_798 : i32
      %get3A_800 = arith.index_cast %add3A_791 : i32 to index
      %get3A_801 = arith.constant 0 : index
      %get3A_802 = tpu.vector_load %arg13[%get3A_800, %get3A_801] {strides = array<i32>} : memref<128x128xf32, #tpu.memory_space<vmem>>, vector<16xf32>,
      %get3A_803 = arith.index_cast %add3A_791 : i32 to index
      %get3A_804 = arith.constant 0 : index
      %get3A_805 = tpu.vector_load %arg15[%get3A_803, %get3A_804] {strides = array<i32>} : memref<128x128xf32, #tpu.memory_space<vmem>>, vector<16xf32>,
      %mul3A_806 = arith.mulf %get3A_802, %get3A_805 : vector<16xf32>
      %get3A_807 = arith.index_cast %shift_right_arithmetic3A_795 : i32 to index
      %get3A_808 = arith.index_cast %mul3A_799 : i32 to index
      %get3A_809 = tpu.vector_load %arg16[%get3A_807, %get3A_808] {strides = array<i32>} : memref<250x128xf32, #tpu.memory_space<vmem>>, vector<16xf32>,
      %mul3A_810 = arith.mulf %mul3A_806, %get3A_809 : vector<16xf32>
      %get3A_811 = arith.index_cast %add3A_791 : i32 to index
      %get3A_812 = arith.constant 16 : index
      %get3A_813 = tpu.vector_load %arg13[%get3A_811, %get3A_812] {strides = array<i32>} : memref<128x128xf32, #tpu.memory_space<vmem>>, vector<16xf32>,
      %get3A_814 = arith.index_cast %add3A_791 : i32 to index
      %get3A_815 = arith.constant 16 : index
      %get3A_816 = tpu.vector_load %arg15[%get3A_814, %get3A_815] {strides = array<i32>} : memref<128x128xf32, #tpu.memory_space<vmem>>, vector<16xf32>,
      %mul3A_817 = arith.mulf %get3A_813, %get3A_816 : vector<16xf32>
      %add3A_818 = arith.constant 16 : i32
      %add3A_819 = arith.addi %mul3A_799, %add3A_818 : i32
      %get3A_820 = arith.index_cast %shift_right_arithmetic3A_795 : i32 to index
      %get3A_821 = arith.index_cast %add3A_819 : i32 to index
      %get3A_822 = tpu.vector_load %arg16[%get3A_820, %get3A_821] {strides = array<i32>} : memref<250x128xf32, #tpu.memory_space<vmem>>, vector<16xf32>,
      %mul3A_823 = arith.mulf %mul3A_817, %get3A_822 : vector<16xf32>
      %add3A_824 = arith.addf %mul3A_810, %mul3A_823 : vector<16xf32>
      %reduce_sum3A_825 = arith.constant true
      %reduce_sum3A_826 = vector.broadcast %reduce_sum3A_825 : i1 to vector<16xi1>
      %reduce_sum3A_827 = tpu.scan <sum>, %add3A_824 masked %reduce_sum3A_826 : vector<16xf32>, vector<16xi1> -> vector<16xf32>
      %reduce_sum3A_828 = vector.extract %reduce_sum3A_827[15] : f32 from vector<16xf32>
      %broadcast_in_dim3A_829 = vector.broadcast %reduce_sum3A_828 : f32 to vector<16xf32>
      %select_n3A_830 = arith.select %eq3A_59, %broadcast_in_dim3A_829, %select_n3A_787 : vector<16xi1>, vector<16xf32>
      %mul3A_831 = arith.constant 16 : i32
      %mul3A_832 = arith.muli %scan3A_185, %mul3A_831 : i32
      %add3A_833 = arith.constant 15 : i32
      %add3A_834 = arith.addi %mul3A_832, %add3A_833 : i32
      %slice3A_835 = vector.extract_strided_slice %get3A_190 {offsets = [15], sizes = [1], strides = [1]} : vector<16xi32> to vector<1xi32>
      %squeeze3A_836 = vector.extract %slice3A_835[0] : i32 from vector<1xi32>
      %shift_right_arithmetic3A_837 = arith.constant 2 : i32
      %shift_right_arithmetic3A_838 = arith.shrsi %squeeze3A_836, %shift_right_arithmetic3A_837 : i32
      %and3A_839 = arith.constant 3 : i32
      %and3A_840 = arith.andi %squeeze3A_836, %and3A_839 : i32
      %mul3A_841 = arith.constant 32 : i32
      %mul3A_842 = arith.muli %and3A_840, %mul3A_841 : i32
      %get3A_843 = arith.index_cast %add3A_834 : i32 to index
      %get3A_844 = arith.constant 0 : index
      %get3A_845 = tpu.vector_load %arg13[%get3A_843, %get3A_844] {strides = array<i32>} : memref<128x128xf32, #tpu.memory_space<vmem>>, vector<16xf32>,
      %get3A_846 = arith.index_cast %add3A_834 : i32 to index
      %get3A_847 = arith.constant 0 : index
      %get3A_848 = tpu.vector_load %arg15[%get3A_846, %get3A_847] {strides = array<i32>} : memref<128x128xf32, #tpu.memory_space<vmem>>, vector<16xf32>,
      %mul3A_849 = arith.mulf %get3A_845, %get3A_848 : vector<16xf32>
      %get3A_850 = arith.index_cast %shift_right_arithmetic3A_838 : i32 to index
      %get3A_851 = arith.index_cast %mul3A_842 : i32 to index
      %get3A_852 = tpu.vector_load %arg16[%get3A_850, %get3A_851] {strides = array<i32>} : memref<250x128xf32, #tpu.memory_space<vmem>>, vector<16xf32>,
      %mul3A_853 = arith.mulf %mul3A_849, %get3A_852 : vector<16xf32>
      %get3A_854 = arith.index_cast %add3A_834 : i32 to index
      %get3A_855 = arith.constant 16 : index
      %get3A_856 = tpu.vector_load %arg13[%get3A_854, %get3A_855] {strides = array<i32>} : memref<128x128xf32, #tpu.memory_space<vmem>>, vector<16xf32>,
      %get3A_857 = arith.index_cast %add3A_834 : i32 to index
      %get3A_858 = arith.constant 16 : index
      %get3A_859 = tpu.vector_load %arg15[%get3A_857, %get3A_858] {strides = array<i32>} : memref<128x128xf32, #tpu.memory_space<vmem>>, vector<16xf32>,
      %mul3A_860 = arith.mulf %get3A_856, %get3A_859 : vector<16xf32>
      %add3A_861 = arith.constant 16 : i32
      %add3A_862 = arith.addi %mul3A_842, %add3A_861 : i32
      %get3A_863 = arith.index_cast %shift_right_arithmetic3A_838 : i32 to index
      %get3A_864 = arith.index_cast %add3A_862 : i32 to index
      %get3A_865 = tpu.vector_load %arg16[%get3A_863, %get3A_864] {strides = array<i32>} : memref<250x128xf32, #tpu.memory_space<vmem>>, vector<16xf32>,
      %mul3A_866 = arith.mulf %mul3A_860, %get3A_865 : vector<16xf32>
      %add3A_867 = arith.addf %mul3A_853, %mul3A_866 : vector<16xf32>
      %reduce_sum3A_868 = arith.constant true
      %reduce_sum3A_869 = vector.broadcast %reduce_sum3A_868 : i1 to vector<16xi1>
      %reduce_sum3A_870 = tpu.scan <sum>, %add3A_867 masked %reduce_sum3A_869 : vector<16xf32>, vector<16xi1> -> vector<16xf32>
      %reduce_sum3A_871 = vector.extract %reduce_sum3A_870[15] : f32 from vector<16xf32>
      %broadcast_in_dim3A_872 = vector.broadcast %reduce_sum3A_871 : f32 to vector<16xf32>
      %select_n3A_873 = arith.select %eq3A_62, %broadcast_in_dim3A_872, %select_n3A_830 : vector<16xi1>, vector<16xf32>
      %neg3A = arith.constant 0.000000e+00 : f32
      %neg3A_874 = vector.broadcast %neg3A : f32 to vector<16xf32>
      %neg3A_875 = arith.subf %neg3A_874, %select_n3A_873 : vector<16xf32>
      %exp3A = math.exp %neg3A_875 : vector<16xf32>
      %add3A_876 = arith.constant 1.000000e+00 : f32
      %add3A_877 = vector.broadcast %add3A_876 : f32 to vector<16xf32>
      %add3A_878 = arith.addf %add3A_877, %exp3A : vector<16xf32>
      %div3A = arith.constant 1.000000e+00 : f32
      %div3A_879 = vector.broadcast %div3A : f32 to vector<16xf32>
      %div3A_880 = arith.divf %div3A_879, %add3A_878 : vector<16xf32>
      %mul3A_881 = arith.constant 16 : i32
      %mul3A_882 = arith.muli %scan3A_185, %mul3A_881 : i32
      %add3A_883 = arith.constant 384 : i32
      %add3A_884 = arith.addi %add3A_883, %mul3A_882 : i32
      %swap3A = arith.index_cast %add3A_884 : i32 to index
      %swap3A_885 = tpu.vector_load %arg17[%swap3A] {strides = array<i32>} : memref<512xf32, #tpu.memory_space<vmem>>, vector<16xf32>,
      tpu.vector_store %arg17[%swap3A], %div3A_880 {strides = array<i32>} : memref<512xf32, #tpu.memory_space<vmem>>, vector<16xf32>,
    }
    %scan3A_182 = arith.constant 8 : i32
    %mul3A_183 = arith.constant 512 : i32
    %mul3A_184 = arith.muli %add3A, %mul3A_183 : i32
    "tpu.region"() ({
      %run_scoped3A = tpu.sem_alloc : memref<!tpu.dma_semaphore, #tpu.memory_space<semaphore_mem>>
      %dma_start3A_185 = tpu.memref_slice %arg8[%mul3A_184] : memref<16384xf32, #tpu.memory_space<hbm>> -> memref<512xf32, #tpu.memory_space<hbm>>
      %dma_start3A_186 = tpu.memref_slice %arg8[%mul3A_184] : memref<16384xf32, #tpu.memory_space<hbm>> -> memref<512xf32, #tpu.memory_space<hbm>>
      tpu.enqueue_dma source(%arg17 : memref<512xf32, #tpu.memory_space<vmem>>) target(%dma_start3A_186 : memref<512xf32, #tpu.memory_space<hbm>>) target_semaphore(%run_scoped3A : memref<!tpu.dma_semaphore, #tpu.memory_space<semaphore_mem>>)
      %dma_wait3A_187 = tpu.memref_slice %arg8[%mul3A_184] : memref<16384xf32, #tpu.memory_space<hbm>> -> memref<512xf32, #tpu.memory_space<hbm>>
      %dma_wait3A_188 = tpu.memref_slice %arg8[%mul3A_184] : memref<16384xf32, #tpu.memory_space<hbm>> -> memref<512xf32, #tpu.memory_space<hbm>>
      tpu.wait_dma2 semaphore(%run_scoped3A : memref<!tpu.dma_semaphore, #tpu.memory_space<semaphore_mem>>) src(%arg17 : memref<512xf32, #tpu.memory_space<vmem>>) dst(%dma_wait3A_188 : memref<512xf32, #tpu.memory_space<hbm>>)
      tpu.yield
    }) : () -> ()
    return
  }
}

module attributes {stable_mosaic.version = 14 : i64} {
  func.func @_pad_t_body(%arg0: i32, %arg1: memref<32x16384xf32, #tpu.memory_space<vmem>>, %arg2: memref<32x128xf32, #tpu.memory_space<vmem>>, %arg3: memref<16384x128xf32, #tpu.memory_space<vmem>>) attributes {dimension_semantics = [#tpu.dimension_semantics<arbitrary>], iteration_bounds = array<i64: 7>, scalar_prefetch = 0 : i64, scratch_operands = 0 : i64, tpu.core_type = #tpu.core_type<tc>, window_params = [{transform_indices = @transform_0, window_bounds = array<i64: 32, 16384>}, {pipeline_mode = #tpu.pipeline_mode<synchronous>, transform_indices = @transform_1, window_bounds = array<i64: 32, 128>}, {transform_indices = @transform_2, window_bounds = array<i64: 16384, 128>}]} {
    %get3A = arith.constant 0 : index
    %get3A_0 = arith.constant 0 : index
    %get3A_1 = vector.load %arg1[%get3A, %get3A_0] : memref<32x16384xf32, #tpu.memory_space<vmem>>, vector<32x16384xf32>
    %get3A_2 = arith.constant 0 : index
    %get3A_3 = arith.constant 0 : index
    %get3A_4 = vector.load %arg2[%get3A_2, %get3A_3] : memref<32x128xf32, #tpu.memory_space<vmem>>, vector<32x128xf32>
    %dot_general3A = arith.constant dense<0.000000e+00> : vector<16384x128xf32>
    %dot_general3A_5 = tpu.matmul %get3A_1, %get3A_4, %dot_general3A {dimension_numbers = #tpu.dot_dimension_numbers<[0], [0], [1], [1], [0, 1, 1, 1], [], []>, transpose_lhs_hint = false} : vector<32x16384xf32>, vector<32x128xf32>, vector<16384x128xf32> -> vector<16384x128xf32>
    %swap3A = arith.constant 0 : index
    %swap3A_6 = arith.constant 0 : index
    %swap3A_7 = vector.load %arg3[%swap3A, %swap3A_6] : memref<16384x128xf32, #tpu.memory_space<vmem>>, vector<16384x128xf32>
    tpu.vector_store %arg3[%swap3A, %swap3A_6], %dot_general3A_5 {strides = array<i32>} : memref<16384x128xf32, #tpu.memory_space<vmem>>, vector<16384x128xf32>,
    return
  }
  func.func @transform_0(%arg0: i32) -> (i32, i32) {
    %c0_i32 = arith.constant 0 : i32
    %c0_i32_0 = arith.constant 0 : i32
    return %c0_i32, %arg0 : i32, i32
  }
  func.func @transform_1(%arg0: i32) -> (i32, i32) {
    %c0_i32 = arith.constant 0 : i32
    %c0_i32_0 = arith.constant 0 : i32
    %c0_i32_1 = arith.constant 0 : i32
    return %c0_i32, %c0_i32_0 : i32, i32
  }
  func.func @transform_2(%arg0: i32) -> (i32, i32) {
    %c0_i32 = arith.constant 0 : i32
    %c0_i32_0 = arith.constant 0 : i32
    return %arg0, %c0_i32 : i32, i32
  }
}

</mosaic_0001>

<sc_bundles>
// kernel: kernel.5.cloned.1.call-start
scs
__scs_entry_jumppad:
0x0: {  	(pc) =	sbr.rel $0x88, $3  }
0x1: {  	(tag) =	ssettag $0x0;
	lr =	simm.s32 $0x1  }
0x2: {  	[smem:$0x3F9B] =	sst lr;
	_ =	strace $0xD0000000  }
0x3: {  	_ = 	snop  }
0x4: {  	_ = 	snop  }
0x5: {  	_ = 	snop  }
0x6: {  	_ = 	snop  }
0x7: {  	_ = 	snop  }
__scs_overlays_trampoline_lowered:
0x8: {  	[smem:$0x3FAA] =	sst s0  }
0x9: {  	[smem:$0x3FAB] =	sst s1  }
0xa: {  	[smem:$0x3FAC] =	sst s2  }
0xb: {  	[smem:$0x3FAD] =	sst s3  }
0xc: {  	[smem:$0x3FAE] =	sst s4  }
0xd: {  	[smem:$0x3FAF] =	sst s5  }
0xe: {  	[smem:$0x3FB0] =	sst s6  }
0xf: {  	[smem:$0x3FB1] =	sst s7  }
0x10: {  	[smem:$0x3FB2] =	sst s8  }
0x11: {  	[smem:$0x3FB3] =	sst s9;
	s0 =	simm.s32 @!p0 $0x0  }
0x12: {  	s1 =	sld [smem:$0x3F99];
	s0 =	simm.s32 @p0 $0x1  }
0x13: {  	[smem:$0x3FB4] =	sst s0;
	s0 =	simm.s32 @!p1 $0x0  }
0x14: {  	s2 =	sld [smem:$0x3F98];
	s0 =	simm.s32 @p1 $0x1  }
0x15: {  	[smem:$0x3FB5] =	sst s0;
	s0 =	simm.s32 @!p2 $0x0  }
0x16: {  	s3 =	sld [smem:$0x3FDB];
	s0 =	simm.s32 @p2 $0x1  }
0x17: {  	s4 =	simm.s32 $0x1BF5;
	[smem:$0x3FB7] =	sst s0  }
0x18: {  	s0 =	sld [smem:$0x3F9A];
	_ =	swait.ge [sflag:s4], $0x0  }
0x19: {  	s7 =	sld [smem:$0x3F9B]  }
0x1a: {  	s8 =	sadd.s32 $0xFFFFE003, lr  }
0x1b: {  	s9 =	sadd.s32 $0xFFFFFEF7, lr;
	s5 =	simm.s32 $0xFFFFFFFF;
	p2 =	slt.u32 s8, $0xFFFFF086  }
0x1c: {  	p1 =	slt.u32 s9, $0xF7A;
	s5 =	simm.s32 @!p2 $0x0  }
0x1d: {  	s5 =	simm.s32 @p1 $0x1;
	p0 =	seq.s32 s7, s2  }
0x1e: {  	s7 =	smul.u32 @!p0 $0xF7A, s2;
	p2 =	seq.s32 @!p0 s5, $0x0  }
0x1f: {  	s9 =	smul.u32 $0xF7A, s1;
	s8 =	simm.s32 @!p0 $0x1BF5;
	p2 =	por !p2, p0  }
0x20: {  	[sflag:s8] =	ssyncset.s32 @!p0 $0xFFFFF086;
	s6 =	sadd.s32 @!p0 s3, s7;
	s7 =	simm.s32 @!p0 $0x108  }
0x21: {  	s3 =	sadd.s32 s3, s9;
	s6 =	sadd.s32 @!p0 $0x88, s6;
	s7 =	simm.s32 @p2 $0x1082  }
0x22: {  	[simem:s7], [sflag:s8] =	dma.local @!p0 [hbm:s6], $0xF7A  }
0x23: {  	s9 =	sor.u32 $0xD0000000, s2;
	s6 =	simm.s32 $0x108;
	_ =	swait.ge @!p0 [sflag:s8], $0x0  }
0x24: {  	s3 =	sadd.s32 $0x88, s3;
	s6 =	simm.s32 @!p1 $0x1082;
	[sflag:s4] =	ssyncset.s32 $0xFFFFF086  }
0x25: {  	[simem:s6], [sflag:s4] =	dma.local [hbm:s3], $0xF7A  }
0x26: {  	[smem:$0x3F9B] =	sst s1;
	(tag) =	ssettag s2;
	_ =	strace s9  }
0x27: {  	s1 =	sld [smem:$0x3FAB]  }
0x28: {  	s2 =	sld [smem:$0x3FAC]  }
0x29: {  	s4 =	sld [smem:$0x3FAE]  }
0x2a: {  	p0 =	seq.s32 s5, $0x0;
	s5 =	sld [smem:$0x3FAF]  }
0x2b: {  	s6 =	sld [smem:$0x3FB0]  }
0x2c: {  	s7 =	sld [smem:$0x3FB1]  }
0x2d: {  	s3 =	simm.s32 $0x108;
	s8 =	sld [smem:$0x3FB2]  }
0x2e: {  	s3 =	simm.s32 @!p0 $0x1082;
	s9 =	sld [smem:$0x3FB3]  }
0x2f: {  	lr =	sadd.s32 s0, s3;
	s0 =	sld [smem:$0x3FAA]  }
0x30: {  	s3 =	sld [smem:$0x3FAD]  }
0x31: {  	[smem:$0x3FB6] =	sst s10  }
0x32: {  	s10 =	sld [smem:$0x3FB4];
	_ =	sdelay $0x3  }
0x33: {  	p0 =	seq.s32 s10, $0x1;
	s10 =	sld [smem:$0x3FB6];
	_ =	sdelay $0x3  }
0x34: {  	[smem:$0x3FB6] =	sst s10  }
0x35: {  	s10 =	sld [smem:$0x3FB5];
	_ =	sdelay $0x3  }
0x36: {  	p1 =	seq.s32 s10, $0x1;
	s10 =	sld [smem:$0x3FB6];
	_ =	sdelay $0x3  }
0x37: {  	[smem:$0x3FB6] =	sst s10  }
0x38: {  	s10 =	sld [smem:$0x3FB7]  }
0x39: {  	_ = 	snop;
	(pc) =	sbr.ind lr, $3  }
0x3a: {  	_ = 	snop  }
0x3b: {  	_ = 	snop  }
0x3c: {  	p2 =	seq.s32 s10, $0x1;
	s10 =	sld [smem:$0x3FB6]  }
0x3d: {  	_ =	shalt  }
0x3e: {  	_ =	shalt  }
0x3f: {  	_ =	shalt  }
0x40: {  	_ =	shalt  }
0x41: {  	_ =	shalt  }
0x42: {  	_ =	shalt  }
0x43: {  	_ =	shalt  }
0x44: {  	_ =	shalt  }
0x45: {  	_ =	shalt  }
0x46: {  	_ =	shalt  }
0x47: {  	_ =	shalt  }
0x48: {  	_ =	shalt  }
0x49: {  	_ =	shalt  }
0x4a: {  	_ =	shalt  }
0x4b: {  	_ =	shalt  }
0x4c: {  	_ =	shalt  }
0x4d: {  	_ =	shalt  }
0x4e: {  	_ =	shalt  }
0x4f: {  	_ =	shalt  }
0x50: {  	_ =	shalt  }
0x51: {  	_ =	shalt  }
0x52: {  	_ =	shalt  }
0x53: {  	_ =	shalt  }
0x54: {  	_ =	shalt  }
0x55: {  	_ =	shalt  }
0x56: {  	_ =	shalt  }
0x57: {  	_ =	shalt  }
0x58: {  	_ =	shalt  }
0x59: {  	_ =	shalt  }
0x5a: {  	_ =	shalt  }
0x5b: {  	_ =	shalt  }
0x5c: {  	_ =	shalt  }
0x5d: {  	_ =	shalt  }
0x5e: {  	_ =	shalt  }
0x5f: {  	_ =	shalt  }
0x60: {  	_ =	shalt  }
0x61: {  	_ =	shalt  }
0x62: {  	_ =	shalt  }
0x63: {  	_ =	shalt  }
0x64: {  	_ =	shalt  }
0x65: {  	_ =	shalt  }
0x66: {  	_ =	shalt  }
0x67: {  	_ =	shalt  }
0x68: {  	_ =	shalt  }
0x69: {  	_ =	shalt  }
0x6a: {  	_ =	shalt  }
0x6b: {  	_ =	shalt  }
0x6c: {  	_ =	shalt  }
0x6d: {  	_ =	shalt  }
0x6e: {  	_ =	shalt  }
0x6f: {  	_ =	shalt  }
0x70: {  	_ =	shalt  }
0x71: {  	_ =	shalt  }
0x72: {  	_ =	shalt  }
0x73: {  	_ =	shalt  }
0x74: {  	_ =	shalt  }
0x75: {  	_ =	shalt  }
0x76: {  	_ =	shalt  }
0x77: {  	_ =	shalt  }
0x78: {  	_ =	shalt  }
0x79: {  	_ =	shalt  }
0x7a: {  	_ =	shalt  }
0x7b: {  	_ =	shalt  }
0x7c: {  	_ =	shalt  }
0x7d: {  	_ =	shalt  }
0x7e: {  	_ =	shalt  }
0x7f: {  	_ =	shalt  }
0x80: {  	_ =	shalt  }
0x81: {  	_ =	shalt  }
0x82: {  	_ =	shalt  }
0x83: {  	_ =	shalt  }
0x84: {  	_ =	shalt  }
0x85: {  	_ =	shalt  }
0x86: {  	_ =	shalt  }
0x87: {  	_ =	shalt  }
.Lfunc_end0:
.L_simem_size_0:
called_computation_lowered:
.L_overlay_start_0:
0x88: {  	s2 =	sld [smem:$0x3FD9]  }
0x89: {  	s3 =	sld [smem:$0x3FFE];
	_ =	sdelay $0x1  }
0x8a: {  	s1 =	srdreg.scid  }
0x8b: {  	s0 =	sand.u32 $0x1, s1  }
0x8c: {  	s17 =	sshll.u32 s0, $0xA;
	s2 =	sadd.s32 s3, s2  }
0x8d: {  	s2 =	sadd.s32 s2, s17  }
0x8e: {  	[smem:$0x3FC2] =	sst s2  }
0x8f: {  	_ = 	snop  }
0x90: {  	s2 =	sld [smem:$0x3FC9]  }
0x91: {  	s18 =	sld [smem:$0x3FC8]  }
0x92: {  	s4 =	sld [smem:$0x3FC7]  }
0x93: {  	s5 =	sld [smem:$0x3FD0];
	(tm) =	ssettm $0x1  }
0x94: {  	s6 =	sld [smem:$0x3FFB];
	_ =	sdelay $0x3  }
0x95: {  	_ =	strace s6  }
0x96: {  	s6 =	sld [smem:$0x3FFC];
	_ =	sdelay $0x3  }
0x97: {  	_ =	strace s6  }
0x98: {  	s6 =	sld [smem:$0x3FFD];
	_ =	sdelay $0x3  }
0x99: {  	_ =	strace s6  }
0x9a: {  	_ =	strace $0x8FFFFFFF  }
0x9b: {  	s19 =	sld [smem:$0x3FDB];
	_ =	sdelay $0x1  }
0x9c: {  	s7 =	simm.s32 $_scs_section_size  }
0x9d: {  	s8 =	simm.s32 $_size__tile_overlayer_lowered;
	s9 =	simm.s32 $_tile_overlayer_lowered  }
0x9e: {  	s22 =	simm.s32 $0x1BFF;
	s21 =	sshll.u32 s9, $0x1;
	s6 =	sadd.s32 s7, s19  }
0x9f: {  	s10 =	simm.s32 $0x0;
	s20 =	sshll.u32 s8, $0x1;
	s8 =	sadd.s32 s21, s6  }
0xa0: {  	[timem:s10], [sflag:s22] =	dma.local [hbm:s8], s20  }
0xa1: {  	_ =	swait.ge [sflag:s22], s20  }
0xa2: {  	s7 =	ssub.s32 $0x0, s20;
	[sflag:s22] =	ssyncset.done $0x0  }
0xa3: {  	[sflag:s22] =	ssyncadd.s32 s7;
	_ =	sdelay $0x1  }
0xa4: {  	s23 =	simm.s32 $0x1B8B  }
0xa5: {  	_ =	swait.ge [sflag:s23], $0x1  }
0xa6: {  	[sflag:s23] =	ssyncset.done $0x0  }
0xa7: {  	s25 =	simm.s32 $0x1B8E;
	s24 =	sld [smem:$0x3FFE];
	[sflag:s23] =	ssyncadd.s32 $0xFFFFFFFF  }
0xa8: {  	s26 =	simm.s32 $execute0_lowered;
	[smem:$0x3FD2] =	sst s25  }
0xa9: {  	s8 =	sshll.u32 s26, $0x1;
	_ =	strace $0x80000046;
	[dreg:$0x1] =	wrdreg $0xFFFFFFFF  }
0xaa: {  	s28 =	simm.s32 $_size_execute0_lowered;
	s6 =	sadd.s32 s6, s8;
	[dreg:$0x0] =	wrdreg $0x0  }
0xab: {  	s8 =	sshll.u32 s28, $0x1;
	[dreg:$0x2] =	wrdreg s6  }
0xac: {  	[dreg:$0x3] =	wrdreg s8  }
0xad: {  	[dreg:$0x4] =	wrdreg $0xC0  }
0xae: {  	_ =	task [dreg:s10], $0x5FFFF  }
0xaf: {  	[dreg:$0x1] =	wrdreg $0xFFFFFFFF  }
0xb0: {  	[dreg:$0x0] =	wrdreg $0x60  }
0xb1: {  	[dreg:$0x2] =	wrdreg s2  }
0xb2: {  	[dreg:$0x3] =	wrdreg s18  }
0xb3: {  	[dreg:$0x4] =	wrdreg s4  }
0xb4: {  	[dreg:$0x5] =	wrdreg s24  }
0xb5: {  	[dreg:$0x6] =	wrdreg s5  }
0xb6: {  	[dreg:$0x7] =	wrdreg $0x9  }
0xb7: {  	_ =	task.clear_ibuf [dreg:s10], $0x8FFFF;
	_ =	strace $0x90000046  }
0xb8: {  	s29 =	simm.s32 $0x9;
	_ =	strace $0x80000048  }
0xb9: {  	_ =	swait.ge [sflag:s29], $0x1  }
0xba: {  	[sflag:s29] =	ssyncadd.s32 $0xFFFFFFFF  }
0xbb: {  	_ =	strace $0x90000048  }
0xbc: {  	_ =	sfence  }
0xbd: {  	s30 =	sld [smem:$0x0];
	_ =	sdelay $0x2  }
0xbe: {  	s31 =	sshll.u32 s1, $0xD;
	s1 =	sshrl.u32 s1, $0x2  }
0xbf: {  	s3 =	sand.u32 $0x4000, s31;
	s1 =	sadd.s32 s1, s30  }
0xc0: {  	s0 =	sor.u32 s3, s0;
	s1 =	sshll.u32 s1, $0x11  }
0xc1: {  	s0 =	sor.u32 s1, s0  }
0xc2: {  	s0 =	sadd.s32 $0x8F2B, s0  }
0xc3: {  	[sflag:s0] =	ssyncadd.remote.s32 $0x1  }
0xc4: {  	_ =	sfence.sel $0xFFFF  }
0xc5: {  	[dreg:$0x0] =	wrdreg $0xFFFFFFFF;
	(pc) =	sbr.abs _section_cstart, $3  }
0xc6: {  	[dreg:$0x1] =	wrdreg $0xFFFFFFFF  }
0xc7: {  	_ =	task.clear_ibuf [dreg:s10], $0x2FFFF;
	_ =	strace $0x9FFFFFFF  }
0xc8: {  	(tm) =	ssettm $0x7FFFFFFF  }
0xc9: {  	_ =	shalt  }
tec
execute0_lowered:
.L_overlay_start_1:
0x0: {  	(tag) =	ssettag $0x1  }
0x1: {  	s0 =	rddreg [dreg:$0x0]  }
0x2: {  	s2 =	rddreg [dreg:$0x1]  }
0x3: {  	s8 =	rddreg [dreg:$0x2]  }
0x4: {  	s5 =	rddreg [dreg:$0x3]  }
0x5: {  	s7 =	rddreg [dreg:$0x4];
	s1 =	simm.s32 $0x0  }
0x6: {  	s6 =	srdreg.scid;
	s10 =	stileid.u32;
	s14 =	simm.s32 $0x400  }
0x7: {  	s15 =	simm.s32 $0x80;
	s16 =	simm.s32 $0x600;
	s17 =	simm.s32 $0x8600  }
0x8: {  	s18 =	simm.s32 $0x3;
	s20 =	simm.s32 $0x4600;
	s22 =	simm.s32 $0xC600  }
0x9: {  	s23 =	simm.s32 $0x1;
	s28 =	simm.s32 $0x380;
	s29 =	simm.s32 $0x580  }
0xa: {  	s30 =	simm.s32 $0x18600;
	s31 =	simm.s32 $0x0;
	[smem:$0x7FF] =	sst s1  }
0xb: {  	s3 =	sadd.s32 $0x188200, s5;
	s4 =	sadd.s32 $0x1800, s5;
	s6 =	sand.u32 $0x1, s6  }
0xc: {  	s10 =	sshll.u32 s10, $0x7;
	s5 =	sadd.s32 $0x800, s5;
	s9 =	ssub.s32 $0x2, s6  }
0xd: {  	vm0 =	vmmov $0x1;
	vm1 =	vmmov $0x3;
	vm2 =	vmmov $0x7;
	_ =	strace $0x80000047;
	s11 =	sshll.u32 s6, $0x6;
	s25 =	sshrl.u32 s9, $0x1  }
0xe: {  	vm3 =	vmmov $0xf;
	vm4 =	vmmov $0x1f;
	vm5 =	vmmov $0x3f;
	s12 =	sor.u32 s11, s10;
	s26 =	sadd.s32 s7, s11;
	s13 =	ssub.s32 s9, s25  }
0xf: {  	vm6 =	vmmov $0x7f;
	vm7 =	vmmov $0xff;
	vm8 =	vmmov $0x1ff;
	s6 =	sadd.s32 s0, s12;
	s7 =	sadd.s32 s2, s12;
	s8 =	sadd.s32 s8, s12  }
0x10: {  	vm9 =	vmmov $0x3ff;
	vm10 =	vmmov $0x7ff;
	vm11 =	vmmov $0xfff;
	s9 =	sadd.s32 s10, s26;
	s12 =	simm.s32 $0x4;
	s25 =	simm.s32 $0x500  }
0x11: {  	vm12 =	vmmov $0x1fff;
	vm13 =	vmmov $0x3fff;
	vm14 =	vmmov $0x7fff;
	s26 =	simm.s32 $0x2;
	s10 =	smax.u32 s13, $0x1;
	s13 =	simm.s32 $0x200  }
.LBB2_1:
0x12: {  	s0 =	simm.s32 $0x10600  }
0x13: {  	[tilespmem:s0], [sflag:$0x3] =	stream.linear.gather [hbm4b:s5+s1], $0x7D00, $0x38;
	[tilespmem:$0x18800] =	vst v63  }
0x14: {  	_ = 	snop  }
0x15: {  	[tilespmem:s1], [sflag:$0x4] =	stream.linear.gather [hbm4b:s6+s1], $0x200, $0x38;
	[tilespmem:$0x18800] =	vst v63  }
0x16: {  	_ =	swait.ge [sflag:s12], $0x200  }
0x17: {  	[sflag:s12] =	ssyncset.done $0x0  }
0x18: {  	[sflag:s12] =	ssyncadd.s32 $0xFFFFFE00  }
0x19: {  	[tilespmem:s13], [sflag:$0x4] =	stream.linear.gather [hbm4b:s7+s1], $0x200, $0x38;
	[tilespmem:$0x18800] =	vst v63  }
0x1a: {  	_ =	swait.ge [sflag:s12], $0x200  }
0x1b: {  	[sflag:s12] =	ssyncset.done $0x0  }
0x1c: {  	[sflag:s12] =	ssyncadd.s32 $0xFFFFFE00  }
0x1d: {  	[tilespmem:s14], [sflag:$0x4] =	stream.linear.gather [hbm4b:s8+s1], $0x200, $0x38;
	[tilespmem:$0x18800] =	vst v63  }
0x1e: {  	_ =	swait.ge [sflag:s12], $0x200  }
0x1f: {  	[sflag:s12] =	ssyncset.done $0x0  }
0x20: {  	[sflag:s12] =	ssyncadd.s32 $0xFFFFFE00  }
0x21: {  	[tilespmem:s16], [sflag:$0x1] =	stream.indirect.gather [hbm4b:s3+s15], $0x80, s13, s15, $0xb8;
	[tilespmem:$0x18800] =	vst v63  }
0x22: {  	_ = 	snop  }
0x23: {  	[tilespmem:s17], [sflag:$0x1] =	stream.indirect.gather [hbm4b:s4+s15], $0x80, s14, s15, $0xb8;
	[tilespmem:$0x18800] =	vst v63  }
0x24: {  	_ =	swait.ge [sflag:s18], $0x7D00  }
0x25: {  	[sflag:s18] =	ssyncset.done $0x0  }
0x26: {  	s19 =	simm.s32 $0x280;
	[sflag:s18] =	ssyncadd.s32 $0xFFFF8300  }
0x27: {  	[tilespmem:s20], [sflag:$0x2] =	stream.indirect.gather [hbm4b:s3+s15], $0x80, s19, s15, $0xb8;
	[tilespmem:$0x18800] =	vst v63  }
0x28: {  	s21 =	simm.s32 $0x480  }
0x29: {  	[tilespmem:s22], [sflag:$0x2] =	stream.indirect.gather [hbm4b:s4+s15], $0x80, s21, s15, $0xb8;
	[tilespmem:$0x18800] =	vst v63  }
0x2a: {  	_ =	swait.ge [sflag:s23], $0x4000  }
0x2b: {  	[sflag:s23] =	ssyncset.done $0x0  }
0x2c: {  	[sflag:s23] =	ssyncadd.s32 $0xFFFFC000  }
0x2d: {  	_ =	swait.ge [sflag:s23], $0x4000  }
0x2e: {  	[sflag:s23] =	ssyncset.done $0x0  }
0x2f: {  	s0 =	simm.s32 $0x0;
	[sflag:s23] =	ssyncadd.s32 $0xFFFFC000  }
0x30: {  	v0 =	vld [tilespmem:s0+$0x0];
	_ =	sdelay $0x4  }
0x31: {  	v0 =	vshll.u32 v0, $0x5  }
0x32: {  	v9 =	vadd.s32 $0x10600, v0  }
0x33: {  	(v2sf) =	vpush v9, $0xF;
	_ =	sdelay $0x1  }
0x34: {  	(v2sf) =	vpush v9, $0xE  }
0x35: {  	s11 =	simm.s32 $0xA00  }
0x36: {  	s2 =	simm.s32 $0x8A00;
	v1 =	vld [tilespmem:s11+$0x380]  }
0x37: {  	v2 =	vld [tilespmem:s2+$0x380]  }
0x38: {  	v26 =	vld [tilespmem:s11+$0x300]  }
0x39: {  	v28 =	vld [tilespmem:s2+$0x300]  }
0x3a: {  	v49 =	vld [tilespmem:s11+$0x310]  }
0x3b: {  	v50 =	vld [tilespmem:s2+$0x310]  }
0x3c: {  	v3 =	vld [tilespmem:s11+$0x280]  }
0x3d: {  	v4 =	vld [tilespmem:s2+$0x280];
	(v2sf) =	vpush v9, $0xC  }
0x3e: {  	v5 =	vld [tilespmem:s11+$0x290]  }
0x3f: {  	v51 =	vld [tilespmem:s11+$0x200];
	(v2sf) =	vpush v9, $0xB  }
0x40: {  	v52 =	vld [tilespmem:s2+$0x200]  }
0x41: {  	v53 =	vld [tilespmem:s11+$0x210];
	s19 =	spop (v2sf);
	(v2sf) =	vpush v9, $0x9  }
0x42: {  	v54 =	vld [tilespmem:s2+$0x210]  }
0x43: {  	v27 =	vld [tilespmem:s11+$0x180];
	s21 =	spop (v2sf);
	(v2sf) =	vpush v9, $0x8  }
0x44: {  	v29 =	vld [tilespmem:s2+$0x180]  }
0x45: {  	v30 =	vld [tilespmem:s11+$0x190]  }
0x46: {  	v31 =	vld [tilespmem:s2+$0x190]  }
0x47: {  	v6 =	vld [tilespmem:s11+$0x100]  }
0x48: {  	v7 =	vld [tilespmem:s2+$0x100]  }
0x49: {  	v8 =	vld [tilespmem:s11+$0x110]  }
0x4a: {  	v35 =	vld [tilespmem:s11+$0x80]  }
0x4b: {  	v37 =	vld [tilespmem:s2+$0x80]  }
0x4c: {  	v38 =	vld [tilespmem:s11+$0x90];
	s24 =	spop (v2sf)  }
0x4d: {  	v14 =	vld [tilespmem:s24+$0x0]  }
0x4e: {  	(v2sf) =	vpush v9, $0x6;
	v15 =	vld [tilespmem:s24+$0x10];
	s24 =	spop (v2sf)  }
0x4f: {  	v16 =	vld [tilespmem:s24+$0x0]  }
0x50: {  	v17 =	vld [tilespmem:s24+$0x10];
	s24 =	spop (v2sf);
	(v2sf) =	vpush v9, $0x5  }
0x51: {  	v18 =	vld [tilespmem:s24+$0x0]  }
0x52: {  	v19 =	vld [tilespmem:s24+$0x10];
	s24 =	spop (v2sf);
	(v2sf) =	vpush v9, $0x3  }
0x53: {  	v39 =	vld [tilespmem:s2+$0x90]  }
0x54: {  	v32 =	vld [tilespmem:s11+$0x0]  }
0x55: {  	v33 =	vld [tilespmem:s2+$0x0]  }
0x56: {  	v34 =	vld [tilespmem:s11+$0x10]  }
0x57: {  	v36 =	vld [tilespmem:s2+$0x10]  }
0x58: {  	v10 =	vld [tilespmem:s11+$0xFFFFFF80]  }
0x59: {  	v11 =	vld [tilespmem:s2+$0xFFFFFF80]  }
0x5a: {  	v12 =	vld [tilespmem:s11+$0xFFFFFF90]  }
0x5b: {  	v42 =	vld [tilespmem:s11+$0xFFFFFF00]  }
0x5c: {  	v20 =	vld [tilespmem:s24+$0x0]  }
0x5d: {  	v21 =	vld [tilespmem:s24+$0x10];
	s24 =	spop (v2sf)  }
0x5e: {  	v22 =	vld [tilespmem:s24+$0x0]  }
0x5f: {  	v24 =	vld [tilespmem:s24+$0x10];
	s24 =	spop (v2sf)  }
0x60: {  	v23 =	vld [tilespmem:s24+$0x0]  }
0x61: {  	v25 =	vld [tilespmem:s24+$0x10];
	s24 =	spop (v2sf);
	(v2sf) =	vpush v9, $0x2  }
0x62: {  	v44 =	vld [tilespmem:s2+$0xFFFFFF00]  }
0x63: {  	v46 =	vld [tilespmem:s11+$0xFFFFFF10]  }
0x64: {  	v47 =	vld [tilespmem:s2+$0xFFFFFF10]  }
0x65: {  	v40 =	vld [tilespmem:s11+$0xFFFFFE80]  }
0x66: {  	v41 =	vld [tilespmem:s2+$0xFFFFFE80]  }
0x67: {  	v13 =	vld [tilespmem:s21+$0x0];
	(v2sf) =	vpush v9, $0x0  }
0x68: {  	v48 =	vld [tilespmem:s21+$0x10]  }
0x69: {  	v43 =	vld [tilespmem:s11+$0xFFFFFE90]  }
0x6a: {  	v45 =	vld [tilespmem:s2+$0xFFFFFE90];
	v55 =	vmul.f32 v28, v26  }
0x6b: {  	v50 =	vmul.f32 v50, v49;
	v0 =	vld [tilespmem:s19+$0x0]  }
0x6c: {  	v49 =	vmul.f32 v13, v55;
	v13 =	vld [tilespmem:s11+$0xFFFFFE00]  }
0x6d: {  	v50 =	vmul.f32 v48, v50;
	v26 =	vld [tilespmem:s24+$0x0]  }
0x6e: {  	v51 =	vmul.f32 v52, v51;
	v52 =	vmul.f32 v54, v53;
	s21 =	simm.s32 $0x40;
	v28 =	vld [tilespmem:s24+$0x10]  }
.LBB2_2:
0x6f: {  	p0 =	sne.s32 s21, $0x1C0;
	v48 =	vld [tilespmem:s2+$0xFFFFFE00];
	v50 =	vadd.f32 v50, v49  }
0x70: {  	v49 =	vld [tilespmem:s11+$0xFFFFFE10];
	v14 =	vmul.f32 v14, v51;
	v15 =	vmul.f32 v15, v52;
	s24 =	spop (v2sf)  }
0x71: {  	v27 =	vmul.f32 v29, v27;
	v29 =	vmul.f32 v31, v30;
	v51 =	vld [tilespmem:s24+$0x0];
	(xrf2) =	vadd.scan.msk.f32 $0xffff, v50  }
0x72: {  	v30 =	vld [tilespmem:s24+$0x10];
	v14 =	vadd.f32 v15, v14  }
0x73: {  	v15 =	vmul.f32 v16, v27;
	v16 =	vmul.f32 v17, v29;
	v31 =	vld [tilespmem:s11+$0xFFFFFD80]  }
0x74: {  	v27 =	vmul.f32 v37, v35;
	v29 =	vmul.f32 v39, v38;
	v17 =	vld [tilespmem:s2+$0xFFFFFD80];
	(xrf2) =	vadd.scan.msk.f32 $0xffff, v14  }
0x75: {  	v14 =	vadd.f32 v16, v15;
	v35 =	vld [tilespmem:s11+$0xFFFFFD90];
	(v2sf) =	vpush v9, $0x1  }
0x76: {  	v15 =	vmul.f32 v18, v27;
	v18 =	vmul.f32 v19, v29;
	v16 =	vld [tilespmem:s2+$0xFFFFFD90];
	s24 =	spop (v2sf)  }
0x77: {  	v27 =	vmul.f32 v33, v32;
	v29 =	vmul.f32 v36, v34;
	v19 =	vld [tilespmem:s24+$0x0];
	(xrf2) =	vadd.scan.msk.f32 $0xffff, v14  }
0x78: {  	v34 =	vadd.f32 v18, v15;
	v32 =	vld [tilespmem:s24+$0x10];
	(v2sf) =	vpush v9, $0x4  }
0x79: {  	v15 =	vmul.f32 v20, v27;
	v20 =	vmul.f32 v21, v29;
	v18 =	vld [tilespmem:s11+$0xFFFFFD00]  }
0x7a: {  	v27 =	vmul.f32 v44, v42;
	v29 =	vmul.f32 v47, v46;
	v21 =	vld [tilespmem:s2+$0xFFFFFD00];
	(xrf2) =	vadd.scan.msk.f32 $0xffff, v34  }
0x7b: {  	v37 =	vadd.f32 v20, v15;
	v33 =	vld [tilespmem:s11+$0xFFFFFD10];
	(v2sf) =	vpush v9, $0x7;
	v14, _, _ =	vpop (xrf2)  }
0x7c: {  	v22 =	vmul.f32 v22, v27;
	v24 =	vmul.f32 v24, v29;
	v20 =	vld [tilespmem:s2+$0xFFFFFD10]  }
0x7d: {  	v29 =	vmul.f32 v41, v40;
	v34 =	vmul.f32 v45, v43;
	v27 =	vld [tilespmem:s2+$0xFFFFFC00];
	(xrf2) =	vadd.scan.msk.f32 $0xffff, v37  }
0x7e: {  	v22 =	vadd.f32 v24, v22;
	v36 =	vld [tilespmem:s11+$0xFFFFFC00];
	(v2sf) =	vpush v9, $0xA;
	v15, _, _ =	vpop (xrf2)  }
0x7f: {  	v23 =	vmul.f32 v23, v29;
	v25 =	vmul.f32 v25, v34;
	v24 =	vld [tilespmem:s11+$0xFFFFFC10]  }
0x80: {  	v17 =	vmul.f32 v17, v31;
	v31 =	vmul.f32 v16, v35;
	v29 =	vld [tilespmem:s2+$0xFFFFFC10];
	(xrf2) =	vadd.scan.msk.f32 $0xffff, v22  }
0x81: {  	v34 =	vadd.f32 v25, v23;
	v22 =	vld [tilespmem:s11+$0xFFFFFC80];
	v16, _, _ =	vpop (xrf2);
	(v2sf) =	vpush v9, $0xD  }
0x82: {  	v17 =	vmul.f32 v26, v17;
	v25 =	vmul.f32 v28, v31;
	v9 =	vld [tilespmem:s2+$0xFFFFFC80]  }
0x83: {  	v18 =	vmul.f32 v21, v18;
	v20 =	vmul.f32 v20, v33;
	v26 =	vld [tilespmem:s11+$0xFFFFFC90];
	(xrf2) =	vadd.scan.msk.f32 $0xffff, v34  }
0x84: {  	v17 =	vadd.f32 v25, v17;
	v21 =	vld [tilespmem:s2+$0xFFFFFC90];
	s24 =	spop (v2sf);
	v23, _, _ =	vpop (xrf2)  }
0x85: {  	v18 =	vmul.f32 v51, v18;
	v30 =	vmul.f32 v30, v20;
	v25 =	vld [tilespmem:s24+$0x0]  }
0x86: {  	v27 =	vmul.f32 v27, v36;
	v24 =	vmul.f32 v29, v24;
	v28 =	vld [tilespmem:s24+$0x10];
	(xrf2) =	vadd.scan.msk.f32 $0xffff, v17  }
0x87: {  	v17 =	vadd.f32 v30, v18;
	v18 =	vld [tilespmem:s2+$0xFFFFFE10];
	s24 =	spop (v2sf);
	v20, _, _ =	vpop (xrf2)  }
0x88: {  	v19 =	vmul.f32 v19, v27;
	v29 =	vmul.f32 v32, v24;
	v27 =	vld [tilespmem:s24+$0x0]  }
0x89: {  	v9 =	vmul.f32 v9, v22;
	v21 =	vmul.f32 v21, v26;
	v22 =	vld [tilespmem:s24+$0x10];
	(xrf2) =	vadd.scan.msk.f32 $0xffff, v17  }
0x8a: {  	v17 =	vadd.f32 v29, v19;
	v19 =	vld [tilespmem:s2+$0xFFFFFF90];
	s24 =	spop (v2sf);
	v24, _, _ =	vpop (xrf2)  }
0x8b: {  	v9 =	vmul.f32 v25, v9;
	v28 =	vmul.f32 v28, v21;
	v25 =	vld [tilespmem:s24+$0x0]  }
0x8c: {  	v13 =	vmul.f32 v48, v13;
	v18 =	vmul.f32 v18, v49;
	v26 =	vld [tilespmem:s24+$0x10];
	(xrf2) =	vadd.scan.msk.f32 $0xffff, v17  }
0x8d: {  	v9 =	vadd.f32 v28, v9;
	v17 =	vld [tilespmem:s2+$0x110];
	v21, _, _ =	vpop (xrf2);
	s24 =	spop (v2sf)  }
0x8e: {  	v13 =	vmul.f32 v27, v13;
	v27 =	vmul.f32 v22, v18;
	v22 =	vld [tilespmem:s24+$0x0]  }
0x8f: {  	v10 =	vmul.f32 v11, v10;
	v11 =	vmul.f32 v19, v12;
	v12 =	vld [tilespmem:s24+$0x10];
	(xrf2) =	vadd.scan.msk.f32 $0xffff, v9  }
0x90: {  	v9 =	vadd.f32 v27, v13;
	v13 =	vld [tilespmem:s2+$0x290];
	v18, _, _ =	vpop (xrf2);
	s24 =	spop (v2sf)  }
0x91: {  	v10 =	vmul.f32 v25, v10;
	v25 =	vmul.f32 v26, v11;
	v19 =	vld [tilespmem:s24+$0x0]  }
0x92: {  	v6 =	vmul.f32 v7, v6;
	v7 =	vmul.f32 v17, v8;
	v8 =	vld [tilespmem:s24+$0x10];
	(xrf2) =	vadd.scan.msk.f32 $0xffff, v9  }
0x93: {  	v9 =	vadd.f32 v25, v10;
	v10 =	vld [tilespmem:s11+$0x390];
	v11, _, _ =	vpop (xrf2)  }
0x94: {  	v17 =	vmul.f32 v22, v6;
	v7 =	vmul.f32 v12, v7;
	v12 =	vld [tilespmem:s2+$0x390]  }
0x95: {  	v3 =	vmul.f32 v4, v3;
	v4 =	vmul.f32 v13, v5;
	(xrf2) =	vadd.scan.msk.f32 $0xffff, v9  }
0x96: {  	v1 =	vmul.f32 v2, v1;
	v5 =	vadd.f32 v7, v17;
	v2 =	vld [tilespmem:s19+$0x10];
	v6, _, _ =	vpop (xrf2)  }
0x97: {  	v3 =	vmul.f32 v19, v3;
	v7 =	vmul.f32 v8, v4  }
0x98: {  	(xrf2) =	vadd.scan.msk.f32 $0xffff, v5  }
0x99: {  	v0 =	vmul.f32 v0, v1;
	v3 =	vadd.f32 v7, v3;
	v1 =	vmul.f32 v12, v10;
	v4, _, _ =	vpop (xrf2)  }
0x9a: {  	v5 =	vbroadcast v6, $0xF;
	v7 =	vbroadcast v4, $0xF  }
0x9b: {  	v6 =	vbroadcast v11, $0xF;
	v1 =	vmul.f32 v2, v1;
	(xrf2) =	vadd.scan.msk.f32 $0xffff, v3  }
0x9c: {  	v3 =	vbroadcast v18, $0xF;
	v2 =	vsel vm0, v5, v7;
	v4, _, _ =	vpop (xrf2)  }
0x9d: {  	v2 =	vsel vm1, v2, v6;
	v5 =	vbroadcast v4, $0xF;
	v0 =	vadd.f32 v1, v0  }
0x9e: {  	v1 =	vsel vm2, v2, v3;
	v2 =	vbroadcast v21, $0xF  }
0x9f: {  	v1 =	vsel vm3, v1, v5;
	v5 =	vbroadcast v24, $0xF;
	v4, _, _ =	vpop (xrf2);
	(xrf2) =	vadd.scan.msk.f32 $0xffff, v0  }
0xa0: {  	v0 =	vsel vm4, v1, v2;
	v1 =	vbroadcast v4, $0xF  }
0xa1: {  	v2 =	vbroadcast v20, $0xF;
	v0 =	vsel vm5, v0, v5  }
0xa2: {  	v0 =	vsel vm6, v0, v1;
	v1 =	vbroadcast v23, $0xF;
	v3, _, _ =	vpop (xrf2)  }
0xa3: {  	v0 =	vsel vm7, v0, v2;
	v2 =	vbroadcast v3, $0xF  }
0xa4: {  	v0 =	vsel vm8, v0, v1;
	v1 =	vbroadcast v16, $0xF  }
0xa5: {  	v0 =	vsel vm9, v0, v2;
	v2 =	vbroadcast v15, $0xF;
	v3, _, _ =	vpop (xrf2)  }
0xa6: {  	v0 =	vsel vm10, v0, v1;
	v3 =	vbroadcast v3, $0xF  }
0xa7: {  	v0 =	vsel vm11, v0, v2;
	v2 =	vbroadcast v14, $0xF  }
0xa8: {  	v0 =	vsel vm12, v0, v3  }
0xa9: {  	v0 =	vsel vm13, v0, v2;
	v1, _, _ =	vpop (xrf2)  }
0xaa: {  	v0 =	vsel vm14, v0, v1  }
0xab: {  	v0 =	vsub.f32 $0.0e+00, v0;
	_ =	sdelay $0x1  }
0xac: {  	v0 =	vmul.f32 $1.442695020e+00, v0  }
0xad: {  	s24 =	sshra.s32 s21, $0x2  }
0xae: {  	v1 =	vld [tilespmem:s24+$0x0];
	(erf) = vpow2.f32 v0;
	_ =	sdelay $0x4  }
0xaf: {  	v0 =	vshll.u32 v1, $0x5  }
0xb0: {  	v9 =	vadd.s32 $0x10600, v0  }
0xb1: {  	(v2sf) =	vpush v9, $0xF;
	_ =	sdelay $0x1  }
0xb2: {  	v0 =	vpop (erf)  }
0xb3: {  	(v2sf) =	vpush v9, $0xE;
	v0 =	vadd.f32 $1.000000000e+00, v0;
	_ =	sdelay $0x1  }
0xb4: {  	(erf) = vrcp.f32 v0;
	_ =	sdelay $0x3  }
0xb5: {  	(v2sf) =	vpush v9, $0xC;
	_ =	sdelay $0x4  }
0xb6: {  	(v2sf) =	vpush v9, $0xB;
	v0 =	vpop (erf)  }
0xb7: {  	s19 =	spop (v2sf);
	[tilespmem:s0+$0x18600] =	vst v0;
	s0 =	smov.u32 s24  }
0xb8: {  	s11 =	sadd.s32 $0x800, s11;
	v0 =	vld [tilespmem:s19+$0x0]  }
0xb9: {  	s2 =	sadd.s32 $0x800, s2;
	v1 =	vld [tilespmem:s11+$0x380]  }
0xba: {  	v2 =	vld [tilespmem:s2+$0x380];
	s24 =	spop (v2sf)  }
0xbb: {  	v13 =	vld [tilespmem:s24+$0x0]  }
0xbc: {  	v48 =	vld [tilespmem:s24+$0x10]  }
0xbd: {  	v26 =	vld [tilespmem:s11+$0x300]  }
0xbe: {  	v28 =	vld [tilespmem:s2+$0x300]  }
0xbf: {  	v49 =	vld [tilespmem:s11+$0x310]  }
0xc0: {  	v50 =	vld [tilespmem:s2+$0x310];
	(v2sf) =	vpush v9, $0x9;
	s24 =	spop (v2sf)  }
0xc1: {  	v14 =	vld [tilespmem:s24+$0x0]  }
0xc2: {  	v15 =	vld [tilespmem:s24+$0x10]  }
0xc3: {  	v3 =	vld [tilespmem:s11+$0x280]  }
0xc4: {  	v4 =	vld [tilespmem:s2+$0x280]  }
0xc5: {  	v5 =	vld [tilespmem:s11+$0x290];
	(v2sf) =	vpush v9, $0x8;
	s24 =	spop (v2sf)  }
0xc6: {  	v16 =	vld [tilespmem:s24+$0x0]  }
0xc7: {  	v17 =	vld [tilespmem:s24+$0x10]  }
0xc8: {  	v51 =	vld [tilespmem:s11+$0x200]  }
0xc9: {  	v52 =	vld [tilespmem:s2+$0x200]  }
0xca: {  	v53 =	vld [tilespmem:s11+$0x210]  }
0xcb: {  	v54 =	vld [tilespmem:s2+$0x210]  }
0xcc: {  	v27 =	vld [tilespmem:s11+$0x180]  }
0xcd: {  	v29 =	vld [tilespmem:s2+$0x180]  }
0xce: {  	v30 =	vld [tilespmem:s11+$0x190]  }
0xcf: {  	v31 =	vld [tilespmem:s2+$0x190];
	(v2sf) =	vpush v9, $0x6;
	s24 =	spop (v2sf)  }
0xd0: {  	v18 =	vld [tilespmem:s24+$0x0]  }
0xd1: {  	v19 =	vld [tilespmem:s24+$0x10]  }
0xd2: {  	v6 =	vld [tilespmem:s11+$0x100]  }
0xd3: {  	v7 =	vld [tilespmem:s2+$0x100]  }
0xd4: {  	v8 =	vld [tilespmem:s11+$0x110];
	(v2sf) =	vpush v9, $0x5;
	s24 =	spop (v2sf)  }
0xd5: {  	v20 =	vld [tilespmem:s24+$0x0]  }
0xd6: {  	v21 =	vld [tilespmem:s24+$0x10]  }
0xd7: {  	v35 =	vld [tilespmem:s11+$0x80]  }
0xd8: {  	v37 =	vld [tilespmem:s2+$0x80]  }
0xd9: {  	v38 =	vld [tilespmem:s11+$0x90]  }
0xda: {  	v39 =	vld [tilespmem:s2+$0x90]  }
0xdb: {  	v32 =	vld [tilespmem:s11+$0x0]  }
0xdc: {  	v33 =	vld [tilespmem:s2+$0x0]  }
0xdd: {  	v34 =	vld [tilespmem:s11+$0x10]  }
0xde: {  	v36 =	vld [tilespmem:s2+$0x10];
	(v2sf) =	vpush v9, $0x3;
	s24 =	spop (v2sf)  }
0xdf: {  	v22 =	vld [tilespmem:s24+$0x0]  }
0xe0: {  	v24 =	vld [tilespmem:s24+$0x10]  }
0xe1: {  	v10 =	vld [tilespmem:s11+$0xFFFFFF80]  }
0xe2: {  	v11 =	vld [tilespmem:s2+$0xFFFFFF80]  }
0xe3: {  	v12 =	vld [tilespmem:s11+$0xFFFFFF90];
	(v2sf) =	vpush v9, $0x2;
	s24 =	spop (v2sf)  }
0xe4: {  	v23 =	vld [tilespmem:s24+$0x0]  }
0xe5: {  	v25 =	vld [tilespmem:s24+$0x10]  }
0xe6: {  	v42 =	vld [tilespmem:s11+$0xFFFFFF00]  }
0xe7: {  	v44 =	vld [tilespmem:s2+$0xFFFFFF00]  }
0xe8: {  	v46 =	vld [tilespmem:s11+$0xFFFFFF10]  }
0xe9: {  	v47 =	vld [tilespmem:s2+$0xFFFFFF10];
	(v2sf) =	vpush v9, $0x0  }
0xea: {  	v40 =	vld [tilespmem:s11+$0xFFFFFE80]  }
0xeb: {  	v41 =	vld [tilespmem:s2+$0xFFFFFE80]  }
.Ltmp0:
0xec: {  	v43 =	vld [tilespmem:s11+$0xFFFFFE90];
	(pc) =	sbr.rel @p0 .LBB2_2-.Ltmp0, $4  }
0xed: {  	v55 =	vmul.f32 v28, v26;
	v50 =	vmul.f32 v50, v49;
	v45 =	vld [tilespmem:s2+$0xFFFFFE90];
	s24 =	spop (v2sf)  }
0xee: {  	v26 =	vld [tilespmem:s24+$0x0]  }
0xef: {  	v49 =	vmul.f32 v13, v55;
	v50 =	vmul.f32 v48, v50;
	v28 =	vld [tilespmem:s24+$0x10]  }
0xf0: {  	s21 =	sadd.s32 $0x40, s21;
	v51 =	vmul.f32 v52, v51;
	v52 =	vmul.f32 v54, v53;
	v13 =	vld [tilespmem:s11+$0xFFFFFE00]  }
0xf1: {  	v48 =	vld [tilespmem:s2+$0xFFFFFE00]  }
0xf2: {  	v53 =	vld [tilespmem:s11+$0xFFFFFE10]  }
0xf3: {  	v56 =	vld [tilespmem:s11+$0xFFFFFD80]  }
0xf4: {  	v57 =	vld [tilespmem:s2+$0xFFFFFD80]  }
0xf5: {  	v58 =	vld [tilespmem:s11+$0xFFFFFD90]  }
0xf6: {  	v59 =	vld [tilespmem:s2+$0xFFFFFD90]  }
0xf7: {  	v27 =	vmul.f32 v29, v27;
	v29 =	vmul.f32 v31, v30;
	v30 =	vld [tilespmem:s11+$0xFFFFFD00];
	s21 =	spop (v2sf);
	(v2sf) =	vpush v9, $0x1  }
0xf8: {  	v31 =	vld [tilespmem:s2+$0xFFFFFD00]  }
0xf9: {  	v62 =	vmul.f32 v47, v46;
	v47 =	vld [tilespmem:s11+$0xFFFFFC80]  }
0xfa: {  	v14 =	vmul.f32 v14, v51;
	v51 =	vmul.f32 v36, v34;
	v34 =	vld [tilespmem:s2+$0xFFFFFC00];
	s24 =	spop (v2sf);
	(v2sf) =	vpush v9, $0x4  }
0xfb: {  	v54 =	vld [tilespmem:s21+$0x0]  }
0xfc: {  	v63 =	vmul.f32 v39, v38;
	v55 =	vld [tilespmem:s21+$0x10]  }
0xfd: {  	v32 =	vmul.f32 v33, v32;
	v16 =	vmul.f32 v16, v27;
	v27 =	vld [tilespmem:s11+$0xFFFFFD10]  }
0xfe: {  	v17 =	vmul.f32 v17, v29;
	v29 =	vmul.f32 v37, v35;
	v37 =	vld [tilespmem:s2+$0xFFFFFD10];
	(v2sf) =	vpush v9, $0x7  }
0xff: {  	v20 =	vmul.f32 v20, v32;
	v32 =	vld [tilespmem:s11+$0xFFFFFC10]  }
0x100: {  	v15 =	vmul.f32 v15, v52;
	v19 =	vmul.f32 v19, v63;
	v63 =	vld [tilespmem:s2+$0xFFFFFC10]  }
0x101: {  	v52 =	vmul.f32 v44, v42;
	v21 =	vmul.f32 v21, v51;
	v51 =	vld [tilespmem:s11+$0xFFFFFC90];
	(v2sf) =	vpush v9, $0xA  }
0x102: {  	v44 =	vmul.f32 v41, v40;
	v18 =	vmul.f32 v18, v29;
	v29 =	vld [tilespmem:s11+$0xFFFFFC00]  }
0x103: {  	v46 =	vmul.f32 v45, v43;
	v14 =	vadd.f32 v15, v14;
	v15 =	vmul.f32 v57, v56;
	v56 =	vld [tilespmem:s2+$0xFFFFFC90]  }
0x104: {  	v50 =	vadd.f32 v50, v49;
	v23 =	vmul.f32 v23, v44;
	v60 =	vld [tilespmem:s24+$0x0];
	(v2sf) =	vpush v9, $0xD  }
0x105: {  	v25 =	vmul.f32 v25, v46;
	v16 =	vadd.f32 v17, v16;
	v17 =	vmul.f32 v31, v30;
	v61 =	vld [tilespmem:s24+$0x10]  }
0x106: {  	(xrf2) =	vadd.scan.msk.f32 $0xffff, v50;
	v9 =	vmul.f32 v22, v52;
	v22 =	vmul.f32 v24, v62;
	v24 =	vld [tilespmem:s2+$0xFFFFFC80];
	s24 =	spop (v2sf)  }
0x107: {  	(xrf2) =	vadd.scan.msk.f32 $0xffff, v14;
	v14 =	vadd.f32 v19, v18;
	v27 =	vmul.f32 v37, v27;
	v15 =	vmul.f32 v26, v15;
	v30 =	vld [tilespmem:s24+$0x0]  }
0x108: {  	(xrf2) =	vadd.scan.msk.f32 $0xffff, v16;
	v17 =	vmul.f32 v54, v17;
	v52 =	vmul.f32 v59, v58;
	v19 =	vld [tilespmem:s24+$0x10]  }
0x109: {  	v16 =	vadd.f32 v21, v20;
	v21 =	vld [tilespmem:s2+$0xFFFFFE10];
	(xrf2) =	vadd.scan.msk.f32 $0xffff, v14;
	v20 =	vmul.f32 v55, v27;
	v14 =	vmul.f32 v34, v29;
	s24 =	spop (v2sf)  }
0x10a: {  	v18 =	vmul.f32 v28, v52;
	v9 =	vadd.f32 v22, v9;
	v22 =	vmul.f32 v63, v32;
	v26 =	vld [tilespmem:s24+$0x0]  }
0x10b: {  	(xrf2) =	vadd.scan.msk.f32 $0xffff, v16;
	v16 =	vadd.f32 v25, v23;
	v23 =	vmul.f32 v24, v47;
	v24 =	vmul.f32 v56, v51;
	v25 =	vld [tilespmem:s24+$0x10]  }
0x10c: {  	v14 =	vmul.f32 v60, v14;
	(xrf2) =	vadd.scan.msk.f32 $0xffff, v9;
	v9 =	vadd.f32 v18, v15;
	v15 =	vmul.f32 v61, v22;
	v18 =	vld [tilespmem:s2+$0xFFFFFF90]  }
0x10d: {  	(xrf2) =	vadd.scan.msk.f32 $0xffff, v16;
	v16 =	vadd.f32 v20, v17;
	v17 =	vmul.f32 v30, v23;
	v19 =	vmul.f32 v19, v24;
	s24 =	spop (v2sf)  }
0x10e: {  	v13 =	vmul.f32 v48, v13;
	(xrf2) =	vadd.scan.msk.f32 $0xffff, v9;
	v9 =	vadd.f32 v15, v14;
	v14 =	vmul.f32 v21, v53;
	v20 =	vld [tilespmem:s24+$0x0]  }
0x10f: {  	(xrf2) =	vadd.scan.msk.f32 $0xffff, v16;
	v16 =	vadd.f32 v19, v17;
	v17 =	vld [tilespmem:s2+$0x110]  }
0x110: {  	(xrf2) =	vadd.scan.msk.f32 $0xffff, v9;
	v15 =	vld [tilespmem:s24+$0x10];
	s24 =	spop (v2sf);
	v9 =	vmul.f32 v26, v13;
	v13 =	vmul.f32 v25, v14  }
0x111: {  	v10 =	vmul.f32 v11, v10;
	v11 =	vmul.f32 v18, v12;
	v12 =	vld [tilespmem:s24+$0x10]  }
0x112: {  	v9 =	vadd.f32 v13, v9;
	v13 =	vld [tilespmem:s2+$0x290]  }
0x113: {  	v19, _, _ =	vpop (xrf2);
	(xrf2) =	vadd.scan.msk.f32 $0xffff, v16;
	v14 =	vld [tilespmem:s24+$0x0];
	s24 =	spop (v2sf)  }
0x114: {  	v6 =	vmul.f32 v7, v6;
	v16, _, _ =	vpop (xrf2);
	v7 =	vmul.f32 v17, v8;
	v8 =	vld [tilespmem:s24+$0x10]  }
0x115: {  	v3 =	vmul.f32 v4, v3;
	v18, _, _ =	vpop (xrf2)  }
0x116: {  	v10 =	vmul.f32 v20, v10;
	v11 =	vmul.f32 v15, v11;
	v15 =	vld [tilespmem:s24+$0x0];
	v20, _, _ =	vpop (xrf2)  }
0x117: {  	v7 =	vmul.f32 v12, v7;
	(xrf2) =	vadd.scan.msk.f32 $0xffff, v9;
	v9, _, _ =	vpop (xrf2);
	v4 =	vmul.f32 v13, v5  }
0x118: {  	v17, _, _ =	vpop (xrf2)  }
0x119: {  	v6 =	vmul.f32 v14, v6;
	v14, _, _ =	vpop (xrf2);
	v4 =	vmul.f32 v8, v4  }
0x11a: {  	v10 =	vadd.f32 v11, v10;
	v11 =	vld [tilespmem:s11+$0x390];
	v5, _, _ =	vpop (xrf2)  }
0x11b: {  	v12 =	vld [tilespmem:s2+$0x390];
	v3 =	vmul.f32 v15, v3;
	v6 =	vadd.f32 v7, v6;
	v7, _, _ =	vpop (xrf2)  }
0x11c: {  	v8, _, _ =	vpop (xrf2)  }
0x11d: {  	v1 =	vmul.f32 v2, v1;
	v2 =	vld [tilespmem:s19+$0x10];
	(xrf2) =	vadd.scan.msk.f32 $0xffff, v10;
	v3 =	vadd.f32 v4, v3;
	v4, _, _ =	vpop (xrf2)  }
0x11e: {  	v4 =	vbroadcast v4, $0xF  }
0x11f: {  	v0 =	vmul.f32 v0, v1  }
0x120: {  	v1 =	vmul.f32 v12, v11;
	(xrf2) =	vadd.scan.msk.f32 $0xffff, v6;
	v6 =	vbroadcast v8, $0xF;
	_ =	sdelay $0x1  }
0x121: {  	v1 =	vmul.f32 v2, v1;
	v2 =	vsel vm0, v6, v4;
	v4, _, _ =	vpop (xrf2)  }
0x122: {  	v7 =	vbroadcast v7, $0xF;
	(xrf2) =	vadd.scan.msk.f32 $0xffff, v3;
	v4 =	vbroadcast v4, $0xF  }
0x123: {  	v3 =	vbroadcast v5, $0xF  }
0x124: {  	v0 =	vadd.f32 v1, v0;
	v2 =	vsel vm1, v2, v7  }
0x125: {  	v1 =	vsel vm2, v2, v3;
	v2 =	vbroadcast v14, $0xF;
	v3 =	vbroadcast v17, $0xF  }
0x126: {  	v1 =	vsel vm3, v1, v4;
	v4, _, _ =	vpop (xrf2)  }
0x127: {  	(xrf2) =	vadd.scan.msk.f32 $0xffff, v0;
	v0 =	vsel vm4, v1, v2;
	v1 =	vbroadcast v4, $0xF  }
0x128: {  	v2 =	vbroadcast v9, $0xF;
	v0 =	vsel vm5, v0, v3  }
0x129: {  	v3, _, _ =	vpop (xrf2);
	v0 =	vsel vm6, v0, v1;
	v1 =	vbroadcast v20, $0xF  }
0x12a: {  	v0 =	vsel vm7, v0, v2;
	v2 =	vbroadcast v3, $0xF  }
0x12b: {  	v0 =	vsel vm8, v0, v1;
	v1 =	vbroadcast v18, $0xF  }
0x12c: {  	v3, _, _ =	vpop (xrf2);
	v0 =	vsel vm9, v0, v2  }
0x12d: {  	v2 =	vbroadcast v16, $0xF;
	v0 =	vsel vm10, v0, v1;
	v1 =	vbroadcast v3, $0xF;
	_ =	sdelay $0x1  }
0x12e: {  	v0 =	vsel vm11, v0, v2;
	v2 =	vbroadcast v19, $0xF  }
0x12f: {  	v0 =	vsel vm12, v0, v1  }
0x130: {  	v0 =	vsel vm13, v0, v2;
	v1, _, _ =	vpop (xrf2)  }
0x131: {  	v0 =	vsel vm14, v0, v1  }
0x132: {  	v0 =	vsub.f32 $0.0e+00, v0;
	_ =	sdelay $0x1  }
0x133: {  	v0 =	vmul.f32 $1.442695020e+00, v0;
	_ =	sdelay $0x1  }
0x134: {  	(erf) = vpow2.f32 v0;
	_ =	sdelay $0x8  }
0x135: {  	v0 =	vpop (erf)  }
0x136: {  	v0 =	vadd.f32 $1.000000000e+00, v0;
	_ =	sdelay $0x1  }
0x137: {  	(erf) = vrcp.f32 v0;
	_ =	sdelay $0x8  }
0x138: {  	v0 =	vpop (erf)  }
0x139: {  	s21 =	simm.s32 $0x300;
	[tilespmem:s0+$0x18600] =	vst v0  }
0x13a: {  	[tilespmem:s16], [sflag:$0x1] =	stream.indirect.gather [hbm4b:s3+s15], $0x80, s21, s15, $0xb8;
	[tilespmem:$0x18800] =	vst v63  }
0x13b: {  	_ = 	snop  }
0x13c: {  	[tilespmem:s17], [sflag:$0x1] =	stream.indirect.gather [hbm4b:s4+s15], $0x80, s25, s15, $0xb8;
	[tilespmem:$0x18800] =	vst v63  }
0x13d: {  	_ =	swait.ge [sflag:s26], $0x4000  }
0x13e: {  	[sflag:s26] =	ssyncset.done $0x0  }
0x13f: {  	[sflag:s26] =	ssyncadd.s32 $0xFFFFC000  }
0x140: {  	_ =	swait.ge [sflag:s26], $0x4000  }
0x141: {  	[sflag:s26] =	ssyncset.done $0x0  }
0x142: {  	s0 =	simm.s32 $0x0;
	[sflag:s26] =	ssyncadd.s32 $0xFFFFC000  }
0x143: {  	v0 =	vld [tilespmem:s0+$0x80];
	_ =	sdelay $0x4  }
0x144: {  	v0 =	vshll.u32 v0, $0x5  }
0x145: {  	v9 =	vadd.s32 $0x10600, v0  }
0x146: {  	(v2sf) =	vpush v9, $0xF;
	_ =	sdelay $0x1  }
0x147: {  	(v2sf) =	vpush v9, $0xE  }
0x148: {  	s11 =	simm.s32 $0x4A00  }
0x149: {  	s2 =	simm.s32 $0xCA00;
	v1 =	vld [tilespmem:s11+$0x380]  }
0x14a: {  	v2 =	vld [tilespmem:s2+$0x380]  }
0x14b: {  	v26 =	vld [tilespmem:s11+$0x300]  }
0x14c: {  	v28 =	vld [tilespmem:s2+$0x300]  }
0x14d: {  	v57 =	vld [tilespmem:s11+$0x310]  }
0x14e: {  	v58 =	vld [tilespmem:s2+$0x310]  }
0x14f: {  	v3 =	vld [tilespmem:s11+$0x280]  }
0x150: {  	v4 =	vld [tilespmem:s2+$0x280];
	(v2sf) =	vpush v9, $0xC  }
0x151: {  	v5 =	vld [tilespmem:s11+$0x290]  }
0x152: {  	v59 =	vld [tilespmem:s11+$0x200];
	(v2sf) =	vpush v9, $0xB  }
0x153: {  	v60 =	vld [tilespmem:s2+$0x200]  }
0x154: {  	v61 =	vld [tilespmem:s11+$0x210];
	s19 =	spop (v2sf);
	(v2sf) =	vpush v9, $0x9  }
0x155: {  	v62 =	vld [tilespmem:s2+$0x210]  }
0x156: {  	v27 =	vld [tilespmem:s11+$0x180];
	s24 =	spop (v2sf);
	(v2sf) =	vpush v9, $0x8  }
0x157: {  	v29 =	vld [tilespmem:s2+$0x180]  }
0x158: {  	v30 =	vld [tilespmem:s11+$0x190]  }
0x159: {  	v31 =	vld [tilespmem:s2+$0x190]  }
0x15a: {  	v6 =	vld [tilespmem:s11+$0x100]  }
0x15b: {  	v7 =	vld [tilespmem:s2+$0x100]  }
0x15c: {  	v8 =	vld [tilespmem:s11+$0x110]  }
0x15d: {  	v35 =	vld [tilespmem:s11+$0x80]  }
0x15e: {  	v13 =	vld [tilespmem:s24+$0x0]  }
0x15f: {  	v48 =	vld [tilespmem:s24+$0x10];
	s24 =	spop (v2sf)  }
0x160: {  	v14 =	vld [tilespmem:s24+$0x0]  }
0x161: {  	(v2sf) =	vpush v9, $0x6;
	v15 =	vld [tilespmem:s24+$0x10];
	s24 =	spop (v2sf)  }
0x162: {  	v16 =	vld [tilespmem:s24+$0x0]  }
0x163: {  	v17 =	vld [tilespmem:s24+$0x10];
	s24 =	spop (v2sf);
	(v2sf) =	vpush v9, $0x5  }
0x164: {  	v18 =	vld [tilespmem:s24+$0x0]  }
0x165: {  	v19 =	vld [tilespmem:s24+$0x10];
	s24 =	spop (v2sf);
	(v2sf) =	vpush v9, $0x3  }
0x166: {  	v37 =	vld [tilespmem:s2+$0x80]  }
0x167: {  	v38 =	vld [tilespmem:s11+$0x90]  }
0x168: {  	v39 =	vld [tilespmem:s2+$0x90]  }
0x169: {  	v32 =	vld [tilespmem:s11+$0x0]  }
0x16a: {  	v33 =	vld [tilespmem:s2+$0x0]  }
0x16b: {  	v34 =	vld [tilespmem:s11+$0x10]  }
0x16c: {  	v36 =	vld [tilespmem:s2+$0x10]  }
0x16d: {  	v10 =	vld [tilespmem:s11+$0xFFFFFF80]  }
0x16e: {  	v11 =	vld [tilespmem:s2+$0xFFFFFF80]  }
0x16f: {  	v20 =	vld [tilespmem:s24+$0x0]  }
0x170: {  	v21 =	vld [tilespmem:s24+$0x10];
	s24 =	spop (v2sf)  }
0x171: {  	v22 =	vld [tilespmem:s24+$0x0]  }
0x172: {  	v24 =	vld [tilespmem:s24+$0x10];
	s24 =	spop (v2sf)  }
0x173: {  	v23 =	vld [tilespmem:s24+$0x0]  }
0x174: {  	v25 =	vld [tilespmem:s24+$0x10];
	s24 =	spop (v2sf);
	(v2sf) =	vpush v9, $0x2  }
0x175: {  	v12 =	vld [tilespmem:s11+$0xFFFFFF90]  }
0x176: {  	v42 =	vld [tilespmem:s11+$0xFFFFFF00]  }
0x177: {  	v44 =	vld [tilespmem:s2+$0xFFFFFF00]  }
0x178: {  	v46 =	vld [tilespmem:s11+$0xFFFFFF10]  }
0x179: {  	v47 =	vld [tilespmem:s2+$0xFFFFFF10]  }
0x17a: {  	v40 =	vld [tilespmem:s11+$0xFFFFFE80];
	(v2sf) =	vpush v9, $0x0  }
0x17b: {  	v41 =	vld [tilespmem:s2+$0xFFFFFE80]  }
0x17c: {  	v43 =	vld [tilespmem:s11+$0xFFFFFE90]  }
0x17d: {  	v45 =	vld [tilespmem:s2+$0xFFFFFE90];
	v63 =	vmul.f32 v28, v26  }
0x17e: {  	v50 =	vmul.f32 v58, v57;
	v0 =	vld [tilespmem:s19+$0x0]  }
0x17f: {  	v49 =	vmul.f32 v13, v63;
	v13 =	vld [tilespmem:s11+$0xFFFFFE00]  }
0x180: {  	v50 =	vmul.f32 v48, v50;
	v26 =	vld [tilespmem:s24+$0x0]  }
0x181: {  	s21 =	simm.s32 $0x40;
	v51 =	vmul.f32 v60, v59;
	v52 =	vmul.f32 v62, v61;
	v28 =	vld [tilespmem:s24+$0x10]  }
.LBB2_4:
0x182: {  	p0 =	sne.s32 s21, $0x1C0;
	v48 =	vld [tilespmem:s2+$0xFFFFFE00];
	v50 =	vadd.f32 v50, v49  }
0x183: {  	v49 =	vld [tilespmem:s11+$0xFFFFFE10];
	v14 =	vmul.f32 v14, v51;
	v15 =	vmul.f32 v15, v52;
	s24 =	spop (v2sf)  }
0x184: {  	v27 =	vmul.f32 v29, v27;
	v29 =	vmul.f32 v31, v30;
	v51 =	vld [tilespmem:s24+$0x0];
	(xrf2) =	vadd.scan.msk.f32 $0xffff, v50  }
0x185: {  	v30 =	vld [tilespmem:s24+$0x10];
	v14 =	vadd.f32 v15, v14  }
0x186: {  	v15 =	vmul.f32 v16, v27;
	v16 =	vmul.f32 v17, v29;
	v31 =	vld [tilespmem:s11+$0xFFFFFD80]  }
0x187: {  	v27 =	vmul.f32 v37, v35;
	v29 =	vmul.f32 v39, v38;
	v17 =	vld [tilespmem:s2+$0xFFFFFD80];
	(xrf2) =	vadd.scan.msk.f32 $0xffff, v14  }
0x188: {  	v14 =	vadd.f32 v16, v15;
	v35 =	vld [tilespmem:s11+$0xFFFFFD90];
	(v2sf) =	vpush v9, $0x1  }
0x189: {  	v15 =	vmul.f32 v18, v27;
	v18 =	vmul.f32 v19, v29;
	v16 =	vld [tilespmem:s2+$0xFFFFFD90];
	s24 =	spop (v2sf)  }
0x18a: {  	v27 =	vmul.f32 v33, v32;
	v29 =	vmul.f32 v36, v34;
	v19 =	vld [tilespmem:s24+$0x0];
	(xrf2) =	vadd.scan.msk.f32 $0xffff, v14  }
0x18b: {  	v34 =	vadd.f32 v18, v15;
	v32 =	vld [tilespmem:s24+$0x10];
	(v2sf) =	vpush v9, $0x4  }
0x18c: {  	v15 =	vmul.f32 v20, v27;
	v20 =	vmul.f32 v21, v29;
	v18 =	vld [tilespmem:s11+$0xFFFFFD00]  }
0x18d: {  	v27 =	vmul.f32 v44, v42;
	v29 =	vmul.f32 v47, v46;
	v21 =	vld [tilespmem:s2+$0xFFFFFD00];
	(xrf2) =	vadd.scan.msk.f32 $0xffff, v34  }
0x18e: {  	v37 =	vadd.f32 v20, v15;
	v33 =	vld [tilespmem:s11+$0xFFFFFD10];
	(v2sf) =	vpush v9, $0x7;
	v14, _, _ =	vpop (xrf2)  }
0x18f: {  	v22 =	vmul.f32 v22, v27;
	v24 =	vmul.f32 v24, v29;
	v20 =	vld [tilespmem:s2+$0xFFFFFD10]  }
0x190: {  	v29 =	vmul.f32 v41, v40;
	v34 =	vmul.f32 v45, v43;
	v27 =	vld [tilespmem:s2+$0xFFFFFC00];
	(xrf2) =	vadd.scan.msk.f32 $0xffff, v37  }
0x191: {  	v22 =	vadd.f32 v24, v22;
	v36 =	vld [tilespmem:s11+$0xFFFFFC00];
	(v2sf) =	vpush v9, $0xA;
	v15, _, _ =	vpop (xrf2)  }
0x192: {  	v23 =	vmul.f32 v23, v29;
	v25 =	vmul.f32 v25, v34;
	v24 =	vld [tilespmem:s11+$0xFFFFFC10]  }
0x193: {  	v17 =	vmul.f32 v17, v31;
	v31 =	vmul.f32 v16, v35;
	v29 =	vld [tilespmem:s2+$0xFFFFFC10];
	(xrf2) =	vadd.scan.msk.f32 $0xffff, v22  }
0x194: {  	v34 =	vadd.f32 v25, v23;
	v22 =	vld [tilespmem:s11+$0xFFFFFC80];
	v16, _, _ =	vpop (xrf2);
	(v2sf) =	vpush v9, $0xD  }
0x195: {  	v17 =	vmul.f32 v26, v17;
	v25 =	vmul.f32 v28, v31;
	v9 =	vld [tilespmem:s2+$0xFFFFFC80]  }
0x196: {  	v18 =	vmul.f32 v21, v18;
	v20 =	vmul.f32 v20, v33;
	v26 =	vld [tilespmem:s11+$0xFFFFFC90];
	(xrf2) =	vadd.scan.msk.f32 $0xffff, v34  }
0x197: {  	v17 =	vadd.f32 v25, v17;
	v21 =	vld [tilespmem:s2+$0xFFFFFC90];
	s24 =	spop (v2sf);
	v23, _, _ =	vpop (xrf2)  }
0x198: {  	v18 =	vmul.f32 v51, v18;
	v30 =	vmul.f32 v30, v20;
	v25 =	vld [tilespmem:s24+$0x0]  }
0x199: {  	v27 =	vmul.f32 v27, v36;
	v24 =	vmul.f32 v29, v24;
	v28 =	vld [tilespmem:s24+$0x10];
	(xrf2) =	vadd.scan.msk.f32 $0xffff, v17  }
0x19a: {  	v17 =	vadd.f32 v30, v18;
	v18 =	vld [tilespmem:s2+$0xFFFFFE10];
	s24 =	spop (v2sf);
	v20, _, _ =	vpop (xrf2)  }
0x19b: {  	v19 =	vmul.f32 v19, v27;
	v29 =	vmul.f32 v32, v24;
	v27 =	vld [tilespmem:s24+$0x0]  }
0x19c: {  	v9 =	vmul.f32 v9, v22;
	v21 =	vmul.f32 v21, v26;
	v22 =	vld [tilespmem:s24+$0x10];
	(xrf2) =	vadd.scan.msk.f32 $0xffff, v17  }
0x19d: {  	v17 =	vadd.f32 v29, v19;
	v19 =	vld [tilespmem:s2+$0xFFFFFF90];
	s24 =	spop (v2sf);
	v24, _, _ =	vpop (xrf2)  }
0x19e: {  	v9 =	vmul.f32 v25, v9;
	v28 =	vmul.f32 v28, v21;
	v25 =	vld [tilespmem:s24+$0x0]  }
0x19f: {  	v13 =	vmul.f32 v48, v13;
	v18 =	vmul.f32 v18, v49;
	v26 =	vld [tilespmem:s24+$0x10];
	(xrf2) =	vadd.scan.msk.f32 $0xffff, v17  }
0x1a0: {  	v9 =	vadd.f32 v28, v9;
	v17 =	vld [tilespmem:s2+$0x110];
	v21, _, _ =	vpop (xrf2);
	s24 =	spop (v2sf)  }
0x1a1: {  	v13 =	vmul.f32 v27, v13;
	v27 =	vmul.f32 v22, v18;
	v22 =	vld [tilespmem:s24+$0x0]  }
0x1a2: {  	v10 =	vmul.f32 v11, v10;
	v11 =	vmul.f32 v19, v12;
	v12 =	vld [tilespmem:s24+$0x10];
	(xrf2) =	vadd.scan.msk.f32 $0xffff, v9  }
0x1a3: {  	v9 =	vadd.f32 v27, v13;
	v13 =	vld [tilespmem:s2+$0x290];
	v18, _, _ =	vpop (xrf2);
	s24 =	spop (v2sf)  }
0x1a4: {  	v10 =	vmul.f32 v25, v10;
	v25 =	vmul.f32 v26, v11;
	v19 =	vld [tilespmem:s24+$0x0]  }
0x1a5: {  	v6 =	vmul.f32 v7, v6;
	v7 =	vmul.f32 v17, v8;
	v8 =	vld [tilespmem:s24+$0x10];
	(xrf2) =	vadd.scan.msk.f32 $0xffff, v9  }
0x1a6: {  	v9 =	vadd.f32 v25, v10;
	v10 =	vld [tilespmem:s11+$0x390];
	v11, _, _ =	vpop (xrf2)  }
0x1a7: {  	v17 =	vmul.f32 v22, v6;
	v7 =	vmul.f32 v12, v7;
	v12 =	vld [tilespmem:s2+$0x390]  }
0x1a8: {  	v3 =	vmul.f32 v4, v3;
	v4 =	vmul.f32 v13, v5;
	(xrf2) =	vadd.scan.msk.f32 $0xffff, v9  }
0x1a9: {  	v1 =	vmul.f32 v2, v1;
	v5 =	vadd.f32 v7, v17;
	v2 =	vld [tilespmem:s19+$0x10];
	v6, _, _ =	vpop (xrf2)  }
0x1aa: {  	v3 =	vmul.f32 v19, v3;
	v7 =	vmul.f32 v8, v4  }
0x1ab: {  	(xrf2) =	vadd.scan.msk.f32 $0xffff, v5  }
0x1ac: {  	v0 =	vmul.f32 v0, v1;
	v3 =	vadd.f32 v7, v3;
	v1 =	vmul.f32 v12, v10;
	v4, _, _ =	vpop (xrf2)  }
0x1ad: {  	v5 =	vbroadcast v6, $0xF;
	v7 =	vbroadcast v4, $0xF  }
0x1ae: {  	v6 =	vbroadcast v11, $0xF;
	v1 =	vmul.f32 v2, v1;
	(xrf2) =	vadd.scan.msk.f32 $0xffff, v3  }
0x1af: {  	v3 =	vbroadcast v18, $0xF;
	v2 =	vsel vm0, v5, v7;
	v4, _, _ =	vpop (xrf2)  }
0x1b0: {  	v2 =	vsel vm1, v2, v6;
	v5 =	vbroadcast v4, $0xF;
	v0 =	vadd.f32 v1, v0  }
0x1b1: {  	v1 =	vsel vm2, v2, v3;
	v2 =	vbroadcast v21, $0xF  }
0x1b2: {  	v1 =	vsel vm3, v1, v5;
	v5 =	vbroadcast v24, $0xF;
	v4, _, _ =	vpop (xrf2);
	(xrf2) =	vadd.scan.msk.f32 $0xffff, v0  }
0x1b3: {  	v0 =	vsel vm4, v1, v2;
	v1 =	vbroadcast v4, $0xF  }
0x1b4: {  	v2 =	vbroadcast v20, $0xF;
	v0 =	vsel vm5, v0, v5  }
0x1b5: {  	v0 =	vsel vm6, v0, v1;
	v1 =	vbroadcast v23, $0xF;
	v3, _, _ =	vpop (xrf2)  }
0x1b6: {  	v0 =	vsel vm7, v0, v2;
	v2 =	vbroadcast v3, $0xF  }
0x1b7: {  	v0 =	vsel vm8, v0, v1;
	v1 =	vbroadcast v16, $0xF  }
0x1b8: {  	v0 =	vsel vm9, v0, v2;
	v2 =	vbroadcast v15, $0xF;
	v3, _, _ =	vpop (xrf2)  }
0x1b9: {  	v0 =	vsel vm10, v0, v1;
	v3 =	vbroadcast v3, $0xF  }
0x1ba: {  	v0 =	vsel vm11, v0, v2;
	v2 =	vbroadcast v14, $0xF  }
0x1bb: {  	v0 =	vsel vm12, v0, v3  }
0x1bc: {  	v0 =	vsel vm13, v0, v2;
	v1, _, _ =	vpop (xrf2)  }
0x1bd: {  	v0 =	vsel vm14, v0, v1  }
0x1be: {  	v0 =	vsub.f32 $0.0e+00, v0;
	_ =	sdelay $0x1  }
0x1bf: {  	v0 =	vmul.f32 $1.442695020e+00, v0  }
0x1c0: {  	s24 =	sshra.s32 s21, $0x2  }
0x1c1: {  	v1 =	vld [tilespmem:s24+$0x80];
	(erf) = vpow2.f32 v0;
	_ =	sdelay $0x4  }
0x1c2: {  	v0 =	vshll.u32 v1, $0x5  }
0x1c3: {  	v9 =	vadd.s32 $0x10600, v0  }
0x1c4: {  	(v2sf) =	vpush v9, $0xF;
	_ =	sdelay $0x1  }
0x1c5: {  	v0 =	vpop (erf)  }
0x1c6: {  	(v2sf) =	vpush v9, $0xE;
	v0 =	vadd.f32 $1.000000000e+00, v0;
	_ =	sdelay $0x1  }
0x1c7: {  	(erf) = vrcp.f32 v0;
	_ =	sdelay $0x3  }
0x1c8: {  	(v2sf) =	vpush v9, $0xC;
	_ =	sdelay $0x4  }
0x1c9: {  	(v2sf) =	vpush v9, $0xB;
	v0 =	vpop (erf)  }
0x1ca: {  	s19 =	spop (v2sf);
	[tilespmem:s0+$0x18680] =	vst v0;
	s0 =	smov.u32 s24  }
0x1cb: {  	s11 =	sadd.s32 $0x800, s11;
	v0 =	vld [tilespmem:s19+$0x0]  }
0x1cc: {  	s2 =	sadd.s32 $0x800, s2;
	v1 =	vld [tilespmem:s11+$0x380]  }
0x1cd: {  	v2 =	vld [tilespmem:s2+$0x380];
	s24 =	spop (v2sf)  }
0x1ce: {  	v13 =	vld [tilespmem:s24+$0x0]  }
0x1cf: {  	v48 =	vld [tilespmem:s24+$0x10]  }
0x1d0: {  	v26 =	vld [tilespmem:s11+$0x300]  }
0x1d1: {  	v28 =	vld [tilespmem:s2+$0x300]  }
0x1d2: {  	v49 =	vld [tilespmem:s11+$0x310]  }
0x1d3: {  	v50 =	vld [tilespmem:s2+$0x310];
	(v2sf) =	vpush v9, $0x9;
	s24 =	spop (v2sf)  }
0x1d4: {  	v14 =	vld [tilespmem:s24+$0x0]  }
0x1d5: {  	v15 =	vld [tilespmem:s24+$0x10]  }
0x1d6: {  	v3 =	vld [tilespmem:s11+$0x280]  }
0x1d7: {  	v4 =	vld [tilespmem:s2+$0x280]  }
0x1d8: {  	v5 =	vld [tilespmem:s11+$0x290];
	(v2sf) =	vpush v9, $0x8;
	s24 =	spop (v2sf)  }
0x1d9: {  	v16 =	vld [tilespmem:s24+$0x0]  }
0x1da: {  	v17 =	vld [tilespmem:s24+$0x10]  }
0x1db: {  	v51 =	vld [tilespmem:s11+$0x200]  }
0x1dc: {  	v52 =	vld [tilespmem:s2+$0x200]  }
0x1dd: {  	v53 =	vld [tilespmem:s11+$0x210]  }
0x1de: {  	v54 =	vld [tilespmem:s2+$0x210]  }
0x1df: {  	v27 =	vld [tilespmem:s11+$0x180]  }
0x1e0: {  	v29 =	vld [tilespmem:s2+$0x180]  }
0x1e1: {  	v30 =	vld [tilespmem:s11+$0x190]  }
0x1e2: {  	v31 =	vld [tilespmem:s2+$0x190];
	(v2sf) =	vpush v9, $0x6;
	s24 =	spop (v2sf)  }
0x1e3: {  	v18 =	vld [tilespmem:s24+$0x0]  }
0x1e4: {  	v19 =	vld [tilespmem:s24+$0x10]  }
0x1e5: {  	v6 =	vld [tilespmem:s11+$0x100]  }
0x1e6: {  	v7 =	vld [tilespmem:s2+$0x100]  }
0x1e7: {  	v8 =	vld [tilespmem:s11+$0x110];
	(v2sf) =	vpush v9, $0x5;
	s24 =	spop (v2sf)  }
0x1e8: {  	v20 =	vld [tilespmem:s24+$0x0]  }
0x1e9: {  	v21 =	vld [tilespmem:s24+$0x10]  }
0x1ea: {  	v35 =	vld [tilespmem:s11+$0x80]  }
0x1eb: {  	v37 =	vld [tilespmem:s2+$0x80]  }
0x1ec: {  	v38 =	vld [tilespmem:s11+$0x90]  }
0x1ed: {  	v39 =	vld [tilespmem:s2+$0x90]  }
0x1ee: {  	v32 =	vld [tilespmem:s11+$0x0]  }
0x1ef: {  	v33 =	vld [tilespmem:s2+$0x0]  }
0x1f0: {  	v34 =	vld [tilespmem:s11+$0x10]  }
0x1f1: {  	v36 =	vld [tilespmem:s2+$0x10];
	(v2sf) =	vpush v9, $0x3;
	s24 =	spop (v2sf)  }
0x1f2: {  	v22 =	vld [tilespmem:s24+$0x0]  }
0x1f3: {  	v24 =	vld [tilespmem:s24+$0x10]  }
0x1f4: {  	v10 =	vld [tilespmem:s11+$0xFFFFFF80]  }
0x1f5: {  	v11 =	vld [tilespmem:s2+$0xFFFFFF80]  }
0x1f6: {  	v12 =	vld [tilespmem:s11+$0xFFFFFF90];
	(v2sf) =	vpush v9, $0x2;
	s24 =	spop (v2sf)  }
0x1f7: {  	v23 =	vld [tilespmem:s24+$0x0]  }
0x1f8: {  	v25 =	vld [tilespmem:s24+$0x10]  }
0x1f9: {  	v42 =	vld [tilespmem:s11+$0xFFFFFF00]  }
0x1fa: {  	v44 =	vld [tilespmem:s2+$0xFFFFFF00]  }
0x1fb: {  	v46 =	vld [tilespmem:s11+$0xFFFFFF10]  }
0x1fc: {  	v47 =	vld [tilespmem:s2+$0xFFFFFF10];
	(v2sf) =	vpush v9, $0x0  }
0x1fd: {  	v40 =	vld [tilespmem:s11+$0xFFFFFE80]  }
0x1fe: {  	v41 =	vld [tilespmem:s2+$0xFFFFFE80]  }
.Ltmp1:
0x1ff: {  	v43 =	vld [tilespmem:s11+$0xFFFFFE90];
	(pc) =	sbr.rel @p0 .LBB2_4-.Ltmp1, $4  }
0x200: {  	v55 =	vmul.f32 v28, v26;
	v50 =	vmul.f32 v50, v49;
	v45 =	vld [tilespmem:s2+$0xFFFFFE90];
	s24 =	spop (v2sf)  }
0x201: {  	v26 =	vld [tilespmem:s24+$0x0]  }
0x202: {  	v49 =	vmul.f32 v13, v55;
	v50 =	vmul.f32 v48, v50;
	v28 =	vld [tilespmem:s24+$0x10]  }
0x203: {  	s21 =	sadd.s32 $0x40, s21;
	v51 =	vmul.f32 v52, v51;
	v52 =	vmul.f32 v54, v53;
	v13 =	vld [tilespmem:s11+$0xFFFFFE00]  }
0x204: {  	v48 =	vld [tilespmem:s2+$0xFFFFFE00]  }
0x205: {  	v53 =	vld [tilespmem:s11+$0xFFFFFE10]  }
0x206: {  	v56 =	vld [tilespmem:s11+$0xFFFFFD80]  }
0x207: {  	v57 =	vld [tilespmem:s2+$0xFFFFFD80]  }
0x208: {  	v58 =	vld [tilespmem:s11+$0xFFFFFD90]  }
0x209: {  	v59 =	vld [tilespmem:s2+$0xFFFFFD90]  }
0x20a: {  	v27 =	vmul.f32 v29, v27;
	v29 =	vmul.f32 v31, v30;
	v30 =	vld [tilespmem:s11+$0xFFFFFD00];
	s21 =	spop (v2sf);
	(v2sf) =	vpush v9, $0x1  }
0x20b: {  	v31 =	vld [tilespmem:s2+$0xFFFFFD00]  }
0x20c: {  	v62 =	vmul.f32 v47, v46;
	v47 =	vld [tilespmem:s11+$0xFFFFFC80]  }
0x20d: {  	v14 =	vmul.f32 v14, v51;
	v51 =	vmul.f32 v36, v34;
	v34 =	vld [tilespmem:s2+$0xFFFFFC00];
	s24 =	spop (v2sf);
	(v2sf) =	vpush v9, $0x4  }
0x20e: {  	v54 =	vld [tilespmem:s21+$0x0]  }
0x20f: {  	v63 =	vmul.f32 v39, v38;
	v55 =	vld [tilespmem:s21+$0x10]  }
0x210: {  	v32 =	vmul.f32 v33, v32;
	v16 =	vmul.f32 v16, v27;
	v27 =	vld [tilespmem:s11+$0xFFFFFD10]  }
0x211: {  	v17 =	vmul.f32 v17, v29;
	v29 =	vmul.f32 v37, v35;
	v37 =	vld [tilespmem:s2+$0xFFFFFD10];
	(v2sf) =	vpush v9, $0x7  }
0x212: {  	v20 =	vmul.f32 v20, v32;
	v32 =	vld [tilespmem:s11+$0xFFFFFC10]  }
0x213: {  	v15 =	vmul.f32 v15, v52;
	v19 =	vmul.f32 v19, v63;
	v63 =	vld [tilespmem:s2+$0xFFFFFC10]  }
0x214: {  	v52 =	vmul.f32 v44, v42;
	v21 =	vmul.f32 v21, v51;
	v51 =	vld [tilespmem:s11+$0xFFFFFC90];
	(v2sf) =	vpush v9, $0xA  }
0x215: {  	v44 =	vmul.f32 v41, v40;
	v18 =	vmul.f32 v18, v29;
	v29 =	vld [tilespmem:s11+$0xFFFFFC00]  }
0x216: {  	v46 =	vmul.f32 v45, v43;
	v14 =	vadd.f32 v15, v14;
	v15 =	vmul.f32 v57, v56;
	v56 =	vld [tilespmem:s2+$0xFFFFFC90]  }
0x217: {  	v50 =	vadd.f32 v50, v49;
	v23 =	vmul.f32 v23, v44;
	v60 =	vld [tilespmem:s24+$0x0];
	(v2sf) =	vpush v9, $0xD  }
0x218: {  	v25 =	vmul.f32 v25, v46;
	v16 =	vadd.f32 v17, v16;
	v17 =	vmul.f32 v31, v30;
	v61 =	vld [tilespmem:s24+$0x10]  }
0x219: {  	(xrf2) =	vadd.scan.msk.f32 $0xffff, v50;
	v9 =	vmul.f32 v22, v52;
	v22 =	vmul.f32 v24, v62;
	v24 =	vld [tilespmem:s2+$0xFFFFFC80];
	s24 =	spop (v2sf)  }
0x21a: {  	(xrf2) =	vadd.scan.msk.f32 $0xffff, v14;
	v14 =	vadd.f32 v19, v18;
	v27 =	vmul.f32 v37, v27;
	v15 =	vmul.f32 v26, v15;
	v30 =	vld [tilespmem:s24+$0x0]  }
0x21b: {  	(xrf2) =	vadd.scan.msk.f32 $0xffff, v16;
	v17 =	vmul.f32 v54, v17;
	v52 =	vmul.f32 v59, v58;
	v19 =	vld [tilespmem:s24+$0x10]  }
0x21c: {  	v16 =	vadd.f32 v21, v20;
	v21 =	vld [tilespmem:s2+$0xFFFFFE10];
	(xrf2) =	vadd.scan.msk.f32 $0xffff, v14;
	v20 =	vmul.f32 v55, v27;
	v14 =	vmul.f32 v34, v29;
	s24 =	spop (v2sf)  }
0x21d: {  	v18 =	vmul.f32 v28, v52;
	v9 =	vadd.f32 v22, v9;
	v22 =	vmul.f32 v63, v32;
	v26 =	vld [tilespmem:s24+$0x0]  }
0x21e: {  	(xrf2) =	vadd.scan.msk.f32 $0xffff, v16;
	v16 =	vadd.f32 v25, v23;
	v23 =	vmul.f32 v24, v47;
	v24 =	vmul.f32 v56, v51;
	v25 =	vld [tilespmem:s24+$0x10]  }
0x21f: {  	v14 =	vmul.f32 v60, v14;
	(xrf2) =	vadd.scan.msk.f32 $0xffff, v9;
	v9 =	vadd.f32 v18, v15;
	v15 =	vmul.f32 v61, v22;
	v18 =	vld [tilespmem:s2+$0xFFFFFF90]  }
0x220: {  	(xrf2) =	vadd.scan.msk.f32 $0xffff, v16;
	v16 =	vadd.f32 v20, v17;
	v17 =	vmul.f32 v30, v23;
	v19 =	vmul.f32 v19, v24;
	s24 =	spop (v2sf)  }
0x221: {  	v13 =	vmul.f32 v48, v13;
	(xrf2) =	vadd.scan.msk.f32 $0xffff, v9;
	v9 =	vadd.f32 v15, v14;
	v14 =	vmul.f32 v21, v53;
	v20 =	vld [tilespmem:s24+$0x0]  }
0x222: {  	(xrf2) =	vadd.scan.msk.f32 $0xffff, v16;
	v16 =	vadd.f32 v19, v17;
	v17 =	vld [tilespmem:s2+$0x110]  }
0x223: {  	(xrf2) =	vadd.scan.msk.f32 $0xffff, v9;
	v15 =	vld [tilespmem:s24+$0x10];
	s24 =	spop (v2sf);
	v9 =	vmul.f32 v26, v13;
	v13 =	vmul.f32 v25, v14  }
0x224: {  	v10 =	vmul.f32 v11, v10;
	v11 =	vmul.f32 v18, v12;
	v12 =	vld [tilespmem:s24+$0x10]  }
0x225: {  	v9 =	vadd.f32 v13, v9;
	v13 =	vld [tilespmem:s2+$0x290]  }
0x226: {  	v19, _, _ =	vpop (xrf2);
	(xrf2) =	vadd.scan.msk.f32 $0xffff, v16;
	v14 =	vld [tilespmem:s24+$0x0];
	s24 =	spop (v2sf)  }
0x227: {  	v6 =	vmul.f32 v7, v6;
	v16, _, _ =	vpop (xrf2);
	v7 =	vmul.f32 v17, v8;
	v8 =	vld [tilespmem:s24+$0x10]  }
0x228: {  	v3 =	vmul.f32 v4, v3;
	v18, _, _ =	vpop (xrf2)  }
0x229: {  	v10 =	vmul.f32 v20, v10;
	v11 =	vmul.f32 v15, v11;
	v15 =	vld [tilespmem:s24+$0x0];
	v20, _, _ =	vpop (xrf2)  }
0x22a: {  	v7 =	vmul.f32 v12, v7;
	(xrf2) =	vadd.scan.msk.f32 $0xffff, v9;
	v9, _, _ =	vpop (xrf2);
	v4 =	vmul.f32 v13, v5  }
0x22b: {  	v17, _, _ =	vpop (xrf2)  }
0x22c: {  	v6 =	vmul.f32 v14, v6;
	v14, _, _ =	vpop (xrf2);
	v4 =	vmul.f32 v8, v4  }
0x22d: {  	v10 =	vadd.f32 v11, v10;
	v11 =	vld [tilespmem:s11+$0x390];
	v5, _, _ =	vpop (xrf2)  }
0x22e: {  	v12 =	vld [tilespmem:s2+$0x390];
	v3 =	vmul.f32 v15, v3;
	v6 =	vadd.f32 v7, v6;
	v7, _, _ =	vpop (xrf2)  }
0x22f: {  	v8, _, _ =	vpop (xrf2)  }
0x230: {  	v1 =	vmul.f32 v2, v1;
	v2 =	vld [tilespmem:s19+$0x10];
	(xrf2) =	vadd.scan.msk.f32 $0xffff, v10;
	v3 =	vadd.f32 v4, v3;
	v4, _, _ =	vpop (xrf2)  }
0x231: {  	v4 =	vbroadcast v4, $0xF  }
0x232: {  	v0 =	vmul.f32 v0, v1  }
0x233: {  	v1 =	vmul.f32 v12, v11;
	(xrf2) =	vadd.scan.msk.f32 $0xffff, v6;
	v6 =	vbroadcast v8, $0xF;
	_ =	sdelay $0x1  }
0x234: {  	v1 =	vmul.f32 v2, v1;
	v2 =	vsel vm0, v6, v4;
	v4, _, _ =	vpop (xrf2)  }
0x235: {  	v7 =	vbroadcast v7, $0xF;
	(xrf2) =	vadd.scan.msk.f32 $0xffff, v3;
	v4 =	vbroadcast v4, $0xF  }
0x236: {  	v3 =	vbroadcast v5, $0xF  }
0x237: {  	v0 =	vadd.f32 v1, v0;
	v2 =	vsel vm1, v2, v7  }
0x238: {  	v1 =	vsel vm2, v2, v3;
	v2 =	vbroadcast v14, $0xF;
	v3 =	vbroadcast v17, $0xF  }
0x239: {  	v1 =	vsel vm3, v1, v4;
	v4, _, _ =	vpop (xrf2)  }
0x23a: {  	(xrf2) =	vadd.scan.msk.f32 $0xffff, v0;
	v0 =	vsel vm4, v1, v2;
	v1 =	vbroadcast v4, $0xF  }
0x23b: {  	v2 =	vbroadcast v9, $0xF;
	v0 =	vsel vm5, v0, v3  }
0x23c: {  	v3, _, _ =	vpop (xrf2);
	v0 =	vsel vm6, v0, v1;
	v1 =	vbroadcast v20, $0xF  }
0x23d: {  	v0 =	vsel vm7, v0, v2;
	v2 =	vbroadcast v3, $0xF  }
0x23e: {  	v0 =	vsel vm8, v0, v1;
	v1 =	vbroadcast v18, $0xF  }
0x23f: {  	v3, _, _ =	vpop (xrf2);
	v0 =	vsel vm9, v0, v2  }
0x240: {  	v2 =	vbroadcast v16, $0xF;
	v0 =	vsel vm10, v0, v1;
	v1 =	vbroadcast v3, $0xF;
	_ =	sdelay $0x1  }
0x241: {  	v0 =	vsel vm11, v0, v2;
	v2 =	vbroadcast v19, $0xF  }
0x242: {  	v0 =	vsel vm12, v0, v1  }
0x243: {  	v0 =	vsel vm13, v0, v2;
	v1, _, _ =	vpop (xrf2)  }
0x244: {  	v0 =	vsel vm14, v0, v1  }
0x245: {  	v0 =	vsub.f32 $0.0e+00, v0;
	_ =	sdelay $0x1  }
0x246: {  	v0 =	vmul.f32 $1.442695020e+00, v0;
	_ =	sdelay $0x1  }
0x247: {  	(erf) = vpow2.f32 v0;
	_ =	sdelay $0x8  }
0x248: {  	v0 =	vpop (erf)  }
0x249: {  	v0 =	vadd.f32 $1.000000000e+00, v0;
	_ =	sdelay $0x1  }
0x24a: {  	(erf) = vrcp.f32 v0;
	_ =	sdelay $0x8  }
0x24b: {  	v0 =	vpop (erf)  }
0x24c: {  	[tilespmem:s0+$0x18680] =	vst v0  }
0x24d: {  	[tilespmem:s20], [sflag:$0x2] =	stream.indirect.gather [hbm4b:s3+s15], $0x80, s28, s15, $0xb8;
	[tilespmem:$0x18800] =	vst v63  }
0x24e: {  	_ = 	snop  }
0x24f: {  	[tilespmem:s22], [sflag:$0x2] =	stream.indirect.gather [hbm4b:s4+s15], $0x80, s29, s15, $0xb8;
	[tilespmem:$0x18800] =	vst v63  }
0x250: {  	_ =	swait.ge [sflag:s23], $0x4000  }
0x251: {  	[sflag:s23] =	ssyncset.done $0x0  }
0x252: {  	[sflag:s23] =	ssyncadd.s32 $0xFFFFC000  }
0x253: {  	_ =	swait.ge [sflag:s23], $0x4000  }
0x254: {  	[sflag:s23] =	ssyncset.done $0x0  }
0x255: {  	s0 =	simm.s32 $0x0;
	[sflag:s23] =	ssyncadd.s32 $0xFFFFC000  }
0x256: {  	v0 =	vld [tilespmem:s0+$0x100];
	_ =	sdelay $0x4  }
0x257: {  	v0 =	vshll.u32 v0, $0x5  }
0x258: {  	v9 =	vadd.s32 $0x10600, v0  }
0x259: {  	(v2sf) =	vpush v9, $0xF;
	_ =	sdelay $0x1  }
0x25a: {  	(v2sf) =	vpush v9, $0xE  }
0x25b: {  	s11 =	simm.s32 $0xA00  }
0x25c: {  	s2 =	simm.s32 $0x8A00;
	v1 =	vld [tilespmem:s11+$0x380]  }
0x25d: {  	v2 =	vld [tilespmem:s2+$0x380]  }
0x25e: {  	v26 =	vld [tilespmem:s11+$0x300]  }
0x25f: {  	v28 =	vld [tilespmem:s2+$0x300]  }
0x260: {  	v57 =	vld [tilespmem:s11+$0x310]  }
0x261: {  	v58 =	vld [tilespmem:s2+$0x310]  }
0x262: {  	v3 =	vld [tilespmem:s11+$0x280]  }
0x263: {  	v4 =	vld [tilespmem:s2+$0x280];
	(v2sf) =	vpush v9, $0xC  }
0x264: {  	v5 =	vld [tilespmem:s11+$0x290]  }
0x265: {  	v59 =	vld [tilespmem:s11+$0x200];
	(v2sf) =	vpush v9, $0xB  }
0x266: {  	v60 =	vld [tilespmem:s2+$0x200]  }
0x267: {  	v61 =	vld [tilespmem:s11+$0x210];
	s19 =	spop (v2sf);
	(v2sf) =	vpush v9, $0x9  }
0x268: {  	v62 =	vld [tilespmem:s2+$0x210]  }
0x269: {  	v27 =	vld [tilespmem:s11+$0x180];
	s24 =	spop (v2sf);
	(v2sf) =	vpush v9, $0x8  }
0x26a: {  	v29 =	vld [tilespmem:s2+$0x180]  }
0x26b: {  	v30 =	vld [tilespmem:s11+$0x190]  }
0x26c: {  	v31 =	vld [tilespmem:s2+$0x190]  }
0x26d: {  	v6 =	vld [tilespmem:s11+$0x100]  }
0x26e: {  	v7 =	vld [tilespmem:s2+$0x100]  }
0x26f: {  	v8 =	vld [tilespmem:s11+$0x110]  }
0x270: {  	v35 =	vld [tilespmem:s11+$0x80]  }
0x271: {  	v13 =	vld [tilespmem:s24+$0x0]  }
0x272: {  	v48 =	vld [tilespmem:s24+$0x10];
	s24 =	spop (v2sf)  }
0x273: {  	v14 =	vld [tilespmem:s24+$0x0]  }
0x274: {  	(v2sf) =	vpush v9, $0x6;
	v15 =	vld [tilespmem:s24+$0x10];
	s24 =	spop (v2sf)  }
0x275: {  	v16 =	vld [tilespmem:s24+$0x0]  }
0x276: {  	v17 =	vld [tilespmem:s24+$0x10];
	s24 =	spop (v2sf);
	(v2sf) =	vpush v9, $0x5  }
0x277: {  	v18 =	vld [tilespmem:s24+$0x0]  }
0x278: {  	v19 =	vld [tilespmem:s24+$0x10];
	s24 =	spop (v2sf);
	(v2sf) =	vpush v9, $0x3  }
0x279: {  	v37 =	vld [tilespmem:s2+$0x80]  }
0x27a: {  	v38 =	vld [tilespmem:s11+$0x90]  }
0x27b: {  	v39 =	vld [tilespmem:s2+$0x90]  }
0x27c: {  	v32 =	vld [tilespmem:s11+$0x0]  }
0x27d: {  	v33 =	vld [tilespmem:s2+$0x0]  }
0x27e: {  	v34 =	vld [tilespmem:s11+$0x10]  }
0x27f: {  	v36 =	vld [tilespmem:s2+$0x10]  }
0x280: {  	v10 =	vld [tilespmem:s11+$0xFFFFFF80]  }
0x281: {  	v11 =	vld [tilespmem:s2+$0xFFFFFF80]  }
0x282: {  	v20 =	vld [tilespmem:s24+$0x0]  }
0x283: {  	v21 =	vld [tilespmem:s24+$0x10];
	s24 =	spop (v2sf)  }
0x284: {  	v22 =	vld [tilespmem:s24+$0x0]  }
0x285: {  	v24 =	vld [tilespmem:s24+$0x10];
	s24 =	spop (v2sf)  }
0x286: {  	v23 =	vld [tilespmem:s24+$0x0]  }
0x287: {  	v25 =	vld [tilespmem:s24+$0x10];
	s24 =	spop (v2sf);
	(v2sf) =	vpush v9, $0x2  }
0x288: {  	v12 =	vld [tilespmem:s11+$0xFFFFFF90]  }
0x289: {  	v42 =	vld [tilespmem:s11+$0xFFFFFF00]  }
0x28a: {  	v44 =	vld [tilespmem:s2+$0xFFFFFF00]  }
0x28b: {  	v46 =	vld [tilespmem:s11+$0xFFFFFF10]  }
0x28c: {  	v47 =	vld [tilespmem:s2+$0xFFFFFF10]  }
0x28d: {  	v40 =	vld [tilespmem:s11+$0xFFFFFE80];
	(v2sf) =	vpush v9, $0x0  }
0x28e: {  	v41 =	vld [tilespmem:s2+$0xFFFFFE80]  }
0x28f: {  	v43 =	vld [tilespmem:s11+$0xFFFFFE90]  }
0x290: {  	v45 =	vld [tilespmem:s2+$0xFFFFFE90];
	v63 =	vmul.f32 v28, v26  }
0x291: {  	v50 =	vmul.f32 v58, v57;
	v0 =	vld [tilespmem:s19+$0x0]  }
0x292: {  	v49 =	vmul.f32 v13, v63;
	v13 =	vld [tilespmem:s11+$0xFFFFFE00]  }
0x293: {  	v50 =	vmul.f32 v48, v50;
	v26 =	vld [tilespmem:s24+$0x0]  }
0x294: {  	s21 =	simm.s32 $0x40;
	v51 =	vmul.f32 v60, v59;
	v52 =	vmul.f32 v62, v61;
	v28 =	vld [tilespmem:s24+$0x10]  }
.LBB2_6:
0x295: {  	p0 =	sne.s32 s21, $0x1C0;
	v48 =	vld [tilespmem:s2+$0xFFFFFE00];
	v50 =	vadd.f32 v50, v49  }
0x296: {  	v49 =	vld [tilespmem:s11+$0xFFFFFE10];
	v14 =	vmul.f32 v14, v51;
	v15 =	vmul.f32 v15, v52;
	s24 =	spop (v2sf)  }
0x297: {  	v27 =	vmul.f32 v29, v27;
	v29 =	vmul.f32 v31, v30;
	v51 =	vld [tilespmem:s24+$0x0];
	(xrf2) =	vadd.scan.msk.f32 $0xffff, v50  }
0x298: {  	v30 =	vld [tilespmem:s24+$0x10];
	v14 =	vadd.f32 v15, v14  }
0x299: {  	v15 =	vmul.f32 v16, v27;
	v16 =	vmul.f32 v17, v29;
	v31 =	vld [tilespmem:s11+$0xFFFFFD80]  }
0x29a: {  	v27 =	vmul.f32 v37, v35;
	v29 =	vmul.f32 v39, v38;
	v17 =	vld [tilespmem:s2+$0xFFFFFD80];
	(xrf2) =	vadd.scan.msk.f32 $0xffff, v14  }
0x29b: {  	v14 =	vadd.f32 v16, v15;
	v35 =	vld [tilespmem:s11+$0xFFFFFD90];
	(v2sf) =	vpush v9, $0x1  }
0x29c: {  	v15 =	vmul.f32 v18, v27;
	v18 =	vmul.f32 v19, v29;
	v16 =	vld [tilespmem:s2+$0xFFFFFD90];
	s24 =	spop (v2sf)  }
0x29d: {  	v27 =	vmul.f32 v33, v32;
	v29 =	vmul.f32 v36, v34;
	v19 =	vld [tilespmem:s24+$0x0];
	(xrf2) =	vadd.scan.msk.f32 $0xffff, v14  }
0x29e: {  	v34 =	vadd.f32 v18, v15;
	v32 =	vld [tilespmem:s24+$0x10];
	(v2sf) =	vpush v9, $0x4  }
0x29f: {  	v15 =	vmul.f32 v20, v27;
	v20 =	vmul.f32 v21, v29;
	v18 =	vld [tilespmem:s11+$0xFFFFFD00]  }
0x2a0: {  	v27 =	vmul.f32 v44, v42;
	v29 =	vmul.f32 v47, v46;
	v21 =	vld [tilespmem:s2+$0xFFFFFD00];
	(xrf2) =	vadd.scan.msk.f32 $0xffff, v34  }
0x2a1: {  	v37 =	vadd.f32 v20, v15;
	v33 =	vld [tilespmem:s11+$0xFFFFFD10];
	(v2sf) =	vpush v9, $0x7;
	v14, _, _ =	vpop (xrf2)  }
0x2a2: {  	v22 =	vmul.f32 v22, v27;
	v24 =	vmul.f32 v24, v29;
	v20 =	vld [tilespmem:s2+$0xFFFFFD10]  }
0x2a3: {  	v29 =	vmul.f32 v41, v40;
	v34 =	vmul.f32 v45, v43;
	v27 =	vld [tilespmem:s2+$0xFFFFFC00];
	(xrf2) =	vadd.scan.msk.f32 $0xffff, v37  }
0x2a4: {  	v22 =	vadd.f32 v24, v22;
	v36 =	vld [tilespmem:s11+$0xFFFFFC00];
	(v2sf) =	vpush v9, $0xA;
	v15, _, _ =	vpop (xrf2)  }
0x2a5: {  	v23 =	vmul.f32 v23, v29;
	v25 =	vmul.f32 v25, v34;
	v24 =	vld [tilespmem:s11+$0xFFFFFC10]  }
0x2a6: {  	v17 =	vmul.f32 v17, v31;
	v31 =	vmul.f32 v16, v35;
	v29 =	vld [tilespmem:s2+$0xFFFFFC10];
	(xrf2) =	vadd.scan.msk.f32 $0xffff, v22  }
0x2a7: {  	v34 =	vadd.f32 v25, v23;
	v22 =	vld [tilespmem:s11+$0xFFFFFC80];
	v16, _, _ =	vpop (xrf2);
	(v2sf) =	vpush v9, $0xD  }
0x2a8: {  	v17 =	vmul.f32 v26, v17;
	v25 =	vmul.f32 v28, v31;
	v9 =	vld [tilespmem:s2+$0xFFFFFC80]  }
0x2a9: {  	v18 =	vmul.f32 v21, v18;
	v20 =	vmul.f32 v20, v33;
	v26 =	vld [tilespmem:s11+$0xFFFFFC90];
	(xrf2) =	vadd.scan.msk.f32 $0xffff, v34  }
0x2aa: {  	v17 =	vadd.f32 v25, v17;
	v21 =	vld [tilespmem:s2+$0xFFFFFC90];
	s24 =	spop (v2sf);
	v23, _, _ =	vpop (xrf2)  }
0x2ab: {  	v18 =	vmul.f32 v51, v18;
	v30 =	vmul.f32 v30, v20;
	v25 =	vld [tilespmem:s24+$0x0]  }
0x2ac: {  	v27 =	vmul.f32 v27, v36;
	v24 =	vmul.f32 v29, v24;
	v28 =	vld [tilespmem:s24+$0x10];
	(xrf2) =	vadd.scan.msk.f32 $0xffff, v17  }
0x2ad: {  	v17 =	vadd.f32 v30, v18;
	v18 =	vld [tilespmem:s2+$0xFFFFFE10];
	s24 =	spop (v2sf);
	v20, _, _ =	vpop (xrf2)  }
0x2ae: {  	v19 =	vmul.f32 v19, v27;
	v29 =	vmul.f32 v32, v24;
	v27 =	vld [tilespmem:s24+$0x0]  }
0x2af: {  	v9 =	vmul.f32 v9, v22;
	v21 =	vmul.f32 v21, v26;
	v22 =	vld [tilespmem:s24+$0x10];
	(xrf2) =	vadd.scan.msk.f32 $0xffff, v17  }
0x2b0: {  	v17 =	vadd.f32 v29, v19;
	v19 =	vld [tilespmem:s2+$0xFFFFFF90];
	s24 =	spop (v2sf);
	v24, _, _ =	vpop (xrf2)  }
0x2b1: {  	v9 =	vmul.f32 v25, v9;
	v28 =	vmul.f32 v28, v21;
	v25 =	vld [tilespmem:s24+$0x0]  }
0x2b2: {  	v13 =	vmul.f32 v48, v13;
	v18 =	vmul.f32 v18, v49;
	v26 =	vld [tilespmem:s24+$0x10];
	(xrf2) =	vadd.scan.msk.f32 $0xffff, v17  }
0x2b3: {  	v9 =	vadd.f32 v28, v9;
	v17 =	vld [tilespmem:s2+$0x110];
	v21, _, _ =	vpop (xrf2);
	s24 =	spop (v2sf)  }
0x2b4: {  	v13 =	vmul.f32 v27, v13;
	v27 =	vmul.f32 v22, v18;
	v22 =	vld [tilespmem:s24+$0x0]  }
0x2b5: {  	v10 =	vmul.f32 v11, v10;
	v11 =	vmul.f32 v19, v12;
	v12 =	vld [tilespmem:s24+$0x10];
	(xrf2) =	vadd.scan.msk.f32 $0xffff, v9  }
0x2b6: {  	v9 =	vadd.f32 v27, v13;
	v13 =	vld [tilespmem:s2+$0x290];
	v18, _, _ =	vpop (xrf2);
	s24 =	spop (v2sf)  }
0x2b7: {  	v10 =	vmul.f32 v25, v10;
	v25 =	vmul.f32 v26, v11;
	v19 =	vld [tilespmem:s24+$0x0]  }
0x2b8: {  	v6 =	vmul.f32 v7, v6;
	v7 =	vmul.f32 v17, v8;
	v8 =	vld [tilespmem:s24+$0x10];
	(xrf2) =	vadd.scan.msk.f32 $0xffff, v9  }
0x2b9: {  	v9 =	vadd.f32 v25, v10;
	v10 =	vld [tilespmem:s11+$0x390];
	v11, _, _ =	vpop (xrf2)  }
0x2ba: {  	v17 =	vmul.f32 v22, v6;
	v7 =	vmul.f32 v12, v7;
	v12 =	vld [tilespmem:s2+$0x390]  }
0x2bb: {  	v3 =	vmul.f32 v4, v3;
	v4 =	vmul.f32 v13, v5;
	(xrf2) =	vadd.scan.msk.f32 $0xffff, v9  }
0x2bc: {  	v1 =	vmul.f32 v2, v1;
	v5 =	vadd.f32 v7, v17;
	v2 =	vld [tilespmem:s19+$0x10];
	v6, _, _ =	vpop (xrf2)  }
0x2bd: {  	v3 =	vmul.f32 v19, v3;
	v7 =	vmul.f32 v8, v4  }
0x2be: {  	(xrf2) =	vadd.scan.msk.f32 $0xffff, v5  }
0x2bf: {  	v0 =	vmul.f32 v0, v1;
	v3 =	vadd.f32 v7, v3;
	v1 =	vmul.f32 v12, v10;
	v4, _, _ =	vpop (xrf2)  }
0x2c0: {  	v5 =	vbroadcast v6, $0xF;
	v7 =	vbroadcast v4, $0xF  }
0x2c1: {  	v6 =	vbroadcast v11, $0xF;
	v1 =	vmul.f32 v2, v1;
	(xrf2) =	vadd.scan.msk.f32 $0xffff, v3  }
0x2c2: {  	v3 =	vbroadcast v18, $0xF;
	v2 =	vsel vm0, v5, v7;
	v4, _, _ =	vpop (xrf2)  }
0x2c3: {  	v2 =	vsel vm1, v2, v6;
	v5 =	vbroadcast v4, $0xF;
	v0 =	vadd.f32 v1, v0  }
0x2c4: {  	v1 =	vsel vm2, v2, v3;
	v2 =	vbroadcast v21, $0xF  }
0x2c5: {  	v1 =	vsel vm3, v1, v5;
	v5 =	vbroadcast v24, $0xF;
	v4, _, _ =	vpop (xrf2);
	(xrf2) =	vadd.scan.msk.f32 $0xffff, v0  }
0x2c6: {  	v0 =	vsel vm4, v1, v2;
	v1 =	vbroadcast v4, $0xF  }
0x2c7: {  	v2 =	vbroadcast v20, $0xF;
	v0 =	vsel vm5, v0, v5  }
0x2c8: {  	v0 =	vsel vm6, v0, v1;
	v1 =	vbroadcast v23, $0xF;
	v3, _, _ =	vpop (xrf2)  }
0x2c9: {  	v0 =	vsel vm7, v0, v2;
	v2 =	vbroadcast v3, $0xF  }
0x2ca: {  	v0 =	vsel vm8, v0, v1;
	v1 =	vbroadcast v16, $0xF  }
0x2cb: {  	v0 =	vsel vm9, v0, v2;
	v2 =	vbroadcast v15, $0xF;
	v3, _, _ =	vpop (xrf2)  }
0x2cc: {  	v0 =	vsel vm10, v0, v1;
	v3 =	vbroadcast v3, $0xF  }
0x2cd: {  	v0 =	vsel vm11, v0, v2;
	v2 =	vbroadcast v14, $0xF  }
0x2ce: {  	v0 =	vsel vm12, v0, v3  }
0x2cf: {  	v0 =	vsel vm13, v0, v2;
	v1, _, _ =	vpop (xrf2)  }
0x2d0: {  	v0 =	vsel vm14, v0, v1  }
0x2d1: {  	v0 =	vsub.f32 $0.0e+00, v0;
	_ =	sdelay $0x1  }
0x2d2: {  	v0 =	vmul.f32 $1.442695020e+00, v0  }
0x2d3: {  	s24 =	sshra.s32 s21, $0x2  }
0x2d4: {  	v1 =	vld [tilespmem:s24+$0x100];
	(erf) = vpow2.f32 v0;
	_ =	sdelay $0x4  }
0x2d5: {  	v0 =	vshll.u32 v1, $0x5  }
0x2d6: {  	v9 =	vadd.s32 $0x10600, v0  }
0x2d7: {  	(v2sf) =	vpush v9, $0xF;
	_ =	sdelay $0x1  }
0x2d8: {  	v0 =	vpop (erf)  }
0x2d9: {  	(v2sf) =	vpush v9, $0xE;
	v0 =	vadd.f32 $1.000000000e+00, v0;
	_ =	sdelay $0x1  }
0x2da: {  	(erf) = vrcp.f32 v0;
	_ =	sdelay $0x3  }
0x2db: {  	(v2sf) =	vpush v9, $0xC;
	_ =	sdelay $0x4  }
0x2dc: {  	(v2sf) =	vpush v9, $0xB;
	v0 =	vpop (erf)  }
0x2dd: {  	s19 =	spop (v2sf);
	[tilespmem:s0+$0x18700] =	vst v0;
	s0 =	smov.u32 s24  }
0x2de: {  	s11 =	sadd.s32 $0x800, s11;
	v0 =	vld [tilespmem:s19+$0x0]  }
0x2df: {  	s2 =	sadd.s32 $0x800, s2;
	v1 =	vld [tilespmem:s11+$0x380]  }
0x2e0: {  	v2 =	vld [tilespmem:s2+$0x380];
	s24 =	spop (v2sf)  }
0x2e1: {  	v13 =	vld [tilespmem:s24+$0x0]  }
0x2e2: {  	v48 =	vld [tilespmem:s24+$0x10]  }
0x2e3: {  	v26 =	vld [tilespmem:s11+$0x300]  }
0x2e4: {  	v28 =	vld [tilespmem:s2+$0x300]  }
0x2e5: {  	v49 =	vld [tilespmem:s11+$0x310]  }
0x2e6: {  	v50 =	vld [tilespmem:s2+$0x310];
	(v2sf) =	vpush v9, $0x9;
	s24 =	spop (v2sf)  }
0x2e7: {  	v14 =	vld [tilespmem:s24+$0x0]  }
0x2e8: {  	v15 =	vld [tilespmem:s24+$0x10]  }
0x2e9: {  	v3 =	vld [tilespmem:s11+$0x280]  }
0x2ea: {  	v4 =	vld [tilespmem:s2+$0x280]  }
0x2eb: {  	v5 =	vld [tilespmem:s11+$0x290];
	(v2sf) =	vpush v9, $0x8;
	s24 =	spop (v2sf)  }
0x2ec: {  	v16 =	vld [tilespmem:s24+$0x0]  }
0x2ed: {  	v17 =	vld [tilespmem:s24+$0x10]  }
0x2ee: {  	v51 =	vld [tilespmem:s11+$0x200]  }
0x2ef: {  	v52 =	vld [tilespmem:s2+$0x200]  }
0x2f0: {  	v53 =	vld [tilespmem:s11+$0x210]  }
0x2f1: {  	v54 =	vld [tilespmem:s2+$0x210]  }
0x2f2: {  	v27 =	vld [tilespmem:s11+$0x180]  }
0x2f3: {  	v29 =	vld [tilespmem:s2+$0x180]  }
0x2f4: {  	v30 =	vld [tilespmem:s11+$0x190]  }
0x2f5: {  	v31 =	vld [tilespmem:s2+$0x190];
	(v2sf) =	vpush v9, $0x6;
	s24 =	spop (v2sf)  }
0x2f6: {  	v18 =	vld [tilespmem:s24+$0x0]  }
0x2f7: {  	v19 =	vld [tilespmem:s24+$0x10]  }
0x2f8: {  	v6 =	vld [tilespmem:s11+$0x100]  }
0x2f9: {  	v7 =	vld [tilespmem:s2+$0x100]  }
0x2fa: {  	v8 =	vld [tilespmem:s11+$0x110];
	(v2sf) =	vpush v9, $0x5;
	s24 =	spop (v2sf)  }
0x2fb: {  	v20 =	vld [tilespmem:s24+$0x0]  }
0x2fc: {  	v21 =	vld [tilespmem:s24+$0x10]  }
0x2fd: {  	v35 =	vld [tilespmem:s11+$0x80]  }
0x2fe: {  	v37 =	vld [tilespmem:s2+$0x80]  }
0x2ff: {  	v38 =	vld [tilespmem:s11+$0x90]  }
0x300: {  	v39 =	vld [tilespmem:s2+$0x90]  }
0x301: {  	v32 =	vld [tilespmem:s11+$0x0]  }
0x302: {  	v33 =	vld [tilespmem:s2+$0x0]  }
0x303: {  	v34 =	vld [tilespmem:s11+$0x10]  }
0x304: {  	v36 =	vld [tilespmem:s2+$0x10];
	(v2sf) =	vpush v9, $0x3;
	s24 =	spop (v2sf)  }
0x305: {  	v22 =	vld [tilespmem:s24+$0x0]  }
0x306: {  	v24 =	vld [tilespmem:s24+$0x10]  }
0x307: {  	v10 =	vld [tilespmem:s11+$0xFFFFFF80]  }
0x308: {  	v11 =	vld [tilespmem:s2+$0xFFFFFF80]  }
0x309: {  	v12 =	vld [tilespmem:s11+$0xFFFFFF90];
	(v2sf) =	vpush v9, $0x2;
	s24 =	spop (v2sf)  }
0x30a: {  	v23 =	vld [tilespmem:s24+$0x0]  }
0x30b: {  	v25 =	vld [tilespmem:s24+$0x10]  }
0x30c: {  	v42 =	vld [tilespmem:s11+$0xFFFFFF00]  }
0x30d: {  	v44 =	vld [tilespmem:s2+$0xFFFFFF00]  }
0x30e: {  	v46 =	vld [tilespmem:s11+$0xFFFFFF10]  }
0x30f: {  	v47 =	vld [tilespmem:s2+$0xFFFFFF10];
	(v2sf) =	vpush v9, $0x0  }
0x310: {  	v40 =	vld [tilespmem:s11+$0xFFFFFE80]  }
0x311: {  	v41 =	vld [tilespmem:s2+$0xFFFFFE80]  }
.Ltmp2:
0x312: {  	v43 =	vld [tilespmem:s11+$0xFFFFFE90];
	(pc) =	sbr.rel @p0 .LBB2_6-.Ltmp2, $4  }
0x313: {  	v55 =	vmul.f32 v28, v26;
	v50 =	vmul.f32 v50, v49;
	v45 =	vld [tilespmem:s2+$0xFFFFFE90];
	s24 =	spop (v2sf)  }
0x314: {  	v26 =	vld [tilespmem:s24+$0x0]  }
0x315: {  	v49 =	vmul.f32 v13, v55;
	v50 =	vmul.f32 v48, v50;
	v28 =	vld [tilespmem:s24+$0x10]  }
0x316: {  	s21 =	sadd.s32 $0x40, s21;
	v51 =	vmul.f32 v52, v51;
	v52 =	vmul.f32 v54, v53;
	v13 =	vld [tilespmem:s11+$0xFFFFFE00]  }
0x317: {  	v48 =	vld [tilespmem:s2+$0xFFFFFE00]  }
0x318: {  	v53 =	vld [tilespmem:s11+$0xFFFFFE10]  }
0x319: {  	v56 =	vld [tilespmem:s11+$0xFFFFFD80]  }
0x31a: {  	v57 =	vld [tilespmem:s2+$0xFFFFFD80]  }
0x31b: {  	v58 =	vld [tilespmem:s11+$0xFFFFFD90]  }
0x31c: {  	v59 =	vld [tilespmem:s2+$0xFFFFFD90]  }
0x31d: {  	v27 =	vmul.f32 v29, v27;
	v29 =	vmul.f32 v31, v30;
	v30 =	vld [tilespmem:s11+$0xFFFFFD00];
	s21 =	spop (v2sf);
	(v2sf) =	vpush v9, $0x1  }
0x31e: {  	v31 =	vld [tilespmem:s2+$0xFFFFFD00]  }
0x31f: {  	v62 =	vmul.f32 v47, v46;
	v47 =	vld [tilespmem:s11+$0xFFFFFC80]  }
0x320: {  	v14 =	vmul.f32 v14, v51;
	v51 =	vmul.f32 v36, v34;
	v34 =	vld [tilespmem:s2+$0xFFFFFC00];
	s24 =	spop (v2sf);
	(v2sf) =	vpush v9, $0x4  }
0x321: {  	v54 =	vld [tilespmem:s21+$0x0]  }
0x322: {  	v63 =	vmul.f32 v39, v38;
	v55 =	vld [tilespmem:s21+$0x10]  }
0x323: {  	v32 =	vmul.f32 v33, v32;
	v16 =	vmul.f32 v16, v27;
	v27 =	vld [tilespmem:s11+$0xFFFFFD10]  }
0x324: {  	v17 =	vmul.f32 v17, v29;
	v29 =	vmul.f32 v37, v35;
	v37 =	vld [tilespmem:s2+$0xFFFFFD10];
	(v2sf) =	vpush v9, $0x7  }
0x325: {  	v20 =	vmul.f32 v20, v32;
	v32 =	vld [tilespmem:s11+$0xFFFFFC10]  }
0x326: {  	v15 =	vmul.f32 v15, v52;
	v19 =	vmul.f32 v19, v63;
	v63 =	vld [tilespmem:s2+$0xFFFFFC10]  }
0x327: {  	v52 =	vmul.f32 v44, v42;
	v21 =	vmul.f32 v21, v51;
	v51 =	vld [tilespmem:s11+$0xFFFFFC90];
	(v2sf) =	vpush v9, $0xA  }
0x328: {  	v44 =	vmul.f32 v41, v40;
	v18 =	vmul.f32 v18, v29;
	v29 =	vld [tilespmem:s11+$0xFFFFFC00]  }
0x329: {  	v46 =	vmul.f32 v45, v43;
	v14 =	vadd.f32 v15, v14;
	v15 =	vmul.f32 v57, v56;
	v56 =	vld [tilespmem:s2+$0xFFFFFC90]  }
0x32a: {  	v50 =	vadd.f32 v50, v49;
	v23 =	vmul.f32 v23, v44;
	v60 =	vld [tilespmem:s24+$0x0];
	(v2sf) =	vpush v9, $0xD  }
0x32b: {  	v25 =	vmul.f32 v25, v46;
	v16 =	vadd.f32 v17, v16;
	v17 =	vmul.f32 v31, v30;
	v61 =	vld [tilespmem:s24+$0x10]  }
0x32c: {  	(xrf2) =	vadd.scan.msk.f32 $0xffff, v50;
	v9 =	vmul.f32 v22, v52;
	v22 =	vmul.f32 v24, v62;
	v24 =	vld [tilespmem:s2+$0xFFFFFC80];
	s24 =	spop (v2sf)  }
0x32d: {  	(xrf2) =	vadd.scan.msk.f32 $0xffff, v14;
	v14 =	vadd.f32 v19, v18;
	v27 =	vmul.f32 v37, v27;
	v15 =	vmul.f32 v26, v15;
	v30 =	vld [tilespmem:s24+$0x0]  }
0x32e: {  	(xrf2) =	vadd.scan.msk.f32 $0xffff, v16;
	v17 =	vmul.f32 v54, v17;
	v52 =	vmul.f32 v59, v58;
	v19 =	vld [tilespmem:s24+$0x10]  }
0x32f: {  	v16 =	vadd.f32 v21, v20;
	v21 =	vld [tilespmem:s2+$0xFFFFFE10];
	(xrf2) =	vadd.scan.msk.f32 $0xffff, v14;
	v20 =	vmul.f32 v55, v27;
	v14 =	vmul.f32 v34, v29;
	s24 =	spop (v2sf)  }
0x330: {  	v18 =	vmul.f32 v28, v52;
	v9 =	vadd.f32 v22, v9;
	v22 =	vmul.f32 v63, v32;
	v26 =	vld [tilespmem:s24+$0x0]  }
0x331: {  	(xrf2) =	vadd.scan.msk.f32 $0xffff, v16;
	v16 =	vadd.f32 v25, v23;
	v23 =	vmul.f32 v24, v47;
	v24 =	vmul.f32 v56, v51;
	v25 =	vld [tilespmem:s24+$0x10]  }
0x332: {  	v14 =	vmul.f32 v60, v14;
	(xrf2) =	vadd.scan.msk.f32 $0xffff, v9;
	v9 =	vadd.f32 v18, v15;
	v15 =	vmul.f32 v61, v22;
	v18 =	vld [tilespmem:s2+$0xFFFFFF90]  }
0x333: {  	(xrf2) =	vadd.scan.msk.f32 $0xffff, v16;
	v16 =	vadd.f32 v20, v17;
	v17 =	vmul.f32 v30, v23;
	v19 =	vmul.f32 v19, v24;
	s24 =	spop (v2sf)  }
0x334: {  	v13 =	vmul.f32 v48, v13;
	(xrf2) =	vadd.scan.msk.f32 $0xffff, v9;
	v9 =	vadd.f32 v15, v14;
	v14 =	vmul.f32 v21, v53;
	v20 =	vld [tilespmem:s24+$0x0]  }
0x335: {  	(xrf2) =	vadd.scan.msk.f32 $0xffff, v16;
	v16 =	vadd.f32 v19, v17;
	v17 =	vld [tilespmem:s2+$0x110]  }
0x336: {  	(xrf2) =	vadd.scan.msk.f32 $0xffff, v9;
	v15 =	vld [tilespmem:s24+$0x10];
	s24 =	spop (v2sf);
	v9 =	vmul.f32 v26, v13;
	v13 =	vmul.f32 v25, v14  }
0x337: {  	v10 =	vmul.f32 v11, v10;
	v11 =	vmul.f32 v18, v12;
	v12 =	vld [tilespmem:s24+$0x10]  }
0x338: {  	v9 =	vadd.f32 v13, v9;
	v13 =	vld [tilespmem:s2+$0x290]  }
0x339: {  	v19, _, _ =	vpop (xrf2);
	(xrf2) =	vadd.scan.msk.f32 $0xffff, v16;
	v14 =	vld [tilespmem:s24+$0x0];
	s24 =	spop (v2sf)  }
0x33a: {  	v6 =	vmul.f32 v7, v6;
	v16, _, _ =	vpop (xrf2);
	v7 =	vmul.f32 v17, v8;
	v8 =	vld [tilespmem:s24+$0x10]  }
0x33b: {  	v3 =	vmul.f32 v4, v3;
	v18, _, _ =	vpop (xrf2)  }
0x33c: {  	v10 =	vmul.f32 v20, v10;
	v11 =	vmul.f32 v15, v11;
	v15 =	vld [tilespmem:s24+$0x0];
	v20, _, _ =	vpop (xrf2)  }
0x33d: {  	v7 =	vmul.f32 v12, v7;
	(xrf2) =	vadd.scan.msk.f32 $0xffff, v9;
	v9, _, _ =	vpop (xrf2);
	v4 =	vmul.f32 v13, v5  }
0x33e: {  	v17, _, _ =	vpop (xrf2)  }
0x33f: {  	v6 =	vmul.f32 v14, v6;
	v14, _, _ =	vpop (xrf2);
	v4 =	vmul.f32 v8, v4  }
0x340: {  	v10 =	vadd.f32 v11, v10;
	v11 =	vld [tilespmem:s11+$0x390];
	v5, _, _ =	vpop (xrf2)  }
0x341: {  	v12 =	vld [tilespmem:s2+$0x390];
	v3 =	vmul.f32 v15, v3;
	v6 =	vadd.f32 v7, v6;
	v7, _, _ =	vpop (xrf2)  }
0x342: {  	v8, _, _ =	vpop (xrf2)  }
0x343: {  	v1 =	vmul.f32 v2, v1;
	v2 =	vld [tilespmem:s19+$0x10];
	(xrf2) =	vadd.scan.msk.f32 $0xffff, v10;
	v3 =	vadd.f32 v4, v3;
	v4, _, _ =	vpop (xrf2)  }
0x344: {  	v4 =	vbroadcast v4, $0xF  }
0x345: {  	v0 =	vmul.f32 v0, v1  }
0x346: {  	v1 =	vmul.f32 v12, v11;
	(xrf2) =	vadd.scan.msk.f32 $0xffff, v6;
	v6 =	vbroadcast v8, $0xF;
	_ =	sdelay $0x1  }
0x347: {  	v1 =	vmul.f32 v2, v1;
	v2 =	vsel vm0, v6, v4;
	v4, _, _ =	vpop (xrf2)  }
0x348: {  	v7 =	vbroadcast v7, $0xF;
	(xrf2) =	vadd.scan.msk.f32 $0xffff, v3;
	v4 =	vbroadcast v4, $0xF  }
0x349: {  	v3 =	vbroadcast v5, $0xF  }
0x34a: {  	v0 =	vadd.f32 v1, v0;
	v2 =	vsel vm1, v2, v7  }
0x34b: {  	v1 =	vsel vm2, v2, v3;
	v2 =	vbroadcast v14, $0xF;
	v3 =	vbroadcast v17, $0xF  }
0x34c: {  	v1 =	vsel vm3, v1, v4;
	v4, _, _ =	vpop (xrf2)  }
0x34d: {  	(xrf2) =	vadd.scan.msk.f32 $0xffff, v0;
	v0 =	vsel vm4, v1, v2;
	v1 =	vbroadcast v4, $0xF  }
0x34e: {  	v2 =	vbroadcast v9, $0xF;
	v0 =	vsel vm5, v0, v3  }
0x34f: {  	v3, _, _ =	vpop (xrf2);
	v0 =	vsel vm6, v0, v1;
	v1 =	vbroadcast v20, $0xF  }
0x350: {  	v0 =	vsel vm7, v0, v2;
	v2 =	vbroadcast v3, $0xF  }
0x351: {  	v0 =	vsel vm8, v0, v1;
	v1 =	vbroadcast v18, $0xF  }
0x352: {  	v3, _, _ =	vpop (xrf2);
	v0 =	vsel vm9, v0, v2  }
0x353: {  	v2 =	vbroadcast v16, $0xF;
	v0 =	vsel vm10, v0, v1;
	v1 =	vbroadcast v3, $0xF;
	_ =	sdelay $0x1  }
0x354: {  	v0 =	vsel vm11, v0, v2;
	v2 =	vbroadcast v19, $0xF  }
0x355: {  	v0 =	vsel vm12, v0, v1  }
0x356: {  	v0 =	vsel vm13, v0, v2;
	v1, _, _ =	vpop (xrf2)  }
0x357: {  	v0 =	vsel vm14, v0, v1  }
0x358: {  	v0 =	vsub.f32 $0.0e+00, v0;
	_ =	sdelay $0x1  }
0x359: {  	v0 =	vmul.f32 $1.442695020e+00, v0;
	_ =	sdelay $0x1  }
0x35a: {  	(erf) = vpow2.f32 v0;
	_ =	sdelay $0x8  }
0x35b: {  	v0 =	vpop (erf)  }
0x35c: {  	v0 =	vadd.f32 $1.000000000e+00, v0;
	_ =	sdelay $0x1  }
0x35d: {  	(erf) = vrcp.f32 v0;
	_ =	sdelay $0x8  }
0x35e: {  	v0 =	vpop (erf)  }
0x35f: {  	[tilespmem:s0+$0x18700] =	vst v0  }
0x360: {  	_ =	swait.ge [sflag:s26], $0x4000  }
0x361: {  	[sflag:s26] =	ssyncset.done $0x0  }
0x362: {  	[sflag:s26] =	ssyncadd.s32 $0xFFFFC000  }
0x363: {  	_ =	swait.ge [sflag:s26], $0x4000  }
0x364: {  	[sflag:s26] =	ssyncset.done $0x0  }
0x365: {  	s0 =	simm.s32 $0x0;
	[sflag:s26] =	ssyncadd.s32 $0xFFFFC000  }
0x366: {  	v0 =	vld [tilespmem:s0+$0x180];
	_ =	sdelay $0x4  }
0x367: {  	v0 =	vshll.u32 v0, $0x5  }
0x368: {  	v9 =	vadd.s32 $0x10600, v0  }
0x369: {  	(v2sf) =	vpush v9, $0xF;
	_ =	sdelay $0x1  }
0x36a: {  	(v2sf) =	vpush v9, $0xE  }
0x36b: {  	s11 =	simm.s32 $0x4A00  }
0x36c: {  	s2 =	simm.s32 $0xCA00;
	v1 =	vld [tilespmem:s11+$0x380]  }
0x36d: {  	v2 =	vld [tilespmem:s2+$0x380]  }
0x36e: {  	v26 =	vld [tilespmem:s11+$0x300]  }
0x36f: {  	v28 =	vld [tilespmem:s2+$0x300]  }
0x370: {  	v57 =	vld [tilespmem:s11+$0x310]  }
0x371: {  	v58 =	vld [tilespmem:s2+$0x310]  }
0x372: {  	v3 =	vld [tilespmem:s11+$0x280]  }
0x373: {  	v4 =	vld [tilespmem:s2+$0x280];
	(v2sf) =	vpush v9, $0xC  }
0x374: {  	v5 =	vld [tilespmem:s11+$0x290]  }
0x375: {  	v59 =	vld [tilespmem:s11+$0x200];
	(v2sf) =	vpush v9, $0xB  }
0x376: {  	v60 =	vld [tilespmem:s2+$0x200]  }
0x377: {  	v61 =	vld [tilespmem:s11+$0x210];
	s19 =	spop (v2sf);
	(v2sf) =	vpush v9, $0x9  }
0x378: {  	v62 =	vld [tilespmem:s2+$0x210]  }
0x379: {  	v27 =	vld [tilespmem:s11+$0x180];
	s24 =	spop (v2sf);
	(v2sf) =	vpush v9, $0x8  }
0x37a: {  	v29 =	vld [tilespmem:s2+$0x180]  }
0x37b: {  	v30 =	vld [tilespmem:s11+$0x190]  }
0x37c: {  	v31 =	vld [tilespmem:s2+$0x190]  }
0x37d: {  	v6 =	vld [tilespmem:s11+$0x100]  }
0x37e: {  	v7 =	vld [tilespmem:s2+$0x100]  }
0x37f: {  	v8 =	vld [tilespmem:s11+$0x110]  }
0x380: {  	v35 =	vld [tilespmem:s11+$0x80]  }
0x381: {  	v13 =	vld [tilespmem:s24+$0x0]  }
0x382: {  	v48 =	vld [tilespmem:s24+$0x10];
	s24 =	spop (v2sf)  }
0x383: {  	v14 =	vld [tilespmem:s24+$0x0]  }
0x384: {  	(v2sf) =	vpush v9, $0x6;
	v15 =	vld [tilespmem:s24+$0x10];
	s24 =	spop (v2sf)  }
0x385: {  	v16 =	vld [tilespmem:s24+$0x0]  }
0x386: {  	v17 =	vld [tilespmem:s24+$0x10];
	s24 =	spop (v2sf);
	(v2sf) =	vpush v9, $0x5  }
0x387: {  	v18 =	vld [tilespmem:s24+$0x0]  }
0x388: {  	v19 =	vld [tilespmem:s24+$0x10];
	s24 =	spop (v2sf);
	(v2sf) =	vpush v9, $0x3  }
0x389: {  	v37 =	vld [tilespmem:s2+$0x80]  }
0x38a: {  	v38 =	vld [tilespmem:s11+$0x90]  }
0x38b: {  	v39 =	vld [tilespmem:s2+$0x90]  }
0x38c: {  	v32 =	vld [tilespmem:s11+$0x0]  }
0x38d: {  	v33 =	vld [tilespmem:s2+$0x0]  }
0x38e: {  	v34 =	vld [tilespmem:s11+$0x10]  }
0x38f: {  	v36 =	vld [tilespmem:s2+$0x10]  }
0x390: {  	v10 =	vld [tilespmem:s11+$0xFFFFFF80]  }
0x391: {  	v11 =	vld [tilespmem:s2+$0xFFFFFF80]  }
0x392: {  	v20 =	vld [tilespmem:s24+$0x0]  }
0x393: {  	v21 =	vld [tilespmem:s24+$0x10];
	s24 =	spop (v2sf)  }
0x394: {  	v22 =	vld [tilespmem:s24+$0x0]  }
0x395: {  	v24 =	vld [tilespmem:s24+$0x10];
	s24 =	spop (v2sf)  }
0x396: {  	v23 =	vld [tilespmem:s24+$0x0]  }
0x397: {  	v25 =	vld [tilespmem:s24+$0x10];
	s24 =	spop (v2sf);
	(v2sf) =	vpush v9, $0x2  }
0x398: {  	v12 =	vld [tilespmem:s11+$0xFFFFFF90]  }
0x399: {  	v42 =	vld [tilespmem:s11+$0xFFFFFF00]  }
0x39a: {  	v44 =	vld [tilespmem:s2+$0xFFFFFF00]  }
0x39b: {  	v46 =	vld [tilespmem:s11+$0xFFFFFF10]  }
0x39c: {  	v47 =	vld [tilespmem:s2+$0xFFFFFF10]  }
0x39d: {  	v40 =	vld [tilespmem:s11+$0xFFFFFE80];
	(v2sf) =	vpush v9, $0x0  }
0x39e: {  	v41 =	vld [tilespmem:s2+$0xFFFFFE80]  }
0x39f: {  	v43 =	vld [tilespmem:s11+$0xFFFFFE90]  }
0x3a0: {  	v45 =	vld [tilespmem:s2+$0xFFFFFE90];
	v63 =	vmul.f32 v28, v26  }
0x3a1: {  	v50 =	vmul.f32 v58, v57;
	v0 =	vld [tilespmem:s19+$0x0]  }
0x3a2: {  	v49 =	vmul.f32 v13, v63;
	v13 =	vld [tilespmem:s11+$0xFFFFFE00]  }
0x3a3: {  	v50 =	vmul.f32 v48, v50;
	v26 =	vld [tilespmem:s24+$0x0]  }
0x3a4: {  	s21 =	simm.s32 $0x40;
	v51 =	vmul.f32 v60, v59;
	v52 =	vmul.f32 v62, v61;
	v28 =	vld [tilespmem:s24+$0x10]  }
.LBB2_8:
0x3a5: {  	p0 =	sne.s32 s21, $0x1C0;
	v48 =	vld [tilespmem:s2+$0xFFFFFE00];
	v50 =	vadd.f32 v50, v49  }
0x3a6: {  	v49 =	vld [tilespmem:s11+$0xFFFFFE10];
	v14 =	vmul.f32 v14, v51;
	v15 =	vmul.f32 v15, v52;
	s24 =	spop (v2sf)  }
0x3a7: {  	v27 =	vmul.f32 v29, v27;
	v29 =	vmul.f32 v31, v30;
	v51 =	vld [tilespmem:s24+$0x0];
	(xrf2) =	vadd.scan.msk.f32 $0xffff, v50  }
0x3a8: {  	v30 =	vld [tilespmem:s24+$0x10];
	v14 =	vadd.f32 v15, v14  }
0x3a9: {  	v15 =	vmul.f32 v16, v27;
	v16 =	vmul.f32 v17, v29;
	v31 =	vld [tilespmem:s11+$0xFFFFFD80]  }
0x3aa: {  	v27 =	vmul.f32 v37, v35;
	v29 =	vmul.f32 v39, v38;
	v17 =	vld [tilespmem:s2+$0xFFFFFD80];
	(xrf2) =	vadd.scan.msk.f32 $0xffff, v14  }
0x3ab: {  	v14 =	vadd.f32 v16, v15;
	v35 =	vld [tilespmem:s11+$0xFFFFFD90];
	(v2sf) =	vpush v9, $0x1  }
0x3ac: {  	v15 =	vmul.f32 v18, v27;
	v18 =	vmul.f32 v19, v29;
	v16 =	vld [tilespmem:s2+$0xFFFFFD90];
	s24 =	spop (v2sf)  }
0x3ad: {  	v27 =	vmul.f32 v33, v32;
	v29 =	vmul.f32 v36, v34;
	v19 =	vld [tilespmem:s24+$0x0];
	(xrf2) =	vadd.scan.msk.f32 $0xffff, v14  }
0x3ae: {  	v34 =	vadd.f32 v18, v15;
	v32 =	vld [tilespmem:s24+$0x10];
	(v2sf) =	vpush v9, $0x4  }
0x3af: {  	v15 =	vmul.f32 v20, v27;
	v20 =	vmul.f32 v21, v29;
	v18 =	vld [tilespmem:s11+$0xFFFFFD00]  }
0x3b0: {  	v27 =	vmul.f32 v44, v42;
	v29 =	vmul.f32 v47, v46;
	v21 =	vld [tilespmem:s2+$0xFFFFFD00];
	(xrf2) =	vadd.scan.msk.f32 $0xffff, v34  }
0x3b1: {  	v37 =	vadd.f32 v20, v15;
	v33 =	vld [tilespmem:s11+$0xFFFFFD10];
	(v2sf) =	vpush v9, $0x7;
	v14, _, _ =	vpop (xrf2)  }
0x3b2: {  	v22 =	vmul.f32 v22, v27;
	v24 =	vmul.f32 v24, v29;
	v20 =	vld [tilespmem:s2+$0xFFFFFD10]  }
0x3b3: {  	v29 =	vmul.f32 v41, v40;
	v34 =	vmul.f32 v45, v43;
	v27 =	vld [tilespmem:s2+$0xFFFFFC00];
	(xrf2) =	vadd.scan.msk.f32 $0xffff, v37  }
0x3b4: {  	v22 =	vadd.f32 v24, v22;
	v36 =	vld [tilespmem:s11+$0xFFFFFC00];
	(v2sf) =	vpush v9, $0xA;
	v15, _, _ =	vpop (xrf2)  }
0x3b5: {  	v23 =	vmul.f32 v23, v29;
	v25 =	vmul.f32 v25, v34;
	v24 =	vld [tilespmem:s11+$0xFFFFFC10]  }
0x3b6: {  	v17 =	vmul.f32 v17, v31;
	v31 =	vmul.f32 v16, v35;
	v29 =	vld [tilespmem:s2+$0xFFFFFC10];
	(xrf2) =	vadd.scan.msk.f32 $0xffff, v22  }
0x3b7: {  	v34 =	vadd.f32 v25, v23;
	v22 =	vld [tilespmem:s11+$0xFFFFFC80];
	v16, _, _ =	vpop (xrf2);
	(v2sf) =	vpush v9, $0xD  }
0x3b8: {  	v17 =	vmul.f32 v26, v17;
	v25 =	vmul.f32 v28, v31;
	v9 =	vld [tilespmem:s2+$0xFFFFFC80]  }
0x3b9: {  	v18 =	vmul.f32 v21, v18;
	v20 =	vmul.f32 v20, v33;
	v26 =	vld [tilespmem:s11+$0xFFFFFC90];
	(xrf2) =	vadd.scan.msk.f32 $0xffff, v34  }
0x3ba: {  	v17 =	vadd.f32 v25, v17;
	v21 =	vld [tilespmem:s2+$0xFFFFFC90];
	s24 =	spop (v2sf);
	v23, _, _ =	vpop (xrf2)  }
0x3bb: {  	v18 =	vmul.f32 v51, v18;
	v30 =	vmul.f32 v30, v20;
	v25 =	vld [tilespmem:s24+$0x0]  }
0x3bc: {  	v27 =	vmul.f32 v27, v36;
	v24 =	vmul.f32 v29, v24;
	v28 =	vld [tilespmem:s24+$0x10];
	(xrf2) =	vadd.scan.msk.f32 $0xffff, v17  }
0x3bd: {  	v17 =	vadd.f32 v30, v18;
	v18 =	vld [tilespmem:s2+$0xFFFFFE10];
	s24 =	spop (v2sf);
	v20, _, _ =	vpop (xrf2)  }
0x3be: {  	v19 =	vmul.f32 v19, v27;
	v29 =	vmul.f32 v32, v24;
	v27 =	vld [tilespmem:s24+$0x0]  }
0x3bf: {  	v9 =	vmul.f32 v9, v22;
	v21 =	vmul.f32 v21, v26;
	v22 =	vld [tilespmem:s24+$0x10];
	(xrf2) =	vadd.scan.msk.f32 $0xffff, v17  }
0x3c0: {  	v17 =	vadd.f32 v29, v19;
	v19 =	vld [tilespmem:s2+$0xFFFFFF90];
	s24 =	spop (v2sf);
	v24, _, _ =	vpop (xrf2)  }
0x3c1: {  	v9 =	vmul.f32 v25, v9;
	v28 =	vmul.f32 v28, v21;
	v25 =	vld [tilespmem:s24+$0x0]  }
0x3c2: {  	v13 =	vmul.f32 v48, v13;
	v18 =	vmul.f32 v18, v49;
	v26 =	vld [tilespmem:s24+$0x10];
	(xrf2) =	vadd.scan.msk.f32 $0xffff, v17  }
0x3c3: {  	v9 =	vadd.f32 v28, v9;
	v17 =	vld [tilespmem:s2+$0x110];
	v21, _, _ =	vpop (xrf2);
	s24 =	spop (v2sf)  }
0x3c4: {  	v13 =	vmul.f32 v27, v13;
	v27 =	vmul.f32 v22, v18;
	v22 =	vld [tilespmem:s24+$0x0]  }
0x3c5: {  	v10 =	vmul.f32 v11, v10;
	v11 =	vmul.f32 v19, v12;
	v12 =	vld [tilespmem:s24+$0x10];
	(xrf2) =	vadd.scan.msk.f32 $0xffff, v9  }
0x3c6: {  	v9 =	vadd.f32 v27, v13;
	v13 =	vld [tilespmem:s2+$0x290];
	v18, _, _ =	vpop (xrf2);
	s24 =	spop (v2sf)  }
0x3c7: {  	v10 =	vmul.f32 v25, v10;
	v25 =	vmul.f32 v26, v11;
	v19 =	vld [tilespmem:s24+$0x0]  }
0x3c8: {  	v6 =	vmul.f32 v7, v6;
	v7 =	vmul.f32 v17, v8;
	v8 =	vld [tilespmem:s24+$0x10];
	(xrf2) =	vadd.scan.msk.f32 $0xffff, v9  }
0x3c9: {  	v9 =	vadd.f32 v25, v10;
	v10 =	vld [tilespmem:s11+$0x390];
	v11, _, _ =	vpop (xrf2)  }
0x3ca: {  	v17 =	vmul.f32 v22, v6;
	v7 =	vmul.f32 v12, v7;
	v12 =	vld [tilespmem:s2+$0x390]  }
0x3cb: {  	v3 =	vmul.f32 v4, v3;
	v4 =	vmul.f32 v13, v5;
	(xrf2) =	vadd.scan.msk.f32 $0xffff, v9  }
0x3cc: {  	v1 =	vmul.f32 v2, v1;
	v5 =	vadd.f32 v7, v17;
	v2 =	vld [tilespmem:s19+$0x10];
	v6, _, _ =	vpop (xrf2)  }
0x3cd: {  	v3 =	vmul.f32 v19, v3;
	v7 =	vmul.f32 v8, v4  }
0x3ce: {  	(xrf2) =	vadd.scan.msk.f32 $0xffff, v5  }
0x3cf: {  	v0 =	vmul.f32 v0, v1;
	v3 =	vadd.f32 v7, v3;
	v1 =	vmul.f32 v12, v10;
	v4, _, _ =	vpop (xrf2)  }
0x3d0: {  	v5 =	vbroadcast v6, $0xF;
	v7 =	vbroadcast v4, $0xF  }
0x3d1: {  	v6 =	vbroadcast v11, $0xF;
	v1 =	vmul.f32 v2, v1;
	(xrf2) =	vadd.scan.msk.f32 $0xffff, v3  }
0x3d2: {  	v3 =	vbroadcast v18, $0xF;
	v2 =	vsel vm0, v5, v7;
	v4, _, _ =	vpop (xrf2)  }
0x3d3: {  	v2 =	vsel vm1, v2, v6;
	v5 =	vbroadcast v4, $0xF;
	v0 =	vadd.f32 v1, v0  }
0x3d4: {  	v1 =	vsel vm2, v2, v3;
	v2 =	vbroadcast v21, $0xF  }
0x3d5: {  	v1 =	vsel vm3, v1, v5;
	v5 =	vbroadcast v24, $0xF;
	v4, _, _ =	vpop (xrf2);
	(xrf2) =	vadd.scan.msk.f32 $0xffff, v0  }
0x3d6: {  	v0 =	vsel vm4, v1, v2;
	v1 =	vbroadcast v4, $0xF  }
0x3d7: {  	v2 =	vbroadcast v20, $0xF;
	v0 =	vsel vm5, v0, v5  }
0x3d8: {  	v0 =	vsel vm6, v0, v1;
	v1 =	vbroadcast v23, $0xF;
	v3, _, _ =	vpop (xrf2)  }
0x3d9: {  	v0 =	vsel vm7, v0, v2;
	v2 =	vbroadcast v3, $0xF  }
0x3da: {  	v0 =	vsel vm8, v0, v1;
	v1 =	vbroadcast v16, $0xF  }
0x3db: {  	v0 =	vsel vm9, v0, v2;
	v2 =	vbroadcast v15, $0xF;
	v3, _, _ =	vpop (xrf2)  }
0x3dc: {  	v0 =	vsel vm10, v0, v1;
	v3 =	vbroadcast v3, $0xF  }
0x3dd: {  	v0 =	vsel vm11, v0, v2;
	v2 =	vbroadcast v14, $0xF  }
0x3de: {  	v0 =	vsel vm12, v0, v3  }
0x3df: {  	v0 =	vsel vm13, v0, v2;
	v1, _, _ =	vpop (xrf2)  }
0x3e0: {  	v0 =	vsel vm14, v0, v1  }
0x3e1: {  	v0 =	vsub.f32 $0.0e+00, v0;
	_ =	sdelay $0x1  }
0x3e2: {  	v0 =	vmul.f32 $1.442695020e+00, v0  }
0x3e3: {  	s24 =	sshra.s32 s21, $0x2  }
0x3e4: {  	v1 =	vld [tilespmem:s24+$0x180];
	(erf) = vpow2.f32 v0;
	_ =	sdelay $0x4  }
0x3e5: {  	v0 =	vshll.u32 v1, $0x5  }
0x3e6: {  	v9 =	vadd.s32 $0x10600, v0  }
0x3e7: {  	(v2sf) =	vpush v9, $0xF;
	_ =	sdelay $0x1  }
0x3e8: {  	v0 =	vpop (erf)  }
0x3e9: {  	(v2sf) =	vpush v9, $0xE;
	v0 =	vadd.f32 $1.000000000e+00, v0;
	_ =	sdelay $0x1  }
0x3ea: {  	(erf) = vrcp.f32 v0;
	_ =	sdelay $0x3  }
0x3eb: {  	(v2sf) =	vpush v9, $0xC;
	_ =	sdelay $0x4  }
0x3ec: {  	(v2sf) =	vpush v9, $0xB;
	v0 =	vpop (erf)  }
0x3ed: {  	s19 =	spop (v2sf);
	[tilespmem:s0+$0x18780] =	vst v0;
	s0 =	smov.u32 s24  }
0x3ee: {  	s11 =	sadd.s32 $0x800, s11;
	v0 =	vld [tilespmem:s19+$0x0]  }
0x3ef: {  	s2 =	sadd.s32 $0x800, s2;
	v1 =	vld [tilespmem:s11+$0x380]  }
0x3f0: {  	v2 =	vld [tilespmem:s2+$0x380];
	s24 =	spop (v2sf)  }
0x3f1: {  	v13 =	vld [tilespmem:s24+$0x0]  }
0x3f2: {  	v48 =	vld [tilespmem:s24+$0x10]  }
0x3f3: {  	v26 =	vld [tilespmem:s11+$0x300]  }
0x3f4: {  	v28 =	vld [tilespmem:s2+$0x300]  }
0x3f5: {  	v49 =	vld [tilespmem:s11+$0x310]  }
0x3f6: {  	v50 =	vld [tilespmem:s2+$0x310];
	(v2sf) =	vpush v9, $0x9;
	s24 =	spop (v2sf)  }
0x3f7: {  	v14 =	vld [tilespmem:s24+$0x0]  }
0x3f8: {  	v15 =	vld [tilespmem:s24+$0x10]  }
0x3f9: {  	v3 =	vld [tilespmem:s11+$0x280]  }
0x3fa: {  	v4 =	vld [tilespmem:s2+$0x280]  }
0x3fb: {  	v5 =	vld [tilespmem:s11+$0x290];
	(v2sf) =	vpush v9, $0x8;
	s24 =	spop (v2sf)  }
0x3fc: {  	v16 =	vld [tilespmem:s24+$0x0]  }
0x3fd: {  	v17 =	vld [tilespmem:s24+$0x10]  }
0x3fe: {  	v51 =	vld [tilespmem:s11+$0x200]  }
0x3ff: {  	v52 =	vld [tilespmem:s2+$0x200]  }
0x400: {  	v53 =	vld [tilespmem:s11+$0x210]  }
0x401: {  	v54 =	vld [tilespmem:s2+$0x210]  }
0x402: {  	v27 =	vld [tilespmem:s11+$0x180]  }
0x403: {  	v29 =	vld [tilespmem:s2+$0x180]  }
0x404: {  	v30 =	vld [tilespmem:s11+$0x190]  }
0x405: {  	v31 =	vld [tilespmem:s2+$0x190];
	(v2sf) =	vpush v9, $0x6;
	s24 =	spop (v2sf)  }
0x406: {  	v18 =	vld [tilespmem:s24+$0x0]  }
0x407: {  	v19 =	vld [tilespmem:s24+$0x10]  }
0x408: {  	v6 =	vld [tilespmem:s11+$0x100]  }
0x409: {  	v7 =	vld [tilespmem:s2+$0x100]  }
0x40a: {  	v8 =	vld [tilespmem:s11+$0x110];
	(v2sf) =	vpush v9, $0x5;
	s24 =	spop (v2sf)  }
0x40b: {  	v20 =	vld [tilespmem:s24+$0x0]  }
0x40c: {  	v21 =	vld [tilespmem:s24+$0x10]  }
0x40d: {  	v35 =	vld [tilespmem:s11+$0x80]  }
0x40e: {  	v37 =	vld [tilespmem:s2+$0x80]  }
0x40f: {  	v38 =	vld [tilespmem:s11+$0x90]  }
0x410: {  	v39 =	vld [tilespmem:s2+$0x90]  }
0x411: {  	v32 =	vld [tilespmem:s11+$0x0]  }
0x412: {  	v33 =	vld [tilespmem:s2+$0x0]  }
0x413: {  	v34 =	vld [tilespmem:s11+$0x10]  }
0x414: {  	v36 =	vld [tilespmem:s2+$0x10];
	(v2sf) =	vpush v9, $0x3;
	s24 =	spop (v2sf)  }
0x415: {  	v22 =	vld [tilespmem:s24+$0x0]  }
0x416: {  	v24 =	vld [tilespmem:s24+$0x10]  }
0x417: {  	v10 =	vld [tilespmem:s11+$0xFFFFFF80]  }
0x418: {  	v11 =	vld [tilespmem:s2+$0xFFFFFF80]  }
0x419: {  	v12 =	vld [tilespmem:s11+$0xFFFFFF90];
	(v2sf) =	vpush v9, $0x2;
	s24 =	spop (v2sf)  }
0x41a: {  	v23 =	vld [tilespmem:s24+$0x0]  }
0x41b: {  	v25 =	vld [tilespmem:s24+$0x10]  }
0x41c: {  	v42 =	vld [tilespmem:s11+$0xFFFFFF00]  }
0x41d: {  	v44 =	vld [tilespmem:s2+$0xFFFFFF00]  }
0x41e: {  	v46 =	vld [tilespmem:s11+$0xFFFFFF10]  }
0x41f: {  	v47 =	vld [tilespmem:s2+$0xFFFFFF10];
	(v2sf) =	vpush v9, $0x0  }
0x420: {  	v40 =	vld [tilespmem:s11+$0xFFFFFE80]  }
0x421: {  	v41 =	vld [tilespmem:s2+$0xFFFFFE80]  }
.Ltmp3:
0x422: {  	v43 =	vld [tilespmem:s11+$0xFFFFFE90];
	(pc) =	sbr.rel @p0 .LBB2_8-.Ltmp3, $4  }
0x423: {  	v55 =	vmul.f32 v28, v26;
	v50 =	vmul.f32 v50, v49;
	v45 =	vld [tilespmem:s2+$0xFFFFFE90];
	s24 =	spop (v2sf)  }
0x424: {  	v26 =	vld [tilespmem:s24+$0x0]  }
0x425: {  	v49 =	vmul.f32 v13, v55;
	v50 =	vmul.f32 v48, v50;
	v28 =	vld [tilespmem:s24+$0x10]  }
0x426: {  	s21 =	sadd.s32 $0x40, s21;
	v51 =	vmul.f32 v52, v51;
	v52 =	vmul.f32 v54, v53;
	v13 =	vld [tilespmem:s11+$0xFFFFFE00]  }
0x427: {  	v48 =	vld [tilespmem:s2+$0xFFFFFE00]  }
0x428: {  	v53 =	vld [tilespmem:s11+$0xFFFFFE10]  }
0x429: {  	v56 =	vld [tilespmem:s11+$0xFFFFFD80]  }
0x42a: {  	v57 =	vld [tilespmem:s2+$0xFFFFFD80]  }
0x42b: {  	v58 =	vld [tilespmem:s11+$0xFFFFFD90]  }
0x42c: {  	v59 =	vld [tilespmem:s2+$0xFFFFFD90]  }
0x42d: {  	v63 =	vmul.f32 v31, v30;
	v30 =	vld [tilespmem:s11+$0xFFFFFD00];
	s21 =	spop (v2sf);
	(v2sf) =	vpush v9, $0x1  }
0x42e: {  	v31 =	vld [tilespmem:s2+$0xFFFFFD00]  }
0x42f: {  	v62 =	vmul.f32 v37, v35;
	v37 =	vld [tilespmem:s2+$0xFFFFFD10]  }
0x430: {  	v27 =	vmul.f32 v29, v27;
	v29 =	vld [tilespmem:s11+$0xFFFFFC00];
	s24 =	spop (v2sf);
	(v2sf) =	vpush v9, $0x4  }
0x431: {  	v14 =	vmul.f32 v14, v51;
	v51 =	vmul.f32 v44, v42;
	v44 =	vld [tilespmem:s11+$0xFFFFFC80]  }
0x432: {  	v15 =	vmul.f32 v15, v52;
	v52 =	vmul.f32 v47, v46;
	v47 =	vld [tilespmem:s2+$0xFFFFFC80]  }
0x433: {  	v54 =	vld [tilespmem:s21+$0x0];
	(v2sf) =	vpush v9, $0x7  }
0x434: {  	v32 =	vmul.f32 v33, v32;
	v55 =	vld [tilespmem:s21+$0x10]  }
0x435: {  	v16 =	vmul.f32 v16, v27;
	v17 =	vmul.f32 v17, v63;
	v27 =	vld [tilespmem:s11+$0xFFFFFD10]  }
0x436: {  	v63 =	vmul.f32 v39, v38;
	v39 =	vmul.f32 v36, v34;
	v34 =	vld [tilespmem:s2+$0xFFFFFC00];
	(v2sf) =	vpush v9, $0xA  }
0x437: {  	v18 =	vmul.f32 v18, v62;
	v20 =	vmul.f32 v20, v32;
	v32 =	vld [tilespmem:s11+$0xFFFFFC10]  }
0x438: {  	v36 =	vld [tilespmem:s2+$0xFFFFFC10];
	v62 =	vmul.f32 v41, v40;
	v19 =	vmul.f32 v19, v63  }
0x439: {  	v63 =	vmul.f32 v45, v43;
	v45 =	vmul.f32 v22, v51;
	v51 =	vld [tilespmem:s11+$0xFFFFFC90];
	(v2sf) =	vpush v9, $0xD  }
0x43a: {  	v46 =	vmul.f32 v24, v52;
	v52 =	vmul.f32 v57, v56;
	v57 =	vld [tilespmem:s2+$0xFFFFFC90]  }
0x43b: {  	v50 =	vadd.f32 v50, v49;
	v21 =	vmul.f32 v21, v39;
	v23 =	vmul.f32 v23, v62;
	v60 =	vld [tilespmem:s24+$0x0]  }
0x43c: {  	v14 =	vadd.f32 v15, v14;
	v56 =	vmul.f32 v59, v58;
	v58 =	vmul.f32 v31, v30;
	v61 =	vld [tilespmem:s24+$0x10];
	s24 =	spop (v2sf)  }
0x43d: {  	(xrf2) =	vadd.scan.msk.f32 $0xffff, v50;
	v16 =	vadd.f32 v17, v16;
	v25 =	vmul.f32 v25, v63;
	v44 =	vmul.f32 v47, v44;
	v59 =	vld [tilespmem:s24+$0x0]  }
0x43e: {  	(xrf2) =	vadd.scan.msk.f32 $0xffff, v14;
	v62 =	vadd.f32 v19, v18;
	v27 =	vmul.f32 v37, v27;
	v63 =	vmul.f32 v28, v56;
	v28 =	vld [tilespmem:s24+$0x10]  }
0x43f: {  	(xrf2) =	vadd.scan.msk.f32 $0xffff, v16;
	v31 =	vadd.f32 v21, v20;
	v15 =	vmul.f32 v26, v52;
	v17 =	vmul.f32 v54, v58;
	v37 =	vld [tilespmem:s2+$0xFFFFFE10];
	s24 =	spop (v2sf)  }
0x440: {  	v38 =	vmul.f32 v34, v29;
	v41 =	vmul.f32 v36, v32;
	(xrf2) =	vadd.scan.msk.f32 $0xffff, v62;
	v9 =	vadd.f32 v46, v45;
	v42 =	vld [tilespmem:s24+$0x0]  }
0x441: {  	v43 =	vadd.f32 v25, v23;
	v33 =	vmul.f32 v55, v27;
	(xrf2) =	vadd.scan.msk.f32 $0xffff, v31;
	v45 =	vmul.f32 v57, v51;
	v46 =	vld [tilespmem:s24+$0x10]  }
0x442: {  	v50 =	vld [tilespmem:s2+$0xFFFFFF90];
	v47 =	vadd.f32 v63, v15;
	(xrf2) =	vadd.scan.msk.f32 $0xffff, v9;
	v14 =	vmul.f32 v60, v38;
	v49 =	vmul.f32 v61, v41;
	s24 =	spop (v2sf)  }
0x443: {  	v51 =	vadd.f32 v33, v17;
	(xrf2) =	vadd.scan.msk.f32 $0xffff, v43;
	v52 =	vmul.f32 v59, v44;
	v19 =	vmul.f32 v28, v45;
	v54 =	vld [tilespmem:s24+$0x0]  }
0x444: {  	v13 =	vmul.f32 v48, v13;
	v56 =	vmul.f32 v37, v53;
	(xrf2) =	vadd.scan.msk.f32 $0xffff, v47;
	v55 =	vadd.f32 v49, v14;
	v57 =	vld [tilespmem:s24+$0x10]  }
0x445: {  	(xrf2) =	vadd.scan.msk.f32 $0xffff, v51;
	v59 =	vld [tilespmem:s2+$0x110];
	v58 =	vadd.f32 v19, v52;
	s24 =	spop (v2sf)  }
0x446: {  	(xrf2) =	vadd.scan.msk.f32 $0xffff, v55;
	v62 =	vld [tilespmem:s24+$0x0];
	v60 =	vmul.f32 v42, v13;
	v61 =	vmul.f32 v46, v56  }
0x447: {  	v10 =	vmul.f32 v11, v10;
	v23 =	vmul.f32 v50, v12;
	v63, _, _ =	vpop (xrf2);
	v24 =	vld [tilespmem:s24+$0x10];
	(xrf2) =	vadd.scan.msk.f32 $0xffff, v58  }
0x448: {  	v26 =	vld [tilespmem:s2+$0x290];
	v25, _, _ =	vpop (xrf2);
	s24 =	spop (v2sf);
	v9 =	vadd.f32 v61, v60  }
0x449: {  	v27, _, _ =	vpop (xrf2);
	v28 =	vld [tilespmem:s24+$0x0];
	v10 =	vmul.f32 v54, v10;
	v11 =	vmul.f32 v57, v23  }
0x44a: {  	v6 =	vmul.f32 v7, v6;
	v29, _, _ =	vpop (xrf2);
	v31 =	vld [tilespmem:s24+$0x10];
	v30 =	vmul.f32 v59, v8;
	(xrf2) =	vadd.scan.msk.f32 $0xffff, v9  }
0x44b: {  	v35 =	vld [tilespmem:s2+$0x390];
	v32, _, _ =	vpop (xrf2);
	v10 =	vadd.f32 v11, v10  }
0x44c: {  	v33 =	vld [tilespmem:s11+$0x390];
	v34, _, _ =	vpop (xrf2);
	v6 =	vmul.f32 v62, v6;
	v7 =	vmul.f32 v24, v30  }
0x44d: {  	v3 =	vmul.f32 v4, v3;
	v37 =	vmul.f32 v26, v5;
	v36, _, _ =	vpop (xrf2);
	(xrf2) =	vadd.scan.msk.f32 $0xffff, v10  }
0x44e: {  	v1 =	vmul.f32 v2, v1;
	v39 =	vld [tilespmem:s19+$0x10];
	v38, _, _ =	vpop (xrf2);
	v6 =	vadd.f32 v7, v6  }
0x44f: {  	v40, _, _ =	vpop (xrf2);
	v3 =	vmul.f32 v28, v3;
	v4 =	vmul.f32 v31, v37  }
0x450: {  	v41, _, _ =	vpop (xrf2);
	(xrf2) =	vadd.scan.msk.f32 $0xffff, v6  }
0x451: {  	v0 =	vmul.f32 v0, v1;
	v42 =	vmul.f32 v35, v33;
	v3 =	vadd.f32 v4, v3;
	v43, _, _ =	vpop (xrf2)  }
0x452: {  	v44 =	vbroadcast v41, $0xF;
	v4 =	vbroadcast v43, $0xF  }
0x453: {  	v1 =	vmul.f32 v39, v42;
	v7 =	vbroadcast v40, $0xF;
	(xrf2) =	vadd.scan.msk.f32 $0xffff, v3  }
0x454: {  	v46 =	vbroadcast v38, $0xF;
	v45 =	vsel vm0, v44, v4;
	v47, _, _ =	vpop (xrf2)  }
0x455: {  	v0 =	vadd.f32 v1, v0;
	v2 =	vsel vm1, v45, v7;
	v4 =	vbroadcast v47, $0xF  }
0x456: {  	v49 =	vbroadcast v36, $0xF;
	v48 =	vsel vm2, v2, v46  }
0x457: {  	v50 =	vbroadcast v34, $0xF;
	(xrf2) =	vadd.scan.msk.f32 $0xffff, v0;
	v51, _, _ =	vpop (xrf2);
	v1 =	vsel vm3, v48, v4  }
0x458: {  	v53 =	vbroadcast v51, $0xF;
	v52 =	vsel vm4, v1, v49  }
0x459: {  	v54 =	vbroadcast v32, $0xF;
	v0 =	vsel vm5, v52, v50  }
0x45a: {  	v55 =	vbroadcast v29, $0xF;
	v56, _, _ =	vpop (xrf2);
	v0 =	vsel vm6, v0, v53  }
0x45b: {  	v57 =	vbroadcast v56, $0xF;
	v0 =	vsel vm7, v0, v54  }
0x45c: {  	v58 =	vbroadcast v27, $0xF;
	v0 =	vsel vm8, v0, v55  }
0x45d: {  	v59 =	vbroadcast v25, $0xF;
	v60, _, _ =	vpop (xrf2);
	v0 =	vsel vm9, v0, v57  }
0x45e: {  	v61 =	vbroadcast v60, $0xF;
	v0 =	vsel vm10, v0, v58  }
0x45f: {  	v62 =	vbroadcast v63, $0xF;
	v0 =	vsel vm11, v0, v59  }
0x460: {  	v0 =	vsel vm12, v0, v61  }
0x461: {  	v63, _, _ =	vpop (xrf2);
	v0 =	vsel vm13, v0, v62  }
0x462: {  	v0 =	vsel vm14, v0, v63  }
0x463: {  	v0 =	vsub.f32 $0.0e+00, v0;
	_ =	sdelay $0x1  }
0x464: {  	v0 =	vmul.f32 $1.442695020e+00, v0;
	_ =	sdelay $0x1  }
0x465: {  	(erf) = vpow2.f32 v0;
	_ =	sdelay $0x8  }
0x466: {  	v0 =	vpop (erf)  }
0x467: {  	v0 =	vadd.f32 $1.000000000e+00, v0;
	_ =	sdelay $0x1  }
0x468: {  	(erf) = vrcp.f32 v0;
	_ =	sdelay $0x7  }
0x469: {  	s31 =	sadd.s32 $0x1, s31  }
0x46a: {  	p0 =	sne.s32 s31, s10;
	v0 =	vpop (erf)  }
.Ltmp4:
0x46b: {  	[tilespmem:s0+$0x18780] =	vst v0;
	(pc) =	sbr.rel @p0 .LBB2_1-.Ltmp4, $4  }
0x46c: {  	[hbm4b:s9+s1] =	stream.linear.scatter [tilespmem:s30], [sflag:$0x4], $0x200, $0x38;
	[tilespmem:$0x18800] =	vst v63  }
0x46d: {  	_ =	swait.ge [sflag:s12], $0x200  }
0x46e: {  	[sflag:s12] =	ssyncset.done $0x0  }
0x46f: {  	[sflag:s12] =	ssyncadd.s32 $0xFFFFFE00  }
0x470: {  	_ =	sfence.sel $0x180000  }
0x471: {  	[bflag:$0x0] =	sbarrier.arrive $0xFFFF  }
0x472: {  	_ =	strace $0x90000047  }
0x473: {  	s0 =	stileid.u32;
	[bflag:$0x2] =	sbarrier.arrive $0xFFFF  }
0x474: {  	p0 =	sne.s32 s0, $0x0;
	s0 =	rddreg [dreg:$0x5]  }
0x475: {  	s0 =	sadd.s32 @!p0 $0x100000, s0  }
0x476: {  	[sflag:s0] =	ssyncadd.tile.s32 @!p0 $0x1;
	_ =	shalt  }
.Lfunc_end2:
_tile_overlayer_lowered:
.L_overlay_start_2:
0x477: {  	(tag) =	ssettag $0x2  }
0x478: {  	s0 =	rddreg [dreg:$0x0];
	s2 =	stileid.u32  }
0x479: {  	s1 =	rddreg [dreg:$0x1];
	p0 =	sne.s32 s2, $0x0  }
0x47a: {  	s3 =	rddreg [dreg:$0x2];
	[bflag:$0x3] =	sbarrier.arrive $0xFFFF;
	s2 =	simm.s32 @!p0 $0x1C04  }
0x47b: {  	[timem:s3], [sflag:s2] =	dma.local @!p0 [hbm:s0], s1  }
0x47c: {  	s0 =	simm.s32 @!p0 $0x4  }
0x47d: {  	_ =	swait.ge @!p0 [sflag:s0], s1  }
0x47e: {  	s1 =	ssub.s32 @!p0 $0x0, s1;
	[sflag:s0] =	ssyncset.done @!p0 $0x0  }
0x47f: {  	[sflag:s0] =	ssyncadd.s32 @!p0 s1  }
0x480: {  	[bflag:$0x3] =	sbarrier.arrive $0xFFFF  }
0x481: {  	_ =	shalt  }

</sc_bundles>
